<compile_context>
chip_gen: v7x
topology: tpu7x:2x2x1
jax: 0.10.2.dev20260603
libtpu: 0.0.44.dev20260713+nightly
codegen_flags: <defaults>
</compile_context>

<pallas_src>
import functools

import jax
import jax.numpy as jnp
from jax import lax
from jax.experimental import pallas as pl
from jax.experimental.pallas import tpu as pltpu
from jax.experimental.pallas import tpu_sc as plsc

N = 10000
K = 40
NP = 10240
NW = 32
RPW = NP // NW
GRP = 16
NGRP = RPW // GRP
CHUNK = 512
NCH = NP // CHUNK
BUFCAP = 192
DBLK = 256
BIG = 3.0e38


def _leaky(v):
    return jnp.where(v >= 0, v, 0.5 * v)


def _encoder_body(x_ref, w1, b1, w2, b2, w3, b3, ws, bs, wh, bh,
                  x1_ref, s_ref, hp_ref):
    x = x_ref[...]
    h = _leaky(jnp.dot(x, w1[...], preferred_element_type=jnp.float32) + b1[...])
    h = _leaky(jnp.dot(h, w2[...], preferred_element_type=jnp.float32) + b2[...])
    x1 = _leaky(jnp.dot(h, w3[...], preferred_element_type=jnp.float32) + b3[...])
    x1_ref[...] = x1
    s_ref[...] = jnp.dot(x1, ws[...], preferred_element_type=jnp.float32) + bs[...]
    hp_ref[...] = jnp.dot(x1, wh[...], preferred_element_type=jnp.float32) + bh[...]


def _encoder(x, p):
    out_shapes = (
        jax.ShapeDtypeStruct((N, 12), jnp.float32),
        jax.ShapeDtypeStruct((N, 8), jnp.float32),
        jax.ShapeDtypeStruct((N, 22), jnp.float32),
    )
    return pl.pallas_call(_encoder_body, out_shape=out_shapes)(
        x, p['nn1_w1'], p['nn1_b1'].reshape(1, -1), p['nn1_w2'], p['nn1_b2'].reshape(1, -1),
        p['nn1_w3'], p['nn1_b3'].reshape(1, -1), p['c1_ws'], p['c1_bs'].reshape(1, -1),
        p['c1_wh'], p['c1_bh'].reshape(1, -1))


def _d2_body(s_ref, q_ref, d2_ref, hi_ref):
    q = q_ref[...]
    s = s_ref[...]
    qq = jnp.sum(q * q, axis=1, keepdims=True)
    sq = jnp.sum(s * s, axis=1).reshape(1, NP)
    prod = lax.dot_general(q, s, (((1,), (1,)), ((), ())),
                           preferred_element_type=jnp.float32)
    d2 = jnp.maximum(qq - 2.0 * prod + sq, 0.0)
    d2_ref[...] = d2
    m = d2[:, 0:128]
    for a in range(1, NP // 128):
        m = jnp.minimum(m, d2[:, a * 128:(a + 1) * 128])
    mb = lax.bitcast_convert_type(m, jnp.int32)
    t = jnp.zeros((DBLK, 1), jnp.int32)
    for b in range(30, -1, -1):
        cand = t + (1 << b)
        cnt = jnp.sum((mb < cand).astype(jnp.float32), axis=1, keepdims=True)
        t = jnp.where(cnt <= 39.0, cand, t)
    hi_ref[...] = lax.bitcast_convert_type(t + 1, jnp.float32)


def _d2_thresh(s_pad):
    grid = NP // DBLK
    d2, hi = pl.pallas_call(
        _d2_body,
        grid=(grid,),
        in_specs=[
            pl.BlockSpec((NP, 8), lambda i: (0, 0)),
            pl.BlockSpec((DBLK, 8), lambda i: (i, 0)),
        ],
        out_specs=[
            pl.BlockSpec((DBLK, NP), lambda i: (i, 0)),
            pl.BlockSpec((DBLK, 1), lambda i: (i, 0)),
        ],
        out_shape=(
            jax.ShapeDtypeStruct((NP, NP), jnp.float32),
            jax.ShapeDtypeStruct((NP, 1), jnp.float32),
        ),
    )(s_pad, s_pad)
    return d2.reshape(NP * NP), hi.reshape(NP)


def _sc_select_body(d2_hbm, hi_hbm, idx_hbm, ew_hbm,
                    stage, vbuf, ibuf, thrv, oidx, oval, oew, sem):
    wid = lax.axis_index("s") * 2 + lax.axis_index("c")
    iota = lax.iota(jnp.int32, 16)
    zero16 = jnp.zeros((16,), jnp.int32)
    iota_c = iota * CHUNK

    def group_body(g, carry):
        r0 = wid * RPW + g * GRP
        pltpu.sync_copy(hi_hbm.at[pl.ds(r0, 16)], thrv)
        thr = thrv[...]

        def init_body(k2, c2):
            vbuf[pl.ds(k2 * 16, 16)] = jnp.full((16,), BIG, jnp.float32)
            return c2
        lax.fori_loop(0, BUFCAP, init_body, 0)

        def chunk_body(c, offs):
            copies = []
            for l in range(16):
                cp = pltpu.async_copy(
                    d2_hbm.at[pl.ds((r0 + l) * NP + c * CHUNK, CHUNK)],
                    stage.at[pl.ds(l * CHUNK, CHUNK)], sem)
                copies.append(cp)
            for cp in copies:
                cp.wait()
            jbase = c * CHUNK

            def j_body(j8, offs2):
                for u in range(8):
                    jloc = j8 * 8 + u
                    col = plsc.load_gather(stage, [iota_c + jloc])
                    msk = (col < thr) & (offs2 < BUFCAP * 16)
                    plsc.store_scatter(vbuf, [offs2 + iota], col, mask=msk)
                    plsc.store_scatter(ibuf, [offs2 + iota],
                                       jnp.full((16,), jbase + jloc, jnp.int32), mask=msk)
                    offs2 = offs2 + jnp.where(msk, 16, 0)
                return offs2
            return lax.fori_loop(0, CHUNK // 8, j_body, offs)

        offs = lax.fori_loop(0, NCH, chunk_body, zero16)
        nslot = jnp.max(offs) // 16

        def bis_body(tstep, tval):
            cand = tval + (1 << (30 - tstep))

            def cnt_body(k2, cnt2):
                bits = plsc.bitcast(vbuf[pl.ds(k2 * 16, 16)], jnp.int32)
                return cnt2 + jnp.where(bits < cand, 1, 0)
            cnt = lax.fori_loop(0, nslot, cnt_body, zero16)
            return jnp.where(cnt <= 39, cand, tval)

        tstar = lax.fori_loop(0, 31, bis_body, zero16)

        def cl_body(k2, cnt2):
            bits = plsc.bitcast(vbuf[pl.ds(k2 * 16, 16)], jnp.int32)
            return cnt2 + jnp.where(bits < tstar, 1, 0)
        c_less = lax.fori_loop(0, nslot, cl_body, zero16)
        need = 40 - c_less

        def zero_out(k2, c2):
            oidx[pl.ds(k2 * 16, 16)] = zero16
            oval[pl.ds(k2 * 16, 16)] = jnp.zeros((16,), jnp.float32)
            return c2
        lax.fori_loop(0, K, zero_out, 0)

        def sel_body(k2, carry2):
            kpos, eqtot = carry2
            v = vbuf[pl.ds(k2 * 16, 16)]
            bits = plsc.bitcast(v, jnp.int32)
            less = bits < tstar
            eq = bits == tstar
            keep = (less | (eq & (eqtot < need))) & (kpos < 640)
            plsc.store_scatter(oidx, [kpos], ibuf[pl.ds(k2 * 16, 16)], mask=keep)
            plsc.store_scatter(oval, [kpos], v, mask=keep)
            kpos = kpos + jnp.where(keep, 16, 0)
            eqtot = eqtot + jnp.where(eq, 1, 0)
            return (kpos, eqtot)

        lax.fori_loop(0, nslot, sel_body, (iota, zero16))

        for k in range(K):
            oew[pl.ds(k * 16, 16)] = jnp.exp(-10.0 * oval[pl.ds(k * 16, 16)])

        gg = wid * NGRP + g
        pltpu.sync_copy(oidx, idx_hbm.at[pl.ds(gg * 640, 640)])
        pltpu.sync_copy(oew, ew_hbm.at[pl.ds(gg * 640, 640)])
        return carry

    lax.fori_loop(0, NGRP, group_body, 0)


def _sc_select(d2_flat, hi):
    mesh = plsc.VectorSubcoreMesh(core_axis_name="c", subcore_axis_name="s")
    f = pl.kernel(
        _sc_select_body,
        out_type=(
            jax.ShapeDtypeStruct((NP * K,), jnp.int32),
            jax.ShapeDtypeStruct((NP * K,), jnp.float32),
        ),
        mesh=mesh,
        compiler_params=pltpu.CompilerParams(needs_layout_passes=False, use_tc_tiling_on_sc=False),
        scratch_types=[
            pltpu.VMEM((16 * CHUNK,), jnp.float32),
            pltpu.VMEM((BUFCAP * 16,), jnp.float32),
            pltpu.VMEM((BUFCAP * 16,), jnp.int32),
            pltpu.VMEM((16,), jnp.float32),
            pltpu.VMEM((GRP * K,), jnp.int32),
            pltpu.VMEM((GRP * K,), jnp.float32),
            pltpu.VMEM((GRP * K,), jnp.float32),
            pltpu.SemaphoreType.DMA,
        ],
    )
    return f(d2_flat, hi)


def _sc_agg_hp_body(hp_hbm, idx_hbm, ew_hbm, agg_hbm,
                    idxv, ewv, grows, oagg, sem):
    wid = lax.axis_index("s") * 2 + lax.axis_index("c")

    def group_body(g, carry):
        gg = wid * NGRP + g
        r0 = wid * RPW + g * GRP
        pltpu.sync_copy(idx_hbm.at[pl.ds(gg * 640, 640)], idxv)
        pltpu.sync_copy(ew_hbm.at[pl.ds(gg * 640, 640)], ewv)
        copies = []
        for u in range(640 // 128):
            cp = pltpu.async_copy(hp_hbm.at[idxv.at[pl.ds(u * 128, 128)]],
                                  grows.at[pl.ds(u * 128, 128)], sem)
            copies.append(cp)
        for cp in copies:
            cp.wait()

        def row_body(r, carry2):
            acc0 = jnp.zeros((16,), jnp.float32)
            acc1 = jnp.zeros((16,), jnp.float32)
            mx0 = jnp.full((16,), -BIG, jnp.float32)
            mx1 = jnp.full((16,), -BIG, jnp.float32)
            for k in range(K):
                pos = k * 16 + r
                w = plsc.load_gather(ewv, [jnp.full((16,), pos, jnp.int32)])
                g0 = grows[pos, pl.ds(0, 16)] * w
                g1 = grows[pos, pl.ds(16, 16)] * w
                acc0 = acc0 + g0
                acc1 = acc1 + g1
                mx0 = jnp.maximum(mx0, g0)
                mx1 = jnp.maximum(mx1, g1)
            oagg[r, pl.ds(0, 16)] = acc0 * jnp.float32(1.0 / K)
            oagg[r, pl.ds(16, 16)] = acc1 * jnp.float32(1.0 / K)
            oagg[r, pl.ds(32, 16)] = mx0
            oagg[r, pl.ds(48, 16)] = mx1
            return carry2

        lax.fori_loop(0, GRP, row_body, 0)
        pltpu.sync_copy(oagg, agg_hbm.at[pl.ds(r0, 16)])
        return carry

    lax.fori_loop(0, NGRP, group_body, 0)


def _sc_agg_hp(hp_pad, idx_flat, ew_flat):
    mesh = plsc.VectorSubcoreMesh(core_axis_name="c", subcore_axis_name="s")
    f = pl.kernel(
        _sc_agg_hp_body,
        out_type=jax.ShapeDtypeStruct((NP, 64), jnp.float32),
        mesh=mesh,
        compiler_params=pltpu.CompilerParams(needs_layout_passes=False, use_tc_tiling_on_sc=False),
        scratch_types=[
            pltpu.VMEM((GRP * K,), jnp.int32),
            pltpu.VMEM((GRP * K,), jnp.float32),
            pltpu.VMEM((GRP * K, 32), jnp.float32),
            pltpu.VMEM((GRP, 64), jnp.float32),
            pltpu.SemaphoreType.DMA,
        ],
    )
    return f(hp_pad, idx_flat, ew_flat)


def _sc_agg_xc_body(xc_hbm, idx_hbm, ew_hbm, agg_hbm,
                    idxv, ewv, grows, oagg, sem):
    wid = lax.axis_index("s") * 2 + lax.axis_index("c")

    def group_body(g, carry):
        gg = wid * NGRP + g
        r0 = wid * RPW + g * GRP
        pltpu.sync_copy(idx_hbm.at[pl.ds(gg * 640, 640)], idxv)
        pltpu.sync_copy(ew_hbm.at[pl.ds(gg * 640, 640)], ewv)
        copies = []
        for u in range(640 // 128):
            cp = pltpu.async_copy(xc_hbm.at[idxv.at[pl.ds(u * 128, 128)]],
                                  grows.at[pl.ds(u * 128, 128)], sem)
            copies.append(cp)
        for cp in copies:
            cp.wait()

        def row_body(r, carry2):
            acc = [jnp.zeros((16,), jnp.float32) for _ in range(4)]
            for k in range(K):
                pos = k * 16 + r
                w = plsc.load_gather(ewv, [jnp.full((16,), pos, jnp.int32)])
                for q in range(4):
                    acc[q] = acc[q] + grows[pos, pl.ds(q * 16, 16)] * w
            for q in range(4):
                oagg[r, pl.ds(q * 16, 16)] = acc[q]
            return carry2

        lax.fori_loop(0, GRP, row_body, 0)
        pltpu.sync_copy(oagg, agg_hbm.at[pl.ds(r0, 16)])
        return carry

    lax.fori_loop(0, NGRP, group_body, 0)


def _sc_agg_xc(xc_pad, idx_flat, ew_flat):
    mesh = plsc.VectorSubcoreMesh(core_axis_name="c", subcore_axis_name="s")
    f = pl.kernel(
        _sc_agg_xc_body,
        out_type=jax.ShapeDtypeStruct((NP, 64), jnp.float32),
        mesh=mesh,
        compiler_params=pltpu.CompilerParams(needs_layout_passes=False, use_tc_tiling_on_sc=False),
        scratch_types=[
            pltpu.VMEM((GRP * K,), jnp.int32),
            pltpu.VMEM((GRP * K,), jnp.float32),
            pltpu.VMEM((GRP * K, 64), jnp.float32),
            pltpu.VMEM((GRP, 64), jnp.float32),
            pltpu.SemaphoreType.DMA,
        ],
    )
    return f(xc_pad, idx_flat, ew_flat)


def _xc_body(x1_ref, agg_ref, w1, w2, w3, bo, xc_ref):
    agg = agg_ref[...]
    mean = agg[:, 0:22]
    mx = agg[:, 32:54]
    xc_ref[...] = (jnp.dot(x1_ref[...], w1[...], preferred_element_type=jnp.float32)
                   + jnp.dot(mean, w2[...], preferred_element_type=jnp.float32)
                   + jnp.dot(mx, w3[...], preferred_element_type=jnp.float32)
                   + bo[...])


def _xc(x1_pad, agg, p):
    wo = p['c1_wo']
    return pl.pallas_call(
        _xc_body,
        out_shape=jax.ShapeDtypeStruct((NP, 64), jnp.float32),
    )(x1_pad, agg, wo[0:12], wo[12:34], wo[34:56], p['c1_bo'].reshape(1, -1))


def _heads_body(xc_ref, aggr2_ref, x_ref,
                wrel, brel, wroot,
                n2w1, n2b1, n2w2, n2b2, n2w3, n2b3, n2w4, n2b4,
                n3w1, n3b1, n3w2, n3b2, n3w3, n3b3, n3w4, n3b4,
                ids_ref, p4_ref):
    xc = xc_ref[...]
    xg = (jnp.dot(aggr2_ref[...], wrel[...], preferred_element_type=jnp.float32)
          + brel[...]
          + jnp.dot(xc, wroot[...], preferred_element_type=jnp.float32))
    h2 = _leaky(jnp.dot(xg, n2w1[...], preferred_element_type=jnp.float32) + n2b1[...])
    h2 = _leaky(jnp.dot(h2, n2w2[...], preferred_element_type=jnp.float32) + n2b2[...])
    h2 = _leaky(jnp.dot(h2, n2w3[...], preferred_element_type=jnp.float32) + n2b3[...])
    cand_ids = _leaky(jnp.dot(h2, n2w4[...], preferred_element_type=jnp.float32) + n2b4[...])
    ids_ref[...] = cand_ids
    inp3 = jnp.concatenate([xg, cand_ids, x_ref[...]], axis=-1)
    h3 = _leaky(jnp.dot(inp3, n3w1[...], preferred_element_type=jnp.float32) + n3b1[...])
    h3 = _leaky(jnp.dot(h3, n3w2[...], preferred_element_type=jnp.float32) + n3b2[...])
    h3 = _leaky(jnp.dot(h3, n3w3[...], preferred_element_type=jnp.float32) + n3b3[...])
    p4_ref[...] = _leaky(jnp.dot(h3, n3w4[...], preferred_element_type=jnp.float32) + n3b4[...])


def _heads(xc, aggr2, x, p):
    out_shapes = (
        jax.ShapeDtypeStruct((N, 6), jnp.float32),
        jax.ShapeDtypeStruct((N, 6), jnp.float32),
    )
    return pl.pallas_call(_heads_body, out_shape=out_shapes)(
        xc, aggr2, x,
        p['c2_wrel'], p['c2_brel'].reshape(1, -1), p['c2_wroot'],
        p['nn2_w1'], p['nn2_b1'].reshape(1, -1), p['nn2_w2'], p['nn2_b2'].reshape(1, -1),
        p['nn2_w3'], p['nn2_b3'].reshape(1, -1), p['nn2_w4'], p['nn2_b4'].reshape(1, -1),
        p['nn3_w1'], p['nn3_b1'].reshape(1, -1), p['nn3_w2'], p['nn3_b2'].reshape(1, -1),
        p['nn3_w3'], p['nn3_b3'].reshape(1, -1), p['nn3_w4'], p['nn3_b4'].reshape(1, -1))


def kernel(x, ygen_id, ygen, ycand_id, ycand, params):
    p = params
    x1, s, hp = _encoder(x, p)
    s_pad = jnp.concatenate(
        [s, jnp.full((NP - N, 8), 1.0e15, jnp.float32)], axis=0)
    d2_flat, hi = _d2_thresh(s_pad)
    idx_flat, ew_flat = _sc_select(d2_flat, hi)
    hp_pad = jnp.pad(hp, ((0, NP - N), (0, 10)))
    agg = _sc_agg_hp(hp_pad, idx_flat, ew_flat)
    x1_pad = jnp.pad(x1, ((0, NP - N), (0, 0)))
    xc_pad = _xc(x1_pad, agg, p)
    aggr2 = _sc_agg_xc(xc_pad, idx_flat, ew_flat)
    cand_ids, cand_p4 = _heads(xc_pad[:N], aggr2[:N], x, p)
    return (cand_ids, cand_p4, ygen_id, ygen, ycand_id, ycand)

# --- scband reference (transcript-rebuilt; emitter-appended) ---
"""Pipeline reference for scband-pfnet7-17781164606149 (READ-ONLY COPY).

The authoritative reference and input builder live on the scoring server;
editing this copy changes nothing except your own understanding.
"""

import jax, jax.numpy as jnp
import numpy as np

N = 10000
K = 40

def _lin(key, fan_in, fan_out):
    k1, k2 = jax.random.split(key)
    s = 1.0 / np.sqrt(fan_in)
    W = jax.random.uniform(k1, (fan_in, fan_out), minval=-s, maxval=s, dtype=jnp.float32)
    b = jax.random.uniform(k2, (fan_out,), minval=-s, maxval=s, dtype=jnp.float32)
    return W, b

def _leaky(v):
    return jax.nn.leaky_relu(v, negative_slope=0.5)

def _knn(s, k, chunk=2000):
    n = s.shape[0]
    sq = jnp.sum(s * s, axis=-1)
    outs = []
    for st in range(0, n, chunk):
        q = s[st:st + chunk]
        d2 = jnp.sum(q * q, axis=-1, keepdims=True) - 2.0 * (q @ s.T) + sq[None, :]
        _, idx = jax.lax.top_k(-d2, k)
        outs.append(idx)
    return jnp.concatenate(outs, axis=0)

def setup_inputs(seed: int = 0):
    key = jax.random.key(seed)
    ks = jax.random.split(key, 24)
    x = jax.random.normal(ks[0], (N, 12), dtype=jnp.float32)
    ygen_id = jax.random.randint(ks[1], (N,), 0, 6)
    ygen = jax.random.normal(ks[2], (N, 6), dtype=jnp.float32)
    ycand_id = jax.random.randint(ks[3], (N,), 0, 6)
    ycand = jax.random.normal(ks[4], (N, 6), dtype=jnp.float32)
    p = {}
    p['nn1_w1'], p['nn1_b1'] = _lin(ks[5], 12, 64)
    p['nn1_w2'], p['nn1_b2'] = _lin(ks[6], 64, 64)
    p['nn1_w3'], p['nn1_b3'] = _lin(ks[7], 64, 12)
    p['c1_ws'], p['c1_bs'] = _lin(ks[8], 12, 8)
    p['c1_wh'], p['c1_bh'] = _lin(ks[9], 12, 22)
    p['c1_wo'], p['c1_bo'] = _lin(ks[10], 12 + 2 * 22, 64)
    p['c2_wrel'], p['c2_brel'] = _lin(ks[11], 64, 64)
    p['c2_wroot'], _unused = _lin(ks[12], 64, 64)
    p['nn2_w1'], p['nn2_b1'] = _lin(ks[13], 64, 126)
    p['nn2_w2'], p['nn2_b2'] = _lin(ks[14], 126, 126)
    p['nn2_w3'], p['nn2_b3'] = _lin(ks[15], 126, 126)
    p['nn2_w4'], p['nn2_b4'] = _lin(ks[16], 126, 6)
    p['nn3_w1'], p['nn3_b1'] = _lin(ks[17], 64 + 6 + 12, 126)
    p['nn3_w2'], p['nn3_b2'] = _lin(ks[18], 126, 126)
    p['nn3_w3'], p['nn3_b3'] = _lin(ks[19], 126, 126)
    p['nn3_w4'], p['nn3_b4'] = _lin(ks[20], 126, 6)
    return {'x': x, 'ygen_id': ygen_id, 'ygen': ygen, 'ycand_id': ycand_id, 'ycand': ycand, 'params': p}

def _forward(x, p):
    n = x.shape[0]
    # nn1 encoder
    h = _leaky(x @ p['nn1_w1'] + p['nn1_b1'])
    h = _leaky(h @ p['nn1_w2'] + p['nn1_b2'])
    x1 = _leaky(h @ p['nn1_w3'] + p['nn1_b3'])
    # GravNetConv(12 -> 64, space=8, prop=22, k=40)
    s = x1 @ p['c1_ws'] + p['c1_bs']
    hp = x1 @ p['c1_wh'] + p['c1_bh']
    idx = _knn(jax.lax.stop_gradient(s), K)
    src = idx.reshape(-1)
    dst = jnp.repeat(jnp.arange(n), K)
    d2 = jnp.sum((s[dst] - s[src]) ** 2, axis=-1)
    ew = jnp.exp(-10.0 * d2)
    msg = hp[src] * ew[:, None]
    agg_mean = jax.ops.segment_sum(msg, dst, num_segments=n) / float(K)
    agg_max = jax.ops.segment_max(msg, dst, num_segments=n)
    xc = jnp.concatenate([x1, agg_mean, agg_max], axis=-1) @ p['c1_wo'] + p['c1_bo']
    # GraphConv(64 -> 64) with edge_weight, add aggregation
    msg2 = xc[src] * ew[:, None]
    aggr2 = jax.ops.segment_sum(msg2, dst, num_segments=n)
    xg = aggr2 @ p['c2_wrel'] + p['c2_brel'] + xc @ p['c2_wroot']
    # nn2 -> candidate ids
    h2 = _leaky(xg @ p['nn2_w1'] + p['nn2_b1'])
    h2 = _leaky(h2 @ p['nn2_w2'] + p['nn2_b2'])
    h2 = _leaky(h2 @ p['nn2_w3'] + p['nn2_b3'])
    cand_ids = _leaky(h2 @ p['nn2_w4'] + p['nn2_b4'])
    # nn3 -> candidate p4
    inp3 = jnp.concatenate([xg, cand_ids, x], axis=-1)
    h3 = _leaky(inp3 @ p['nn3_w1'] + p['nn3_b1'])
    h3 = _leaky(h3 @ p['nn3_w2'] + p['nn3_b2'])
    h3 = _leaky(h3 @ p['nn3_w3'] + p['nn3_b3'])
    cand_p4 = _leaky(h3 @ p['nn3_w4'] + p['nn3_b4'])
    return cand_ids, cand_p4

def reference(x, ygen_id, ygen, ycand_id, ycand, params):
    cand_ids, cand_p4 = _forward(x, params)
    return (cand_ids, cand_p4, ygen_id, ygen, ycand_id, ycand)

if __name__ == "__main__":
    import jax
    _d = setup_inputs()
    print(jax.jit(kernel)(*tuple(_d.values())))

</pallas_src>

<mosaic_0001>
#map = affine_map<(d0, d1) -> (0, 0)>
#map1 = affine_map<(d0, d1) -> (0)>
module attributes {stable_mosaic.version = 14 : i64} {
  func.func @_sc_agg_xc_body(%arg0: i32, %arg1: i32, %arg2: memref<10240x64xf32, #tpu.memory_space<hbm>>, %arg3: memref<409600xi32, #tpu.memory_space<hbm>>, %arg4: memref<409600xf32, #tpu.memory_space<hbm>>, %arg5: memref<10240x64xf32, #tpu.memory_space<hbm>>, %arg6: memref<640xi32, #tpu.memory_space<vmem>>, %arg7: memref<640xf32, #tpu.memory_space<vmem>>, %arg8: memref<640x64xf32, #tpu.memory_space<vmem>>, %arg9: memref<16x64xf32, #tpu.memory_space<vmem>>, %arg10: memref<!tpu.dma_semaphore, #tpu.memory_space<semaphore_mem>>) attributes {dimension_semantics = [#tpu.dimension_semantics<core_parallel>, #tpu.dimension_semantics<subcore_parallel>], iteration_bounds = array<i64: 2, 16>, scalar_prefetch = 0 : i64, scratch_operands = 5 : i64, tpu.core_type = #tpu.core_type<sc_vector_subcore>, window_params = [{transform_indices = #map}, {transform_indices = #map1}, {transform_indices = #map1}, {transform_indices = #map}]} {
    %mul3A = arith.constant 2 : i32
    %mul3A_0 = arith.muli %arg1, %mul3A : i32
    %add3A = arith.addi %mul3A_0, %arg0 : i32
    %scan3A = arith.constant 0 : i32
    %scan3A_1 = arith.constant 0 : i32
    %scan3A_2 = arith.constant 20 : i32
    %scan3A_3 = arith.addi %scan3A_1, %scan3A_2 : i32
    %scan3A_4 = arith.constant 1 : i32
    scf.for %scan3A_6 = %scan3A_1 to %scan3A_3 step %scan3A_4  : i32 {
      %mul3A_7 = arith.constant 20 : i32
      %mul3A_8 = arith.muli %add3A, %mul3A_7 : i32
      %add3A_9 = arith.addi %mul3A_8, %scan3A_6 : i32
      %mul3A_10 = arith.constant 320 : i32
      %mul3A_11 = arith.muli %add3A, %mul3A_10 : i32
      %mul3A_12 = arith.constant 16 : i32
      %mul3A_13 = arith.muli %scan3A_6, %mul3A_12 : i32
      %add3A_14 = arith.addi %mul3A_11, %mul3A_13 : i32
      %mul3A_15 = arith.constant 640 : i32
      %mul3A_16 = arith.muli %add3A_9, %mul3A_15 : i32
      "tpu.region"() ({
        %run_scoped3A = tpu.sem_alloc : memref<!tpu.dma_semaphore, #tpu.memory_space<semaphore_mem>>
        %dma_start3A_103 = tpu.memref_slice %arg3[%mul3A_16] : memref<409600xi32, #tpu.memory_space<hbm>> -> memref<640xi32, #tpu.memory_space<hbm>>
        %dma_start3A_104 = tpu.memref_slice %arg3[%mul3A_16] : memref<409600xi32, #tpu.memory_space<hbm>> -> memref<640xi32, #tpu.memory_space<hbm>>
        tpu.enqueue_dma source(%dma_start3A_104 : memref<640xi32, #tpu.memory_space<hbm>>) target(%arg6 : memref<640xi32, #tpu.memory_space<vmem>>) target_semaphore(%run_scoped3A : memref<!tpu.dma_semaphore, #tpu.memory_space<semaphore_mem>>)
        %dma_wait3A_105 = tpu.memref_slice %arg3[%mul3A_16] : memref<409600xi32, #tpu.memory_space<hbm>> -> memref<640xi32, #tpu.memory_space<hbm>>
        %dma_wait3A_106 = tpu.memref_slice %arg3[%mul3A_16] : memref<409600xi32, #tpu.memory_space<hbm>> -> memref<640xi32, #tpu.memory_space<hbm>>
        tpu.wait_dma2 semaphore(%run_scoped3A : memref<!tpu.dma_semaphore, #tpu.memory_space<semaphore_mem>>) src(%dma_wait3A_106 : memref<640xi32, #tpu.memory_space<hbm>>) dst(%arg6 : memref<640xi32, #tpu.memory_space<vmem>>)
        tpu.yield
      }) : () -> ()
      %mul3A_17 = arith.constant 640 : i32
      %mul3A_18 = arith.muli %add3A_9, %mul3A_17 : i32
      "tpu.region"() ({
        %run_scoped3A = tpu.sem_alloc : memref<!tpu.dma_semaphore, #tpu.memory_space<semaphore_mem>>
        %dma_start3A_103 = tpu.memref_slice %arg4[%mul3A_18] : memref<409600xf32, #tpu.memory_space<hbm>> -> memref<640xf32, #tpu.memory_space<hbm>>
        %dma_start3A_104 = tpu.memref_slice %arg4[%mul3A_18] : memref<409600xf32, #tpu.memory_space<hbm>> -> memref<640xf32, #tpu.memory_space<hbm>>
        tpu.enqueue_dma source(%dma_start3A_104 : memref<640xf32, #tpu.memory_space<hbm>>) target(%arg7 : memref<640xf32, #tpu.memory_space<vmem>>) target_semaphore(%run_scoped3A : memref<!tpu.dma_semaphore, #tpu.memory_space<semaphore_mem>>)
        %dma_wait3A_105 = tpu.memref_slice %arg4[%mul3A_18] : memref<409600xf32, #tpu.memory_space<hbm>> -> memref<640xf32, #tpu.memory_space<hbm>>
        %dma_wait3A_106 = tpu.memref_slice %arg4[%mul3A_18] : memref<409600xf32, #tpu.memory_space<hbm>> -> memref<640xf32, #tpu.memory_space<hbm>>
        tpu.wait_dma2 semaphore(%run_scoped3A : memref<!tpu.dma_semaphore, #tpu.memory_space<semaphore_mem>>) src(%dma_wait3A_106 : memref<640xf32, #tpu.memory_space<hbm>>) dst(%arg7 : memref<640xf32, #tpu.memory_space<vmem>>)
        tpu.yield
      }) : () -> ()
      %dma_start3A = arith.constant 0 : i32
      %dma_start3A_19 = arith.constant 0 : i32
      %dma_start3A_20 = tpu.memref_slice %arg8[%dma_start3A, %dma_start3A_19] : memref<640x64xf32, #tpu.memory_space<vmem>> -> memref<128x64xf32, #tpu.memory_space<vmem>>
      %dma_start3A_21 = arith.constant 0 : i32
      %dma_start3A_22 = tpu.memref_slice %arg6[%dma_start3A_21] : memref<640xi32, #tpu.memory_space<vmem>> -> memref<128xi32, #tpu.memory_space<vmem>>
      %dma_start3A_23 = arith.constant 0 : i32
      %dma_start3A_24 = arith.constant 0 : i32
      %dma_start3A_25 = tpu.memref_slice %arg2[%dma_start3A_23, %dma_start3A_24] : memref<10240x64xf32, #tpu.memory_space<hbm>> -> memref<10240x64xf32, #tpu.memory_space<hbm>>
      tpu.enqueue_indirect_dma source(%dma_start3A_25 : memref<10240x64xf32, #tpu.memory_space<hbm>>) target(%dma_start3A_20 : memref<128x64xf32, #tpu.memory_space<vmem>>) offsets(%dma_start3A_22 : memref<128xi32, #tpu.memory_space<vmem>>) semaphore(%arg10 : memref<!tpu.dma_semaphore, #tpu.memory_space<semaphore_mem>>)
      %dma_start3A_26 = arith.constant 128 : i32
      %dma_start3A_27 = arith.constant 0 : i32
      %dma_start3A_28 = tpu.memref_slice %arg8[%dma_start3A_26, %dma_start3A_27] : memref<640x64xf32, #tpu.memory_space<vmem>> -> memref<128x64xf32, #tpu.memory_space<vmem>>
      %dma_start3A_29 = arith.constant 128 : i32
      %dma_start3A_30 = tpu.memref_slice %arg6[%dma_start3A_29] : memref<640xi32, #tpu.memory_space<vmem>> -> memref<128xi32, #tpu.memory_space<vmem>>
      %dma_start3A_31 = arith.constant 0 : i32
      %dma_start3A_32 = arith.constant 0 : i32
      %dma_start3A_33 = tpu.memref_slice %arg2[%dma_start3A_31, %dma_start3A_32] : memref<10240x64xf32, #tpu.memory_space<hbm>> -> memref<10240x64xf32, #tpu.memory_space<hbm>>
      tpu.enqueue_indirect_dma source(%dma_start3A_33 : memref<10240x64xf32, #tpu.memory_space<hbm>>) target(%dma_start3A_28 : memref<128x64xf32, #tpu.memory_space<vmem>>) offsets(%dma_start3A_30 : memref<128xi32, #tpu.memory_space<vmem>>) semaphore(%arg10 : memref<!tpu.dma_semaphore, #tpu.memory_space<semaphore_mem>>)
      %dma_start3A_34 = arith.constant 256 : i32
      %dma_start3A_35 = arith.constant 0 : i32
      %dma_start3A_36 = tpu.memref_slice %arg8[%dma_start3A_34, %dma_start3A_35] : memref<640x64xf32, #tpu.memory_space<vmem>> -> memref<128x64xf32, #tpu.memory_space<vmem>>
      %dma_start3A_37 = arith.constant 256 : i32
      %dma_start3A_38 = tpu.memref_slice %arg6[%dma_start3A_37] : memref<640xi32, #tpu.memory_space<vmem>> -> memref<128xi32, #tpu.memory_space<vmem>>
      %dma_start3A_39 = arith.constant 0 : i32
      %dma_start3A_40 = arith.constant 0 : i32
      %dma_start3A_41 = tpu.memref_slice %arg2[%dma_start3A_39, %dma_start3A_40] : memref<10240x64xf32, #tpu.memory_space<hbm>> -> memref<10240x64xf32, #tpu.memory_space<hbm>>
      tpu.enqueue_indirect_dma source(%dma_start3A_41 : memref<10240x64xf32, #tpu.memory_space<hbm>>) target(%dma_start3A_36 : memref<128x64xf32, #tpu.memory_space<vmem>>) offsets(%dma_start3A_38 : memref<128xi32, #tpu.memory_space<vmem>>) semaphore(%arg10 : memref<!tpu.dma_semaphore, #tpu.memory_space<semaphore_mem>>)
      %dma_start3A_42 = arith.constant 384 : i32
      %dma_start3A_43 = arith.constant 0 : i32
      %dma_start3A_44 = tpu.memref_slice %arg8[%dma_start3A_42, %dma_start3A_43] : memref<640x64xf32, #tpu.memory_space<vmem>> -> memref<128x64xf32, #tpu.memory_space<vmem>>
      %dma_start3A_45 = arith.constant 384 : i32
      %dma_start3A_46 = tpu.memref_slice %arg6[%dma_start3A_45] : memref<640xi32, #tpu.memory_space<vmem>> -> memref<128xi32, #tpu.memory_space<vmem>>
      %dma_start3A_47 = arith.constant 0 : i32
      %dma_start3A_48 = arith.constant 0 : i32
      %dma_start3A_49 = tpu.memref_slice %arg2[%dma_start3A_47, %dma_start3A_48] : memref<10240x64xf32, #tpu.memory_space<hbm>> -> memref<10240x64xf32, #tpu.memory_space<hbm>>
      tpu.enqueue_indirect_dma source(%dma_start3A_49 : memref<10240x64xf32, #tpu.memory_space<hbm>>) target(%dma_start3A_44 : memref<128x64xf32, #tpu.memory_space<vmem>>) offsets(%dma_start3A_46 : memref<128xi32, #tpu.memory_space<vmem>>) semaphore(%arg10 : memref<!tpu.dma_semaphore, #tpu.memory_space<semaphore_mem>>)
      %dma_start3A_50 = arith.constant 512 : i32
      %dma_start3A_51 = arith.constant 0 : i32
      %dma_start3A_52 = tpu.memref_slice %arg8[%dma_start3A_50, %dma_start3A_51] : memref<640x64xf32, #tpu.memory_space<vmem>> -> memref<128x64xf32, #tpu.memory_space<vmem>>
      %dma_start3A_53 = arith.constant 512 : i32
      %dma_start3A_54 = tpu.memref_slice %arg6[%dma_start3A_53] : memref<640xi32, #tpu.memory_space<vmem>> -> memref<128xi32, #tpu.memory_space<vmem>>
      %dma_start3A_55 = arith.constant 0 : i32
      %dma_start3A_56 = arith.constant 0 : i32
      %dma_start3A_57 = tpu.memref_slice %arg2[%dma_start3A_55, %dma_start3A_56] : memref<10240x64xf32, #tpu.memory_space<hbm>> -> memref<10240x64xf32, #tpu.memory_space<hbm>>
      tpu.enqueue_indirect_dma source(%dma_start3A_57 : memref<10240x64xf32, #tpu.memory_space<hbm>>) target(%dma_start3A_52 : memref<128x64xf32, #tpu.memory_space<vmem>>) offsets(%dma_start3A_54 : memref<128xi32, #tpu.memory_space<vmem>>) semaphore(%arg10 : memref<!tpu.dma_semaphore, #tpu.memory_space<semaphore_mem>>)
      %dma_wait3A = arith.constant 0 : i32
      %dma_wait3A_58 = arith.constant 0 : i32
      %dma_wait3A_59 = tpu.memref_slice %arg8[%dma_wait3A, %dma_wait3A_58] : memref<640x64xf32, #tpu.memory_space<vmem>> -> memref<128x64xf32, #tpu.memory_space<vmem>>
      %dma_wait3A_60 = arith.constant 0 : i32
      %dma_wait3A_61 = tpu.memref_slice %arg6[%dma_wait3A_60] : memref<640xi32, #tpu.memory_space<vmem>> -> memref<128xi32, #tpu.memory_space<vmem>>
      %dma_wait3A_62 = arith.constant 0 : i32
      %dma_wait3A_63 = arith.constant 0 : i32
      %dma_wait3A_64 = tpu.memref_slice %arg2[%dma_wait3A_62, %dma_wait3A_63] : memref<10240x64xf32, #tpu.memory_space<hbm>> -> memref<10240x64xf32, #tpu.memory_space<hbm>>
      tpu.wait_indirect_dma semaphore(%arg10 : memref<!tpu.dma_semaphore, #tpu.memory_space<semaphore_mem>>) src(%dma_wait3A_64 : memref<10240x64xf32, #tpu.memory_space<hbm>>) dst(%dma_wait3A_59 : memref<128x64xf32, #tpu.memory_space<vmem>>)
      %dma_wait3A_65 = arith.constant 128 : i32
      %dma_wait3A_66 = arith.constant 0 : i32
      %dma_wait3A_67 = tpu.memref_slice %arg8[%dma_wait3A_65, %dma_wait3A_66] : memref<640x64xf32, #tpu.memory_space<vmem>> -> memref<128x64xf32, #tpu.memory_space<vmem>>
      %dma_wait3A_68 = arith.constant 128 : i32
      %dma_wait3A_69 = tpu.memref_slice %arg6[%dma_wait3A_68] : memref<640xi32, #tpu.memory_space<vmem>> -> memref<128xi32, #tpu.memory_space<vmem>>
      %dma_wait3A_70 = arith.constant 0 : i32
      %dma_wait3A_71 = arith.constant 0 : i32
      %dma_wait3A_72 = tpu.memref_slice %arg2[%dma_wait3A_70, %dma_wait3A_71] : memref<10240x64xf32, #tpu.memory_space<hbm>> -> memref<10240x64xf32, #tpu.memory_space<hbm>>
      tpu.wait_indirect_dma semaphore(%arg10 : memref<!tpu.dma_semaphore, #tpu.memory_space<semaphore_mem>>) src(%dma_wait3A_72 : memref<10240x64xf32, #tpu.memory_space<hbm>>) dst(%dma_wait3A_67 : memref<128x64xf32, #tpu.memory_space<vmem>>)
      %dma_wait3A_73 = arith.constant 256 : i32
      %dma_wait3A_74 = arith.constant 0 : i32
      %dma_wait3A_75 = tpu.memref_slice %arg8[%dma_wait3A_73, %dma_wait3A_74] : memref<640x64xf32, #tpu.memory_space<vmem>> -> memref<128x64xf32, #tpu.memory_space<vmem>>
      %dma_wait3A_76 = arith.constant 256 : i32
      %dma_wait3A_77 = tpu.memref_slice %arg6[%dma_wait3A_76] : memref<640xi32, #tpu.memory_space<vmem>> -> memref<128xi32, #tpu.memory_space<vmem>>
      %dma_wait3A_78 = arith.constant 0 : i32
      %dma_wait3A_79 = arith.constant 0 : i32
      %dma_wait3A_80 = tpu.memref_slice %arg2[%dma_wait3A_78, %dma_wait3A_79] : memref<10240x64xf32, #tpu.memory_space<hbm>> -> memref<10240x64xf32, #tpu.memory_space<hbm>>
      tpu.wait_indirect_dma semaphore(%arg10 : memref<!tpu.dma_semaphore, #tpu.memory_space<semaphore_mem>>) src(%dma_wait3A_80 : memref<10240x64xf32, #tpu.memory_space<hbm>>) dst(%dma_wait3A_75 : memref<128x64xf32, #tpu.memory_space<vmem>>)
      %dma_wait3A_81 = arith.constant 384 : i32
      %dma_wait3A_82 = arith.constant 0 : i32
      %dma_wait3A_83 = tpu.memref_slice %arg8[%dma_wait3A_81, %dma_wait3A_82] : memref<640x64xf32, #tpu.memory_space<vmem>> -> memref<128x64xf32, #tpu.memory_space<vmem>>
      %dma_wait3A_84 = arith.constant 384 : i32
      %dma_wait3A_85 = tpu.memref_slice %arg6[%dma_wait3A_84] : memref<640xi32, #tpu.memory_space<vmem>> -> memref<128xi32, #tpu.memory_space<vmem>>
      %dma_wait3A_86 = arith.constant 0 : i32
      %dma_wait3A_87 = arith.constant 0 : i32
      %dma_wait3A_88 = tpu.memref_slice %arg2[%dma_wait3A_86, %dma_wait3A_87] : memref<10240x64xf32, #tpu.memory_space<hbm>> -> memref<10240x64xf32, #tpu.memory_space<hbm>>
      tpu.wait_indirect_dma semaphore(%arg10 : memref<!tpu.dma_semaphore, #tpu.memory_space<semaphore_mem>>) src(%dma_wait3A_88 : memref<10240x64xf32, #tpu.memory_space<hbm>>) dst(%dma_wait3A_83 : memref<128x64xf32, #tpu.memory_space<vmem>>)
      %dma_wait3A_89 = arith.constant 512 : i32
      %dma_wait3A_90 = arith.constant 0 : i32
      %dma_wait3A_91 = tpu.memref_slice %arg8[%dma_wait3A_89, %dma_wait3A_90] : memref<640x64xf32, #tpu.memory_space<vmem>> -> memref<128x64xf32, #tpu.memory_space<vmem>>
      %dma_wait3A_92 = arith.constant 512 : i32
      %dma_wait3A_93 = tpu.memref_slice %arg6[%dma_wait3A_92] : memref<640xi32, #tpu.memory_space<vmem>> -> memref<128xi32, #tpu.memory_space<vmem>>
      %dma_wait3A_94 = arith.constant 0 : i32
      %dma_wait3A_95 = arith.constant 0 : i32
      %dma_wait3A_96 = tpu.memref_slice %arg2[%dma_wait3A_94, %dma_wait3A_95] : memref<10240x64xf32, #tpu.memory_space<hbm>> -> memref<10240x64xf32, #tpu.memory_space<hbm>>
      tpu.wait_indirect_dma semaphore(%arg10 : memref<!tpu.dma_semaphore, #tpu.memory_space<semaphore_mem>>) src(%dma_wait3A_96 : memref<10240x64xf32, #tpu.memory_space<hbm>>) dst(%dma_wait3A_91 : memref<128x64xf32, #tpu.memory_space<vmem>>)
      %scan3A_97 = arith.constant 0 : i32
      %scan3A_98 = arith.constant 0 : i32
      %scan3A_99 = arith.constant 16 : i32
      %scan3A_100 = arith.addi %scan3A_98, %scan3A_99 : i32
      %scan3A_101 = arith.constant 1 : i32
      scf.for %scan3A_103 = %scan3A_98 to %scan3A_100 step %scan3A_101  : i32 {
        %broadcast_in_dim3A = arith.constant 0.000000e+00 : f32
        %broadcast_in_dim3A_104 = vector.broadcast %broadcast_in_dim3A : f32 to vector<16xf32>
        %broadcast_in_dim3A_105 = arith.constant 0.000000e+00 : f32
        %broadcast_in_dim3A_106 = vector.broadcast %broadcast_in_dim3A_105 : f32 to vector<16xf32>
        %broadcast_in_dim3A_107 = arith.constant 0.000000e+00 : f32
        %broadcast_in_dim3A_108 = vector.broadcast %broadcast_in_dim3A_107 : f32 to vector<16xf32>
        %broadcast_in_dim3A_109 = arith.constant 0.000000e+00 : f32
        %broadcast_in_dim3A_110 = vector.broadcast %broadcast_in_dim3A_109 : f32 to vector<16xf32>
        %add3A_111 = arith.constant 0 : i32
        %add3A_112 = arith.addi %add3A_111, %scan3A_103 : i32
        %broadcast_in_dim3A_113 = vector.broadcast %add3A_112 : i32 to vector<16xi32>
        %gather3A = tpu.vector_load_idx %arg7[%broadcast_in_dim3A_113] : memref<640xf32, #tpu.memory_space<vmem>>[vector<16xi32>], vector<16xf32>,
        %get3A = arith.index_cast %add3A_112 : i32 to index
        %get3A_114 = arith.constant 0 : index
        %get3A_115 = tpu.vector_load %arg8[%get3A, %get3A_114] {strides = array<i32>} : memref<640x64xf32, #tpu.memory_space<vmem>>, vector<16xf32>,
        %mul3A_116 = arith.mulf %get3A_115, %gather3A : vector<16xf32>
        %add3A_117 = arith.addf %broadcast_in_dim3A_104, %mul3A_116 : vector<16xf32>
        %get3A_118 = arith.index_cast %add3A_112 : i32 to index
        %get3A_119 = arith.constant 16 : index
        %get3A_120 = tpu.vector_load %arg8[%get3A_118, %get3A_119] {strides = array<i32>} : memref<640x64xf32, #tpu.memory_space<vmem>>, vector<16xf32>,
        %mul3A_121 = arith.mulf %get3A_120, %gather3A : vector<16xf32>
        %add3A_122 = arith.addf %broadcast_in_dim3A_106, %mul3A_121 : vector<16xf32>
        %get3A_123 = arith.index_cast %add3A_112 : i32 to index
        %get3A_124 = arith.constant 32 : index
        %get3A_125 = tpu.vector_load %arg8[%get3A_123, %get3A_124] {strides = array<i32>} : memref<640x64xf32, #tpu.memory_space<vmem>>, vector<16xf32>,
        %mul3A_126 = arith.mulf %get3A_125, %gather3A : vector<16xf32>
        %add3A_127 = arith.addf %broadcast_in_dim3A_108, %mul3A_126 : vector<16xf32>
        %get3A_128 = arith.index_cast %add3A_112 : i32 to index
        %get3A_129 = arith.constant 48 : index
        %get3A_130 = tpu.vector_load %arg8[%get3A_128, %get3A_129] {strides = array<i32>} : memref<640x64xf32, #tpu.memory_space<vmem>>, vector<16xf32>,
        %mul3A_131 = arith.mulf %get3A_130, %gather3A : vector<16xf32>
        %add3A_132 = arith.addf %broadcast_in_dim3A_110, %mul3A_131 : vector<16xf32>
        %add3A_133 = arith.constant 16 : i32
        %add3A_134 = arith.addi %add3A_133, %scan3A_103 : i32
        %broadcast_in_dim3A_135 = vector.broadcast %add3A_134 : i32 to vector<16xi32>
        %gather3A_136 = tpu.vector_load_idx %arg7[%broadcast_in_dim3A_135] : memref<640xf32, #tpu.memory_space<vmem>>[vector<16xi32>], vector<16xf32>,
        %get3A_137 = arith.index_cast %add3A_134 : i32 to index
        %get3A_138 = arith.constant 0 : index
        %get3A_139 = tpu.vector_load %arg8[%get3A_137, %get3A_138] {strides = array<i32>} : memref<640x64xf32, #tpu.memory_space<vmem>>, vector<16xf32>,
        %mul3A_140 = arith.mulf %get3A_139, %gather3A_136 : vector<16xf32>
        %add3A_141 = arith.addf %add3A_117, %mul3A_140 : vector<16xf32>
        %get3A_142 = arith.index_cast %add3A_134 : i32 to index
        %get3A_143 = arith.constant 16 : index
        %get3A_144 = tpu.vector_load %arg8[%get3A_142, %get3A_143] {strides = array<i32>} : memref<640x64xf32, #tpu.memory_space<vmem>>, vector<16xf32>,
        %mul3A_145 = arith.mulf %get3A_144, %gather3A_136 : vector<16xf32>
        %add3A_146 = arith.addf %add3A_122, %mul3A_145 : vector<16xf32>
        %get3A_147 = arith.index_cast %add3A_134 : i32 to index
        %get3A_148 = arith.constant 32 : index
        %get3A_149 = tpu.vector_load %arg8[%get3A_147, %get3A_148] {strides = array<i32>} : memref<640x64xf32, #tpu.memory_space<vmem>>, vector<16xf32>,
        %mul3A_150 = arith.mulf %get3A_149, %gather3A_136 : vector<16xf32>
        %add3A_151 = arith.addf %add3A_127, %mul3A_150 : vector<16xf32>
        %get3A_152 = arith.index_cast %add3A_134 : i32 to index
        %get3A_153 = arith.constant 48 : index
        %get3A_154 = tpu.vector_load %arg8[%get3A_152, %get3A_153] {strides = array<i32>} : memref<640x64xf32, #tpu.memory_space<vmem>>, vector<16xf32>,
        %mul3A_155 = arith.mulf %get3A_154, %gather3A_136 : vector<16xf32>
        %add3A_156 = arith.addf %add3A_132, %mul3A_155 : vector<16xf32>
        %add3A_157 = arith.constant 32 : i32
        %add3A_158 = arith.addi %add3A_157, %scan3A_103 : i32
        %broadcast_in_dim3A_159 = vector.broadcast %add3A_158 : i32 to vector<16xi32>
        %gather3A_160 = tpu.vector_load_idx %arg7[%broadcast_in_dim3A_159] : memref<640xf32, #tpu.memory_space<vmem>>[vector<16xi32>], vector<16xf32>,
        %get3A_161 = arith.index_cast %add3A_158 : i32 to index
        %get3A_162 = arith.constant 0 : index
        %get3A_163 = tpu.vector_load %arg8[%get3A_161, %get3A_162] {strides = array<i32>} : memref<640x64xf32, #tpu.memory_space<vmem>>, vector<16xf32>,
        %mul3A_164 = arith.mulf %get3A_163, %gather3A_160 : vector<16xf32>
        %add3A_165 = arith.addf %add3A_141, %mul3A_164 : vector<16xf32>
        %get3A_166 = arith.index_cast %add3A_158 : i32 to index
        %get3A_167 = arith.constant 16 : index
        %get3A_168 = tpu.vector_load %arg8[%get3A_166, %get3A_167] {strides = array<i32>} : memref<640x64xf32, #tpu.memory_space<vmem>>, vector<16xf32>,
        %mul3A_169 = arith.mulf %get3A_168, %gather3A_160 : vector<16xf32>
        %add3A_170 = arith.addf %add3A_146, %mul3A_169 : vector<16xf32>
        %get3A_171 = arith.index_cast %add3A_158 : i32 to index
        %get3A_172 = arith.constant 32 : index
        %get3A_173 = tpu.vector_load %arg8[%get3A_171, %get3A_172] {strides = array<i32>} : memref<640x64xf32, #tpu.memory_space<vmem>>, vector<16xf32>,
        %mul3A_174 = arith.mulf %get3A_173, %gather3A_160 : vector<16xf32>
        %add3A_175 = arith.addf %add3A_151, %mul3A_174 : vector<16xf32>
        %get3A_176 = arith.index_cast %add3A_158 : i32 to index
        %get3A_177 = arith.constant 48 : index
        %get3A_178 = tpu.vector_load %arg8[%get3A_176, %get3A_177] {strides = array<i32>} : memref<640x64xf32, #tpu.memory_space<vmem>>, vector<16xf32>,
        %mul3A_179 = arith.mulf %get3A_178, %gather3A_160 : vector<16xf32>
        %add3A_180 = arith.addf %add3A_156, %mul3A_179 : vector<16xf32>
        %add3A_181 = arith.constant 48 : i32
        %add3A_182 = arith.addi %add3A_181, %scan3A_103 : i32
        %broadcast_in_dim3A_183 = vector.broadcast %add3A_182 : i32 to vector<16xi32>
        %gather3A_184 = tpu.vector_load_idx %arg7[%broadcast_in_dim3A_183] : memref<640xf32, #tpu.memory_space<vmem>>[vector<16xi32>], vector<16xf32>,
        %get3A_185 = arith.index_cast %add3A_182 : i32 to index
        %get3A_186 = arith.constant 0 : index
        %get3A_187 = tpu.vector_load %arg8[%get3A_185, %get3A_186] {strides = array<i32>} : memref<640x64xf32, #tpu.memory_space<vmem>>, vector<16xf32>,
        %mul3A_188 = arith.mulf %get3A_187, %gather3A_184 : vector<16xf32>
        %add3A_189 = arith.addf %add3A_165, %mul3A_188 : vector<16xf32>
        %get3A_190 = arith.index_cast %add3A_182 : i32 to index
        %get3A_191 = arith.constant 16 : index
        %get3A_192 = tpu.vector_load %arg8[%get3A_190, %get3A_191] {strides = array<i32>} : memref<640x64xf32, #tpu.memory_space<vmem>>, vector<16xf32>,
        %mul3A_193 = arith.mulf %get3A_192, %gather3A_184 : vector<16xf32>
        %add3A_194 = arith.addf %add3A_170, %mul3A_193 : vector<16xf32>
        %get3A_195 = arith.index_cast %add3A_182 : i32 to index
        %get3A_196 = arith.constant 32 : index
        %get3A_197 = tpu.vector_load %arg8[%get3A_195, %get3A_196] {strides = array<i32>} : memref<640x64xf32, #tpu.memory_space<vmem>>, vector<16xf32>,
        %mul3A_198 = arith.mulf %get3A_197, %gather3A_184 : vector<16xf32>
        %add3A_199 = arith.addf %add3A_175, %mul3A_198 : vector<16xf32>
        %get3A_200 = arith.index_cast %add3A_182 : i32 to index
        %get3A_201 = arith.constant 48 : index
        %get3A_202 = tpu.vector_load %arg8[%get3A_200, %get3A_201] {strides = array<i32>} : memref<640x64xf32, #tpu.memory_space<vmem>>, vector<16xf32>,
        %mul3A_203 = arith.mulf %get3A_202, %gather3A_184 : vector<16xf32>
        %add3A_204 = arith.addf %add3A_180, %mul3A_203 : vector<16xf32>
        %add3A_205 = arith.constant 64 : i32
        %add3A_206 = arith.addi %add3A_205, %scan3A_103 : i32
        %broadcast_in_dim3A_207 = vector.broadcast %add3A_206 : i32 to vector<16xi32>
        %gather3A_208 = tpu.vector_load_idx %arg7[%broadcast_in_dim3A_207] : memref<640xf32, #tpu.memory_space<vmem>>[vector<16xi32>], vector<16xf32>,
        %get3A_209 = arith.index_cast %add3A_206 : i32 to index
        %get3A_210 = arith.constant 0 : index
        %get3A_211 = tpu.vector_load %arg8[%get3A_209, %get3A_210] {strides = array<i32>} : memref<640x64xf32, #tpu.memory_space<vmem>>, vector<16xf32>,
        %mul3A_212 = arith.mulf %get3A_211, %gather3A_208 : vector<16xf32>
        %add3A_213 = arith.addf %add3A_189, %mul3A_212 : vector<16xf32>
        %get3A_214 = arith.index_cast %add3A_206 : i32 to index
        %get3A_215 = arith.constant 16 : index
        %get3A_216 = tpu.vector_load %arg8[%get3A_214, %get3A_215] {strides = array<i32>} : memref<640x64xf32, #tpu.memory_space<vmem>>, vector<16xf32>,
        %mul3A_217 = arith.mulf %get3A_216, %gather3A_208 : vector<16xf32>
        %add3A_218 = arith.addf %add3A_194, %mul3A_217 : vector<16xf32>
        %get3A_219 = arith.index_cast %add3A_206 : i32 to index
        %get3A_220 = arith.constant 32 : index
        %get3A_221 = tpu.vector_load %arg8[%get3A_219, %get3A_220] {strides = array<i32>} : memref<640x64xf32, #tpu.memory_space<vmem>>, vector<16xf32>,
        %mul3A_222 = arith.mulf %get3A_221, %gather3A_208 : vector<16xf32>
        %add3A_223 = arith.addf %add3A_199, %mul3A_222 : vector<16xf32>
        %get3A_224 = arith.index_cast %add3A_206 : i32 to index
        %get3A_225 = arith.constant 48 : index
        %get3A_226 = tpu.vector_load %arg8[%get3A_224, %get3A_225] {strides = array<i32>} : memref<640x64xf32, #tpu.memory_space<vmem>>, vector<16xf32>,
        %mul3A_227 = arith.mulf %get3A_226, %gather3A_208 : vector<16xf32>
        %add3A_228 = arith.addf %add3A_204, %mul3A_227 : vector<16xf32>
        %add3A_229 = arith.constant 80 : i32
        %add3A_230 = arith.addi %add3A_229, %scan3A_103 : i32
        %broadcast_in_dim3A_231 = vector.broadcast %add3A_230 : i32 to vector<16xi32>
        %gather3A_232 = tpu.vector_load_idx %arg7[%broadcast_in_dim3A_231] : memref<640xf32, #tpu.memory_space<vmem>>[vector<16xi32>], vector<16xf32>,
        %get3A_233 = arith.index_cast %add3A_230 : i32 to index
        %get3A_234 = arith.constant 0 : index
        %get3A_235 = tpu.vector_load %arg8[%get3A_233, %get3A_234] {strides = array<i32>} : memref<640x64xf32, #tpu.memory_space<vmem>>, vector<16xf32>,
        %mul3A_236 = arith.mulf %get3A_235, %gather3A_232 : vector<16xf32>
        %add3A_237 = arith.addf %add3A_213, %mul3A_236 : vector<16xf32>
        %get3A_238 = arith.index_cast %add3A_230 : i32 to index
        %get3A_239 = arith.constant 16 : index
        %get3A_240 = tpu.vector_load %arg8[%get3A_238, %get3A_239] {strides = array<i32>} : memref<640x64xf32, #tpu.memory_space<vmem>>, vector<16xf32>,
        %mul3A_241 = arith.mulf %get3A_240, %gather3A_232 : vector<16xf32>
        %add3A_242 = arith.addf %add3A_218, %mul3A_241 : vector<16xf32>
        %get3A_243 = arith.index_cast %add3A_230 : i32 to index
        %get3A_244 = arith.constant 32 : index
        %get3A_245 = tpu.vector_load %arg8[%get3A_243, %get3A_244] {strides = array<i32>} : memref<640x64xf32, #tpu.memory_space<vmem>>, vector<16xf32>,
        %mul3A_246 = arith.mulf %get3A_245, %gather3A_232 : vector<16xf32>
        %add3A_247 = arith.addf %add3A_223, %mul3A_246 : vector<16xf32>
        %get3A_248 = arith.index_cast %add3A_230 : i32 to index
        %get3A_249 = arith.constant 48 : index
        %get3A_250 = tpu.vector_load %arg8[%get3A_248, %get3A_249] {strides = array<i32>} : memref<640x64xf32, #tpu.memory_space<vmem>>, vector<16xf32>,
        %mul3A_251 = arith.mulf %get3A_250, %gather3A_232 : vector<16xf32>
        %add3A_252 = arith.addf %add3A_228, %mul3A_251 : vector<16xf32>
        %add3A_253 = arith.constant 96 : i32
        %add3A_254 = arith.addi %add3A_253, %scan3A_103 : i32
        %broadcast_in_dim3A_255 = vector.broadcast %add3A_254 : i32 to vector<16xi32>
        %gather3A_256 = tpu.vector_load_idx %arg7[%broadcast_in_dim3A_255] : memref<640xf32, #tpu.memory_space<vmem>>[vector<16xi32>], vector<16xf32>,
        %get3A_257 = arith.index_cast %add3A_254 : i32 to index
        %get3A_258 = arith.constant 0 : index
        %get3A_259 = tpu.vector_load %arg8[%get3A_257, %get3A_258] {strides = array<i32>} : memref<640x64xf32, #tpu.memory_space<vmem>>, vector<16xf32>,
        %mul3A_260 = arith.mulf %get3A_259, %gather3A_256 : vector<16xf32>
        %add3A_261 = arith.addf %add3A_237, %mul3A_260 : vector<16xf32>
        %get3A_262 = arith.index_cast %add3A_254 : i32 to index
        %get3A_263 = arith.constant 16 : index
        %get3A_264 = tpu.vector_load %arg8[%get3A_262, %get3A_263] {strides = array<i32>} : memref<640x64xf32, #tpu.memory_space<vmem>>, vector<16xf32>,
        %mul3A_265 = arith.mulf %get3A_264, %gather3A_256 : vector<16xf32>
        %add3A_266 = arith.addf %add3A_242, %mul3A_265 : vector<16xf32>
        %get3A_267 = arith.index_cast %add3A_254 : i32 to index
        %get3A_268 = arith.constant 32 : index
        %get3A_269 = tpu.vector_load %arg8[%get3A_267, %get3A_268] {strides = array<i32>} : memref<640x64xf32, #tpu.memory_space<vmem>>, vector<16xf32>,
        %mul3A_270 = arith.mulf %get3A_269, %gather3A_256 : vector<16xf32>
        %add3A_271 = arith.addf %add3A_247, %mul3A_270 : vector<16xf32>
        %get3A_272 = arith.index_cast %add3A_254 : i32 to index
        %get3A_273 = arith.constant 48 : index
        %get3A_274 = tpu.vector_load %arg8[%get3A_272, %get3A_273] {strides = array<i32>} : memref<640x64xf32, #tpu.memory_space<vmem>>, vector<16xf32>,
        %mul3A_275 = arith.mulf %get3A_274, %gather3A_256 : vector<16xf32>
        %add3A_276 = arith.addf %add3A_252, %mul3A_275 : vector<16xf32>
        %add3A_277 = arith.constant 112 : i32
        %add3A_278 = arith.addi %add3A_277, %scan3A_103 : i32
        %broadcast_in_dim3A_279 = vector.broadcast %add3A_278 : i32 to vector<16xi32>
        %gather3A_280 = tpu.vector_load_idx %arg7[%broadcast_in_dim3A_279] : memref<640xf32, #tpu.memory_space<vmem>>[vector<16xi32>], vector<16xf32>,
        %get3A_281 = arith.index_cast %add3A_278 : i32 to index
        %get3A_282 = arith.constant 0 : index
        %get3A_283 = tpu.vector_load %arg8[%get3A_281, %get3A_282] {strides = array<i32>} : memref<640x64xf32, #tpu.memory_space<vmem>>, vector<16xf32>,
        %mul3A_284 = arith.mulf %get3A_283, %gather3A_280 : vector<16xf32>
        %add3A_285 = arith.addf %add3A_261, %mul3A_284 : vector<16xf32>
        %get3A_286 = arith.index_cast %add3A_278 : i32 to index
        %get3A_287 = arith.constant 16 : index
        %get3A_288 = tpu.vector_load %arg8[%get3A_286, %get3A_287] {strides = array<i32>} : memref<640x64xf32, #tpu.memory_space<vmem>>, vector<16xf32>,
        %mul3A_289 = arith.mulf %get3A_288, %gather3A_280 : vector<16xf32>
        %add3A_290 = arith.addf %add3A_266, %mul3A_289 : vector<16xf32>
        %get3A_291 = arith.index_cast %add3A_278 : i32 to index
        %get3A_292 = arith.constant 32 : index
        %get3A_293 = tpu.vector_load %arg8[%get3A_291, %get3A_292] {strides = array<i32>} : memref<640x64xf32, #tpu.memory_space<vmem>>, vector<16xf32>,
        %mul3A_294 = arith.mulf %get3A_293, %gather3A_280 : vector<16xf32>
        %add3A_295 = arith.addf %add3A_271, %mul3A_294 : vector<16xf32>
        %get3A_296 = arith.index_cast %add3A_278 : i32 to index
        %get3A_297 = arith.constant 48 : index
        %get3A_298 = tpu.vector_load %arg8[%get3A_296, %get3A_297] {strides = array<i32>} : memref<640x64xf32, #tpu.memory_space<vmem>>, vector<16xf32>,
        %mul3A_299 = arith.mulf %get3A_298, %gather3A_280 : vector<16xf32>
        %add3A_300 = arith.addf %add3A_276, %mul3A_299 : vector<16xf32>
        %add3A_301 = arith.constant 128 : i32
        %add3A_302 = arith.addi %add3A_301, %scan3A_103 : i32
        %broadcast_in_dim3A_303 = vector.broadcast %add3A_302 : i32 to vector<16xi32>
        %gather3A_304 = tpu.vector_load_idx %arg7[%broadcast_in_dim3A_303] : memref<640xf32, #tpu.memory_space<vmem>>[vector<16xi32>], vector<16xf32>,
        %get3A_305 = arith.index_cast %add3A_302 : i32 to index
        %get3A_306 = arith.constant 0 : index
        %get3A_307 = tpu.vector_load %arg8[%get3A_305, %get3A_306] {strides = array<i32>} : memref<640x64xf32, #tpu.memory_space<vmem>>, vector<16xf32>,
        %mul3A_308 = arith.mulf %get3A_307, %gather3A_304 : vector<16xf32>
        %add3A_309 = arith.addf %add3A_285, %mul3A_308 : vector<16xf32>
        %get3A_310 = arith.index_cast %add3A_302 : i32 to index
        %get3A_311 = arith.constant 16 : index
        %get3A_312 = tpu.vector_load %arg8[%get3A_310, %get3A_311] {strides = array<i32>} : memref<640x64xf32, #tpu.memory_space<vmem>>, vector<16xf32>,
        %mul3A_313 = arith.mulf %get3A_312, %gather3A_304 : vector<16xf32>
        %add3A_314 = arith.addf %add3A_290, %mul3A_313 : vector<16xf32>
        %get3A_315 = arith.index_cast %add3A_302 : i32 to index
        %get3A_316 = arith.constant 32 : index
        %get3A_317 = tpu.vector_load %arg8[%get3A_315, %get3A_316] {strides = array<i32>} : memref<640x64xf32, #tpu.memory_space<vmem>>, vector<16xf32>,
        %mul3A_318 = arith.mulf %get3A_317, %gather3A_304 : vector<16xf32>
        %add3A_319 = arith.addf %add3A_295, %mul3A_318 : vector<16xf32>
        %get3A_320 = arith.index_cast %add3A_302 : i32 to index
        %get3A_321 = arith.constant 48 : index
        %get3A_322 = tpu.vector_load %arg8[%get3A_320, %get3A_321] {strides = array<i32>} : memref<640x64xf32, #tpu.memory_space<vmem>>, vector<16xf32>,
        %mul3A_323 = arith.mulf %get3A_322, %gather3A_304 : vector<16xf32>
        %add3A_324 = arith.addf %add3A_300, %mul3A_323 : vector<16xf32>
        %add3A_325 = arith.constant 144 : i32
        %add3A_326 = arith.addi %add3A_325, %scan3A_103 : i32
        %broadcast_in_dim3A_327 = vector.broadcast %add3A_326 : i32 to vector<16xi32>
        %gather3A_328 = tpu.vector_load_idx %arg7[%broadcast_in_dim3A_327] : memref<640xf32, #tpu.memory_space<vmem>>[vector<16xi32>], vector<16xf32>,
        %get3A_329 = arith.index_cast %add3A_326 : i32 to index
        %get3A_330 = arith.constant 0 : index
        %get3A_331 = tpu.vector_load %arg8[%get3A_329, %get3A_330] {strides = array<i32>} : memref<640x64xf32, #tpu.memory_space<vmem>>, vector<16xf32>,
        %mul3A_332 = arith.mulf %get3A_331, %gather3A_328 : vector<16xf32>
        %add3A_333 = arith.addf %add3A_309, %mul3A_332 : vector<16xf32>
        %get3A_334 = arith.index_cast %add3A_326 : i32 to index
        %get3A_335 = arith.constant 16 : index
        %get3A_336 = tpu.vector_load %arg8[%get3A_334, %get3A_335] {strides = array<i32>} : memref<640x64xf32, #tpu.memory_space<vmem>>, vector<16xf32>,
        %mul3A_337 = arith.mulf %get3A_336, %gather3A_328 : vector<16xf32>
        %add3A_338 = arith.addf %add3A_314, %mul3A_337 : vector<16xf32>
        %get3A_339 = arith.index_cast %add3A_326 : i32 to index
        %get3A_340 = arith.constant 32 : index
        %get3A_341 = tpu.vector_load %arg8[%get3A_339, %get3A_340] {strides = array<i32>} : memref<640x64xf32, #tpu.memory_space<vmem>>, vector<16xf32>,
        %mul3A_342 = arith.mulf %get3A_341, %gather3A_328 : vector<16xf32>
        %add3A_343 = arith.addf %add3A_319, %mul3A_342 : vector<16xf32>
        %get3A_344 = arith.index_cast %add3A_326 : i32 to index
        %get3A_345 = arith.constant 48 : index
        %get3A_346 = tpu.vector_load %arg8[%get3A_344, %get3A_345] {strides = array<i32>} : memref<640x64xf32, #tpu.memory_space<vmem>>, vector<16xf32>,
        %mul3A_347 = arith.mulf %get3A_346, %gather3A_328 : vector<16xf32>
        %add3A_348 = arith.addf %add3A_324, %mul3A_347 : vector<16xf32>
        %add3A_349 = arith.constant 160 : i32
        %add3A_350 = arith.addi %add3A_349, %scan3A_103 : i32
        %broadcast_in_dim3A_351 = vector.broadcast %add3A_350 : i32 to vector<16xi32>
        %gather3A_352 = tpu.vector_load_idx %arg7[%broadcast_in_dim3A_351] : memref<640xf32, #tpu.memory_space<vmem>>[vector<16xi32>], vector<16xf32>,
        %get3A_353 = arith.index_cast %add3A_350 : i32 to index
        %get3A_354 = arith.constant 0 : index
        %get3A_355 = tpu.vector_load %arg8[%get3A_353, %get3A_354] {strides = array<i32>} : memref<640x64xf32, #tpu.memory_space<vmem>>, vector<16xf32>,
        %mul3A_356 = arith.mulf %get3A_355, %gather3A_352 : vector<16xf32>
        %add3A_357 = arith.addf %add3A_333, %mul3A_356 : vector<16xf32>
        %get3A_358 = arith.index_cast %add3A_350 : i32 to index
        %get3A_359 = arith.constant 16 : index
        %get3A_360 = tpu.vector_load %arg8[%get3A_358, %get3A_359] {strides = array<i32>} : memref<640x64xf32, #tpu.memory_space<vmem>>, vector<16xf32>,
        %mul3A_361 = arith.mulf %get3A_360, %gather3A_352 : vector<16xf32>
        %add3A_362 = arith.addf %add3A_338, %mul3A_361 : vector<16xf32>
        %get3A_363 = arith.index_cast %add3A_350 : i32 to index
        %get3A_364 = arith.constant 32 : index
        %get3A_365 = tpu.vector_load %arg8[%get3A_363, %get3A_364] {strides = array<i32>} : memref<640x64xf32, #tpu.memory_space<vmem>>, vector<16xf32>,
        %mul3A_366 = arith.mulf %get3A_365, %gather3A_352 : vector<16xf32>
        %add3A_367 = arith.addf %add3A_343, %mul3A_366 : vector<16xf32>
        %get3A_368 = arith.index_cast %add3A_350 : i32 to index
        %get3A_369 = arith.constant 48 : index
        %get3A_370 = tpu.vector_load %arg8[%get3A_368, %get3A_369] {strides = array<i32>} : memref<640x64xf32, #tpu.memory_space<vmem>>, vector<16xf32>,
        %mul3A_371 = arith.mulf %get3A_370, %gather3A_352 : vector<16xf32>
        %add3A_372 = arith.addf %add3A_348, %mul3A_371 : vector<16xf32>
        %add3A_373 = arith.constant 176 : i32
        %add3A_374 = arith.addi %add3A_373, %scan3A_103 : i32
        %broadcast_in_dim3A_375 = vector.broadcast %add3A_374 : i32 to vector<16xi32>
        %gather3A_376 = tpu.vector_load_idx %arg7[%broadcast_in_dim3A_375] : memref<640xf32, #tpu.memory_space<vmem>>[vector<16xi32>], vector<16xf32>,
        %get3A_377 = arith.index_cast %add3A_374 : i32 to index
        %get3A_378 = arith.constant 0 : index
        %get3A_379 = tpu.vector_load %arg8[%get3A_377, %get3A_378] {strides = array<i32>} : memref<640x64xf32, #tpu.memory_space<vmem>>, vector<16xf32>,
        %mul3A_380 = arith.mulf %get3A_379, %gather3A_376 : vector<16xf32>
        %add3A_381 = arith.addf %add3A_357, %mul3A_380 : vector<16xf32>
        %get3A_382 = arith.index_cast %add3A_374 : i32 to index
        %get3A_383 = arith.constant 16 : index
        %get3A_384 = tpu.vector_load %arg8[%get3A_382, %get3A_383] {strides = array<i32>} : memref<640x64xf32, #tpu.memory_space<vmem>>, vector<16xf32>,
        %mul3A_385 = arith.mulf %get3A_384, %gather3A_376 : vector<16xf32>
        %add3A_386 = arith.addf %add3A_362, %mul3A_385 : vector<16xf32>
        %get3A_387 = arith.index_cast %add3A_374 : i32 to index
        %get3A_388 = arith.constant 32 : index
        %get3A_389 = tpu.vector_load %arg8[%get3A_387, %get3A_388] {strides = array<i32>} : memref<640x64xf32, #tpu.memory_space<vmem>>, vector<16xf32>,
        %mul3A_390 = arith.mulf %get3A_389, %gather3A_376 : vector<16xf32>
        %add3A_391 = arith.addf %add3A_367, %mul3A_390 : vector<16xf32>
        %get3A_392 = arith.index_cast %add3A_374 : i32 to index
        %get3A_393 = arith.constant 48 : index
        %get3A_394 = tpu.vector_load %arg8[%get3A_392, %get3A_393] {strides = array<i32>} : memref<640x64xf32, #tpu.memory_space<vmem>>, vector<16xf32>,
        %mul3A_395 = arith.mulf %get3A_394, %gather3A_376 : vector<16xf32>
        %add3A_396 = arith.addf %add3A_372, %mul3A_395 : vector<16xf32>
        %add3A_397 = arith.constant 192 : i32
        %add3A_398 = arith.addi %add3A_397, %scan3A_103 : i32
        %broadcast_in_dim3A_399 = vector.broadcast %add3A_398 : i32 to vector<16xi32>
        %gather3A_400 = tpu.vector_load_idx %arg7[%broadcast_in_dim3A_399] : memref<640xf32, #tpu.memory_space<vmem>>[vector<16xi32>], vector<16xf32>,
        %get3A_401 = arith.index_cast %add3A_398 : i32 to index
        %get3A_402 = arith.constant 0 : index
        %get3A_403 = tpu.vector_load %arg8[%get3A_401, %get3A_402] {strides = array<i32>} : memref<640x64xf32, #tpu.memory_space<vmem>>, vector<16xf32>,
        %mul3A_404 = arith.mulf %get3A_403, %gather3A_400 : vector<16xf32>
        %add3A_405 = arith.addf %add3A_381, %mul3A_404 : vector<16xf32>
        %get3A_406 = arith.index_cast %add3A_398 : i32 to index
        %get3A_407 = arith.constant 16 : index
        %get3A_408 = tpu.vector_load %arg8[%get3A_406, %get3A_407] {strides = array<i32>} : memref<640x64xf32, #tpu.memory_space<vmem>>, vector<16xf32>,
        %mul3A_409 = arith.mulf %get3A_408, %gather3A_400 : vector<16xf32>
        %add3A_410 = arith.addf %add3A_386, %mul3A_409 : vector<16xf32>
        %get3A_411 = arith.index_cast %add3A_398 : i32 to index
        %get3A_412 = arith.constant 32 : index
        %get3A_413 = tpu.vector_load %arg8[%get3A_411, %get3A_412] {strides = array<i32>} : memref<640x64xf32, #tpu.memory_space<vmem>>, vector<16xf32>,
        %mul3A_414 = arith.mulf %get3A_413, %gather3A_400 : vector<16xf32>
        %add3A_415 = arith.addf %add3A_391, %mul3A_414 : vector<16xf32>
        %get3A_416 = arith.index_cast %add3A_398 : i32 to index
        %get3A_417 = arith.constant 48 : index
        %get3A_418 = tpu.vector_load %arg8[%get3A_416, %get3A_417] {strides = array<i32>} : memref<640x64xf32, #tpu.memory_space<vmem>>, vector<16xf32>,
        %mul3A_419 = arith.mulf %get3A_418, %gather3A_400 : vector<16xf32>
        %add3A_420 = arith.addf %add3A_396, %mul3A_419 : vector<16xf32>
        %add3A_421 = arith.constant 208 : i32
        %add3A_422 = arith.addi %add3A_421, %scan3A_103 : i32
        %broadcast_in_dim3A_423 = vector.broadcast %add3A_422 : i32 to vector<16xi32>
        %gather3A_424 = tpu.vector_load_idx %arg7[%broadcast_in_dim3A_423] : memref<640xf32, #tpu.memory_space<vmem>>[vector<16xi32>], vector<16xf32>,
        %get3A_425 = arith.index_cast %add3A_422 : i32 to index
        %get3A_426 = arith.constant 0 : index
        %get3A_427 = tpu.vector_load %arg8[%get3A_425, %get3A_426] {strides = array<i32>} : memref<640x64xf32, #tpu.memory_space<vmem>>, vector<16xf32>,
        %mul3A_428 = arith.mulf %get3A_427, %gather3A_424 : vector<16xf32>
        %add3A_429 = arith.addf %add3A_405, %mul3A_428 : vector<16xf32>
        %get3A_430 = arith.index_cast %add3A_422 : i32 to index
        %get3A_431 = arith.constant 16 : index
        %get3A_432 = tpu.vector_load %arg8[%get3A_430, %get3A_431] {strides = array<i32>} : memref<640x64xf32, #tpu.memory_space<vmem>>, vector<16xf32>,
        %mul3A_433 = arith.mulf %get3A_432, %gather3A_424 : vector<16xf32>
        %add3A_434 = arith.addf %add3A_410, %mul3A_433 : vector<16xf32>
        %get3A_435 = arith.index_cast %add3A_422 : i32 to index
        %get3A_436 = arith.constant 32 : index
        %get3A_437 = tpu.vector_load %arg8[%get3A_435, %get3A_436] {strides = array<i32>} : memref<640x64xf32, #tpu.memory_space<vmem>>, vector<16xf32>,
        %mul3A_438 = arith.mulf %get3A_437, %gather3A_424 : vector<16xf32>
        %add3A_439 = arith.addf %add3A_415, %mul3A_438 : vector<16xf32>
        %get3A_440 = arith.index_cast %add3A_422 : i32 to index
        %get3A_441 = arith.constant 48 : index
        %get3A_442 = tpu.vector_load %arg8[%get3A_440, %get3A_441] {strides = array<i32>} : memref<640x64xf32, #tpu.memory_space<vmem>>, vector<16xf32>,
        %mul3A_443 = arith.mulf %get3A_442, %gather3A_424 : vector<16xf32>
        %add3A_444 = arith.addf %add3A_420, %mul3A_443 : vector<16xf32>
        %add3A_445 = arith.constant 224 : i32
        %add3A_446 = arith.addi %add3A_445, %scan3A_103 : i32
        %broadcast_in_dim3A_447 = vector.broadcast %add3A_446 : i32 to vector<16xi32>
        %gather3A_448 = tpu.vector_load_idx %arg7[%broadcast_in_dim3A_447] : memref<640xf32, #tpu.memory_space<vmem>>[vector<16xi32>], vector<16xf32>,
        %get3A_449 = arith.index_cast %add3A_446 : i32 to index
        %get3A_450 = arith.constant 0 : index
        %get3A_451 = tpu.vector_load %arg8[%get3A_449, %get3A_450] {strides = array<i32>} : memref<640x64xf32, #tpu.memory_space<vmem>>, vector<16xf32>,
        %mul3A_452 = arith.mulf %get3A_451, %gather3A_448 : vector<16xf32>
        %add3A_453 = arith.addf %add3A_429, %mul3A_452 : vector<16xf32>
        %get3A_454 = arith.index_cast %add3A_446 : i32 to index
        %get3A_455 = arith.constant 16 : index
        %get3A_456 = tpu.vector_load %arg8[%get3A_454, %get3A_455] {strides = array<i32>} : memref<640x64xf32, #tpu.memory_space<vmem>>, vector<16xf32>,
        %mul3A_457 = arith.mulf %get3A_456, %gather3A_448 : vector<16xf32>
        %add3A_458 = arith.addf %add3A_434, %mul3A_457 : vector<16xf32>
        %get3A_459 = arith.index_cast %add3A_446 : i32 to index
        %get3A_460 = arith.constant 32 : index
        %get3A_461 = tpu.vector_load %arg8[%get3A_459, %get3A_460] {strides = array<i32>} : memref<640x64xf32, #tpu.memory_space<vmem>>, vector<16xf32>,
        %mul3A_462 = arith.mulf %get3A_461, %gather3A_448 : vector<16xf32>
        %add3A_463 = arith.addf %add3A_439, %mul3A_462 : vector<16xf32>
        %get3A_464 = arith.index_cast %add3A_446 : i32 to index
        %get3A_465 = arith.constant 48 : index
        %get3A_466 = tpu.vector_load %arg8[%get3A_464, %get3A_465] {strides = array<i32>} : memref<640x64xf32, #tpu.memory_space<vmem>>, vector<16xf32>,
        %mul3A_467 = arith.mulf %get3A_466, %gather3A_448 : vector<16xf32>
        %add3A_468 = arith.addf %add3A_444, %mul3A_467 : vector<16xf32>
        %add3A_469 = arith.constant 240 : i32
        %add3A_470 = arith.addi %add3A_469, %scan3A_103 : i32
        %broadcast_in_dim3A_471 = vector.broadcast %add3A_470 : i32 to vector<16xi32>
        %gather3A_472 = tpu.vector_load_idx %arg7[%broadcast_in_dim3A_471] : memref<640xf32, #tpu.memory_space<vmem>>[vector<16xi32>], vector<16xf32>,
        %get3A_473 = arith.index_cast %add3A_470 : i32 to index
        %get3A_474 = arith.constant 0 : index
        %get3A_475 = tpu.vector_load %arg8[%get3A_473, %get3A_474] {strides = array<i32>} : memref<640x64xf32, #tpu.memory_space<vmem>>, vector<16xf32>,
        %mul3A_476 = arith.mulf %get3A_475, %gather3A_472 : vector<16xf32>
        %add3A_477 = arith.addf %add3A_453, %mul3A_476 : vector<16xf32>
        %get3A_478 = arith.index_cast %add3A_470 : i32 to index
        %get3A_479 = arith.constant 16 : index
        %get3A_480 = tpu.vector_load %arg8[%get3A_478, %get3A_479] {strides = array<i32>} : memref<640x64xf32, #tpu.memory_space<vmem>>, vector<16xf32>,
        %mul3A_481 = arith.mulf %get3A_480, %gather3A_472 : vector<16xf32>
        %add3A_482 = arith.addf %add3A_458, %mul3A_481 : vector<16xf32>
        %get3A_483 = arith.index_cast %add3A_470 : i32 to index
        %get3A_484 = arith.constant 32 : index
        %get3A_485 = tpu.vector_load %arg8[%get3A_483, %get3A_484] {strides = array<i32>} : memref<640x64xf32, #tpu.memory_space<vmem>>, vector<16xf32>,
        %mul3A_486 = arith.mulf %get3A_485, %gather3A_472 : vector<16xf32>
        %add3A_487 = arith.addf %add3A_463, %mul3A_486 : vector<16xf32>
        %get3A_488 = arith.index_cast %add3A_470 : i32 to index
        %get3A_489 = arith.constant 48 : index
        %get3A_490 = tpu.vector_load %arg8[%get3A_488, %get3A_489] {strides = array<i32>} : memref<640x64xf32, #tpu.memory_space<vmem>>, vector<16xf32>,
        %mul3A_491 = arith.mulf %get3A_490, %gather3A_472 : vector<16xf32>
        %add3A_492 = arith.addf %add3A_468, %mul3A_491 : vector<16xf32>
        %add3A_493 = arith.constant 256 : i32
        %add3A_494 = arith.addi %add3A_493, %scan3A_103 : i32
        %broadcast_in_dim3A_495 = vector.broadcast %add3A_494 : i32 to vector<16xi32>
        %gather3A_496 = tpu.vector_load_idx %arg7[%broadcast_in_dim3A_495] : memref<640xf32, #tpu.memory_space<vmem>>[vector<16xi32>], vector<16xf32>,
        %get3A_497 = arith.index_cast %add3A_494 : i32 to index
        %get3A_498 = arith.constant 0 : index
        %get3A_499 = tpu.vector_load %arg8[%get3A_497, %get3A_498] {strides = array<i32>} : memref<640x64xf32, #tpu.memory_space<vmem>>, vector<16xf32>,
        %mul3A_500 = arith.mulf %get3A_499, %gather3A_496 : vector<16xf32>
        %add3A_501 = arith.addf %add3A_477, %mul3A_500 : vector<16xf32>
        %get3A_502 = arith.index_cast %add3A_494 : i32 to index
        %get3A_503 = arith.constant 16 : index
        %get3A_504 = tpu.vector_load %arg8[%get3A_502, %get3A_503] {strides = array<i32>} : memref<640x64xf32, #tpu.memory_space<vmem>>, vector<16xf32>,
        %mul3A_505 = arith.mulf %get3A_504, %gather3A_496 : vector<16xf32>
        %add3A_506 = arith.addf %add3A_482, %mul3A_505 : vector<16xf32>
        %get3A_507 = arith.index_cast %add3A_494 : i32 to index
        %get3A_508 = arith.constant 32 : index
        %get3A_509 = tpu.vector_load %arg8[%get3A_507, %get3A_508] {strides = array<i32>} : memref<640x64xf32, #tpu.memory_space<vmem>>, vector<16xf32>,
        %mul3A_510 = arith.mulf %get3A_509, %gather3A_496 : vector<16xf32>
        %add3A_511 = arith.addf %add3A_487, %mul3A_510 : vector<16xf32>
        %get3A_512 = arith.index_cast %add3A_494 : i32 to index
        %get3A_513 = arith.constant 48 : index
        %get3A_514 = tpu.vector_load %arg8[%get3A_512, %get3A_513] {strides = array<i32>} : memref<640x64xf32, #tpu.memory_space<vmem>>, vector<16xf32>,
        %mul3A_515 = arith.mulf %get3A_514, %gather3A_496 : vector<16xf32>
        %add3A_516 = arith.addf %add3A_492, %mul3A_515 : vector<16xf32>
        %add3A_517 = arith.constant 272 : i32
        %add3A_518 = arith.addi %add3A_517, %scan3A_103 : i32
        %broadcast_in_dim3A_519 = vector.broadcast %add3A_518 : i32 to vector<16xi32>
        %gather3A_520 = tpu.vector_load_idx %arg7[%broadcast_in_dim3A_519] : memref<640xf32, #tpu.memory_space<vmem>>[vector<16xi32>], vector<16xf32>,
        %get3A_521 = arith.index_cast %add3A_518 : i32 to index
        %get3A_522 = arith.constant 0 : index
        %get3A_523 = tpu.vector_load %arg8[%get3A_521, %get3A_522] {strides = array<i32>} : memref<640x64xf32, #tpu.memory_space<vmem>>, vector<16xf32>,
        %mul3A_524 = arith.mulf %get3A_523, %gather3A_520 : vector<16xf32>
        %add3A_525 = arith.addf %add3A_501, %mul3A_524 : vector<16xf32>
        %get3A_526 = arith.index_cast %add3A_518 : i32 to index
        %get3A_527 = arith.constant 16 : index
        %get3A_528 = tpu.vector_load %arg8[%get3A_526, %get3A_527] {strides = array<i32>} : memref<640x64xf32, #tpu.memory_space<vmem>>, vector<16xf32>,
        %mul3A_529 = arith.mulf %get3A_528, %gather3A_520 : vector<16xf32>
        %add3A_530 = arith.addf %add3A_506, %mul3A_529 : vector<16xf32>
        %get3A_531 = arith.index_cast %add3A_518 : i32 to index
        %get3A_532 = arith.constant 32 : index
        %get3A_533 = tpu.vector_load %arg8[%get3A_531, %get3A_532] {strides = array<i32>} : memref<640x64xf32, #tpu.memory_space<vmem>>, vector<16xf32>,
        %mul3A_534 = arith.mulf %get3A_533, %gather3A_520 : vector<16xf32>
        %add3A_535 = arith.addf %add3A_511, %mul3A_534 : vector<16xf32>
        %get3A_536 = arith.index_cast %add3A_518 : i32 to index
        %get3A_537 = arith.constant 48 : index
        %get3A_538 = tpu.vector_load %arg8[%get3A_536, %get3A_537] {strides = array<i32>} : memref<640x64xf32, #tpu.memory_space<vmem>>, vector<16xf32>,
        %mul3A_539 = arith.mulf %get3A_538, %gather3A_520 : vector<16xf32>
        %add3A_540 = arith.addf %add3A_516, %mul3A_539 : vector<16xf32>
        %add3A_541 = arith.constant 288 : i32
        %add3A_542 = arith.addi %add3A_541, %scan3A_103 : i32
        %broadcast_in_dim3A_543 = vector.broadcast %add3A_542 : i32 to vector<16xi32>
        %gather3A_544 = tpu.vector_load_idx %arg7[%broadcast_in_dim3A_543] : memref<640xf32, #tpu.memory_space<vmem>>[vector<16xi32>], vector<16xf32>,
        %get3A_545 = arith.index_cast %add3A_542 : i32 to index
        %get3A_546 = arith.constant 0 : index
        %get3A_547 = tpu.vector_load %arg8[%get3A_545, %get3A_546] {strides = array<i32>} : memref<640x64xf32, #tpu.memory_space<vmem>>, vector<16xf32>,
        %mul3A_548 = arith.mulf %get3A_547, %gather3A_544 : vector<16xf32>
        %add3A_549 = arith.addf %add3A_525, %mul3A_548 : vector<16xf32>
        %get3A_550 = arith.index_cast %add3A_542 : i32 to index
        %get3A_551 = arith.constant 16 : index
        %get3A_552 = tpu.vector_load %arg8[%get3A_550, %get3A_551] {strides = array<i32>} : memref<640x64xf32, #tpu.memory_space<vmem>>, vector<16xf32>,
        %mul3A_553 = arith.mulf %get3A_552, %gather3A_544 : vector<16xf32>
        %add3A_554 = arith.addf %add3A_530, %mul3A_553 : vector<16xf32>
        %get3A_555 = arith.index_cast %add3A_542 : i32 to index
        %get3A_556 = arith.constant 32 : index
        %get3A_557 = tpu.vector_load %arg8[%get3A_555, %get3A_556] {strides = array<i32>} : memref<640x64xf32, #tpu.memory_space<vmem>>, vector<16xf32>,
        %mul3A_558 = arith.mulf %get3A_557, %gather3A_544 : vector<16xf32>
        %add3A_559 = arith.addf %add3A_535, %mul3A_558 : vector<16xf32>
        %get3A_560 = arith.index_cast %add3A_542 : i32 to index
        %get3A_561 = arith.constant 48 : index
        %get3A_562 = tpu.vector_load %arg8[%get3A_560, %get3A_561] {strides = array<i32>} : memref<640x64xf32, #tpu.memory_space<vmem>>, vector<16xf32>,
        %mul3A_563 = arith.mulf %get3A_562, %gather3A_544 : vector<16xf32>
        %add3A_564 = arith.addf %add3A_540, %mul3A_563 : vector<16xf32>
        %add3A_565 = arith.constant 304 : i32
        %add3A_566 = arith.addi %add3A_565, %scan3A_103 : i32
        %broadcast_in_dim3A_567 = vector.broadcast %add3A_566 : i32 to vector<16xi32>
        %gather3A_568 = tpu.vector_load_idx %arg7[%broadcast_in_dim3A_567] : memref<640xf32, #tpu.memory_space<vmem>>[vector<16xi32>], vector<16xf32>,
        %get3A_569 = arith.index_cast %add3A_566 : i32 to index
        %get3A_570 = arith.constant 0 : index
        %get3A_571 = tpu.vector_load %arg8[%get3A_569, %get3A_570] {strides = array<i32>} : memref<640x64xf32, #tpu.memory_space<vmem>>, vector<16xf32>,
        %mul3A_572 = arith.mulf %get3A_571, %gather3A_568 : vector<16xf32>
        %add3A_573 = arith.addf %add3A_549, %mul3A_572 : vector<16xf32>
        %get3A_574 = arith.index_cast %add3A_566 : i32 to index
        %get3A_575 = arith.constant 16 : index
        %get3A_576 = tpu.vector_load %arg8[%get3A_574, %get3A_575] {strides = array<i32>} : memref<640x64xf32, #tpu.memory_space<vmem>>, vector<16xf32>,
        %mul3A_577 = arith.mulf %get3A_576, %gather3A_568 : vector<16xf32>
        %add3A_578 = arith.addf %add3A_554, %mul3A_577 : vector<16xf32>
        %get3A_579 = arith.index_cast %add3A_566 : i32 to index
        %get3A_580 = arith.constant 32 : index
        %get3A_581 = tpu.vector_load %arg8[%get3A_579, %get3A_580] {strides = array<i32>} : memref<640x64xf32, #tpu.memory_space<vmem>>, vector<16xf32>,
        %mul3A_582 = arith.mulf %get3A_581, %gather3A_568 : vector<16xf32>
        %add3A_583 = arith.addf %add3A_559, %mul3A_582 : vector<16xf32>
        %get3A_584 = arith.index_cast %add3A_566 : i32 to index
        %get3A_585 = arith.constant 48 : index
        %get3A_586 = tpu.vector_load %arg8[%get3A_584, %get3A_585] {strides = array<i32>} : memref<640x64xf32, #tpu.memory_space<vmem>>, vector<16xf32>,
        %mul3A_587 = arith.mulf %get3A_586, %gather3A_568 : vector<16xf32>
        %add3A_588 = arith.addf %add3A_564, %mul3A_587 : vector<16xf32>
        %add3A_589 = arith.constant 320 : i32
        %add3A_590 = arith.addi %add3A_589, %scan3A_103 : i32
        %broadcast_in_dim3A_591 = vector.broadcast %add3A_590 : i32 to vector<16xi32>
        %gather3A_592 = tpu.vector_load_idx %arg7[%broadcast_in_dim3A_591] : memref<640xf32, #tpu.memory_space<vmem>>[vector<16xi32>], vector<16xf32>,
        %get3A_593 = arith.index_cast %add3A_590 : i32 to index
        %get3A_594 = arith.constant 0 : index
        %get3A_595 = tpu.vector_load %arg8[%get3A_593, %get3A_594] {strides = array<i32>} : memref<640x64xf32, #tpu.memory_space<vmem>>, vector<16xf32>,
        %mul3A_596 = arith.mulf %get3A_595, %gather3A_592 : vector<16xf32>
        %add3A_597 = arith.addf %add3A_573, %mul3A_596 : vector<16xf32>
        %get3A_598 = arith.index_cast %add3A_590 : i32 to index
        %get3A_599 = arith.constant 16 : index
        %get3A_600 = tpu.vector_load %arg8[%get3A_598, %get3A_599] {strides = array<i32>} : memref<640x64xf32, #tpu.memory_space<vmem>>, vector<16xf32>,
        %mul3A_601 = arith.mulf %get3A_600, %gather3A_592 : vector<16xf32>
        %add3A_602 = arith.addf %add3A_578, %mul3A_601 : vector<16xf32>
        %get3A_603 = arith.index_cast %add3A_590 : i32 to index
        %get3A_604 = arith.constant 32 : index
        %get3A_605 = tpu.vector_load %arg8[%get3A_603, %get3A_604] {strides = array<i32>} : memref<640x64xf32, #tpu.memory_space<vmem>>, vector<16xf32>,
        %mul3A_606 = arith.mulf %get3A_605, %gather3A_592 : vector<16xf32>
        %add3A_607 = arith.addf %add3A_583, %mul3A_606 : vector<16xf32>
        %get3A_608 = arith.index_cast %add3A_590 : i32 to index
        %get3A_609 = arith.constant 48 : index
        %get3A_610 = tpu.vector_load %arg8[%get3A_608, %get3A_609] {strides = array<i32>} : memref<640x64xf32, #tpu.memory_space<vmem>>, vector<16xf32>,
        %mul3A_611 = arith.mulf %get3A_610, %gather3A_592 : vector<16xf32>
        %add3A_612 = arith.addf %add3A_588, %mul3A_611 : vector<16xf32>
        %add3A_613 = arith.constant 336 : i32
        %add3A_614 = arith.addi %add3A_613, %scan3A_103 : i32
        %broadcast_in_dim3A_615 = vector.broadcast %add3A_614 : i32 to vector<16xi32>
        %gather3A_616 = tpu.vector_load_idx %arg7[%broadcast_in_dim3A_615] : memref<640xf32, #tpu.memory_space<vmem>>[vector<16xi32>], vector<16xf32>,
        %get3A_617 = arith.index_cast %add3A_614 : i32 to index
        %get3A_618 = arith.constant 0 : index
        %get3A_619 = tpu.vector_load %arg8[%get3A_617, %get3A_618] {strides = array<i32>} : memref<640x64xf32, #tpu.memory_space<vmem>>, vector<16xf32>,
        %mul3A_620 = arith.mulf %get3A_619, %gather3A_616 : vector<16xf32>
        %add3A_621 = arith.addf %add3A_597, %mul3A_620 : vector<16xf32>
        %get3A_622 = arith.index_cast %add3A_614 : i32 to index
        %get3A_623 = arith.constant 16 : index
        %get3A_624 = tpu.vector_load %arg8[%get3A_622, %get3A_623] {strides = array<i32>} : memref<640x64xf32, #tpu.memory_space<vmem>>, vector<16xf32>,
        %mul3A_625 = arith.mulf %get3A_624, %gather3A_616 : vector<16xf32>
        %add3A_626 = arith.addf %add3A_602, %mul3A_625 : vector<16xf32>
        %get3A_627 = arith.index_cast %add3A_614 : i32 to index
        %get3A_628 = arith.constant 32 : index
        %get3A_629 = tpu.vector_load %arg8[%get3A_627, %get3A_628] {strides = array<i32>} : memref<640x64xf32, #tpu.memory_space<vmem>>, vector<16xf32>,
        %mul3A_630 = arith.mulf %get3A_629, %gather3A_616 : vector<16xf32>
        %add3A_631 = arith.addf %add3A_607, %mul3A_630 : vector<16xf32>
        %get3A_632 = arith.index_cast %add3A_614 : i32 to index
        %get3A_633 = arith.constant 48 : index
        %get3A_634 = tpu.vector_load %arg8[%get3A_632, %get3A_633] {strides = array<i32>} : memref<640x64xf32, #tpu.memory_space<vmem>>, vector<16xf32>,
        %mul3A_635 = arith.mulf %get3A_634, %gather3A_616 : vector<16xf32>
        %add3A_636 = arith.addf %add3A_612, %mul3A_635 : vector<16xf32>
        %add3A_637 = arith.constant 352 : i32
        %add3A_638 = arith.addi %add3A_637, %scan3A_103 : i32
        %broadcast_in_dim3A_639 = vector.broadcast %add3A_638 : i32 to vector<16xi32>
        %gather3A_640 = tpu.vector_load_idx %arg7[%broadcast_in_dim3A_639] : memref<640xf32, #tpu.memory_space<vmem>>[vector<16xi32>], vector<16xf32>,
        %get3A_641 = arith.index_cast %add3A_638 : i32 to index
        %get3A_642 = arith.constant 0 : index
        %get3A_643 = tpu.vector_load %arg8[%get3A_641, %get3A_642] {strides = array<i32>} : memref<640x64xf32, #tpu.memory_space<vmem>>, vector<16xf32>,
        %mul3A_644 = arith.mulf %get3A_643, %gather3A_640 : vector<16xf32>
        %add3A_645 = arith.addf %add3A_621, %mul3A_644 : vector<16xf32>
        %get3A_646 = arith.index_cast %add3A_638 : i32 to index
        %get3A_647 = arith.constant 16 : index
        %get3A_648 = tpu.vector_load %arg8[%get3A_646, %get3A_647] {strides = array<i32>} : memref<640x64xf32, #tpu.memory_space<vmem>>, vector<16xf32>,
        %mul3A_649 = arith.mulf %get3A_648, %gather3A_640 : vector<16xf32>
        %add3A_650 = arith.addf %add3A_626, %mul3A_649 : vector<16xf32>
        %get3A_651 = arith.index_cast %add3A_638 : i32 to index
        %get3A_652 = arith.constant 32 : index
        %get3A_653 = tpu.vector_load %arg8[%get3A_651, %get3A_652] {strides = array<i32>} : memref<640x64xf32, #tpu.memory_space<vmem>>, vector<16xf32>,
        %mul3A_654 = arith.mulf %get3A_653, %gather3A_640 : vector<16xf32>
        %add3A_655 = arith.addf %add3A_631, %mul3A_654 : vector<16xf32>
        %get3A_656 = arith.index_cast %add3A_638 : i32 to index
        %get3A_657 = arith.constant 48 : index
        %get3A_658 = tpu.vector_load %arg8[%get3A_656, %get3A_657] {strides = array<i32>} : memref<640x64xf32, #tpu.memory_space<vmem>>, vector<16xf32>,
        %mul3A_659 = arith.mulf %get3A_658, %gather3A_640 : vector<16xf32>
        %add3A_660 = arith.addf %add3A_636, %mul3A_659 : vector<16xf32>
        %add3A_661 = arith.constant 368 : i32
        %add3A_662 = arith.addi %add3A_661, %scan3A_103 : i32
        %broadcast_in_dim3A_663 = vector.broadcast %add3A_662 : i32 to vector<16xi32>
        %gather3A_664 = tpu.vector_load_idx %arg7[%broadcast_in_dim3A_663] : memref<640xf32, #tpu.memory_space<vmem>>[vector<16xi32>], vector<16xf32>,
        %get3A_665 = arith.index_cast %add3A_662 : i32 to index
        %get3A_666 = arith.constant 0 : index
        %get3A_667 = tpu.vector_load %arg8[%get3A_665, %get3A_666] {strides = array<i32>} : memref<640x64xf32, #tpu.memory_space<vmem>>, vector<16xf32>,
        %mul3A_668 = arith.mulf %get3A_667, %gather3A_664 : vector<16xf32>
        %add3A_669 = arith.addf %add3A_645, %mul3A_668 : vector<16xf32>
        %get3A_670 = arith.index_cast %add3A_662 : i32 to index
        %get3A_671 = arith.constant 16 : index
        %get3A_672 = tpu.vector_load %arg8[%get3A_670, %get3A_671] {strides = array<i32>} : memref<640x64xf32, #tpu.memory_space<vmem>>, vector<16xf32>,
        %mul3A_673 = arith.mulf %get3A_672, %gather3A_664 : vector<16xf32>
        %add3A_674 = arith.addf %add3A_650, %mul3A_673 : vector<16xf32>
        %get3A_675 = arith.index_cast %add3A_662 : i32 to index
        %get3A_676 = arith.constant 32 : index
        %get3A_677 = tpu.vector_load %arg8[%get3A_675, %get3A_676] {strides = array<i32>} : memref<640x64xf32, #tpu.memory_space<vmem>>, vector<16xf32>,
        %mul3A_678 = arith.mulf %get3A_677, %gather3A_664 : vector<16xf32>
        %add3A_679 = arith.addf %add3A_655, %mul3A_678 : vector<16xf32>
        %get3A_680 = arith.index_cast %add3A_662 : i32 to index
        %get3A_681 = arith.constant 48 : index
        %get3A_682 = tpu.vector_load %arg8[%get3A_680, %get3A_681] {strides = array<i32>} : memref<640x64xf32, #tpu.memory_space<vmem>>, vector<16xf32>,
        %mul3A_683 = arith.mulf %get3A_682, %gather3A_664 : vector<16xf32>
        %add3A_684 = arith.addf %add3A_660, %mul3A_683 : vector<16xf32>
        %add3A_685 = arith.constant 384 : i32
        %add3A_686 = arith.addi %add3A_685, %scan3A_103 : i32
        %broadcast_in_dim3A_687 = vector.broadcast %add3A_686 : i32 to vector<16xi32>
        %gather3A_688 = tpu.vector_load_idx %arg7[%broadcast_in_dim3A_687] : memref<640xf32, #tpu.memory_space<vmem>>[vector<16xi32>], vector<16xf32>,
        %get3A_689 = arith.index_cast %add3A_686 : i32 to index
        %get3A_690 = arith.constant 0 : index
        %get3A_691 = tpu.vector_load %arg8[%get3A_689, %get3A_690] {strides = array<i32>} : memref<640x64xf32, #tpu.memory_space<vmem>>, vector<16xf32>,
        %mul3A_692 = arith.mulf %get3A_691, %gather3A_688 : vector<16xf32>
        %add3A_693 = arith.addf %add3A_669, %mul3A_692 : vector<16xf32>
        %get3A_694 = arith.index_cast %add3A_686 : i32 to index
        %get3A_695 = arith.constant 16 : index
        %get3A_696 = tpu.vector_load %arg8[%get3A_694, %get3A_695] {strides = array<i32>} : memref<640x64xf32, #tpu.memory_space<vmem>>, vector<16xf32>,
        %mul3A_697 = arith.mulf %get3A_696, %gather3A_688 : vector<16xf32>
        %add3A_698 = arith.addf %add3A_674, %mul3A_697 : vector<16xf32>
        %get3A_699 = arith.index_cast %add3A_686 : i32 to index
        %get3A_700 = arith.constant 32 : index
        %get3A_701 = tpu.vector_load %arg8[%get3A_699, %get3A_700] {strides = array<i32>} : memref<640x64xf32, #tpu.memory_space<vmem>>, vector<16xf32>,
        %mul3A_702 = arith.mulf %get3A_701, %gather3A_688 : vector<16xf32>
        %add3A_703 = arith.addf %add3A_679, %mul3A_702 : vector<16xf32>
        %get3A_704 = arith.index_cast %add3A_686 : i32 to index
        %get3A_705 = arith.constant 48 : index
        %get3A_706 = tpu.vector_load %arg8[%get3A_704, %get3A_705] {strides = array<i32>} : memref<640x64xf32, #tpu.memory_space<vmem>>, vector<16xf32>,
        %mul3A_707 = arith.mulf %get3A_706, %gather3A_688 : vector<16xf32>
        %add3A_708 = arith.addf %add3A_684, %mul3A_707 : vector<16xf32>
        %add3A_709 = arith.constant 400 : i32
        %add3A_710 = arith.addi %add3A_709, %scan3A_103 : i32
        %broadcast_in_dim3A_711 = vector.broadcast %add3A_710 : i32 to vector<16xi32>
        %gather3A_712 = tpu.vector_load_idx %arg7[%broadcast_in_dim3A_711] : memref<640xf32, #tpu.memory_space<vmem>>[vector<16xi32>], vector<16xf32>,
        %get3A_713 = arith.index_cast %add3A_710 : i32 to index
        %get3A_714 = arith.constant 0 : index
        %get3A_715 = tpu.vector_load %arg8[%get3A_713, %get3A_714] {strides = array<i32>} : memref<640x64xf32, #tpu.memory_space<vmem>>, vector<16xf32>,
        %mul3A_716 = arith.mulf %get3A_715, %gather3A_712 : vector<16xf32>
        %add3A_717 = arith.addf %add3A_693, %mul3A_716 : vector<16xf32>
        %get3A_718 = arith.index_cast %add3A_710 : i32 to index
        %get3A_719 = arith.constant 16 : index
        %get3A_720 = tpu.vector_load %arg8[%get3A_718, %get3A_719] {strides = array<i32>} : memref<640x64xf32, #tpu.memory_space<vmem>>, vector<16xf32>,
        %mul3A_721 = arith.mulf %get3A_720, %gather3A_712 : vector<16xf32>
        %add3A_722 = arith.addf %add3A_698, %mul3A_721 : vector<16xf32>
        %get3A_723 = arith.index_cast %add3A_710 : i32 to index
        %get3A_724 = arith.constant 32 : index
        %get3A_725 = tpu.vector_load %arg8[%get3A_723, %get3A_724] {strides = array<i32>} : memref<640x64xf32, #tpu.memory_space<vmem>>, vector<16xf32>,
        %mul3A_726 = arith.mulf %get3A_725, %gather3A_712 : vector<16xf32>
        %add3A_727 = arith.addf %add3A_703, %mul3A_726 : vector<16xf32>
        %get3A_728 = arith.index_cast %add3A_710 : i32 to index
        %get3A_729 = arith.constant 48 : index
        %get3A_730 = tpu.vector_load %arg8[%get3A_728, %get3A_729] {strides = array<i32>} : memref<640x64xf32, #tpu.memory_space<vmem>>, vector<16xf32>,
        %mul3A_731 = arith.mulf %get3A_730, %gather3A_712 : vector<16xf32>
        %add3A_732 = arith.addf %add3A_708, %mul3A_731 : vector<16xf32>
        %add3A_733 = arith.constant 416 : i32
        %add3A_734 = arith.addi %add3A_733, %scan3A_103 : i32
        %broadcast_in_dim3A_735 = vector.broadcast %add3A_734 : i32 to vector<16xi32>
        %gather3A_736 = tpu.vector_load_idx %arg7[%broadcast_in_dim3A_735] : memref<640xf32, #tpu.memory_space<vmem>>[vector<16xi32>], vector<16xf32>,
        %get3A_737 = arith.index_cast %add3A_734 : i32 to index
        %get3A_738 = arith.constant 0 : index
        %get3A_739 = tpu.vector_load %arg8[%get3A_737, %get3A_738] {strides = array<i32>} : memref<640x64xf32, #tpu.memory_space<vmem>>, vector<16xf32>,
        %mul3A_740 = arith.mulf %get3A_739, %gather3A_736 : vector<16xf32>
        %add3A_741 = arith.addf %add3A_717, %mul3A_740 : vector<16xf32>
        %get3A_742 = arith.index_cast %add3A_734 : i32 to index
        %get3A_743 = arith.constant 16 : index
        %get3A_744 = tpu.vector_load %arg8[%get3A_742, %get3A_743] {strides = array<i32>} : memref<640x64xf32, #tpu.memory_space<vmem>>, vector<16xf32>,
        %mul3A_745 = arith.mulf %get3A_744, %gather3A_736 : vector<16xf32>
        %add3A_746 = arith.addf %add3A_722, %mul3A_745 : vector<16xf32>
        %get3A_747 = arith.index_cast %add3A_734 : i32 to index
        %get3A_748 = arith.constant 32 : index
        %get3A_749 = tpu.vector_load %arg8[%get3A_747, %get3A_748] {strides = array<i32>} : memref<640x64xf32, #tpu.memory_space<vmem>>, vector<16xf32>,
        %mul3A_750 = arith.mulf %get3A_749, %gather3A_736 : vector<16xf32>
        %add3A_751 = arith.addf %add3A_727, %mul3A_750 : vector<16xf32>
        %get3A_752 = arith.index_cast %add3A_734 : i32 to index
        %get3A_753 = arith.constant 48 : index
        %get3A_754 = tpu.vector_load %arg8[%get3A_752, %get3A_753] {strides = array<i32>} : memref<640x64xf32, #tpu.memory_space<vmem>>, vector<16xf32>,
        %mul3A_755 = arith.mulf %get3A_754, %gather3A_736 : vector<16xf32>
        %add3A_756 = arith.addf %add3A_732, %mul3A_755 : vector<16xf32>
        %add3A_757 = arith.constant 432 : i32
        %add3A_758 = arith.addi %add3A_757, %scan3A_103 : i32
        %broadcast_in_dim3A_759 = vector.broadcast %add3A_758 : i32 to vector<16xi32>
        %gather3A_760 = tpu.vector_load_idx %arg7[%broadcast_in_dim3A_759] : memref<640xf32, #tpu.memory_space<vmem>>[vector<16xi32>], vector<16xf32>,
        %get3A_761 = arith.index_cast %add3A_758 : i32 to index
        %get3A_762 = arith.constant 0 : index
        %get3A_763 = tpu.vector_load %arg8[%get3A_761, %get3A_762] {strides = array<i32>} : memref<640x64xf32, #tpu.memory_space<vmem>>, vector<16xf32>,
        %mul3A_764 = arith.mulf %get3A_763, %gather3A_760 : vector<16xf32>
        %add3A_765 = arith.addf %add3A_741, %mul3A_764 : vector<16xf32>
        %get3A_766 = arith.index_cast %add3A_758 : i32 to index
        %get3A_767 = arith.constant 16 : index
        %get3A_768 = tpu.vector_load %arg8[%get3A_766, %get3A_767] {strides = array<i32>} : memref<640x64xf32, #tpu.memory_space<vmem>>, vector<16xf32>,
        %mul3A_769 = arith.mulf %get3A_768, %gather3A_760 : vector<16xf32>
        %add3A_770 = arith.addf %add3A_746, %mul3A_769 : vector<16xf32>
        %get3A_771 = arith.index_cast %add3A_758 : i32 to index
        %get3A_772 = arith.constant 32 : index
        %get3A_773 = tpu.vector_load %arg8[%get3A_771, %get3A_772] {strides = array<i32>} : memref<640x64xf32, #tpu.memory_space<vmem>>, vector<16xf32>,
        %mul3A_774 = arith.mulf %get3A_773, %gather3A_760 : vector<16xf32>
        %add3A_775 = arith.addf %add3A_751, %mul3A_774 : vector<16xf32>
        %get3A_776 = arith.index_cast %add3A_758 : i32 to index
        %get3A_777 = arith.constant 48 : index
        %get3A_778 = tpu.vector_load %arg8[%get3A_776, %get3A_777] {strides = array<i32>} : memref<640x64xf32, #tpu.memory_space<vmem>>, vector<16xf32>,
        %mul3A_779 = arith.mulf %get3A_778, %gather3A_760 : vector<16xf32>
        %add3A_780 = arith.addf %add3A_756, %mul3A_779 : vector<16xf32>
        %add3A_781 = arith.constant 448 : i32
        %add3A_782 = arith.addi %add3A_781, %scan3A_103 : i32
        %broadcast_in_dim3A_783 = vector.broadcast %add3A_782 : i32 to vector<16xi32>
        %gather3A_784 = tpu.vector_load_idx %arg7[%broadcast_in_dim3A_783] : memref<640xf32, #tpu.memory_space<vmem>>[vector<16xi32>], vector<16xf32>,
        %get3A_785 = arith.index_cast %add3A_782 : i32 to index
        %get3A_786 = arith.constant 0 : index
        %get3A_787 = tpu.vector_load %arg8[%get3A_785, %get3A_786] {strides = array<i32>} : memref<640x64xf32, #tpu.memory_space<vmem>>, vector<16xf32>,
        %mul3A_788 = arith.mulf %get3A_787, %gather3A_784 : vector<16xf32>
        %add3A_789 = arith.addf %add3A_765, %mul3A_788 : vector<16xf32>
        %get3A_790 = arith.index_cast %add3A_782 : i32 to index
        %get3A_791 = arith.constant 16 : index
        %get3A_792 = tpu.vector_load %arg8[%get3A_790, %get3A_791] {strides = array<i32>} : memref<640x64xf32, #tpu.memory_space<vmem>>, vector<16xf32>,
        %mul3A_793 = arith.mulf %get3A_792, %gather3A_784 : vector<16xf32>
        %add3A_794 = arith.addf %add3A_770, %mul3A_793 : vector<16xf32>
        %get3A_795 = arith.index_cast %add3A_782 : i32 to index
        %get3A_796 = arith.constant 32 : index
        %get3A_797 = tpu.vector_load %arg8[%get3A_795, %get3A_796] {strides = array<i32>} : memref<640x64xf32, #tpu.memory_space<vmem>>, vector<16xf32>,
        %mul3A_798 = arith.mulf %get3A_797, %gather3A_784 : vector<16xf32>
        %add3A_799 = arith.addf %add3A_775, %mul3A_798 : vector<16xf32>
        %get3A_800 = arith.index_cast %add3A_782 : i32 to index
        %get3A_801 = arith.constant 48 : index
        %get3A_802 = tpu.vector_load %arg8[%get3A_800, %get3A_801] {strides = array<i32>} : memref<640x64xf32, #tpu.memory_space<vmem>>, vector<16xf32>,
        %mul3A_803 = arith.mulf %get3A_802, %gather3A_784 : vector<16xf32>
        %add3A_804 = arith.addf %add3A_780, %mul3A_803 : vector<16xf32>
        %add3A_805 = arith.constant 464 : i32
        %add3A_806 = arith.addi %add3A_805, %scan3A_103 : i32
        %broadcast_in_dim3A_807 = vector.broadcast %add3A_806 : i32 to vector<16xi32>
        %gather3A_808 = tpu.vector_load_idx %arg7[%broadcast_in_dim3A_807] : memref<640xf32, #tpu.memory_space<vmem>>[vector<16xi32>], vector<16xf32>,
        %get3A_809 = arith.index_cast %add3A_806 : i32 to index
        %get3A_810 = arith.constant 0 : index
        %get3A_811 = tpu.vector_load %arg8[%get3A_809, %get3A_810] {strides = array<i32>} : memref<640x64xf32, #tpu.memory_space<vmem>>, vector<16xf32>,
        %mul3A_812 = arith.mulf %get3A_811, %gather3A_808 : vector<16xf32>
        %add3A_813 = arith.addf %add3A_789, %mul3A_812 : vector<16xf32>
        %get3A_814 = arith.index_cast %add3A_806 : i32 to index
        %get3A_815 = arith.constant 16 : index
        %get3A_816 = tpu.vector_load %arg8[%get3A_814, %get3A_815] {strides = array<i32>} : memref<640x64xf32, #tpu.memory_space<vmem>>, vector<16xf32>,
        %mul3A_817 = arith.mulf %get3A_816, %gather3A_808 : vector<16xf32>
        %add3A_818 = arith.addf %add3A_794, %mul3A_817 : vector<16xf32>
        %get3A_819 = arith.index_cast %add3A_806 : i32 to index
        %get3A_820 = arith.constant 32 : index
        %get3A_821 = tpu.vector_load %arg8[%get3A_819, %get3A_820] {strides = array<i32>} : memref<640x64xf32, #tpu.memory_space<vmem>>, vector<16xf32>,
        %mul3A_822 = arith.mulf %get3A_821, %gather3A_808 : vector<16xf32>
        %add3A_823 = arith.addf %add3A_799, %mul3A_822 : vector<16xf32>
        %get3A_824 = arith.index_cast %add3A_806 : i32 to index
        %get3A_825 = arith.constant 48 : index
        %get3A_826 = tpu.vector_load %arg8[%get3A_824, %get3A_825] {strides = array<i32>} : memref<640x64xf32, #tpu.memory_space<vmem>>, vector<16xf32>,
        %mul3A_827 = arith.mulf %get3A_826, %gather3A_808 : vector<16xf32>
        %add3A_828 = arith.addf %add3A_804, %mul3A_827 : vector<16xf32>
        %add3A_829 = arith.constant 480 : i32
        %add3A_830 = arith.addi %add3A_829, %scan3A_103 : i32
        %broadcast_in_dim3A_831 = vector.broadcast %add3A_830 : i32 to vector<16xi32>
        %gather3A_832 = tpu.vector_load_idx %arg7[%broadcast_in_dim3A_831] : memref<640xf32, #tpu.memory_space<vmem>>[vector<16xi32>], vector<16xf32>,
        %get3A_833 = arith.index_cast %add3A_830 : i32 to index
        %get3A_834 = arith.constant 0 : index
        %get3A_835 = tpu.vector_load %arg8[%get3A_833, %get3A_834] {strides = array<i32>} : memref<640x64xf32, #tpu.memory_space<vmem>>, vector<16xf32>,
        %mul3A_836 = arith.mulf %get3A_835, %gather3A_832 : vector<16xf32>
        %add3A_837 = arith.addf %add3A_813, %mul3A_836 : vector<16xf32>
        %get3A_838 = arith.index_cast %add3A_830 : i32 to index
        %get3A_839 = arith.constant 16 : index
        %get3A_840 = tpu.vector_load %arg8[%get3A_838, %get3A_839] {strides = array<i32>} : memref<640x64xf32, #tpu.memory_space<vmem>>, vector<16xf32>,
        %mul3A_841 = arith.mulf %get3A_840, %gather3A_832 : vector<16xf32>
        %add3A_842 = arith.addf %add3A_818, %mul3A_841 : vector<16xf32>
        %get3A_843 = arith.index_cast %add3A_830 : i32 to index
        %get3A_844 = arith.constant 32 : index
        %get3A_845 = tpu.vector_load %arg8[%get3A_843, %get3A_844] {strides = array<i32>} : memref<640x64xf32, #tpu.memory_space<vmem>>, vector<16xf32>,
        %mul3A_846 = arith.mulf %get3A_845, %gather3A_832 : vector<16xf32>
        %add3A_847 = arith.addf %add3A_823, %mul3A_846 : vector<16xf32>
        %get3A_848 = arith.index_cast %add3A_830 : i32 to index
        %get3A_849 = arith.constant 48 : index
        %get3A_850 = tpu.vector_load %arg8[%get3A_848, %get3A_849] {strides = array<i32>} : memref<640x64xf32, #tpu.memory_space<vmem>>, vector<16xf32>,
        %mul3A_851 = arith.mulf %get3A_850, %gather3A_832 : vector<16xf32>
        %add3A_852 = arith.addf %add3A_828, %mul3A_851 : vector<16xf32>
        %add3A_853 = arith.constant 496 : i32
        %add3A_854 = arith.addi %add3A_853, %scan3A_103 : i32
        %broadcast_in_dim3A_855 = vector.broadcast %add3A_854 : i32 to vector<16xi32>
        %gather3A_856 = tpu.vector_load_idx %arg7[%broadcast_in_dim3A_855] : memref<640xf32, #tpu.memory_space<vmem>>[vector<16xi32>], vector<16xf32>,
        %get3A_857 = arith.index_cast %add3A_854 : i32 to index
        %get3A_858 = arith.constant 0 : index
        %get3A_859 = tpu.vector_load %arg8[%get3A_857, %get3A_858] {strides = array<i32>} : memref<640x64xf32, #tpu.memory_space<vmem>>, vector<16xf32>,
        %mul3A_860 = arith.mulf %get3A_859, %gather3A_856 : vector<16xf32>
        %add3A_861 = arith.addf %add3A_837, %mul3A_860 : vector<16xf32>
        %get3A_862 = arith.index_cast %add3A_854 : i32 to index
        %get3A_863 = arith.constant 16 : index
        %get3A_864 = tpu.vector_load %arg8[%get3A_862, %get3A_863] {strides = array<i32>} : memref<640x64xf32, #tpu.memory_space<vmem>>, vector<16xf32>,
        %mul3A_865 = arith.mulf %get3A_864, %gather3A_856 : vector<16xf32>
        %add3A_866 = arith.addf %add3A_842, %mul3A_865 : vector<16xf32>
        %get3A_867 = arith.index_cast %add3A_854 : i32 to index
        %get3A_868 = arith.constant 32 : index
        %get3A_869 = tpu.vector_load %arg8[%get3A_867, %get3A_868] {strides = array<i32>} : memref<640x64xf32, #tpu.memory_space<vmem>>, vector<16xf32>,
        %mul3A_870 = arith.mulf %get3A_869, %gather3A_856 : vector<16xf32>
        %add3A_871 = arith.addf %add3A_847, %mul3A_870 : vector<16xf32>
        %get3A_872 = arith.index_cast %add3A_854 : i32 to index
        %get3A_873 = arith.constant 48 : index
        %get3A_874 = tpu.vector_load %arg8[%get3A_872, %get3A_873] {strides = array<i32>} : memref<640x64xf32, #tpu.memory_space<vmem>>, vector<16xf32>,
        %mul3A_875 = arith.mulf %get3A_874, %gather3A_856 : vector<16xf32>
        %add3A_876 = arith.addf %add3A_852, %mul3A_875 : vector<16xf32>
        %add3A_877 = arith.constant 512 : i32
        %add3A_878 = arith.addi %add3A_877, %scan3A_103 : i32
        %broadcast_in_dim3A_879 = vector.broadcast %add3A_878 : i32 to vector<16xi32>
        %gather3A_880 = tpu.vector_load_idx %arg7[%broadcast_in_dim3A_879] : memref<640xf32, #tpu.memory_space<vmem>>[vector<16xi32>], vector<16xf32>,
        %get3A_881 = arith.index_cast %add3A_878 : i32 to index
        %get3A_882 = arith.constant 0 : index
        %get3A_883 = tpu.vector_load %arg8[%get3A_881, %get3A_882] {strides = array<i32>} : memref<640x64xf32, #tpu.memory_space<vmem>>, vector<16xf32>,
        %mul3A_884 = arith.mulf %get3A_883, %gather3A_880 : vector<16xf32>
        %add3A_885 = arith.addf %add3A_861, %mul3A_884 : vector<16xf32>
        %get3A_886 = arith.index_cast %add3A_878 : i32 to index
        %get3A_887 = arith.constant 16 : index
        %get3A_888 = tpu.vector_load %arg8[%get3A_886, %get3A_887] {strides = array<i32>} : memref<640x64xf32, #tpu.memory_space<vmem>>, vector<16xf32>,
        %mul3A_889 = arith.mulf %get3A_888, %gather3A_880 : vector<16xf32>
        %add3A_890 = arith.addf %add3A_866, %mul3A_889 : vector<16xf32>
        %get3A_891 = arith.index_cast %add3A_878 : i32 to index
        %get3A_892 = arith.constant 32 : index
        %get3A_893 = tpu.vector_load %arg8[%get3A_891, %get3A_892] {strides = array<i32>} : memref<640x64xf32, #tpu.memory_space<vmem>>, vector<16xf32>,
        %mul3A_894 = arith.mulf %get3A_893, %gather3A_880 : vector<16xf32>
        %add3A_895 = arith.addf %add3A_871, %mul3A_894 : vector<16xf32>
        %get3A_896 = arith.index_cast %add3A_878 : i32 to index
        %get3A_897 = arith.constant 48 : index
        %get3A_898 = tpu.vector_load %arg8[%get3A_896, %get3A_897] {strides = array<i32>} : memref<640x64xf32, #tpu.memory_space<vmem>>, vector<16xf32>,
        %mul3A_899 = arith.mulf %get3A_898, %gather3A_880 : vector<16xf32>
        %add3A_900 = arith.addf %add3A_876, %mul3A_899 : vector<16xf32>
        %add3A_901 = arith.constant 528 : i32
        %add3A_902 = arith.addi %add3A_901, %scan3A_103 : i32
        %broadcast_in_dim3A_903 = vector.broadcast %add3A_902 : i32 to vector<16xi32>
        %gather3A_904 = tpu.vector_load_idx %arg7[%broadcast_in_dim3A_903] : memref<640xf32, #tpu.memory_space<vmem>>[vector<16xi32>], vector<16xf32>,
        %get3A_905 = arith.index_cast %add3A_902 : i32 to index
        %get3A_906 = arith.constant 0 : index
        %get3A_907 = tpu.vector_load %arg8[%get3A_905, %get3A_906] {strides = array<i32>} : memref<640x64xf32, #tpu.memory_space<vmem>>, vector<16xf32>,
        %mul3A_908 = arith.mulf %get3A_907, %gather3A_904 : vector<16xf32>
        %add3A_909 = arith.addf %add3A_885, %mul3A_908 : vector<16xf32>
        %get3A_910 = arith.index_cast %add3A_902 : i32 to index
        %get3A_911 = arith.constant 16 : index
        %get3A_912 = tpu.vector_load %arg8[%get3A_910, %get3A_911] {strides = array<i32>} : memref<640x64xf32, #tpu.memory_space<vmem>>, vector<16xf32>,
        %mul3A_913 = arith.mulf %get3A_912, %gather3A_904 : vector<16xf32>
        %add3A_914 = arith.addf %add3A_890, %mul3A_913 : vector<16xf32>
        %get3A_915 = arith.index_cast %add3A_902 : i32 to index
        %get3A_916 = arith.constant 32 : index
        %get3A_917 = tpu.vector_load %arg8[%get3A_915, %get3A_916] {strides = array<i32>} : memref<640x64xf32, #tpu.memory_space<vmem>>, vector<16xf32>,
        %mul3A_918 = arith.mulf %get3A_917, %gather3A_904 : vector<16xf32>
        %add3A_919 = arith.addf %add3A_895, %mul3A_918 : vector<16xf32>
        %get3A_920 = arith.index_cast %add3A_902 : i32 to index
        %get3A_921 = arith.constant 48 : index
        %get3A_922 = tpu.vector_load %arg8[%get3A_920, %get3A_921] {strides = array<i32>} : memref<640x64xf32, #tpu.memory_space<vmem>>, vector<16xf32>,
        %mul3A_923 = arith.mulf %get3A_922, %gather3A_904 : vector<16xf32>
        %add3A_924 = arith.addf %add3A_900, %mul3A_923 : vector<16xf32>
        %add3A_925 = arith.constant 544 : i32
        %add3A_926 = arith.addi %add3A_925, %scan3A_103 : i32
        %broadcast_in_dim3A_927 = vector.broadcast %add3A_926 : i32 to vector<16xi32>
        %gather3A_928 = tpu.vector_load_idx %arg7[%broadcast_in_dim3A_927] : memref<640xf32, #tpu.memory_space<vmem>>[vector<16xi32>], vector<16xf32>,
        %get3A_929 = arith.index_cast %add3A_926 : i32 to index
        %get3A_930 = arith.constant 0 : index
        %get3A_931 = tpu.vector_load %arg8[%get3A_929, %get3A_930] {strides = array<i32>} : memref<640x64xf32, #tpu.memory_space<vmem>>, vector<16xf32>,
        %mul3A_932 = arith.mulf %get3A_931, %gather3A_928 : vector<16xf32>
        %add3A_933 = arith.addf %add3A_909, %mul3A_932 : vector<16xf32>
        %get3A_934 = arith.index_cast %add3A_926 : i32 to index
        %get3A_935 = arith.constant 16 : index
        %get3A_936 = tpu.vector_load %arg8[%get3A_934, %get3A_935] {strides = array<i32>} : memref<640x64xf32, #tpu.memory_space<vmem>>, vector<16xf32>,
        %mul3A_937 = arith.mulf %get3A_936, %gather3A_928 : vector<16xf32>
        %add3A_938 = arith.addf %add3A_914, %mul3A_937 : vector<16xf32>
        %get3A_939 = arith.index_cast %add3A_926 : i32 to index
        %get3A_940 = arith.constant 32 : index
        %get3A_941 = tpu.vector_load %arg8[%get3A_939, %get3A_940] {strides = array<i32>} : memref<640x64xf32, #tpu.memory_space<vmem>>, vector<16xf32>,
        %mul3A_942 = arith.mulf %get3A_941, %gather3A_928 : vector<16xf32>
        %add3A_943 = arith.addf %add3A_919, %mul3A_942 : vector<16xf32>
        %get3A_944 = arith.index_cast %add3A_926 : i32 to index
        %get3A_945 = arith.constant 48 : index
        %get3A_946 = tpu.vector_load %arg8[%get3A_944, %get3A_945] {strides = array<i32>} : memref<640x64xf32, #tpu.memory_space<vmem>>, vector<16xf32>,
        %mul3A_947 = arith.mulf %get3A_946, %gather3A_928 : vector<16xf32>
        %add3A_948 = arith.addf %add3A_924, %mul3A_947 : vector<16xf32>
        %add3A_949 = arith.constant 560 : i32
        %add3A_950 = arith.addi %add3A_949, %scan3A_103 : i32
        %broadcast_in_dim3A_951 = vector.broadcast %add3A_950 : i32 to vector<16xi32>
        %gather3A_952 = tpu.vector_load_idx %arg7[%broadcast_in_dim3A_951] : memref<640xf32, #tpu.memory_space<vmem>>[vector<16xi32>], vector<16xf32>,
        %get3A_953 = arith.index_cast %add3A_950 : i32 to index
        %get3A_954 = arith.constant 0 : index
        %get3A_955 = tpu.vector_load %arg8[%get3A_953, %get3A_954] {strides = array<i32>} : memref<640x64xf32, #tpu.memory_space<vmem>>, vector<16xf32>,
        %mul3A_956 = arith.mulf %get3A_955, %gather3A_952 : vector<16xf32>
        %add3A_957 = arith.addf %add3A_933, %mul3A_956 : vector<16xf32>
        %get3A_958 = arith.index_cast %add3A_950 : i32 to index
        %get3A_959 = arith.constant 16 : index
        %get3A_960 = tpu.vector_load %arg8[%get3A_958, %get3A_959] {strides = array<i32>} : memref<640x64xf32, #tpu.memory_space<vmem>>, vector<16xf32>,
        %mul3A_961 = arith.mulf %get3A_960, %gather3A_952 : vector<16xf32>
        %add3A_962 = arith.addf %add3A_938, %mul3A_961 : vector<16xf32>
        %get3A_963 = arith.index_cast %add3A_950 : i32 to index
        %get3A_964 = arith.constant 32 : index
        %get3A_965 = tpu.vector_load %arg8[%get3A_963, %get3A_964] {strides = array<i32>} : memref<640x64xf32, #tpu.memory_space<vmem>>, vector<16xf32>,
        %mul3A_966 = arith.mulf %get3A_965, %gather3A_952 : vector<16xf32>
        %add3A_967 = arith.addf %add3A_943, %mul3A_966 : vector<16xf32>
        %get3A_968 = arith.index_cast %add3A_950 : i32 to index
        %get3A_969 = arith.constant 48 : index
        %get3A_970 = tpu.vector_load %arg8[%get3A_968, %get3A_969] {strides = array<i32>} : memref<640x64xf32, #tpu.memory_space<vmem>>, vector<16xf32>,
        %mul3A_971 = arith.mulf %get3A_970, %gather3A_952 : vector<16xf32>
        %add3A_972 = arith.addf %add3A_948, %mul3A_971 : vector<16xf32>
        %add3A_973 = arith.constant 576 : i32
        %add3A_974 = arith.addi %add3A_973, %scan3A_103 : i32
        %broadcast_in_dim3A_975 = vector.broadcast %add3A_974 : i32 to vector<16xi32>
        %gather3A_976 = tpu.vector_load_idx %arg7[%broadcast_in_dim3A_975] : memref<640xf32, #tpu.memory_space<vmem>>[vector<16xi32>], vector<16xf32>,
        %get3A_977 = arith.index_cast %add3A_974 : i32 to index
        %get3A_978 = arith.constant 0 : index
        %get3A_979 = tpu.vector_load %arg8[%get3A_977, %get3A_978] {strides = array<i32>} : memref<640x64xf32, #tpu.memory_space<vmem>>, vector<16xf32>,
        %mul3A_980 = arith.mulf %get3A_979, %gather3A_976 : vector<16xf32>
        %add3A_981 = arith.addf %add3A_957, %mul3A_980 : vector<16xf32>
        %get3A_982 = arith.index_cast %add3A_974 : i32 to index
        %get3A_983 = arith.constant 16 : index
        %get3A_984 = tpu.vector_load %arg8[%get3A_982, %get3A_983] {strides = array<i32>} : memref<640x64xf32, #tpu.memory_space<vmem>>, vector<16xf32>,
        %mul3A_985 = arith.mulf %get3A_984, %gather3A_976 : vector<16xf32>
        %add3A_986 = arith.addf %add3A_962, %mul3A_985 : vector<16xf32>
        %get3A_987 = arith.index_cast %add3A_974 : i32 to index
        %get3A_988 = arith.constant 32 : index
        %get3A_989 = tpu.vector_load %arg8[%get3A_987, %get3A_988] {strides = array<i32>} : memref<640x64xf32, #tpu.memory_space<vmem>>, vector<16xf32>,
        %mul3A_990 = arith.mulf %get3A_989, %gather3A_976 : vector<16xf32>
        %add3A_991 = arith.addf %add3A_967, %mul3A_990 : vector<16xf32>
        %get3A_992 = arith.index_cast %add3A_974 : i32 to index
        %get3A_993 = arith.constant 48 : index
        %get3A_994 = tpu.vector_load %arg8[%get3A_992, %get3A_993] {strides = array<i32>} : memref<640x64xf32, #tpu.memory_space<vmem>>, vector<16xf32>,
        %mul3A_995 = arith.mulf %get3A_994, %gather3A_976 : vector<16xf32>
        %add3A_996 = arith.addf %add3A_972, %mul3A_995 : vector<16xf32>
        %add3A_997 = arith.constant 592 : i32
        %add3A_998 = arith.addi %add3A_997, %scan3A_103 : i32
        %broadcast_in_dim3A_999 = vector.broadcast %add3A_998 : i32 to vector<16xi32>
        %gather3A_1000 = tpu.vector_load_idx %arg7[%broadcast_in_dim3A_999] : memref<640xf32, #tpu.memory_space<vmem>>[vector<16xi32>], vector<16xf32>,
        %get3A_1001 = arith.index_cast %add3A_998 : i32 to index
        %get3A_1002 = arith.constant 0 : index
        %get3A_1003 = tpu.vector_load %arg8[%get3A_1001, %get3A_1002] {strides = array<i32>} : memref<640x64xf32, #tpu.memory_space<vmem>>, vector<16xf32>,
        %mul3A_1004 = arith.mulf %get3A_1003, %gather3A_1000 : vector<16xf32>
        %add3A_1005 = arith.addf %add3A_981, %mul3A_1004 : vector<16xf32>
        %get3A_1006 = arith.index_cast %add3A_998 : i32 to index
        %get3A_1007 = arith.constant 16 : index
        %get3A_1008 = tpu.vector_load %arg8[%get3A_1006, %get3A_1007] {strides = array<i32>} : memref<640x64xf32, #tpu.memory_space<vmem>>, vector<16xf32>,
        %mul3A_1009 = arith.mulf %get3A_1008, %gather3A_1000 : vector<16xf32>
        %add3A_1010 = arith.addf %add3A_986, %mul3A_1009 : vector<16xf32>
        %get3A_1011 = arith.index_cast %add3A_998 : i32 to index
        %get3A_1012 = arith.constant 32 : index
        %get3A_1013 = tpu.vector_load %arg8[%get3A_1011, %get3A_1012] {strides = array<i32>} : memref<640x64xf32, #tpu.memory_space<vmem>>, vector<16xf32>,
        %mul3A_1014 = arith.mulf %get3A_1013, %gather3A_1000 : vector<16xf32>
        %add3A_1015 = arith.addf %add3A_991, %mul3A_1014 : vector<16xf32>
        %get3A_1016 = arith.index_cast %add3A_998 : i32 to index
        %get3A_1017 = arith.constant 48 : index
        %get3A_1018 = tpu.vector_load %arg8[%get3A_1016, %get3A_1017] {strides = array<i32>} : memref<640x64xf32, #tpu.memory_space<vmem>>, vector<16xf32>,
        %mul3A_1019 = arith.mulf %get3A_1018, %gather3A_1000 : vector<16xf32>
        %add3A_1020 = arith.addf %add3A_996, %mul3A_1019 : vector<16xf32>
        %add3A_1021 = arith.constant 608 : i32
        %add3A_1022 = arith.addi %add3A_1021, %scan3A_103 : i32
        %broadcast_in_dim3A_1023 = vector.broadcast %add3A_1022 : i32 to vector<16xi32>
        %gather3A_1024 = tpu.vector_load_idx %arg7[%broadcast_in_dim3A_1023] : memref<640xf32, #tpu.memory_space<vmem>>[vector<16xi32>], vector<16xf32>,
        %get3A_1025 = arith.index_cast %add3A_1022 : i32 to index
        %get3A_1026 = arith.constant 0 : index
        %get3A_1027 = tpu.vector_load %arg8[%get3A_1025, %get3A_1026] {strides = array<i32>} : memref<640x64xf32, #tpu.memory_space<vmem>>, vector<16xf32>,
        %mul3A_1028 = arith.mulf %get3A_1027, %gather3A_1024 : vector<16xf32>
        %add3A_1029 = arith.addf %add3A_1005, %mul3A_1028 : vector<16xf32>
        %get3A_1030 = arith.index_cast %add3A_1022 : i32 to index
        %get3A_1031 = arith.constant 16 : index
        %get3A_1032 = tpu.vector_load %arg8[%get3A_1030, %get3A_1031] {strides = array<i32>} : memref<640x64xf32, #tpu.memory_space<vmem>>, vector<16xf32>,
        %mul3A_1033 = arith.mulf %get3A_1032, %gather3A_1024 : vector<16xf32>
        %add3A_1034 = arith.addf %add3A_1010, %mul3A_1033 : vector<16xf32>
        %get3A_1035 = arith.index_cast %add3A_1022 : i32 to index
        %get3A_1036 = arith.constant 32 : index
        %get3A_1037 = tpu.vector_load %arg8[%get3A_1035, %get3A_1036] {strides = array<i32>} : memref<640x64xf32, #tpu.memory_space<vmem>>, vector<16xf32>,
        %mul3A_1038 = arith.mulf %get3A_1037, %gather3A_1024 : vector<16xf32>
        %add3A_1039 = arith.addf %add3A_1015, %mul3A_1038 : vector<16xf32>
        %get3A_1040 = arith.index_cast %add3A_1022 : i32 to index
        %get3A_1041 = arith.constant 48 : index
        %get3A_1042 = tpu.vector_load %arg8[%get3A_1040, %get3A_1041] {strides = array<i32>} : memref<640x64xf32, #tpu.memory_space<vmem>>, vector<16xf32>,
        %mul3A_1043 = arith.mulf %get3A_1042, %gather3A_1024 : vector<16xf32>
        %add3A_1044 = arith.addf %add3A_1020, %mul3A_1043 : vector<16xf32>
        %add3A_1045 = arith.constant 624 : i32
        %add3A_1046 = arith.addi %add3A_1045, %scan3A_103 : i32
        %broadcast_in_dim3A_1047 = vector.broadcast %add3A_1046 : i32 to vector<16xi32>
        %gather3A_1048 = tpu.vector_load_idx %arg7[%broadcast_in_dim3A_1047] : memref<640xf32, #tpu.memory_space<vmem>>[vector<16xi32>], vector<16xf32>,
        %get3A_1049 = arith.index_cast %add3A_1046 : i32 to index
        %get3A_1050 = arith.constant 0 : index
        %get3A_1051 = tpu.vector_load %arg8[%get3A_1049, %get3A_1050] {strides = array<i32>} : memref<640x64xf32, #tpu.memory_space<vmem>>, vector<16xf32>,
        %mul3A_1052 = arith.mulf %get3A_1051, %gather3A_1048 : vector<16xf32>
        %add3A_1053 = arith.addf %add3A_1029, %mul3A_1052 : vector<16xf32>
        %get3A_1054 = arith.index_cast %add3A_1046 : i32 to index
        %get3A_1055 = arith.constant 16 : index
        %get3A_1056 = tpu.vector_load %arg8[%get3A_1054, %get3A_1055] {strides = array<i32>} : memref<640x64xf32, #tpu.memory_space<vmem>>, vector<16xf32>,
        %mul3A_1057 = arith.mulf %get3A_1056, %gather3A_1048 : vector<16xf32>
        %add3A_1058 = arith.addf %add3A_1034, %mul3A_1057 : vector<16xf32>
        %get3A_1059 = arith.index_cast %add3A_1046 : i32 to index
        %get3A_1060 = arith.constant 32 : index
        %get3A_1061 = tpu.vector_load %arg8[%get3A_1059, %get3A_1060] {strides = array<i32>} : memref<640x64xf32, #tpu.memory_space<vmem>>, vector<16xf32>,
        %mul3A_1062 = arith.mulf %get3A_1061, %gather3A_1048 : vector<16xf32>
        %add3A_1063 = arith.addf %add3A_1039, %mul3A_1062 : vector<16xf32>
        %get3A_1064 = arith.index_cast %add3A_1046 : i32 to index
        %get3A_1065 = arith.constant 48 : index
        %get3A_1066 = tpu.vector_load %arg8[%get3A_1064, %get3A_1065] {strides = array<i32>} : memref<640x64xf32, #tpu.memory_space<vmem>>, vector<16xf32>,
        %mul3A_1067 = arith.mulf %get3A_1066, %gather3A_1048 : vector<16xf32>
        %add3A_1068 = arith.addf %add3A_1044, %mul3A_1067 : vector<16xf32>
        %swap3A = arith.index_cast %scan3A_103 : i32 to index
        %swap3A_1069 = arith.constant 0 : index
        %swap3A_1070 = tpu.vector_load %arg9[%swap3A, %swap3A_1069] {strides = array<i32>} : memref<16x64xf32, #tpu.memory_space<vmem>>, vector<16xf32>,
        tpu.vector_store %arg9[%swap3A, %swap3A_1069], %add3A_1053 {strides = array<i32>} : memref<16x64xf32, #tpu.memory_space<vmem>>, vector<16xf32>,
        %swap3A_1071 = arith.index_cast %scan3A_103 : i32 to index
        %swap3A_1072 = arith.constant 16 : index
        %swap3A_1073 = tpu.vector_load %arg9[%swap3A_1071, %swap3A_1072] {strides = array<i32>} : memref<16x64xf32, #tpu.memory_space<vmem>>, vector<16xf32>,
        tpu.vector_store %arg9[%swap3A_1071, %swap3A_1072], %add3A_1058 {strides = array<i32>} : memref<16x64xf32, #tpu.memory_space<vmem>>, vector<16xf32>,
        %swap3A_1074 = arith.index_cast %scan3A_103 : i32 to index
        %swap3A_1075 = arith.constant 32 : index
        %swap3A_1076 = tpu.vector_load %arg9[%swap3A_1074, %swap3A_1075] {strides = array<i32>} : memref<16x64xf32, #tpu.memory_space<vmem>>, vector<16xf32>,
        tpu.vector_store %arg9[%swap3A_1074, %swap3A_1075], %add3A_1063 {strides = array<i32>} : memref<16x64xf32, #tpu.memory_space<vmem>>, vector<16xf32>,
        %swap3A_1077 = arith.index_cast %scan3A_103 : i32 to index
        %swap3A_1078 = arith.constant 48 : index
        %swap3A_1079 = tpu.vector_load %arg9[%swap3A_1077, %swap3A_1078] {strides = array<i32>} : memref<16x64xf32, #tpu.memory_space<vmem>>, vector<16xf32>,
        tpu.vector_store %arg9[%swap3A_1077, %swap3A_1078], %add3A_1068 {strides = array<i32>} : memref<16x64xf32, #tpu.memory_space<vmem>>, vector<16xf32>,
      }
      %scan3A_102 = arith.constant 16 : i32
      "tpu.region"() ({
        %run_scoped3A = tpu.sem_alloc : memref<!tpu.dma_semaphore, #tpu.memory_space<semaphore_mem>>
        %dma_start3A_103 = arith.constant 0 : i32
        %dma_start3A_104 = tpu.memref_slice %arg5[%add3A_14, %dma_start3A_103] : memref<10240x64xf32, #tpu.memory_space<hbm>> -> memref<16x64xf32, #tpu.memory_space<hbm>>
        %dma_start3A_105 = arith.constant 0 : i32
        %dma_start3A_106 = tpu.memref_slice %arg5[%add3A_14, %dma_start3A_105] : memref<10240x64xf32, #tpu.memory_space<hbm>> -> memref<16x64xf32, #tpu.memory_space<hbm>>
        tpu.enqueue_dma source(%arg9 : memref<16x64xf32, #tpu.memory_space<vmem>>) target(%dma_start3A_106 : memref<16x64xf32, #tpu.memory_space<hbm>>) target_semaphore(%run_scoped3A : memref<!tpu.dma_semaphore, #tpu.memory_space<semaphore_mem>>)
        %dma_wait3A_107 = arith.constant 0 : i32
        %dma_wait3A_108 = tpu.memref_slice %arg5[%add3A_14, %dma_wait3A_107] : memref<10240x64xf32, #tpu.memory_space<hbm>> -> memref<16x64xf32, #tpu.memory_space<hbm>>
        %dma_wait3A_109 = arith.constant 0 : i32
        %dma_wait3A_110 = tpu.memref_slice %arg5[%add3A_14, %dma_wait3A_109] : memref<10240x64xf32, #tpu.memory_space<hbm>> -> memref<16x64xf32, #tpu.memory_space<hbm>>
        tpu.wait_dma2 semaphore(%run_scoped3A : memref<!tpu.dma_semaphore, #tpu.memory_space<semaphore_mem>>) src(%arg9 : memref<16x64xf32, #tpu.memory_space<vmem>>) dst(%dma_wait3A_110 : memref<16x64xf32, #tpu.memory_space<hbm>>)
        tpu.yield
      }) : () -> ()
    }
    %scan3A_5 = arith.constant 20 : i32
    return
  }
}

#map = affine_map<(d0, d1) -> (0)>
module attributes {stable_mosaic.version = 14 : i64} {
  func.func @_sc_select_body(%arg0: i32, %arg1: i32, %arg2: memref<104857600xf32, #tpu.memory_space<hbm>>, %arg3: memref<10240xf32, #tpu.memory_space<hbm>>, %arg4: memref<409600xi32, #tpu.memory_space<hbm>>, %arg5: memref<409600xf32, #tpu.memory_space<hbm>>, %arg6: memref<8192xf32, #tpu.memory_space<vmem>>, %arg7: memref<3072xf32, #tpu.memory_space<vmem>>, %arg8: memref<3072xi32, #tpu.memory_space<vmem>>, %arg9: memref<16xf32, #tpu.memory_space<vmem>>, %arg10: memref<640xi32, #tpu.memory_space<vmem>>, %arg11: memref<640xf32, #tpu.memory_space<vmem>>, %arg12: memref<640xf32, #tpu.memory_space<vmem>>, %arg13: memref<!tpu.dma_semaphore, #tpu.memory_space<semaphore_mem>>) attributes {dimension_semantics = [#tpu.dimension_semantics<core_parallel>, #tpu.dimension_semantics<subcore_parallel>], iteration_bounds = array<i64: 2, 16>, scalar_prefetch = 0 : i64, scratch_operands = 8 : i64, tpu.core_type = #tpu.core_type<sc_vector_subcore>, window_params = [{transform_indices = #map}, {transform_indices = #map}, {transform_indices = #map}, {transform_indices = #map}]} {
    %mul3A = arith.constant 2 : i32
    %mul3A_0 = arith.muli %arg1, %mul3A : i32
    %add3A = arith.addi %mul3A_0, %arg0 : i32
    %iota3A = tpu.iota {dimensions = array<i32: 0>} : vector<16xi32>
    %broadcast_in_dim3A = arith.constant 0 : i32
    %broadcast_in_dim3A_1 = vector.broadcast %broadcast_in_dim3A : i32 to vector<16xi32>
    %mul3A_2 = arith.constant 512 : i32
    %mul3A_3 = vector.broadcast %mul3A_2 : i32 to vector<16xi32>
    %mul3A_4 = arith.muli %iota3A, %mul3A_3 : vector<16xi32>
    %scan3A = arith.constant 0 : i32
    %scan3A_5 = arith.constant 0 : i32
    %scan3A_6 = arith.constant 20 : i32
    %scan3A_7 = arith.addi %scan3A_5, %scan3A_6 : i32
    %scan3A_8 = arith.constant 1 : i32
    scf.for %scan3A_10 = %scan3A_5 to %scan3A_7 step %scan3A_8  : i32 {
      %mul3A_11 = arith.constant 320 : i32
      %mul3A_12 = arith.muli %add3A, %mul3A_11 : i32
      %mul3A_13 = arith.constant 16 : i32
      %mul3A_14 = arith.muli %scan3A_10, %mul3A_13 : i32
      %add3A_15 = arith.addi %mul3A_12, %mul3A_14 : i32
      "tpu.region"() ({
        %run_scoped3A = tpu.sem_alloc : memref<!tpu.dma_semaphore, #tpu.memory_space<semaphore_mem>>
        %dma_start3A = tpu.memref_slice %arg3[%add3A_15] : memref<10240xf32, #tpu.memory_space<hbm>> -> memref<16xf32, #tpu.memory_space<hbm>>
        %dma_start3A_413 = tpu.memref_slice %arg3[%add3A_15] : memref<10240xf32, #tpu.memory_space<hbm>> -> memref<16xf32, #tpu.memory_space<hbm>>
        tpu.enqueue_dma source(%dma_start3A_413 : memref<16xf32, #tpu.memory_space<hbm>>) target(%arg9 : memref<16xf32, #tpu.memory_space<vmem>>) target_semaphore(%run_scoped3A : memref<!tpu.dma_semaphore, #tpu.memory_space<semaphore_mem>>)
        %dma_wait3A = tpu.memref_slice %arg3[%add3A_15] : memref<10240xf32, #tpu.memory_space<hbm>> -> memref<16xf32, #tpu.memory_space<hbm>>
        %dma_wait3A_414 = tpu.memref_slice %arg3[%add3A_15] : memref<10240xf32, #tpu.memory_space<hbm>> -> memref<16xf32, #tpu.memory_space<hbm>>
        tpu.wait_dma2 semaphore(%run_scoped3A : memref<!tpu.dma_semaphore, #tpu.memory_space<semaphore_mem>>) src(%dma_wait3A_414 : memref<16xf32, #tpu.memory_space<hbm>>) dst(%arg9 : memref<16xf32, #tpu.memory_space<vmem>>)
        tpu.yield
      }) : () -> ()
      %get3A = arith.constant 0 : index
      %get3A_16 = tpu.vector_load %arg9[%get3A] {strides = array<i32>} : memref<16xf32, #tpu.memory_space<vmem>>, vector<16xf32>,
      %scan3A_17 = arith.constant 0 : i32
      %scan3A_18 = arith.constant 0 : i32
      %scan3A_19 = arith.constant 192 : i32
      %scan3A_20 = arith.addi %scan3A_18, %scan3A_19 : i32
      %scan3A_21 = arith.constant 1 : i32
      scf.for %scan3A_413 = %scan3A_18 to %scan3A_20 step %scan3A_21  : i32 {
        %broadcast_in_dim3A_414 = arith.constant 3.000000e+38 : f32
        %broadcast_in_dim3A_415 = vector.broadcast %broadcast_in_dim3A_414 : f32 to vector<16xf32>
        %mul3A_416 = arith.constant 16 : i32
        %mul3A_417 = arith.muli %scan3A_413, %mul3A_416 : i32
        %swap3A_418 = arith.index_cast %mul3A_417 : i32 to index
        %swap3A_419 = tpu.vector_load %arg7[%swap3A_418] {strides = array<i32>} : memref<3072xf32, #tpu.memory_space<vmem>>, vector<16xf32>,
        tpu.vector_store %arg7[%swap3A_418], %broadcast_in_dim3A_415 {strides = array<i32>} : memref<3072xf32, #tpu.memory_space<vmem>>, vector<16xf32>,
      }
      %scan3A_22 = arith.constant 192 : i32
      %scan3A_23 = arith.constant 0 : i32
      %scan3A_24 = arith.constant 20 : i32
      %scan3A_25 = arith.addi %scan3A_23, %scan3A_24 : i32
      %scan3A_26 = arith.constant 1 : i32
      %scan3A_27 = scf.for %scan3A_413 = %scan3A_23 to %scan3A_25 step %scan3A_26 iter_args(%scan3A_414 = %broadcast_in_dim3A_1) -> (vector<16xi32>)  : i32 {
        %add3A_415 = arith.constant 0 : i32
        %add3A_416 = arith.addi %add3A_15, %add3A_415 : i32
        %mul3A_417 = arith.constant 10240 : i32
        %mul3A_418 = arith.muli %add3A_416, %mul3A_417 : i32
        %mul3A_419 = arith.constant 512 : i32
        %mul3A_420 = arith.muli %scan3A_413, %mul3A_419 : i32
        %add3A_421 = arith.addi %mul3A_418, %mul3A_420 : i32
        %dma_start3A = arith.constant 0 : i32
        %dma_start3A_422 = tpu.memref_slice %arg6[%dma_start3A] : memref<8192xf32, #tpu.memory_space<vmem>> -> memref<512xf32, #tpu.memory_space<vmem>>
        %dma_start3A_423 = tpu.memref_slice %arg2[%add3A_421] : memref<104857600xf32, #tpu.memory_space<hbm>> -> memref<512xf32, #tpu.memory_space<hbm>>
        %dma_start3A_424 = arith.constant 0 : i32
        %dma_start3A_425 = tpu.memref_slice %arg6[%dma_start3A_424] : memref<8192xf32, #tpu.memory_space<vmem>> -> memref<512xf32, #tpu.memory_space<vmem>>
        %dma_start3A_426 = tpu.memref_slice %arg2[%add3A_421] : memref<104857600xf32, #tpu.memory_space<hbm>> -> memref<512xf32, #tpu.memory_space<hbm>>
        tpu.enqueue_dma source(%dma_start3A_426 : memref<512xf32, #tpu.memory_space<hbm>>) target(%dma_start3A_425 : memref<512xf32, #tpu.memory_space<vmem>>) target_semaphore(%arg13 : memref<!tpu.dma_semaphore, #tpu.memory_space<semaphore_mem>>)
        %add3A_427 = arith.constant 1 : i32
        %add3A_428 = arith.addi %add3A_15, %add3A_427 : i32
        %mul3A_429 = arith.constant 10240 : i32
        %mul3A_430 = arith.muli %add3A_428, %mul3A_429 : i32
        %mul3A_431 = arith.constant 512 : i32
        %mul3A_432 = arith.muli %scan3A_413, %mul3A_431 : i32
        %add3A_433 = arith.addi %mul3A_430, %mul3A_432 : i32
        %dma_start3A_434 = arith.constant 512 : i32
        %dma_start3A_435 = tpu.memref_slice %arg6[%dma_start3A_434] : memref<8192xf32, #tpu.memory_space<vmem>> -> memref<512xf32, #tpu.memory_space<vmem>>
        %dma_start3A_436 = tpu.memref_slice %arg2[%add3A_433] : memref<104857600xf32, #tpu.memory_space<hbm>> -> memref<512xf32, #tpu.memory_space<hbm>>
        %dma_start3A_437 = arith.constant 512 : i32
        %dma_start3A_438 = tpu.memref_slice %arg6[%dma_start3A_437] : memref<8192xf32, #tpu.memory_space<vmem>> -> memref<512xf32, #tpu.memory_space<vmem>>
        %dma_start3A_439 = tpu.memref_slice %arg2[%add3A_433] : memref<104857600xf32, #tpu.memory_space<hbm>> -> memref<512xf32, #tpu.memory_space<hbm>>
        tpu.enqueue_dma source(%dma_start3A_439 : memref<512xf32, #tpu.memory_space<hbm>>) target(%dma_start3A_438 : memref<512xf32, #tpu.memory_space<vmem>>) target_semaphore(%arg13 : memref<!tpu.dma_semaphore, #tpu.memory_space<semaphore_mem>>)
        %add3A_440 = arith.constant 2 : i32
        %add3A_441 = arith.addi %add3A_15, %add3A_440 : i32
        %mul3A_442 = arith.constant 10240 : i32
        %mul3A_443 = arith.muli %add3A_441, %mul3A_442 : i32
        %mul3A_444 = arith.constant 512 : i32
        %mul3A_445 = arith.muli %scan3A_413, %mul3A_444 : i32
        %add3A_446 = arith.addi %mul3A_443, %mul3A_445 : i32
        %dma_start3A_447 = arith.constant 1024 : i32
        %dma_start3A_448 = tpu.memref_slice %arg6[%dma_start3A_447] : memref<8192xf32, #tpu.memory_space<vmem>> -> memref<512xf32, #tpu.memory_space<vmem>>
        %dma_start3A_449 = tpu.memref_slice %arg2[%add3A_446] : memref<104857600xf32, #tpu.memory_space<hbm>> -> memref<512xf32, #tpu.memory_space<hbm>>
        %dma_start3A_450 = arith.constant 1024 : i32
        %dma_start3A_451 = tpu.memref_slice %arg6[%dma_start3A_450] : memref<8192xf32, #tpu.memory_space<vmem>> -> memref<512xf32, #tpu.memory_space<vmem>>
        %dma_start3A_452 = tpu.memref_slice %arg2[%add3A_446] : memref<104857600xf32, #tpu.memory_space<hbm>> -> memref<512xf32, #tpu.memory_space<hbm>>
        tpu.enqueue_dma source(%dma_start3A_452 : memref<512xf32, #tpu.memory_space<hbm>>) target(%dma_start3A_451 : memref<512xf32, #tpu.memory_space<vmem>>) target_semaphore(%arg13 : memref<!tpu.dma_semaphore, #tpu.memory_space<semaphore_mem>>)
        %add3A_453 = arith.constant 3 : i32
        %add3A_454 = arith.addi %add3A_15, %add3A_453 : i32
        %mul3A_455 = arith.constant 10240 : i32
        %mul3A_456 = arith.muli %add3A_454, %mul3A_455 : i32
        %mul3A_457 = arith.constant 512 : i32
        %mul3A_458 = arith.muli %scan3A_413, %mul3A_457 : i32
        %add3A_459 = arith.addi %mul3A_456, %mul3A_458 : i32
        %dma_start3A_460 = arith.constant 1536 : i32
        %dma_start3A_461 = tpu.memref_slice %arg6[%dma_start3A_460] : memref<8192xf32, #tpu.memory_space<vmem>> -> memref<512xf32, #tpu.memory_space<vmem>>
        %dma_start3A_462 = tpu.memref_slice %arg2[%add3A_459] : memref<104857600xf32, #tpu.memory_space<hbm>> -> memref<512xf32, #tpu.memory_space<hbm>>
        %dma_start3A_463 = arith.constant 1536 : i32
        %dma_start3A_464 = tpu.memref_slice %arg6[%dma_start3A_463] : memref<8192xf32, #tpu.memory_space<vmem>> -> memref<512xf32, #tpu.memory_space<vmem>>
        %dma_start3A_465 = tpu.memref_slice %arg2[%add3A_459] : memref<104857600xf32, #tpu.memory_space<hbm>> -> memref<512xf32, #tpu.memory_space<hbm>>
        tpu.enqueue_dma source(%dma_start3A_465 : memref<512xf32, #tpu.memory_space<hbm>>) target(%dma_start3A_464 : memref<512xf32, #tpu.memory_space<vmem>>) target_semaphore(%arg13 : memref<!tpu.dma_semaphore, #tpu.memory_space<semaphore_mem>>)
        %add3A_466 = arith.constant 4 : i32
        %add3A_467 = arith.addi %add3A_15, %add3A_466 : i32
        %mul3A_468 = arith.constant 10240 : i32
        %mul3A_469 = arith.muli %add3A_467, %mul3A_468 : i32
        %mul3A_470 = arith.constant 512 : i32
        %mul3A_471 = arith.muli %scan3A_413, %mul3A_470 : i32
        %add3A_472 = arith.addi %mul3A_469, %mul3A_471 : i32
        %dma_start3A_473 = arith.constant 2048 : i32
        %dma_start3A_474 = tpu.memref_slice %arg6[%dma_start3A_473] : memref<8192xf32, #tpu.memory_space<vmem>> -> memref<512xf32, #tpu.memory_space<vmem>>
        %dma_start3A_475 = tpu.memref_slice %arg2[%add3A_472] : memref<104857600xf32, #tpu.memory_space<hbm>> -> memref<512xf32, #tpu.memory_space<hbm>>
        %dma_start3A_476 = arith.constant 2048 : i32
        %dma_start3A_477 = tpu.memref_slice %arg6[%dma_start3A_476] : memref<8192xf32, #tpu.memory_space<vmem>> -> memref<512xf32, #tpu.memory_space<vmem>>
        %dma_start3A_478 = tpu.memref_slice %arg2[%add3A_472] : memref<104857600xf32, #tpu.memory_space<hbm>> -> memref<512xf32, #tpu.memory_space<hbm>>
        tpu.enqueue_dma source(%dma_start3A_478 : memref<512xf32, #tpu.memory_space<hbm>>) target(%dma_start3A_477 : memref<512xf32, #tpu.memory_space<vmem>>) target_semaphore(%arg13 : memref<!tpu.dma_semaphore, #tpu.memory_space<semaphore_mem>>)
        %add3A_479 = arith.constant 5 : i32
        %add3A_480 = arith.addi %add3A_15, %add3A_479 : i32
        %mul3A_481 = arith.constant 10240 : i32
        %mul3A_482 = arith.muli %add3A_480, %mul3A_481 : i32
        %mul3A_483 = arith.constant 512 : i32
        %mul3A_484 = arith.muli %scan3A_413, %mul3A_483 : i32
        %add3A_485 = arith.addi %mul3A_482, %mul3A_484 : i32
        %dma_start3A_486 = arith.constant 2560 : i32
        %dma_start3A_487 = tpu.memref_slice %arg6[%dma_start3A_486] : memref<8192xf32, #tpu.memory_space<vmem>> -> memref<512xf32, #tpu.memory_space<vmem>>
        %dma_start3A_488 = tpu.memref_slice %arg2[%add3A_485] : memref<104857600xf32, #tpu.memory_space<hbm>> -> memref<512xf32, #tpu.memory_space<hbm>>
        %dma_start3A_489 = arith.constant 2560 : i32
        %dma_start3A_490 = tpu.memref_slice %arg6[%dma_start3A_489] : memref<8192xf32, #tpu.memory_space<vmem>> -> memref<512xf32, #tpu.memory_space<vmem>>
        %dma_start3A_491 = tpu.memref_slice %arg2[%add3A_485] : memref<104857600xf32, #tpu.memory_space<hbm>> -> memref<512xf32, #tpu.memory_space<hbm>>
        tpu.enqueue_dma source(%dma_start3A_491 : memref<512xf32, #tpu.memory_space<hbm>>) target(%dma_start3A_490 : memref<512xf32, #tpu.memory_space<vmem>>) target_semaphore(%arg13 : memref<!tpu.dma_semaphore, #tpu.memory_space<semaphore_mem>>)
        %add3A_492 = arith.constant 6 : i32
        %add3A_493 = arith.addi %add3A_15, %add3A_492 : i32
        %mul3A_494 = arith.constant 10240 : i32
        %mul3A_495 = arith.muli %add3A_493, %mul3A_494 : i32
        %mul3A_496 = arith.constant 512 : i32
        %mul3A_497 = arith.muli %scan3A_413, %mul3A_496 : i32
        %add3A_498 = arith.addi %mul3A_495, %mul3A_497 : i32
        %dma_start3A_499 = arith.constant 3072 : i32
        %dma_start3A_500 = tpu.memref_slice %arg6[%dma_start3A_499] : memref<8192xf32, #tpu.memory_space<vmem>> -> memref<512xf32, #tpu.memory_space<vmem>>
        %dma_start3A_501 = tpu.memref_slice %arg2[%add3A_498] : memref<104857600xf32, #tpu.memory_space<hbm>> -> memref<512xf32, #tpu.memory_space<hbm>>
        %dma_start3A_502 = arith.constant 3072 : i32
        %dma_start3A_503 = tpu.memref_slice %arg6[%dma_start3A_502] : memref<8192xf32, #tpu.memory_space<vmem>> -> memref<512xf32, #tpu.memory_space<vmem>>
        %dma_start3A_504 = tpu.memref_slice %arg2[%add3A_498] : memref<104857600xf32, #tpu.memory_space<hbm>> -> memref<512xf32, #tpu.memory_space<hbm>>
        tpu.enqueue_dma source(%dma_start3A_504 : memref<512xf32, #tpu.memory_space<hbm>>) target(%dma_start3A_503 : memref<512xf32, #tpu.memory_space<vmem>>) target_semaphore(%arg13 : memref<!tpu.dma_semaphore, #tpu.memory_space<semaphore_mem>>)
        %add3A_505 = arith.constant 7 : i32
        %add3A_506 = arith.addi %add3A_15, %add3A_505 : i32
        %mul3A_507 = arith.constant 10240 : i32
        %mul3A_508 = arith.muli %add3A_506, %mul3A_507 : i32
        %mul3A_509 = arith.constant 512 : i32
        %mul3A_510 = arith.muli %scan3A_413, %mul3A_509 : i32
        %add3A_511 = arith.addi %mul3A_508, %mul3A_510 : i32
        %dma_start3A_512 = arith.constant 3584 : i32
        %dma_start3A_513 = tpu.memref_slice %arg6[%dma_start3A_512] : memref<8192xf32, #tpu.memory_space<vmem>> -> memref<512xf32, #tpu.memory_space<vmem>>
        %dma_start3A_514 = tpu.memref_slice %arg2[%add3A_511] : memref<104857600xf32, #tpu.memory_space<hbm>> -> memref<512xf32, #tpu.memory_space<hbm>>
        %dma_start3A_515 = arith.constant 3584 : i32
        %dma_start3A_516 = tpu.memref_slice %arg6[%dma_start3A_515] : memref<8192xf32, #tpu.memory_space<vmem>> -> memref<512xf32, #tpu.memory_space<vmem>>
        %dma_start3A_517 = tpu.memref_slice %arg2[%add3A_511] : memref<104857600xf32, #tpu.memory_space<hbm>> -> memref<512xf32, #tpu.memory_space<hbm>>
        tpu.enqueue_dma source(%dma_start3A_517 : memref<512xf32, #tpu.memory_space<hbm>>) target(%dma_start3A_516 : memref<512xf32, #tpu.memory_space<vmem>>) target_semaphore(%arg13 : memref<!tpu.dma_semaphore, #tpu.memory_space<semaphore_mem>>)
        %add3A_518 = arith.constant 8 : i32
        %add3A_519 = arith.addi %add3A_15, %add3A_518 : i32
        %mul3A_520 = arith.constant 10240 : i32
        %mul3A_521 = arith.muli %add3A_519, %mul3A_520 : i32
        %mul3A_522 = arith.constant 512 : i32
        %mul3A_523 = arith.muli %scan3A_413, %mul3A_522 : i32
        %add3A_524 = arith.addi %mul3A_521, %mul3A_523 : i32
        %dma_start3A_525 = arith.constant 4096 : i32
        %dma_start3A_526 = tpu.memref_slice %arg6[%dma_start3A_525] : memref<8192xf32, #tpu.memory_space<vmem>> -> memref<512xf32, #tpu.memory_space<vmem>>
        %dma_start3A_527 = tpu.memref_slice %arg2[%add3A_524] : memref<104857600xf32, #tpu.memory_space<hbm>> -> memref<512xf32, #tpu.memory_space<hbm>>
        %dma_start3A_528 = arith.constant 4096 : i32
        %dma_start3A_529 = tpu.memref_slice %arg6[%dma_start3A_528] : memref<8192xf32, #tpu.memory_space<vmem>> -> memref<512xf32, #tpu.memory_space<vmem>>
        %dma_start3A_530 = tpu.memref_slice %arg2[%add3A_524] : memref<104857600xf32, #tpu.memory_space<hbm>> -> memref<512xf32, #tpu.memory_space<hbm>>
        tpu.enqueue_dma source(%dma_start3A_530 : memref<512xf32, #tpu.memory_space<hbm>>) target(%dma_start3A_529 : memref<512xf32, #tpu.memory_space<vmem>>) target_semaphore(%arg13 : memref<!tpu.dma_semaphore, #tpu.memory_space<semaphore_mem>>)
        %add3A_531 = arith.constant 9 : i32
        %add3A_532 = arith.addi %add3A_15, %add3A_531 : i32
        %mul3A_533 = arith.constant 10240 : i32
        %mul3A_534 = arith.muli %add3A_532, %mul3A_533 : i32
        %mul3A_535 = arith.constant 512 : i32
        %mul3A_536 = arith.muli %scan3A_413, %mul3A_535 : i32
        %add3A_537 = arith.addi %mul3A_534, %mul3A_536 : i32
        %dma_start3A_538 = arith.constant 4608 : i32
        %dma_start3A_539 = tpu.memref_slice %arg6[%dma_start3A_538] : memref<8192xf32, #tpu.memory_space<vmem>> -> memref<512xf32, #tpu.memory_space<vmem>>
        %dma_start3A_540 = tpu.memref_slice %arg2[%add3A_537] : memref<104857600xf32, #tpu.memory_space<hbm>> -> memref<512xf32, #tpu.memory_space<hbm>>
        %dma_start3A_541 = arith.constant 4608 : i32
        %dma_start3A_542 = tpu.memref_slice %arg6[%dma_start3A_541] : memref<8192xf32, #tpu.memory_space<vmem>> -> memref<512xf32, #tpu.memory_space<vmem>>
        %dma_start3A_543 = tpu.memref_slice %arg2[%add3A_537] : memref<104857600xf32, #tpu.memory_space<hbm>> -> memref<512xf32, #tpu.memory_space<hbm>>
        tpu.enqueue_dma source(%dma_start3A_543 : memref<512xf32, #tpu.memory_space<hbm>>) target(%dma_start3A_542 : memref<512xf32, #tpu.memory_space<vmem>>) target_semaphore(%arg13 : memref<!tpu.dma_semaphore, #tpu.memory_space<semaphore_mem>>)
        %add3A_544 = arith.constant 10 : i32
        %add3A_545 = arith.addi %add3A_15, %add3A_544 : i32
        %mul3A_546 = arith.constant 10240 : i32
        %mul3A_547 = arith.muli %add3A_545, %mul3A_546 : i32
        %mul3A_548 = arith.constant 512 : i32
        %mul3A_549 = arith.muli %scan3A_413, %mul3A_548 : i32
        %add3A_550 = arith.addi %mul3A_547, %mul3A_549 : i32
        %dma_start3A_551 = arith.constant 5120 : i32
        %dma_start3A_552 = tpu.memref_slice %arg6[%dma_start3A_551] : memref<8192xf32, #tpu.memory_space<vmem>> -> memref<512xf32, #tpu.memory_space<vmem>>
        %dma_start3A_553 = tpu.memref_slice %arg2[%add3A_550] : memref<104857600xf32, #tpu.memory_space<hbm>> -> memref<512xf32, #tpu.memory_space<hbm>>
        %dma_start3A_554 = arith.constant 5120 : i32
        %dma_start3A_555 = tpu.memref_slice %arg6[%dma_start3A_554] : memref<8192xf32, #tpu.memory_space<vmem>> -> memref<512xf32, #tpu.memory_space<vmem>>
        %dma_start3A_556 = tpu.memref_slice %arg2[%add3A_550] : memref<104857600xf32, #tpu.memory_space<hbm>> -> memref<512xf32, #tpu.memory_space<hbm>>
        tpu.enqueue_dma source(%dma_start3A_556 : memref<512xf32, #tpu.memory_space<hbm>>) target(%dma_start3A_555 : memref<512xf32, #tpu.memory_space<vmem>>) target_semaphore(%arg13 : memref<!tpu.dma_semaphore, #tpu.memory_space<semaphore_mem>>)
        %add3A_557 = arith.constant 11 : i32
        %add3A_558 = arith.addi %add3A_15, %add3A_557 : i32
        %mul3A_559 = arith.constant 10240 : i32
        %mul3A_560 = arith.muli %add3A_558, %mul3A_559 : i32
        %mul3A_561 = arith.constant 512 : i32
        %mul3A_562 = arith.muli %scan3A_413, %mul3A_561 : i32
        %add3A_563 = arith.addi %mul3A_560, %mul3A_562 : i32
        %dma_start3A_564 = arith.constant 5632 : i32
        %dma_start3A_565 = tpu.memref_slice %arg6[%dma_start3A_564] : memref<8192xf32, #tpu.memory_space<vmem>> -> memref<512xf32, #tpu.memory_space<vmem>>
        %dma_start3A_566 = tpu.memref_slice %arg2[%add3A_563] : memref<104857600xf32, #tpu.memory_space<hbm>> -> memref<512xf32, #tpu.memory_space<hbm>>
        %dma_start3A_567 = arith.constant 5632 : i32
        %dma_start3A_568 = tpu.memref_slice %arg6[%dma_start3A_567] : memref<8192xf32, #tpu.memory_space<vmem>> -> memref<512xf32, #tpu.memory_space<vmem>>
        %dma_start3A_569 = tpu.memref_slice %arg2[%add3A_563] : memref<104857600xf32, #tpu.memory_space<hbm>> -> memref<512xf32, #tpu.memory_space<hbm>>
        tpu.enqueue_dma source(%dma_start3A_569 : memref<512xf32, #tpu.memory_space<hbm>>) target(%dma_start3A_568 : memref<512xf32, #tpu.memory_space<vmem>>) target_semaphore(%arg13 : memref<!tpu.dma_semaphore, #tpu.memory_space<semaphore_mem>>)
        %add3A_570 = arith.constant 12 : i32
        %add3A_571 = arith.addi %add3A_15, %add3A_570 : i32
        %mul3A_572 = arith.constant 10240 : i32
        %mul3A_573 = arith.muli %add3A_571, %mul3A_572 : i32
        %mul3A_574 = arith.constant 512 : i32
        %mul3A_575 = arith.muli %scan3A_413, %mul3A_574 : i32
        %add3A_576 = arith.addi %mul3A_573, %mul3A_575 : i32
        %dma_start3A_577 = arith.constant 6144 : i32
        %dma_start3A_578 = tpu.memref_slice %arg6[%dma_start3A_577] : memref<8192xf32, #tpu.memory_space<vmem>> -> memref<512xf32, #tpu.memory_space<vmem>>
        %dma_start3A_579 = tpu.memref_slice %arg2[%add3A_576] : memref<104857600xf32, #tpu.memory_space<hbm>> -> memref<512xf32, #tpu.memory_space<hbm>>
        %dma_start3A_580 = arith.constant 6144 : i32
        %dma_start3A_581 = tpu.memref_slice %arg6[%dma_start3A_580] : memref<8192xf32, #tpu.memory_space<vmem>> -> memref<512xf32, #tpu.memory_space<vmem>>
        %dma_start3A_582 = tpu.memref_slice %arg2[%add3A_576] : memref<104857600xf32, #tpu.memory_space<hbm>> -> memref<512xf32, #tpu.memory_space<hbm>>
        tpu.enqueue_dma source(%dma_start3A_582 : memref<512xf32, #tpu.memory_space<hbm>>) target(%dma_start3A_581 : memref<512xf32, #tpu.memory_space<vmem>>) target_semaphore(%arg13 : memref<!tpu.dma_semaphore, #tpu.memory_space<semaphore_mem>>)
        %add3A_583 = arith.constant 13 : i32
        %add3A_584 = arith.addi %add3A_15, %add3A_583 : i32
        %mul3A_585 = arith.constant 10240 : i32
        %mul3A_586 = arith.muli %add3A_584, %mul3A_585 : i32
        %mul3A_587 = arith.constant 512 : i32
        %mul3A_588 = arith.muli %scan3A_413, %mul3A_587 : i32
        %add3A_589 = arith.addi %mul3A_586, %mul3A_588 : i32
        %dma_start3A_590 = arith.constant 6656 : i32
        %dma_start3A_591 = tpu.memref_slice %arg6[%dma_start3A_590] : memref<8192xf32, #tpu.memory_space<vmem>> -> memref<512xf32, #tpu.memory_space<vmem>>
        %dma_start3A_592 = tpu.memref_slice %arg2[%add3A_589] : memref<104857600xf32, #tpu.memory_space<hbm>> -> memref<512xf32, #tpu.memory_space<hbm>>
        %dma_start3A_593 = arith.constant 6656 : i32
        %dma_start3A_594 = tpu.memref_slice %arg6[%dma_start3A_593] : memref<8192xf32, #tpu.memory_space<vmem>> -> memref<512xf32, #tpu.memory_space<vmem>>
        %dma_start3A_595 = tpu.memref_slice %arg2[%add3A_589] : memref<104857600xf32, #tpu.memory_space<hbm>> -> memref<512xf32, #tpu.memory_space<hbm>>
        tpu.enqueue_dma source(%dma_start3A_595 : memref<512xf32, #tpu.memory_space<hbm>>) target(%dma_start3A_594 : memref<512xf32, #tpu.memory_space<vmem>>) target_semaphore(%arg13 : memref<!tpu.dma_semaphore, #tpu.memory_space<semaphore_mem>>)
        %add3A_596 = arith.constant 14 : i32
        %add3A_597 = arith.addi %add3A_15, %add3A_596 : i32
        %mul3A_598 = arith.constant 10240 : i32
        %mul3A_599 = arith.muli %add3A_597, %mul3A_598 : i32
        %mul3A_600 = arith.constant 512 : i32
        %mul3A_601 = arith.muli %scan3A_413, %mul3A_600 : i32
        %add3A_602 = arith.addi %mul3A_599, %mul3A_601 : i32
        %dma_start3A_603 = arith.constant 7168 : i32
        %dma_start3A_604 = tpu.memref_slice %arg6[%dma_start3A_603] : memref<8192xf32, #tpu.memory_space<vmem>> -> memref<512xf32, #tpu.memory_space<vmem>>
        %dma_start3A_605 = tpu.memref_slice %arg2[%add3A_602] : memref<104857600xf32, #tpu.memory_space<hbm>> -> memref<512xf32, #tpu.memory_space<hbm>>
        %dma_start3A_606 = arith.constant 7168 : i32
        %dma_start3A_607 = tpu.memref_slice %arg6[%dma_start3A_606] : memref<8192xf32, #tpu.memory_space<vmem>> -> memref<512xf32, #tpu.memory_space<vmem>>
        %dma_start3A_608 = tpu.memref_slice %arg2[%add3A_602] : memref<104857600xf32, #tpu.memory_space<hbm>> -> memref<512xf32, #tpu.memory_space<hbm>>
        tpu.enqueue_dma source(%dma_start3A_608 : memref<512xf32, #tpu.memory_space<hbm>>) target(%dma_start3A_607 : memref<512xf32, #tpu.memory_space<vmem>>) target_semaphore(%arg13 : memref<!tpu.dma_semaphore, #tpu.memory_space<semaphore_mem>>)
        %add3A_609 = arith.constant 15 : i32
        %add3A_610 = arith.addi %add3A_15, %add3A_609 : i32
        %mul3A_611 = arith.constant 10240 : i32
        %mul3A_612 = arith.muli %add3A_610, %mul3A_611 : i32
        %mul3A_613 = arith.constant 512 : i32
        %mul3A_614 = arith.muli %scan3A_413, %mul3A_613 : i32
        %add3A_615 = arith.addi %mul3A_612, %mul3A_614 : i32
        %dma_start3A_616 = arith.constant 7680 : i32
        %dma_start3A_617 = tpu.memref_slice %arg6[%dma_start3A_616] : memref<8192xf32, #tpu.memory_space<vmem>> -> memref<512xf32, #tpu.memory_space<vmem>>
        %dma_start3A_618 = tpu.memref_slice %arg2[%add3A_615] : memref<104857600xf32, #tpu.memory_space<hbm>> -> memref<512xf32, #tpu.memory_space<hbm>>
        %dma_start3A_619 = arith.constant 7680 : i32
        %dma_start3A_620 = tpu.memref_slice %arg6[%dma_start3A_619] : memref<8192xf32, #tpu.memory_space<vmem>> -> memref<512xf32, #tpu.memory_space<vmem>>
        %dma_start3A_621 = tpu.memref_slice %arg2[%add3A_615] : memref<104857600xf32, #tpu.memory_space<hbm>> -> memref<512xf32, #tpu.memory_space<hbm>>
        tpu.enqueue_dma source(%dma_start3A_621 : memref<512xf32, #tpu.memory_space<hbm>>) target(%dma_start3A_620 : memref<512xf32, #tpu.memory_space<vmem>>) target_semaphore(%arg13 : memref<!tpu.dma_semaphore, #tpu.memory_space<semaphore_mem>>)
        %dma_wait3A = arith.constant 0 : i32
        %dma_wait3A_622 = tpu.memref_slice %arg6[%dma_wait3A] : memref<8192xf32, #tpu.memory_space<vmem>> -> memref<512xf32, #tpu.memory_space<vmem>>
        %dma_wait3A_623 = tpu.memref_slice %arg2[%add3A_421] : memref<104857600xf32, #tpu.memory_space<hbm>> -> memref<512xf32, #tpu.memory_space<hbm>>
        %dma_wait3A_624 = arith.constant 0 : i32
        %dma_wait3A_625 = tpu.memref_slice %arg6[%dma_wait3A_624] : memref<8192xf32, #tpu.memory_space<vmem>> -> memref<512xf32, #tpu.memory_space<vmem>>
        %dma_wait3A_626 = tpu.memref_slice %arg2[%add3A_421] : memref<104857600xf32, #tpu.memory_space<hbm>> -> memref<512xf32, #tpu.memory_space<hbm>>
        tpu.wait_dma2 semaphore(%arg13 : memref<!tpu.dma_semaphore, #tpu.memory_space<semaphore_mem>>) src(%dma_wait3A_626 : memref<512xf32, #tpu.memory_space<hbm>>) dst(%dma_wait3A_625 : memref<512xf32, #tpu.memory_space<vmem>>)
        %dma_wait3A_627 = arith.constant 512 : i32
        %dma_wait3A_628 = tpu.memref_slice %arg6[%dma_wait3A_627] : memref<8192xf32, #tpu.memory_space<vmem>> -> memref<512xf32, #tpu.memory_space<vmem>>
        %dma_wait3A_629 = tpu.memref_slice %arg2[%add3A_433] : memref<104857600xf32, #tpu.memory_space<hbm>> -> memref<512xf32, #tpu.memory_space<hbm>>
        %dma_wait3A_630 = arith.constant 512 : i32
        %dma_wait3A_631 = tpu.memref_slice %arg6[%dma_wait3A_630] : memref<8192xf32, #tpu.memory_space<vmem>> -> memref<512xf32, #tpu.memory_space<vmem>>
        %dma_wait3A_632 = tpu.memref_slice %arg2[%add3A_433] : memref<104857600xf32, #tpu.memory_space<hbm>> -> memref<512xf32, #tpu.memory_space<hbm>>
        tpu.wait_dma2 semaphore(%arg13 : memref<!tpu.dma_semaphore, #tpu.memory_space<semaphore_mem>>) src(%dma_wait3A_632 : memref<512xf32, #tpu.memory_space<hbm>>) dst(%dma_wait3A_631 : memref<512xf32, #tpu.memory_space<vmem>>)
        %dma_wait3A_633 = arith.constant 1024 : i32
        %dma_wait3A_634 = tpu.memref_slice %arg6[%dma_wait3A_633] : memref<8192xf32, #tpu.memory_space<vmem>> -> memref<512xf32, #tpu.memory_space<vmem>>
        %dma_wait3A_635 = tpu.memref_slice %arg2[%add3A_446] : memref<104857600xf32, #tpu.memory_space<hbm>> -> memref<512xf32, #tpu.memory_space<hbm>>
        %dma_wait3A_636 = arith.constant 1024 : i32
        %dma_wait3A_637 = tpu.memref_slice %arg6[%dma_wait3A_636] : memref<8192xf32, #tpu.memory_space<vmem>> -> memref<512xf32, #tpu.memory_space<vmem>>
        %dma_wait3A_638 = tpu.memref_slice %arg2[%add3A_446] : memref<104857600xf32, #tpu.memory_space<hbm>> -> memref<512xf32, #tpu.memory_space<hbm>>
        tpu.wait_dma2 semaphore(%arg13 : memref<!tpu.dma_semaphore, #tpu.memory_space<semaphore_mem>>) src(%dma_wait3A_638 : memref<512xf32, #tpu.memory_space<hbm>>) dst(%dma_wait3A_637 : memref<512xf32, #tpu.memory_space<vmem>>)
        %dma_wait3A_639 = arith.constant 1536 : i32
        %dma_wait3A_640 = tpu.memref_slice %arg6[%dma_wait3A_639] : memref<8192xf32, #tpu.memory_space<vmem>> -> memref<512xf32, #tpu.memory_space<vmem>>
        %dma_wait3A_641 = tpu.memref_slice %arg2[%add3A_459] : memref<104857600xf32, #tpu.memory_space<hbm>> -> memref<512xf32, #tpu.memory_space<hbm>>
        %dma_wait3A_642 = arith.constant 1536 : i32
        %dma_wait3A_643 = tpu.memref_slice %arg6[%dma_wait3A_642] : memref<8192xf32, #tpu.memory_space<vmem>> -> memref<512xf32, #tpu.memory_space<vmem>>
        %dma_wait3A_644 = tpu.memref_slice %arg2[%add3A_459] : memref<104857600xf32, #tpu.memory_space<hbm>> -> memref<512xf32, #tpu.memory_space<hbm>>
        tpu.wait_dma2 semaphore(%arg13 : memref<!tpu.dma_semaphore, #tpu.memory_space<semaphore_mem>>) src(%dma_wait3A_644 : memref<512xf32, #tpu.memory_space<hbm>>) dst(%dma_wait3A_643 : memref<512xf32, #tpu.memory_space<vmem>>)
        %dma_wait3A_645 = arith.constant 2048 : i32
        %dma_wait3A_646 = tpu.memref_slice %arg6[%dma_wait3A_645] : memref<8192xf32, #tpu.memory_space<vmem>> -> memref<512xf32, #tpu.memory_space<vmem>>
        %dma_wait3A_647 = tpu.memref_slice %arg2[%add3A_472] : memref<104857600xf32, #tpu.memory_space<hbm>> -> memref<512xf32, #tpu.memory_space<hbm>>
        %dma_wait3A_648 = arith.constant 2048 : i32
        %dma_wait3A_649 = tpu.memref_slice %arg6[%dma_wait3A_648] : memref<8192xf32, #tpu.memory_space<vmem>> -> memref<512xf32, #tpu.memory_space<vmem>>
        %dma_wait3A_650 = tpu.memref_slice %arg2[%add3A_472] : memref<104857600xf32, #tpu.memory_space<hbm>> -> memref<512xf32, #tpu.memory_space<hbm>>
        tpu.wait_dma2 semaphore(%arg13 : memref<!tpu.dma_semaphore, #tpu.memory_space<semaphore_mem>>) src(%dma_wait3A_650 : memref<512xf32, #tpu.memory_space<hbm>>) dst(%dma_wait3A_649 : memref<512xf32, #tpu.memory_space<vmem>>)
        %dma_wait3A_651 = arith.constant 2560 : i32
        %dma_wait3A_652 = tpu.memref_slice %arg6[%dma_wait3A_651] : memref<8192xf32, #tpu.memory_space<vmem>> -> memref<512xf32, #tpu.memory_space<vmem>>
        %dma_wait3A_653 = tpu.memref_slice %arg2[%add3A_485] : memref<104857600xf32, #tpu.memory_space<hbm>> -> memref<512xf32, #tpu.memory_space<hbm>>
        %dma_wait3A_654 = arith.constant 2560 : i32
        %dma_wait3A_655 = tpu.memref_slice %arg6[%dma_wait3A_654] : memref<8192xf32, #tpu.memory_space<vmem>> -> memref<512xf32, #tpu.memory_space<vmem>>
        %dma_wait3A_656 = tpu.memref_slice %arg2[%add3A_485] : memref<104857600xf32, #tpu.memory_space<hbm>> -> memref<512xf32, #tpu.memory_space<hbm>>
        tpu.wait_dma2 semaphore(%arg13 : memref<!tpu.dma_semaphore, #tpu.memory_space<semaphore_mem>>) src(%dma_wait3A_656 : memref<512xf32, #tpu.memory_space<hbm>>) dst(%dma_wait3A_655 : memref<512xf32, #tpu.memory_space<vmem>>)
        %dma_wait3A_657 = arith.constant 3072 : i32
        %dma_wait3A_658 = tpu.memref_slice %arg6[%dma_wait3A_657] : memref<8192xf32, #tpu.memory_space<vmem>> -> memref<512xf32, #tpu.memory_space<vmem>>
        %dma_wait3A_659 = tpu.memref_slice %arg2[%add3A_498] : memref<104857600xf32, #tpu.memory_space<hbm>> -> memref<512xf32, #tpu.memory_space<hbm>>
        %dma_wait3A_660 = arith.constant 3072 : i32
        %dma_wait3A_661 = tpu.memref_slice %arg6[%dma_wait3A_660] : memref<8192xf32, #tpu.memory_space<vmem>> -> memref<512xf32, #tpu.memory_space<vmem>>
        %dma_wait3A_662 = tpu.memref_slice %arg2[%add3A_498] : memref<104857600xf32, #tpu.memory_space<hbm>> -> memref<512xf32, #tpu.memory_space<hbm>>
        tpu.wait_dma2 semaphore(%arg13 : memref<!tpu.dma_semaphore, #tpu.memory_space<semaphore_mem>>) src(%dma_wait3A_662 : memref<512xf32, #tpu.memory_space<hbm>>) dst(%dma_wait3A_661 : memref<512xf32, #tpu.memory_space<vmem>>)
        %dma_wait3A_663 = arith.constant 3584 : i32
        %dma_wait3A_664 = tpu.memref_slice %arg6[%dma_wait3A_663] : memref<8192xf32, #tpu.memory_space<vmem>> -> memref<512xf32, #tpu.memory_space<vmem>>
        %dma_wait3A_665 = tpu.memref_slice %arg2[%add3A_511] : memref<104857600xf32, #tpu.memory_space<hbm>> -> memref<512xf32, #tpu.memory_space<hbm>>
        %dma_wait3A_666 = arith.constant 3584 : i32
        %dma_wait3A_667 = tpu.memref_slice %arg6[%dma_wait3A_666] : memref<8192xf32, #tpu.memory_space<vmem>> -> memref<512xf32, #tpu.memory_space<vmem>>
        %dma_wait3A_668 = tpu.memref_slice %arg2[%add3A_511] : memref<104857600xf32, #tpu.memory_space<hbm>> -> memref<512xf32, #tpu.memory_space<hbm>>
        tpu.wait_dma2 semaphore(%arg13 : memref<!tpu.dma_semaphore, #tpu.memory_space<semaphore_mem>>) src(%dma_wait3A_668 : memref<512xf32, #tpu.memory_space<hbm>>) dst(%dma_wait3A_667 : memref<512xf32, #tpu.memory_space<vmem>>)
        %dma_wait3A_669 = arith.constant 4096 : i32
        %dma_wait3A_670 = tpu.memref_slice %arg6[%dma_wait3A_669] : memref<8192xf32, #tpu.memory_space<vmem>> -> memref<512xf32, #tpu.memory_space<vmem>>
        %dma_wait3A_671 = tpu.memref_slice %arg2[%add3A_524] : memref<104857600xf32, #tpu.memory_space<hbm>> -> memref<512xf32, #tpu.memory_space<hbm>>
        %dma_wait3A_672 = arith.constant 4096 : i32
        %dma_wait3A_673 = tpu.memref_slice %arg6[%dma_wait3A_672] : memref<8192xf32, #tpu.memory_space<vmem>> -> memref<512xf32, #tpu.memory_space<vmem>>
        %dma_wait3A_674 = tpu.memref_slice %arg2[%add3A_524] : memref<104857600xf32, #tpu.memory_space<hbm>> -> memref<512xf32, #tpu.memory_space<hbm>>
        tpu.wait_dma2 semaphore(%arg13 : memref<!tpu.dma_semaphore, #tpu.memory_space<semaphore_mem>>) src(%dma_wait3A_674 : memref<512xf32, #tpu.memory_space<hbm>>) dst(%dma_wait3A_673 : memref<512xf32, #tpu.memory_space<vmem>>)
        %dma_wait3A_675 = arith.constant 4608 : i32
        %dma_wait3A_676 = tpu.memref_slice %arg6[%dma_wait3A_675] : memref<8192xf32, #tpu.memory_space<vmem>> -> memref<512xf32, #tpu.memory_space<vmem>>
        %dma_wait3A_677 = tpu.memref_slice %arg2[%add3A_537] : memref<104857600xf32, #tpu.memory_space<hbm>> -> memref<512xf32, #tpu.memory_space<hbm>>
        %dma_wait3A_678 = arith.constant 4608 : i32
        %dma_wait3A_679 = tpu.memref_slice %arg6[%dma_wait3A_678] : memref<8192xf32, #tpu.memory_space<vmem>> -> memref<512xf32, #tpu.memory_space<vmem>>
        %dma_wait3A_680 = tpu.memref_slice %arg2[%add3A_537] : memref<104857600xf32, #tpu.memory_space<hbm>> -> memref<512xf32, #tpu.memory_space<hbm>>
        tpu.wait_dma2 semaphore(%arg13 : memref<!tpu.dma_semaphore, #tpu.memory_space<semaphore_mem>>) src(%dma_wait3A_680 : memref<512xf32, #tpu.memory_space<hbm>>) dst(%dma_wait3A_679 : memref<512xf32, #tpu.memory_space<vmem>>)
        %dma_wait3A_681 = arith.constant 5120 : i32
        %dma_wait3A_682 = tpu.memref_slice %arg6[%dma_wait3A_681] : memref<8192xf32, #tpu.memory_space<vmem>> -> memref<512xf32, #tpu.memory_space<vmem>>
        %dma_wait3A_683 = tpu.memref_slice %arg2[%add3A_550] : memref<104857600xf32, #tpu.memory_space<hbm>> -> memref<512xf32, #tpu.memory_space<hbm>>
        %dma_wait3A_684 = arith.constant 5120 : i32
        %dma_wait3A_685 = tpu.memref_slice %arg6[%dma_wait3A_684] : memref<8192xf32, #tpu.memory_space<vmem>> -> memref<512xf32, #tpu.memory_space<vmem>>
        %dma_wait3A_686 = tpu.memref_slice %arg2[%add3A_550] : memref<104857600xf32, #tpu.memory_space<hbm>> -> memref<512xf32, #tpu.memory_space<hbm>>
        tpu.wait_dma2 semaphore(%arg13 : memref<!tpu.dma_semaphore, #tpu.memory_space<semaphore_mem>>) src(%dma_wait3A_686 : memref<512xf32, #tpu.memory_space<hbm>>) dst(%dma_wait3A_685 : memref<512xf32, #tpu.memory_space<vmem>>)
        %dma_wait3A_687 = arith.constant 5632 : i32
        %dma_wait3A_688 = tpu.memref_slice %arg6[%dma_wait3A_687] : memref<8192xf32, #tpu.memory_space<vmem>> -> memref<512xf32, #tpu.memory_space<vmem>>
        %dma_wait3A_689 = tpu.memref_slice %arg2[%add3A_563] : memref<104857600xf32, #tpu.memory_space<hbm>> -> memref<512xf32, #tpu.memory_space<hbm>>
        %dma_wait3A_690 = arith.constant 5632 : i32
        %dma_wait3A_691 = tpu.memref_slice %arg6[%dma_wait3A_690] : memref<8192xf32, #tpu.memory_space<vmem>> -> memref<512xf32, #tpu.memory_space<vmem>>
        %dma_wait3A_692 = tpu.memref_slice %arg2[%add3A_563] : memref<104857600xf32, #tpu.memory_space<hbm>> -> memref<512xf32, #tpu.memory_space<hbm>>
        tpu.wait_dma2 semaphore(%arg13 : memref<!tpu.dma_semaphore, #tpu.memory_space<semaphore_mem>>) src(%dma_wait3A_692 : memref<512xf32, #tpu.memory_space<hbm>>) dst(%dma_wait3A_691 : memref<512xf32, #tpu.memory_space<vmem>>)
        %dma_wait3A_693 = arith.constant 6144 : i32
        %dma_wait3A_694 = tpu.memref_slice %arg6[%dma_wait3A_693] : memref<8192xf32, #tpu.memory_space<vmem>> -> memref<512xf32, #tpu.memory_space<vmem>>
        %dma_wait3A_695 = tpu.memref_slice %arg2[%add3A_576] : memref<104857600xf32, #tpu.memory_space<hbm>> -> memref<512xf32, #tpu.memory_space<hbm>>
        %dma_wait3A_696 = arith.constant 6144 : i32
        %dma_wait3A_697 = tpu.memref_slice %arg6[%dma_wait3A_696] : memref<8192xf32, #tpu.memory_space<vmem>> -> memref<512xf32, #tpu.memory_space<vmem>>
        %dma_wait3A_698 = tpu.memref_slice %arg2[%add3A_576] : memref<104857600xf32, #tpu.memory_space<hbm>> -> memref<512xf32, #tpu.memory_space<hbm>>
        tpu.wait_dma2 semaphore(%arg13 : memref<!tpu.dma_semaphore, #tpu.memory_space<semaphore_mem>>) src(%dma_wait3A_698 : memref<512xf32, #tpu.memory_space<hbm>>) dst(%dma_wait3A_697 : memref<512xf32, #tpu.memory_space<vmem>>)
        %dma_wait3A_699 = arith.constant 6656 : i32
        %dma_wait3A_700 = tpu.memref_slice %arg6[%dma_wait3A_699] : memref<8192xf32, #tpu.memory_space<vmem>> -> memref<512xf32, #tpu.memory_space<vmem>>
        %dma_wait3A_701 = tpu.memref_slice %arg2[%add3A_589] : memref<104857600xf32, #tpu.memory_space<hbm>> -> memref<512xf32, #tpu.memory_space<hbm>>
        %dma_wait3A_702 = arith.constant 6656 : i32
        %dma_wait3A_703 = tpu.memref_slice %arg6[%dma_wait3A_702] : memref<8192xf32, #tpu.memory_space<vmem>> -> memref<512xf32, #tpu.memory_space<vmem>>
        %dma_wait3A_704 = tpu.memref_slice %arg2[%add3A_589] : memref<104857600xf32, #tpu.memory_space<hbm>> -> memref<512xf32, #tpu.memory_space<hbm>>
        tpu.wait_dma2 semaphore(%arg13 : memref<!tpu.dma_semaphore, #tpu.memory_space<semaphore_mem>>) src(%dma_wait3A_704 : memref<512xf32, #tpu.memory_space<hbm>>) dst(%dma_wait3A_703 : memref<512xf32, #tpu.memory_space<vmem>>)
        %dma_wait3A_705 = arith.constant 7168 : i32
        %dma_wait3A_706 = tpu.memref_slice %arg6[%dma_wait3A_705] : memref<8192xf32, #tpu.memory_space<vmem>> -> memref<512xf32, #tpu.memory_space<vmem>>
        %dma_wait3A_707 = tpu.memref_slice %arg2[%add3A_602] : memref<104857600xf32, #tpu.memory_space<hbm>> -> memref<512xf32, #tpu.memory_space<hbm>>
        %dma_wait3A_708 = arith.constant 7168 : i32
        %dma_wait3A_709 = tpu.memref_slice %arg6[%dma_wait3A_708] : memref<8192xf32, #tpu.memory_space<vmem>> -> memref<512xf32, #tpu.memory_space<vmem>>
        %dma_wait3A_710 = tpu.memref_slice %arg2[%add3A_602] : memref<104857600xf32, #tpu.memory_space<hbm>> -> memref<512xf32, #tpu.memory_space<hbm>>
        tpu.wait_dma2 semaphore(%arg13 : memref<!tpu.dma_semaphore, #tpu.memory_space<semaphore_mem>>) src(%dma_wait3A_710 : memref<512xf32, #tpu.memory_space<hbm>>) dst(%dma_wait3A_709 : memref<512xf32, #tpu.memory_space<vmem>>)
        %dma_wait3A_711 = arith.constant 7680 : i32
        %dma_wait3A_712 = tpu.memref_slice %arg6[%dma_wait3A_711] : memref<8192xf32, #tpu.memory_space<vmem>> -> memref<512xf32, #tpu.memory_space<vmem>>
        %dma_wait3A_713 = tpu.memref_slice %arg2[%add3A_615] : memref<104857600xf32, #tpu.memory_space<hbm>> -> memref<512xf32, #tpu.memory_space<hbm>>
        %dma_wait3A_714 = arith.constant 7680 : i32
        %dma_wait3A_715 = tpu.memref_slice %arg6[%dma_wait3A_714] : memref<8192xf32, #tpu.memory_space<vmem>> -> memref<512xf32, #tpu.memory_space<vmem>>
        %dma_wait3A_716 = tpu.memref_slice %arg2[%add3A_615] : memref<104857600xf32, #tpu.memory_space<hbm>> -> memref<512xf32, #tpu.memory_space<hbm>>
        tpu.wait_dma2 semaphore(%arg13 : memref<!tpu.dma_semaphore, #tpu.memory_space<semaphore_mem>>) src(%dma_wait3A_716 : memref<512xf32, #tpu.memory_space<hbm>>) dst(%dma_wait3A_715 : memref<512xf32, #tpu.memory_space<vmem>>)
        %mul3A_717 = arith.constant 512 : i32
        %mul3A_718 = arith.muli %scan3A_413, %mul3A_717 : i32
        %scan3A_719 = arith.constant 0 : i32
        %scan3A_720 = arith.constant 64 : i32
        %scan3A_721 = arith.addi %scan3A_719, %scan3A_720 : i32
        %scan3A_722 = arith.constant 1 : i32
        %scan3A_723 = scf.for %scan3A_725 = %scan3A_719 to %scan3A_721 step %scan3A_722 iter_args(%scan3A_726 = %scan3A_414) -> (vector<16xi32>)  : i32 {
          %mul3A_727 = arith.constant 8 : i32
          %mul3A_728 = arith.muli %scan3A_725, %mul3A_727 : i32
          %add3A_729 = arith.constant 0 : i32
          %add3A_730 = arith.addi %mul3A_728, %add3A_729 : i32
          %add3A_731 = vector.broadcast %add3A_730 : i32 to vector<16xi32>
          %add3A_732 = arith.addi %mul3A_4, %add3A_731 : vector<16xi32>
          %gather3A = tpu.vector_load_idx %arg6[%add3A_732] : memref<8192xf32, #tpu.memory_space<vmem>>[vector<16xi32>], vector<16xf32>,
          %lt3A = arith.cmpf olt, %gather3A, %get3A_16 : vector<16xf32>
          %lt3A_733 = arith.constant 3072 : i32
          %lt3A_734 = vector.broadcast %lt3A_733 : i32 to vector<16xi32>
          %lt3A_735 = arith.cmpi slt, %scan3A_726, %lt3A_734 : vector<16xi32>
          %and3A_736 = arith.andi %lt3A, %lt3A_735 : vector<16xi1>
          %add3A_737 = arith.addi %scan3A_726, %iota3A : vector<16xi32>
          tpu.vector_store_idx %arg7[%add3A_737], %gather3A masked %and3A_736 : memref<3072xf32, #tpu.memory_space<vmem>>[vector<16xi32>], vector<16xf32>, vector<16xi1>
          %add3A_738 = arith.addi %scan3A_726, %iota3A : vector<16xi32>
          %add3A_739 = arith.addi %mul3A_718, %add3A_730 : i32
          %broadcast_in_dim3A_740 = vector.broadcast %add3A_739 : i32 to vector<16xi32>
          tpu.vector_store_idx %arg8[%add3A_738], %broadcast_in_dim3A_740 masked %and3A_736 : memref<3072xi32, #tpu.memory_space<vmem>>[vector<16xi32>], vector<16xi32>, vector<16xi1>
          %jit3A_741 = arith.constant 16 : i32
          %jit3A_742 = arith.constant 0 : i32
          %broadcast_in_dim3A_743 = vector.broadcast %jit3A_741 : i32 to vector<16xi32>
          %broadcast_in_dim3A_744 = vector.broadcast %jit3A_742 : i32 to vector<16xi32>
          %select_n3A_745 = arith.select %and3A_736, %broadcast_in_dim3A_743, %broadcast_in_dim3A_744 : vector<16xi1>, vector<16xi32>
          %add3A_746 = arith.addi %scan3A_726, %select_n3A_745 : vector<16xi32>
          %mul3A_747 = arith.constant 8 : i32
          %mul3A_748 = arith.muli %scan3A_725, %mul3A_747 : i32
          %add3A_749 = arith.constant 1 : i32
          %add3A_750 = arith.addi %mul3A_748, %add3A_749 : i32
          %add3A_751 = vector.broadcast %add3A_750 : i32 to vector<16xi32>
          %add3A_752 = arith.addi %mul3A_4, %add3A_751 : vector<16xi32>
          %gather3A_753 = tpu.vector_load_idx %arg6[%add3A_752] : memref<8192xf32, #tpu.memory_space<vmem>>[vector<16xi32>], vector<16xf32>,
          %lt3A_754 = arith.cmpf olt, %gather3A_753, %get3A_16 : vector<16xf32>
          %lt3A_755 = arith.constant 3072 : i32
          %lt3A_756 = vector.broadcast %lt3A_755 : i32 to vector<16xi32>
          %lt3A_757 = arith.cmpi slt, %add3A_746, %lt3A_756 : vector<16xi32>
          %and3A_758 = arith.andi %lt3A_754, %lt3A_757 : vector<16xi1>
          %add3A_759 = arith.addi %add3A_746, %iota3A : vector<16xi32>
          tpu.vector_store_idx %arg7[%add3A_759], %gather3A_753 masked %and3A_758 : memref<3072xf32, #tpu.memory_space<vmem>>[vector<16xi32>], vector<16xf32>, vector<16xi1>
          %add3A_760 = arith.addi %add3A_746, %iota3A : vector<16xi32>
          %add3A_761 = arith.addi %mul3A_718, %add3A_750 : i32
          %broadcast_in_dim3A_762 = vector.broadcast %add3A_761 : i32 to vector<16xi32>
          tpu.vector_store_idx %arg8[%add3A_760], %broadcast_in_dim3A_762 masked %and3A_758 : memref<3072xi32, #tpu.memory_space<vmem>>[vector<16xi32>], vector<16xi32>, vector<16xi1>
          %jit3A_763 = arith.constant 16 : i32
          %jit3A_764 = arith.constant 0 : i32
          %broadcast_in_dim3A_765 = vector.broadcast %jit3A_763 : i32 to vector<16xi32>
          %broadcast_in_dim3A_766 = vector.broadcast %jit3A_764 : i32 to vector<16xi32>
          %select_n3A_767 = arith.select %and3A_758, %broadcast_in_dim3A_765, %broadcast_in_dim3A_766 : vector<16xi1>, vector<16xi32>
          %add3A_768 = arith.addi %add3A_746, %select_n3A_767 : vector<16xi32>
          %mul3A_769 = arith.constant 8 : i32
          %mul3A_770 = arith.muli %scan3A_725, %mul3A_769 : i32
          %add3A_771 = arith.constant 2 : i32
          %add3A_772 = arith.addi %mul3A_770, %add3A_771 : i32
          %add3A_773 = vector.broadcast %add3A_772 : i32 to vector<16xi32>
          %add3A_774 = arith.addi %mul3A_4, %add3A_773 : vector<16xi32>
          %gather3A_775 = tpu.vector_load_idx %arg6[%add3A_774] : memref<8192xf32, #tpu.memory_space<vmem>>[vector<16xi32>], vector<16xf32>,
          %lt3A_776 = arith.cmpf olt, %gather3A_775, %get3A_16 : vector<16xf32>
          %lt3A_777 = arith.constant 3072 : i32
          %lt3A_778 = vector.broadcast %lt3A_777 : i32 to vector<16xi32>
          %lt3A_779 = arith.cmpi slt, %add3A_768, %lt3A_778 : vector<16xi32>
          %and3A_780 = arith.andi %lt3A_776, %lt3A_779 : vector<16xi1>
          %add3A_781 = arith.addi %add3A_768, %iota3A : vector<16xi32>
          tpu.vector_store_idx %arg7[%add3A_781], %gather3A_775 masked %and3A_780 : memref<3072xf32, #tpu.memory_space<vmem>>[vector<16xi32>], vector<16xf32>, vector<16xi1>
          %add3A_782 = arith.addi %add3A_768, %iota3A : vector<16xi32>
          %add3A_783 = arith.addi %mul3A_718, %add3A_772 : i32
          %broadcast_in_dim3A_784 = vector.broadcast %add3A_783 : i32 to vector<16xi32>
          tpu.vector_store_idx %arg8[%add3A_782], %broadcast_in_dim3A_784 masked %and3A_780 : memref<3072xi32, #tpu.memory_space<vmem>>[vector<16xi32>], vector<16xi32>, vector<16xi1>
          %jit3A_785 = arith.constant 16 : i32
          %jit3A_786 = arith.constant 0 : i32
          %broadcast_in_dim3A_787 = vector.broadcast %jit3A_785 : i32 to vector<16xi32>
          %broadcast_in_dim3A_788 = vector.broadcast %jit3A_786 : i32 to vector<16xi32>
          %select_n3A_789 = arith.select %and3A_780, %broadcast_in_dim3A_787, %broadcast_in_dim3A_788 : vector<16xi1>, vector<16xi32>
          %add3A_790 = arith.addi %add3A_768, %select_n3A_789 : vector<16xi32>
          %mul3A_791 = arith.constant 8 : i32
          %mul3A_792 = arith.muli %scan3A_725, %mul3A_791 : i32
          %add3A_793 = arith.constant 3 : i32
          %add3A_794 = arith.addi %mul3A_792, %add3A_793 : i32
          %add3A_795 = vector.broadcast %add3A_794 : i32 to vector<16xi32>
          %add3A_796 = arith.addi %mul3A_4, %add3A_795 : vector<16xi32>
          %gather3A_797 = tpu.vector_load_idx %arg6[%add3A_796] : memref<8192xf32, #tpu.memory_space<vmem>>[vector<16xi32>], vector<16xf32>,
          %lt3A_798 = arith.cmpf olt, %gather3A_797, %get3A_16 : vector<16xf32>
          %lt3A_799 = arith.constant 3072 : i32
          %lt3A_800 = vector.broadcast %lt3A_799 : i32 to vector<16xi32>
          %lt3A_801 = arith.cmpi slt, %add3A_790, %lt3A_800 : vector<16xi32>
          %and3A_802 = arith.andi %lt3A_798, %lt3A_801 : vector<16xi1>
          %add3A_803 = arith.addi %add3A_790, %iota3A : vector<16xi32>
          tpu.vector_store_idx %arg7[%add3A_803], %gather3A_797 masked %and3A_802 : memref<3072xf32, #tpu.memory_space<vmem>>[vector<16xi32>], vector<16xf32>, vector<16xi1>
          %add3A_804 = arith.addi %add3A_790, %iota3A : vector<16xi32>
          %add3A_805 = arith.addi %mul3A_718, %add3A_794 : i32
          %broadcast_in_dim3A_806 = vector.broadcast %add3A_805 : i32 to vector<16xi32>
          tpu.vector_store_idx %arg8[%add3A_804], %broadcast_in_dim3A_806 masked %and3A_802 : memref<3072xi32, #tpu.memory_space<vmem>>[vector<16xi32>], vector<16xi32>, vector<16xi1>
          %jit3A_807 = arith.constant 16 : i32
          %jit3A_808 = arith.constant 0 : i32
          %broadcast_in_dim3A_809 = vector.broadcast %jit3A_807 : i32 to vector<16xi32>
          %broadcast_in_dim3A_810 = vector.broadcast %jit3A_808 : i32 to vector<16xi32>
          %select_n3A_811 = arith.select %and3A_802, %broadcast_in_dim3A_809, %broadcast_in_dim3A_810 : vector<16xi1>, vector<16xi32>
          %add3A_812 = arith.addi %add3A_790, %select_n3A_811 : vector<16xi32>
          %mul3A_813 = arith.constant 8 : i32
          %mul3A_814 = arith.muli %scan3A_725, %mul3A_813 : i32
          %add3A_815 = arith.constant 4 : i32
          %add3A_816 = arith.addi %mul3A_814, %add3A_815 : i32
          %add3A_817 = vector.broadcast %add3A_816 : i32 to vector<16xi32>
          %add3A_818 = arith.addi %mul3A_4, %add3A_817 : vector<16xi32>
          %gather3A_819 = tpu.vector_load_idx %arg6[%add3A_818] : memref<8192xf32, #tpu.memory_space<vmem>>[vector<16xi32>], vector<16xf32>,
          %lt3A_820 = arith.cmpf olt, %gather3A_819, %get3A_16 : vector<16xf32>
          %lt3A_821 = arith.constant 3072 : i32
          %lt3A_822 = vector.broadcast %lt3A_821 : i32 to vector<16xi32>
          %lt3A_823 = arith.cmpi slt, %add3A_812, %lt3A_822 : vector<16xi32>
          %and3A_824 = arith.andi %lt3A_820, %lt3A_823 : vector<16xi1>
          %add3A_825 = arith.addi %add3A_812, %iota3A : vector<16xi32>
          tpu.vector_store_idx %arg7[%add3A_825], %gather3A_819 masked %and3A_824 : memref<3072xf32, #tpu.memory_space<vmem>>[vector<16xi32>], vector<16xf32>, vector<16xi1>
          %add3A_826 = arith.addi %add3A_812, %iota3A : vector<16xi32>
          %add3A_827 = arith.addi %mul3A_718, %add3A_816 : i32
          %broadcast_in_dim3A_828 = vector.broadcast %add3A_827 : i32 to vector<16xi32>
          tpu.vector_store_idx %arg8[%add3A_826], %broadcast_in_dim3A_828 masked %and3A_824 : memref<3072xi32, #tpu.memory_space<vmem>>[vector<16xi32>], vector<16xi32>, vector<16xi1>
          %jit3A_829 = arith.constant 16 : i32
          %jit3A_830 = arith.constant 0 : i32
          %broadcast_in_dim3A_831 = vector.broadcast %jit3A_829 : i32 to vector<16xi32>
          %broadcast_in_dim3A_832 = vector.broadcast %jit3A_830 : i32 to vector<16xi32>
          %select_n3A_833 = arith.select %and3A_824, %broadcast_in_dim3A_831, %broadcast_in_dim3A_832 : vector<16xi1>, vector<16xi32>
          %add3A_834 = arith.addi %add3A_812, %select_n3A_833 : vector<16xi32>
          %mul3A_835 = arith.constant 8 : i32
          %mul3A_836 = arith.muli %scan3A_725, %mul3A_835 : i32
          %add3A_837 = arith.constant 5 : i32
          %add3A_838 = arith.addi %mul3A_836, %add3A_837 : i32
          %add3A_839 = vector.broadcast %add3A_838 : i32 to vector<16xi32>
          %add3A_840 = arith.addi %mul3A_4, %add3A_839 : vector<16xi32>
          %gather3A_841 = tpu.vector_load_idx %arg6[%add3A_840] : memref<8192xf32, #tpu.memory_space<vmem>>[vector<16xi32>], vector<16xf32>,
          %lt3A_842 = arith.cmpf olt, %gather3A_841, %get3A_16 : vector<16xf32>
          %lt3A_843 = arith.constant 3072 : i32
          %lt3A_844 = vector.broadcast %lt3A_843 : i32 to vector<16xi32>
          %lt3A_845 = arith.cmpi slt, %add3A_834, %lt3A_844 : vector<16xi32>
          %and3A_846 = arith.andi %lt3A_842, %lt3A_845 : vector<16xi1>
          %add3A_847 = arith.addi %add3A_834, %iota3A : vector<16xi32>
          tpu.vector_store_idx %arg7[%add3A_847], %gather3A_841 masked %and3A_846 : memref<3072xf32, #tpu.memory_space<vmem>>[vector<16xi32>], vector<16xf32>, vector<16xi1>
          %add3A_848 = arith.addi %add3A_834, %iota3A : vector<16xi32>
          %add3A_849 = arith.addi %mul3A_718, %add3A_838 : i32
          %broadcast_in_dim3A_850 = vector.broadcast %add3A_849 : i32 to vector<16xi32>
          tpu.vector_store_idx %arg8[%add3A_848], %broadcast_in_dim3A_850 masked %and3A_846 : memref<3072xi32, #tpu.memory_space<vmem>>[vector<16xi32>], vector<16xi32>, vector<16xi1>
          %jit3A_851 = arith.constant 16 : i32
          %jit3A_852 = arith.constant 0 : i32
          %broadcast_in_dim3A_853 = vector.broadcast %jit3A_851 : i32 to vector<16xi32>
          %broadcast_in_dim3A_854 = vector.broadcast %jit3A_852 : i32 to vector<16xi32>
          %select_n3A_855 = arith.select %and3A_846, %broadcast_in_dim3A_853, %broadcast_in_dim3A_854 : vector<16xi1>, vector<16xi32>
          %add3A_856 = arith.addi %add3A_834, %select_n3A_855 : vector<16xi32>
          %mul3A_857 = arith.constant 8 : i32
          %mul3A_858 = arith.muli %scan3A_725, %mul3A_857 : i32
          %add3A_859 = arith.constant 6 : i32
          %add3A_860 = arith.addi %mul3A_858, %add3A_859 : i32
          %add3A_861 = vector.broadcast %add3A_860 : i32 to vector<16xi32>
          %add3A_862 = arith.addi %mul3A_4, %add3A_861 : vector<16xi32>
          %gather3A_863 = tpu.vector_load_idx %arg6[%add3A_862] : memref<8192xf32, #tpu.memory_space<vmem>>[vector<16xi32>], vector<16xf32>,
          %lt3A_864 = arith.cmpf olt, %gather3A_863, %get3A_16 : vector<16xf32>
          %lt3A_865 = arith.constant 3072 : i32
          %lt3A_866 = vector.broadcast %lt3A_865 : i32 to vector<16xi32>
          %lt3A_867 = arith.cmpi slt, %add3A_856, %lt3A_866 : vector<16xi32>
          %and3A_868 = arith.andi %lt3A_864, %lt3A_867 : vector<16xi1>
          %add3A_869 = arith.addi %add3A_856, %iota3A : vector<16xi32>
          tpu.vector_store_idx %arg7[%add3A_869], %gather3A_863 masked %and3A_868 : memref<3072xf32, #tpu.memory_space<vmem>>[vector<16xi32>], vector<16xf32>, vector<16xi1>
          %add3A_870 = arith.addi %add3A_856, %iota3A : vector<16xi32>
          %add3A_871 = arith.addi %mul3A_718, %add3A_860 : i32
          %broadcast_in_dim3A_872 = vector.broadcast %add3A_871 : i32 to vector<16xi32>
          tpu.vector_store_idx %arg8[%add3A_870], %broadcast_in_dim3A_872 masked %and3A_868 : memref<3072xi32, #tpu.memory_space<vmem>>[vector<16xi32>], vector<16xi32>, vector<16xi1>
          %jit3A_873 = arith.constant 16 : i32
          %jit3A_874 = arith.constant 0 : i32
          %broadcast_in_dim3A_875 = vector.broadcast %jit3A_873 : i32 to vector<16xi32>
          %broadcast_in_dim3A_876 = vector.broadcast %jit3A_874 : i32 to vector<16xi32>
          %select_n3A_877 = arith.select %and3A_868, %broadcast_in_dim3A_875, %broadcast_in_dim3A_876 : vector<16xi1>, vector<16xi32>
          %add3A_878 = arith.addi %add3A_856, %select_n3A_877 : vector<16xi32>
          %mul3A_879 = arith.constant 8 : i32
          %mul3A_880 = arith.muli %scan3A_725, %mul3A_879 : i32
          %add3A_881 = arith.constant 7 : i32
          %add3A_882 = arith.addi %mul3A_880, %add3A_881 : i32
          %add3A_883 = vector.broadcast %add3A_882 : i32 to vector<16xi32>
          %add3A_884 = arith.addi %mul3A_4, %add3A_883 : vector<16xi32>
          %gather3A_885 = tpu.vector_load_idx %arg6[%add3A_884] : memref<8192xf32, #tpu.memory_space<vmem>>[vector<16xi32>], vector<16xf32>,
          %lt3A_886 = arith.cmpf olt, %gather3A_885, %get3A_16 : vector<16xf32>
          %lt3A_887 = arith.constant 3072 : i32
          %lt3A_888 = vector.broadcast %lt3A_887 : i32 to vector<16xi32>
          %lt3A_889 = arith.cmpi slt, %add3A_878, %lt3A_888 : vector<16xi32>
          %and3A_890 = arith.andi %lt3A_886, %lt3A_889 : vector<16xi1>
          %add3A_891 = arith.addi %add3A_878, %iota3A : vector<16xi32>
          tpu.vector_store_idx %arg7[%add3A_891], %gather3A_885 masked %and3A_890 : memref<3072xf32, #tpu.memory_space<vmem>>[vector<16xi32>], vector<16xf32>, vector<16xi1>
          %add3A_892 = arith.addi %add3A_878, %iota3A : vector<16xi32>
          %add3A_893 = arith.addi %mul3A_718, %add3A_882 : i32
          %broadcast_in_dim3A_894 = vector.broadcast %add3A_893 : i32 to vector<16xi32>
          tpu.vector_store_idx %arg8[%add3A_892], %broadcast_in_dim3A_894 masked %and3A_890 : memref<3072xi32, #tpu.memory_space<vmem>>[vector<16xi32>], vector<16xi32>, vector<16xi1>
          %jit3A_895 = arith.constant 16 : i32
          %jit3A_896 = arith.constant 0 : i32
          %broadcast_in_dim3A_897 = vector.broadcast %jit3A_895 : i32 to vector<16xi32>
          %broadcast_in_dim3A_898 = vector.broadcast %jit3A_896 : i32 to vector<16xi32>
          %select_n3A_899 = arith.select %and3A_890, %broadcast_in_dim3A_897, %broadcast_in_dim3A_898 : vector<16xi1>, vector<16xi32>
          %add3A_900 = arith.addi %add3A_878, %select_n3A_899 : vector<16xi32>
          scf.yield %add3A_900 : vector<16xi32>
        }
        %scan3A_724 = arith.constant 64 : i32
        scf.yield %scan3A_723 : vector<16xi32>
      }
      %scan3A_28 = arith.constant 20 : i32
      %reduce_max3A = arith.constant true
      %reduce_max3A_29 = vector.broadcast %reduce_max3A : i1 to vector<16xi1>
      %reduce_max3A_30 = arith.constant -2147483648 : i32
      %reduce_max3A_31 = vector.broadcast %reduce_max3A_30 : i32 to vector<16xi32>
      %reduce_max3A_32 = arith.xori %scan3A_27, %reduce_max3A_31 : vector<16xi32>
      %reduce_max3A_33 = tpu.scan <max>, %reduce_max3A_32 masked %reduce_max3A_29 : vector<16xi32>, vector<16xi1> -> vector<16xi32>
      %reduce_max3A_34 = arith.xori %reduce_max3A_33, %reduce_max3A_31 : vector<16xi32>
      %reduce_max3A_35 = vector.extract %reduce_max3A_34[15] : i32 from vector<16xi32>
      %jit3A = arith.constant 16 : i32
      %div3A = arith.divsi %reduce_max3A_35, %jit3A : i32
      %sign3A = arith.constant 0 : i32
      %sign3A_36 = arith.cmpi sgt, %reduce_max3A_35, %sign3A : i32
      %sign3A_37 = arith.extui %sign3A_36 : i1 to i32
      %sign3A_38 = arith.constant 0 : i32
      %sign3A_39 = arith.cmpi slt, %reduce_max3A_35, %sign3A_38 : i32
      %sign3A_40 = arith.extui %sign3A_39 : i1 to i32
      %sign3A_41 = arith.subi %sign3A_37, %sign3A_40 : i32
      %sign3A_42 = arith.constant 0 : i32
      %sign3A_43 = arith.cmpi sgt, %jit3A, %sign3A_42 : i32
      %sign3A_44 = arith.extui %sign3A_43 : i1 to i32
      %sign3A_45 = arith.constant 0 : i32
      %sign3A_46 = arith.cmpi slt, %jit3A, %sign3A_45 : i32
      %sign3A_47 = arith.extui %sign3A_46 : i1 to i32
      %sign3A_48 = arith.subi %sign3A_44, %sign3A_47 : i32
      %ne3A = arith.cmpi ne, %sign3A_41, %sign3A_48 : i32
      %rem3A = arith.remsi %reduce_max3A_35, %jit3A : i32
      %ne3A_49 = arith.constant 0 : i32
      %ne3A_50 = arith.cmpi ne, %rem3A, %ne3A_49 : i32
      %and3A = arith.andi %ne3A, %ne3A_50 : i1
      %sub3A = arith.constant 1 : i32
      %sub3A_51 = arith.subi %div3A, %sub3A : i32
      %select_n3A = arith.select %and3A, %sub3A_51, %div3A : i32
      %scan3A_52 = arith.constant 0 : i32
      %scan3A_53 = arith.constant 31 : i32
      %scan3A_54 = arith.addi %scan3A_52, %scan3A_53 : i32
      %scan3A_55 = arith.constant 1 : i32
      %scan3A_56 = scf.for %scan3A_413 = %scan3A_52 to %scan3A_54 step %scan3A_55 iter_args(%scan3A_414 = %broadcast_in_dim3A_1) -> (vector<16xi32>)  : i32 {
        %sub3A_415 = arith.constant 30 : i32
        %sub3A_416 = arith.subi %sub3A_415, %scan3A_413 : i32
        %shift_left3A = arith.constant 1 : i32
        %shift_left3A_417 = arith.shli %shift_left3A, %sub3A_416 : i32
        %add3A_418 = vector.broadcast %shift_left3A_417 : i32 to vector<16xi32>
        %add3A_419 = arith.addi %scan3A_414, %add3A_418 : vector<16xi32>
        %while3A_420 = arith.constant 0 : i32
        %while3A_421 = arith.subi %select_n3A, %while3A_420 : i32
        %while3A_422 = arith.addi %while3A_420, %while3A_421 : i32
        %while3A_423 = arith.constant 1 : i32
        %while3A_424 = arith.divsi %while3A_421, %while3A_423 : i32
        %while3A_425 = arith.muli %while3A_424, %while3A_423 : i32
        %while3A_426 = arith.addi %while3A_420, %while3A_425 : i32
        %while3A_427 = arith.constant 1 : i32
        %while3A_428 = scf.for %while3A_434 = %while3A_420 to %while3A_426 step %while3A_427 iter_args(%while3A_435 = %broadcast_in_dim3A_1) -> (vector<16xi32>)  : i32 {
          %mul3A_436 = arith.constant 16 : i32
          %mul3A_437 = arith.muli %while3A_434, %mul3A_436 : i32
          %get3A_438 = arith.index_cast %mul3A_437 : i32 to index
          %get3A_439 = tpu.vector_load %arg7[%get3A_438] {strides = array<i32>} : memref<3072xf32, #tpu.memory_space<vmem>>, vector<16xf32>,
          %bitcast3A = vector.bitcast %get3A_439 : vector<16xf32> to vector<16xi32>
          %lt3A = arith.cmpi slt, %bitcast3A, %add3A_419 : vector<16xi32>
          %jit3A_440 = arith.constant 1 : i32
          %jit3A_441 = arith.constant 0 : i32
          %broadcast_in_dim3A_442 = vector.broadcast %jit3A_440 : i32 to vector<16xi32>
          %broadcast_in_dim3A_443 = vector.broadcast %jit3A_441 : i32 to vector<16xi32>
          %select_n3A_444 = arith.select %lt3A, %broadcast_in_dim3A_442, %broadcast_in_dim3A_443 : vector<16xi1>, vector<16xi32>
          %add3A_445 = arith.addi %while3A_435, %select_n3A_444 : vector<16xi32>
          scf.yield %add3A_445 : vector<16xi32>
        }
        %while3A_429 = arith.constant 1 : i32
        %while3A_430 = scf.for %while3A_434 = %while3A_426 to %while3A_422 step %while3A_429 iter_args(%while3A_435 = %while3A_428) -> (vector<16xi32>)  : i32 {
          %mul3A_436 = arith.constant 16 : i32
          %mul3A_437 = arith.muli %while3A_434, %mul3A_436 : i32
          %get3A_438 = arith.index_cast %mul3A_437 : i32 to index
          %get3A_439 = tpu.vector_load %arg7[%get3A_438] {strides = array<i32>} : memref<3072xf32, #tpu.memory_space<vmem>>, vector<16xf32>,
          %bitcast3A = vector.bitcast %get3A_439 : vector<16xf32> to vector<16xi32>
          %lt3A = arith.cmpi slt, %bitcast3A, %add3A_419 : vector<16xi32>
          %jit3A_440 = arith.constant 1 : i32
          %jit3A_441 = arith.constant 0 : i32
          %broadcast_in_dim3A_442 = vector.broadcast %jit3A_440 : i32 to vector<16xi32>
          %broadcast_in_dim3A_443 = vector.broadcast %jit3A_441 : i32 to vector<16xi32>
          %select_n3A_444 = arith.select %lt3A, %broadcast_in_dim3A_442, %broadcast_in_dim3A_443 : vector<16xi1>, vector<16xi32>
          %add3A_445 = arith.addi %while3A_435, %select_n3A_444 : vector<16xi32>
          scf.yield %add3A_445 : vector<16xi32>
        }
        %le3A = arith.constant 39 : i32
        %le3A_431 = vector.broadcast %le3A : i32 to vector<16xi32>
        %le3A_432 = arith.cmpi sle, %while3A_430, %le3A_431 : vector<16xi32>
        %select_n3A_433 = arith.select %le3A_432, %add3A_419, %scan3A_414 : vector<16xi1>, vector<16xi32>
        scf.yield %select_n3A_433 : vector<16xi32>
      }
      %scan3A_57 = arith.constant 31 : i32
      %while3A = arith.constant 0 : i32
      %while3A_58 = arith.subi %select_n3A, %while3A : i32
      %while3A_59 = arith.addi %while3A, %while3A_58 : i32
      %while3A_60 = arith.constant 1 : i32
      %while3A_61 = arith.divsi %while3A_58, %while3A_60 : i32
      %while3A_62 = arith.muli %while3A_61, %while3A_60 : i32
      %while3A_63 = arith.addi %while3A, %while3A_62 : i32
      %while3A_64 = arith.constant 1 : i32
      %while3A_65 = scf.for %while3A_413 = %while3A to %while3A_63 step %while3A_64 iter_args(%while3A_414 = %broadcast_in_dim3A_1) -> (vector<16xi32>)  : i32 {
        %mul3A_415 = arith.constant 16 : i32
        %mul3A_416 = arith.muli %while3A_413, %mul3A_415 : i32
        %get3A_417 = arith.index_cast %mul3A_416 : i32 to index
        %get3A_418 = tpu.vector_load %arg7[%get3A_417] {strides = array<i32>} : memref<3072xf32, #tpu.memory_space<vmem>>, vector<16xf32>,
        %bitcast3A = vector.bitcast %get3A_418 : vector<16xf32> to vector<16xi32>
        %lt3A = arith.cmpi slt, %bitcast3A, %scan3A_56 : vector<16xi32>
        %jit3A_419 = arith.constant 1 : i32
        %jit3A_420 = arith.constant 0 : i32
        %broadcast_in_dim3A_421 = vector.broadcast %jit3A_419 : i32 to vector<16xi32>
        %broadcast_in_dim3A_422 = vector.broadcast %jit3A_420 : i32 to vector<16xi32>
        %select_n3A_423 = arith.select %lt3A, %broadcast_in_dim3A_421, %broadcast_in_dim3A_422 : vector<16xi1>, vector<16xi32>
        %add3A_424 = arith.addi %while3A_414, %select_n3A_423 : vector<16xi32>
        scf.yield %add3A_424 : vector<16xi32>
      }
      %while3A_66 = arith.constant 1 : i32
      %while3A_67 = scf.for %while3A_413 = %while3A_63 to %while3A_59 step %while3A_66 iter_args(%while3A_414 = %while3A_65) -> (vector<16xi32>)  : i32 {
        %mul3A_415 = arith.constant 16 : i32
        %mul3A_416 = arith.muli %while3A_413, %mul3A_415 : i32
        %get3A_417 = arith.index_cast %mul3A_416 : i32 to index
        %get3A_418 = tpu.vector_load %arg7[%get3A_417] {strides = array<i32>} : memref<3072xf32, #tpu.memory_space<vmem>>, vector<16xf32>,
        %bitcast3A = vector.bitcast %get3A_418 : vector<16xf32> to vector<16xi32>
        %lt3A = arith.cmpi slt, %bitcast3A, %scan3A_56 : vector<16xi32>
        %jit3A_419 = arith.constant 1 : i32
        %jit3A_420 = arith.constant 0 : i32
        %broadcast_in_dim3A_421 = vector.broadcast %jit3A_419 : i32 to vector<16xi32>
        %broadcast_in_dim3A_422 = vector.broadcast %jit3A_420 : i32 to vector<16xi32>
        %select_n3A_423 = arith.select %lt3A, %broadcast_in_dim3A_421, %broadcast_in_dim3A_422 : vector<16xi1>, vector<16xi32>
        %add3A_424 = arith.addi %while3A_414, %select_n3A_423 : vector<16xi32>
        scf.yield %add3A_424 : vector<16xi32>
      }
      %sub3A_68 = arith.constant 40 : i32
      %sub3A_69 = vector.broadcast %sub3A_68 : i32 to vector<16xi32>
      %sub3A_70 = arith.subi %sub3A_69, %while3A_67 : vector<16xi32>
      %scan3A_71 = arith.constant 0 : i32
      %scan3A_72 = arith.constant 0 : i32
      %scan3A_73 = arith.constant 40 : i32
      %scan3A_74 = arith.addi %scan3A_72, %scan3A_73 : i32
      %scan3A_75 = arith.constant 1 : i32
      scf.for %scan3A_413 = %scan3A_72 to %scan3A_74 step %scan3A_75  : i32 {
        %mul3A_414 = arith.constant 16 : i32
        %mul3A_415 = arith.muli %scan3A_413, %mul3A_414 : i32
        %swap3A_416 = arith.index_cast %mul3A_415 : i32 to index
        %swap3A_417 = tpu.vector_load %arg10[%swap3A_416] {strides = array<i32>} : memref<640xi32, #tpu.memory_space<vmem>>, vector<16xi32>,
        tpu.vector_store %arg10[%swap3A_416], %broadcast_in_dim3A_1 {strides = array<i32>} : memref<640xi32, #tpu.memory_space<vmem>>, vector<16xi32>,
        %broadcast_in_dim3A_418 = arith.constant 0.000000e+00 : f32
        %broadcast_in_dim3A_419 = vector.broadcast %broadcast_in_dim3A_418 : f32 to vector<16xf32>
        %mul3A_420 = arith.constant 16 : i32
        %mul3A_421 = arith.muli %scan3A_413, %mul3A_420 : i32
        %swap3A_422 = arith.index_cast %mul3A_421 : i32 to index
        %swap3A_423 = tpu.vector_load %arg11[%swap3A_422] {strides = array<i32>} : memref<640xf32, #tpu.memory_space<vmem>>, vector<16xf32>,
        tpu.vector_store %arg11[%swap3A_422], %broadcast_in_dim3A_419 {strides = array<i32>} : memref<640xf32, #tpu.memory_space<vmem>>, vector<16xf32>,
      }
      %scan3A_76 = arith.constant 40 : i32
      %while3A_77 = arith.constant 0 : i32
      %while3A_78 = arith.subi %select_n3A, %while3A_77 : i32
      %while3A_79 = arith.addi %while3A_77, %while3A_78 : i32
      %while3A_80 = arith.constant 1 : i32
      %while3A_81 = arith.divsi %while3A_78, %while3A_80 : i32
      %while3A_82 = arith.muli %while3A_81, %while3A_80 : i32
      %while3A_83 = arith.addi %while3A_77, %while3A_82 : i32
      %while3A_84 = arith.constant 1 : i32
      %while3A_85:2 = scf.for %while3A_413 = %while3A_77 to %while3A_83 step %while3A_84 iter_args(%while3A_414 = %iota3A, %while3A_415 = %broadcast_in_dim3A_1) -> (vector<16xi32>, vector<16xi32>)  : i32 {
        %mul3A_416 = arith.constant 16 : i32
        %mul3A_417 = arith.muli %while3A_413, %mul3A_416 : i32
        %get3A_418 = arith.index_cast %mul3A_417 : i32 to index
        %get3A_419 = tpu.vector_load %arg7[%get3A_418] {strides = array<i32>} : memref<3072xf32, #tpu.memory_space<vmem>>, vector<16xf32>,
        %bitcast3A = vector.bitcast %get3A_419 : vector<16xf32> to vector<16xi32>
        %lt3A = arith.cmpi slt, %bitcast3A, %scan3A_56 : vector<16xi32>
        %eq3A = arith.cmpi eq, %bitcast3A, %scan3A_56 : vector<16xi32>
        %lt3A_420 = arith.cmpi slt, %while3A_415, %sub3A_70 : vector<16xi32>
        %and3A_421 = arith.andi %eq3A, %lt3A_420 : vector<16xi1>
        %or3A = arith.ori %lt3A, %and3A_421 : vector<16xi1>
        %lt3A_422 = arith.constant 640 : i32
        %lt3A_423 = vector.broadcast %lt3A_422 : i32 to vector<16xi32>
        %lt3A_424 = arith.cmpi slt, %while3A_414, %lt3A_423 : vector<16xi32>
        %and3A_425 = arith.andi %or3A, %lt3A_424 : vector<16xi1>
        %mul3A_426 = arith.constant 16 : i32
        %mul3A_427 = arith.muli %while3A_413, %mul3A_426 : i32
        %get3A_428 = arith.index_cast %mul3A_427 : i32 to index
        %get3A_429 = tpu.vector_load %arg8[%get3A_428] {strides = array<i32>} : memref<3072xi32, #tpu.memory_space<vmem>>, vector<16xi32>,
        tpu.vector_store_idx %arg10[%while3A_414], %get3A_429 masked %and3A_425 : memref<640xi32, #tpu.memory_space<vmem>>[vector<16xi32>], vector<16xi32>, vector<16xi1>
        tpu.vector_store_idx %arg11[%while3A_414], %get3A_419 masked %and3A_425 : memref<640xf32, #tpu.memory_space<vmem>>[vector<16xi32>], vector<16xf32>, vector<16xi1>
        %jit3A_430 = arith.constant 16 : i32
        %jit3A_431 = arith.constant 0 : i32
        %broadcast_in_dim3A_432 = vector.broadcast %jit3A_430 : i32 to vector<16xi32>
        %broadcast_in_dim3A_433 = vector.broadcast %jit3A_431 : i32 to vector<16xi32>
        %select_n3A_434 = arith.select %and3A_425, %broadcast_in_dim3A_432, %broadcast_in_dim3A_433 : vector<16xi1>, vector<16xi32>
        %add3A_435 = arith.addi %while3A_414, %select_n3A_434 : vector<16xi32>
        %jit3A_436 = arith.constant 1 : i32
        %jit3A_437 = arith.constant 0 : i32
        %broadcast_in_dim3A_438 = vector.broadcast %jit3A_436 : i32 to vector<16xi32>
        %broadcast_in_dim3A_439 = vector.broadcast %jit3A_437 : i32 to vector<16xi32>
        %select_n3A_440 = arith.select %eq3A, %broadcast_in_dim3A_438, %broadcast_in_dim3A_439 : vector<16xi1>, vector<16xi32>
        %add3A_441 = arith.addi %while3A_415, %select_n3A_440 : vector<16xi32>
        scf.yield %add3A_435, %add3A_441 : vector<16xi32>, vector<16xi32>
      }
      %while3A_86 = arith.constant 1 : i32
      %while3A_87:2 = scf.for %while3A_413 = %while3A_83 to %while3A_79 step %while3A_86 iter_args(%while3A_414 = %while3A_85#0, %while3A_415 = %while3A_85#1) -> (vector<16xi32>, vector<16xi32>)  : i32 {
        %mul3A_416 = arith.constant 16 : i32
        %mul3A_417 = arith.muli %while3A_413, %mul3A_416 : i32
        %get3A_418 = arith.index_cast %mul3A_417 : i32 to index
        %get3A_419 = tpu.vector_load %arg7[%get3A_418] {strides = array<i32>} : memref<3072xf32, #tpu.memory_space<vmem>>, vector<16xf32>,
        %bitcast3A = vector.bitcast %get3A_419 : vector<16xf32> to vector<16xi32>
        %lt3A = arith.cmpi slt, %bitcast3A, %scan3A_56 : vector<16xi32>
        %eq3A = arith.cmpi eq, %bitcast3A, %scan3A_56 : vector<16xi32>
        %lt3A_420 = arith.cmpi slt, %while3A_415, %sub3A_70 : vector<16xi32>
        %and3A_421 = arith.andi %eq3A, %lt3A_420 : vector<16xi1>
        %or3A = arith.ori %lt3A, %and3A_421 : vector<16xi1>
        %lt3A_422 = arith.constant 640 : i32
        %lt3A_423 = vector.broadcast %lt3A_422 : i32 to vector<16xi32>
        %lt3A_424 = arith.cmpi slt, %while3A_414, %lt3A_423 : vector<16xi32>
        %and3A_425 = arith.andi %or3A, %lt3A_424 : vector<16xi1>
        %mul3A_426 = arith.constant 16 : i32
        %mul3A_427 = arith.muli %while3A_413, %mul3A_426 : i32
        %get3A_428 = arith.index_cast %mul3A_427 : i32 to index
        %get3A_429 = tpu.vector_load %arg8[%get3A_428] {strides = array<i32>} : memref<3072xi32, #tpu.memory_space<vmem>>, vector<16xi32>,
        tpu.vector_store_idx %arg10[%while3A_414], %get3A_429 masked %and3A_425 : memref<640xi32, #tpu.memory_space<vmem>>[vector<16xi32>], vector<16xi32>, vector<16xi1>
        tpu.vector_store_idx %arg11[%while3A_414], %get3A_419 masked %and3A_425 : memref<640xf32, #tpu.memory_space<vmem>>[vector<16xi32>], vector<16xf32>, vector<16xi1>
        %jit3A_430 = arith.constant 16 : i32
        %jit3A_431 = arith.constant 0 : i32
        %broadcast_in_dim3A_432 = vector.broadcast %jit3A_430 : i32 to vector<16xi32>
        %broadcast_in_dim3A_433 = vector.broadcast %jit3A_431 : i32 to vector<16xi32>
        %select_n3A_434 = arith.select %and3A_425, %broadcast_in_dim3A_432, %broadcast_in_dim3A_433 : vector<16xi1>, vector<16xi32>
        %add3A_435 = arith.addi %while3A_414, %select_n3A_434 : vector<16xi32>
        %jit3A_436 = arith.constant 1 : i32
        %jit3A_437 = arith.constant 0 : i32
        %broadcast_in_dim3A_438 = vector.broadcast %jit3A_436 : i32 to vector<16xi32>
        %broadcast_in_dim3A_439 = vector.broadcast %jit3A_437 : i32 to vector<16xi32>
        %select_n3A_440 = arith.select %eq3A, %broadcast_in_dim3A_438, %broadcast_in_dim3A_439 : vector<16xi1>, vector<16xi32>
        %add3A_441 = arith.addi %while3A_415, %select_n3A_440 : vector<16xi32>
        scf.yield %add3A_435, %add3A_441 : vector<16xi32>, vector<16xi32>
      }
      %get3A_88 = arith.constant 0 : index
      %get3A_89 = tpu.vector_load %arg11[%get3A_88] {strides = array<i32>} : memref<640xf32, #tpu.memory_space<vmem>>, vector<16xf32>,
      %mul3A_90 = arith.constant -1.000000e+01 : f32
      %mul3A_91 = vector.broadcast %mul3A_90 : f32 to vector<16xf32>
      %mul3A_92 = arith.mulf %mul3A_91, %get3A_89 : vector<16xf32>
      %exp3A = math.exp %mul3A_92 : vector<16xf32>
      %swap3A = arith.constant 0 : index
      %swap3A_93 = tpu.vector_load %arg12[%swap3A] {strides = array<i32>} : memref<640xf32, #tpu.memory_space<vmem>>, vector<16xf32>,
      tpu.vector_store %arg12[%swap3A], %exp3A {strides = array<i32>} : memref<640xf32, #tpu.memory_space<vmem>>, vector<16xf32>,
      %get3A_94 = arith.constant 16 : index
      %get3A_95 = tpu.vector_load %arg11[%get3A_94] {strides = array<i32>} : memref<640xf32, #tpu.memory_space<vmem>>, vector<16xf32>,
      %mul3A_96 = arith.constant -1.000000e+01 : f32
      %mul3A_97 = vector.broadcast %mul3A_96 : f32 to vector<16xf32>
      %mul3A_98 = arith.mulf %mul3A_97, %get3A_95 : vector<16xf32>
      %exp3A_99 = math.exp %mul3A_98 : vector<16xf32>
      %swap3A_100 = arith.constant 16 : index
      %swap3A_101 = tpu.vector_load %arg12[%swap3A_100] {strides = array<i32>} : memref<640xf32, #tpu.memory_space<vmem>>, vector<16xf32>,
      tpu.vector_store %arg12[%swap3A_100], %exp3A_99 {strides = array<i32>} : memref<640xf32, #tpu.memory_space<vmem>>, vector<16xf32>,
      %get3A_102 = arith.constant 32 : index
      %get3A_103 = tpu.vector_load %arg11[%get3A_102] {strides = array<i32>} : memref<640xf32, #tpu.memory_space<vmem>>, vector<16xf32>,
      %mul3A_104 = arith.constant -1.000000e+01 : f32
      %mul3A_105 = vector.broadcast %mul3A_104 : f32 to vector<16xf32>
      %mul3A_106 = arith.mulf %mul3A_105, %get3A_103 : vector<16xf32>
      %exp3A_107 = math.exp %mul3A_106 : vector<16xf32>
      %swap3A_108 = arith.constant 32 : index
      %swap3A_109 = tpu.vector_load %arg12[%swap3A_108] {strides = array<i32>} : memref<640xf32, #tpu.memory_space<vmem>>, vector<16xf32>,
      tpu.vector_store %arg12[%swap3A_108], %exp3A_107 {strides = array<i32>} : memref<640xf32, #tpu.memory_space<vmem>>, vector<16xf32>,
      %get3A_110 = arith.constant 48 : index
      %get3A_111 = tpu.vector_load %arg11[%get3A_110] {strides = array<i32>} : memref<640xf32, #tpu.memory_space<vmem>>, vector<16xf32>,
      %mul3A_112 = arith.constant -1.000000e+01 : f32
      %mul3A_113 = vector.broadcast %mul3A_112 : f32 to vector<16xf32>
      %mul3A_114 = arith.mulf %mul3A_113, %get3A_111 : vector<16xf32>
      %exp3A_115 = math.exp %mul3A_114 : vector<16xf32>
      %swap3A_116 = arith.constant 48 : index
      %swap3A_117 = tpu.vector_load %arg12[%swap3A_116] {strides = array<i32>} : memref<640xf32, #tpu.memory_space<vmem>>, vector<16xf32>,
      tpu.vector_store %arg12[%swap3A_116], %exp3A_115 {strides = array<i32>} : memref<640xf32, #tpu.memory_space<vmem>>, vector<16xf32>,
      %get3A_118 = arith.constant 64 : index
      %get3A_119 = tpu.vector_load %arg11[%get3A_118] {strides = array<i32>} : memref<640xf32, #tpu.memory_space<vmem>>, vector<16xf32>,
      %mul3A_120 = arith.constant -1.000000e+01 : f32
      %mul3A_121 = vector.broadcast %mul3A_120 : f32 to vector<16xf32>
      %mul3A_122 = arith.mulf %mul3A_121, %get3A_119 : vector<16xf32>
      %exp3A_123 = math.exp %mul3A_122 : vector<16xf32>
      %swap3A_124 = arith.constant 64 : index
      %swap3A_125 = tpu.vector_load %arg12[%swap3A_124] {strides = array<i32>} : memref<640xf32, #tpu.memory_space<vmem>>, vector<16xf32>,
      tpu.vector_store %arg12[%swap3A_124], %exp3A_123 {strides = array<i32>} : memref<640xf32, #tpu.memory_space<vmem>>, vector<16xf32>,
      %get3A_126 = arith.constant 80 : index
      %get3A_127 = tpu.vector_load %arg11[%get3A_126] {strides = array<i32>} : memref<640xf32, #tpu.memory_space<vmem>>, vector<16xf32>,
      %mul3A_128 = arith.constant -1.000000e+01 : f32
      %mul3A_129 = vector.broadcast %mul3A_128 : f32 to vector<16xf32>
      %mul3A_130 = arith.mulf %mul3A_129, %get3A_127 : vector<16xf32>
      %exp3A_131 = math.exp %mul3A_130 : vector<16xf32>
      %swap3A_132 = arith.constant 80 : index
      %swap3A_133 = tpu.vector_load %arg12[%swap3A_132] {strides = array<i32>} : memref<640xf32, #tpu.memory_space<vmem>>, vector<16xf32>,
      tpu.vector_store %arg12[%swap3A_132], %exp3A_131 {strides = array<i32>} : memref<640xf32, #tpu.memory_space<vmem>>, vector<16xf32>,
      %get3A_134 = arith.constant 96 : index
      %get3A_135 = tpu.vector_load %arg11[%get3A_134] {strides = array<i32>} : memref<640xf32, #tpu.memory_space<vmem>>, vector<16xf32>,
      %mul3A_136 = arith.constant -1.000000e+01 : f32
      %mul3A_137 = vector.broadcast %mul3A_136 : f32 to vector<16xf32>
      %mul3A_138 = arith.mulf %mul3A_137, %get3A_135 : vector<16xf32>
      %exp3A_139 = math.exp %mul3A_138 : vector<16xf32>
      %swap3A_140 = arith.constant 96 : index
      %swap3A_141 = tpu.vector_load %arg12[%swap3A_140] {strides = array<i32>} : memref<640xf32, #tpu.memory_space<vmem>>, vector<16xf32>,
      tpu.vector_store %arg12[%swap3A_140], %exp3A_139 {strides = array<i32>} : memref<640xf32, #tpu.memory_space<vmem>>, vector<16xf32>,
      %get3A_142 = arith.constant 112 : index
      %get3A_143 = tpu.vector_load %arg11[%get3A_142] {strides = array<i32>} : memref<640xf32, #tpu.memory_space<vmem>>, vector<16xf32>,
      %mul3A_144 = arith.constant -1.000000e+01 : f32
      %mul3A_145 = vector.broadcast %mul3A_144 : f32 to vector<16xf32>
      %mul3A_146 = arith.mulf %mul3A_145, %get3A_143 : vector<16xf32>
      %exp3A_147 = math.exp %mul3A_146 : vector<16xf32>
      %swap3A_148 = arith.constant 112 : index
      %swap3A_149 = tpu.vector_load %arg12[%swap3A_148] {strides = array<i32>} : memref<640xf32, #tpu.memory_space<vmem>>, vector<16xf32>,
      tpu.vector_store %arg12[%swap3A_148], %exp3A_147 {strides = array<i32>} : memref<640xf32, #tpu.memory_space<vmem>>, vector<16xf32>,
      %get3A_150 = arith.constant 128 : index
      %get3A_151 = tpu.vector_load %arg11[%get3A_150] {strides = array<i32>} : memref<640xf32, #tpu.memory_space<vmem>>, vector<16xf32>,
      %mul3A_152 = arith.constant -1.000000e+01 : f32
      %mul3A_153 = vector.broadcast %mul3A_152 : f32 to vector<16xf32>
      %mul3A_154 = arith.mulf %mul3A_153, %get3A_151 : vector<16xf32>
      %exp3A_155 = math.exp %mul3A_154 : vector<16xf32>
      %swap3A_156 = arith.constant 128 : index
      %swap3A_157 = tpu.vector_load %arg12[%swap3A_156] {strides = array<i32>} : memref<640xf32, #tpu.memory_space<vmem>>, vector<16xf32>,
      tpu.vector_store %arg12[%swap3A_156], %exp3A_155 {strides = array<i32>} : memref<640xf32, #tpu.memory_space<vmem>>, vector<16xf32>,
      %get3A_158 = arith.constant 144 : index
      %get3A_159 = tpu.vector_load %arg11[%get3A_158] {strides = array<i32>} : memref<640xf32, #tpu.memory_space<vmem>>, vector<16xf32>,
      %mul3A_160 = arith.constant -1.000000e+01 : f32
      %mul3A_161 = vector.broadcast %mul3A_160 : f32 to vector<16xf32>
      %mul3A_162 = arith.mulf %mul3A_161, %get3A_159 : vector<16xf32>
      %exp3A_163 = math.exp %mul3A_162 : vector<16xf32>
      %swap3A_164 = arith.constant 144 : index
      %swap3A_165 = tpu.vector_load %arg12[%swap3A_164] {strides = array<i32>} : memref<640xf32, #tpu.memory_space<vmem>>, vector<16xf32>,
      tpu.vector_store %arg12[%swap3A_164], %exp3A_163 {strides = array<i32>} : memref<640xf32, #tpu.memory_space<vmem>>, vector<16xf32>,
      %get3A_166 = arith.constant 160 : index
      %get3A_167 = tpu.vector_load %arg11[%get3A_166] {strides = array<i32>} : memref<640xf32, #tpu.memory_space<vmem>>, vector<16xf32>,
      %mul3A_168 = arith.constant -1.000000e+01 : f32
      %mul3A_169 = vector.broadcast %mul3A_168 : f32 to vector<16xf32>
      %mul3A_170 = arith.mulf %mul3A_169, %get3A_167 : vector<16xf32>
      %exp3A_171 = math.exp %mul3A_170 : vector<16xf32>
      %swap3A_172 = arith.constant 160 : index
      %swap3A_173 = tpu.vector_load %arg12[%swap3A_172] {strides = array<i32>} : memref<640xf32, #tpu.memory_space<vmem>>, vector<16xf32>,
      tpu.vector_store %arg12[%swap3A_172], %exp3A_171 {strides = array<i32>} : memref<640xf32, #tpu.memory_space<vmem>>, vector<16xf32>,
      %get3A_174 = arith.constant 176 : index
      %get3A_175 = tpu.vector_load %arg11[%get3A_174] {strides = array<i32>} : memref<640xf32, #tpu.memory_space<vmem>>, vector<16xf32>,
      %mul3A_176 = arith.constant -1.000000e+01 : f32
      %mul3A_177 = vector.broadcast %mul3A_176 : f32 to vector<16xf32>
      %mul3A_178 = arith.mulf %mul3A_177, %get3A_175 : vector<16xf32>
      %exp3A_179 = math.exp %mul3A_178 : vector<16xf32>
      %swap3A_180 = arith.constant 176 : index
      %swap3A_181 = tpu.vector_load %arg12[%swap3A_180] {strides = array<i32>} : memref<640xf32, #tpu.memory_space<vmem>>, vector<16xf32>,
      tpu.vector_store %arg12[%swap3A_180], %exp3A_179 {strides = array<i32>} : memref<640xf32, #tpu.memory_space<vmem>>, vector<16xf32>,
      %get3A_182 = arith.constant 192 : index
      %get3A_183 = tpu.vector_load %arg11[%get3A_182] {strides = array<i32>} : memref<640xf32, #tpu.memory_space<vmem>>, vector<16xf32>,
      %mul3A_184 = arith.constant -1.000000e+01 : f32
      %mul3A_185 = vector.broadcast %mul3A_184 : f32 to vector<16xf32>
      %mul3A_186 = arith.mulf %mul3A_185, %get3A_183 : vector<16xf32>
      %exp3A_187 = math.exp %mul3A_186 : vector<16xf32>
      %swap3A_188 = arith.constant 192 : index
      %swap3A_189 = tpu.vector_load %arg12[%swap3A_188] {strides = array<i32>} : memref<640xf32, #tpu.memory_space<vmem>>, vector<16xf32>,
      tpu.vector_store %arg12[%swap3A_188], %exp3A_187 {strides = array<i32>} : memref<640xf32, #tpu.memory_space<vmem>>, vector<16xf32>,
      %get3A_190 = arith.constant 208 : index
      %get3A_191 = tpu.vector_load %arg11[%get3A_190] {strides = array<i32>} : memref<640xf32, #tpu.memory_space<vmem>>, vector<16xf32>,
      %mul3A_192 = arith.constant -1.000000e+01 : f32
      %mul3A_193 = vector.broadcast %mul3A_192 : f32 to vector<16xf32>
      %mul3A_194 = arith.mulf %mul3A_193, %get3A_191 : vector<16xf32>
      %exp3A_195 = math.exp %mul3A_194 : vector<16xf32>
      %swap3A_196 = arith.constant 208 : index
      %swap3A_197 = tpu.vector_load %arg12[%swap3A_196] {strides = array<i32>} : memref<640xf32, #tpu.memory_space<vmem>>, vector<16xf32>,
      tpu.vector_store %arg12[%swap3A_196], %exp3A_195 {strides = array<i32>} : memref<640xf32, #tpu.memory_space<vmem>>, vector<16xf32>,
      %get3A_198 = arith.constant 224 : index
      %get3A_199 = tpu.vector_load %arg11[%get3A_198] {strides = array<i32>} : memref<640xf32, #tpu.memory_space<vmem>>, vector<16xf32>,
      %mul3A_200 = arith.constant -1.000000e+01 : f32
      %mul3A_201 = vector.broadcast %mul3A_200 : f32 to vector<16xf32>
      %mul3A_202 = arith.mulf %mul3A_201, %get3A_199 : vector<16xf32>
      %exp3A_203 = math.exp %mul3A_202 : vector<16xf32>
      %swap3A_204 = arith.constant 224 : index
      %swap3A_205 = tpu.vector_load %arg12[%swap3A_204] {strides = array<i32>} : memref<640xf32, #tpu.memory_space<vmem>>, vector<16xf32>,
      tpu.vector_store %arg12[%swap3A_204], %exp3A_203 {strides = array<i32>} : memref<640xf32, #tpu.memory_space<vmem>>, vector<16xf32>,
      %get3A_206 = arith.constant 240 : index
      %get3A_207 = tpu.vector_load %arg11[%get3A_206] {strides = array<i32>} : memref<640xf32, #tpu.memory_space<vmem>>, vector<16xf32>,
      %mul3A_208 = arith.constant -1.000000e+01 : f32
      %mul3A_209 = vector.broadcast %mul3A_208 : f32 to vector<16xf32>
      %mul3A_210 = arith.mulf %mul3A_209, %get3A_207 : vector<16xf32>
      %exp3A_211 = math.exp %mul3A_210 : vector<16xf32>
      %swap3A_212 = arith.constant 240 : index
      %swap3A_213 = tpu.vector_load %arg12[%swap3A_212] {strides = array<i32>} : memref<640xf32, #tpu.memory_space<vmem>>, vector<16xf32>,
      tpu.vector_store %arg12[%swap3A_212], %exp3A_211 {strides = array<i32>} : memref<640xf32, #tpu.memory_space<vmem>>, vector<16xf32>,
      %get3A_214 = arith.constant 256 : index
      %get3A_215 = tpu.vector_load %arg11[%get3A_214] {strides = array<i32>} : memref<640xf32, #tpu.memory_space<vmem>>, vector<16xf32>,
      %mul3A_216 = arith.constant -1.000000e+01 : f32
      %mul3A_217 = vector.broadcast %mul3A_216 : f32 to vector<16xf32>
      %mul3A_218 = arith.mulf %mul3A_217, %get3A_215 : vector<16xf32>
      %exp3A_219 = math.exp %mul3A_218 : vector<16xf32>
      %swap3A_220 = arith.constant 256 : index
      %swap3A_221 = tpu.vector_load %arg12[%swap3A_220] {strides = array<i32>} : memref<640xf32, #tpu.memory_space<vmem>>, vector<16xf32>,
      tpu.vector_store %arg12[%swap3A_220], %exp3A_219 {strides = array<i32>} : memref<640xf32, #tpu.memory_space<vmem>>, vector<16xf32>,
      %get3A_222 = arith.constant 272 : index
      %get3A_223 = tpu.vector_load %arg11[%get3A_222] {strides = array<i32>} : memref<640xf32, #tpu.memory_space<vmem>>, vector<16xf32>,
      %mul3A_224 = arith.constant -1.000000e+01 : f32
      %mul3A_225 = vector.broadcast %mul3A_224 : f32 to vector<16xf32>
      %mul3A_226 = arith.mulf %mul3A_225, %get3A_223 : vector<16xf32>
      %exp3A_227 = math.exp %mul3A_226 : vector<16xf32>
      %swap3A_228 = arith.constant 272 : index
      %swap3A_229 = tpu.vector_load %arg12[%swap3A_228] {strides = array<i32>} : memref<640xf32, #tpu.memory_space<vmem>>, vector<16xf32>,
      tpu.vector_store %arg12[%swap3A_228], %exp3A_227 {strides = array<i32>} : memref<640xf32, #tpu.memory_space<vmem>>, vector<16xf32>,
      %get3A_230 = arith.constant 288 : index
      %get3A_231 = tpu.vector_load %arg11[%get3A_230] {strides = array<i32>} : memref<640xf32, #tpu.memory_space<vmem>>, vector<16xf32>,
      %mul3A_232 = arith.constant -1.000000e+01 : f32
      %mul3A_233 = vector.broadcast %mul3A_232 : f32 to vector<16xf32>
      %mul3A_234 = arith.mulf %mul3A_233, %get3A_231 : vector<16xf32>
      %exp3A_235 = math.exp %mul3A_234 : vector<16xf32>
      %swap3A_236 = arith.constant 288 : index
      %swap3A_237 = tpu.vector_load %arg12[%swap3A_236] {strides = array<i32>} : memref<640xf32, #tpu.memory_space<vmem>>, vector<16xf32>,
      tpu.vector_store %arg12[%swap3A_236], %exp3A_235 {strides = array<i32>} : memref<640xf32, #tpu.memory_space<vmem>>, vector<16xf32>,
      %get3A_238 = arith.constant 304 : index
      %get3A_239 = tpu.vector_load %arg11[%get3A_238] {strides = array<i32>} : memref<640xf32, #tpu.memory_space<vmem>>, vector<16xf32>,
      %mul3A_240 = arith.constant -1.000000e+01 : f32
      %mul3A_241 = vector.broadcast %mul3A_240 : f32 to vector<16xf32>
      %mul3A_242 = arith.mulf %mul3A_241, %get3A_239 : vector<16xf32>
      %exp3A_243 = math.exp %mul3A_242 : vector<16xf32>
      %swap3A_244 = arith.constant 304 : index
      %swap3A_245 = tpu.vector_load %arg12[%swap3A_244] {strides = array<i32>} : memref<640xf32, #tpu.memory_space<vmem>>, vector<16xf32>,
      tpu.vector_store %arg12[%swap3A_244], %exp3A_243 {strides = array<i32>} : memref<640xf32, #tpu.memory_space<vmem>>, vector<16xf32>,
      %get3A_246 = arith.constant 320 : index
      %get3A_247 = tpu.vector_load %arg11[%get3A_246] {strides = array<i32>} : memref<640xf32, #tpu.memory_space<vmem>>, vector<16xf32>,
      %mul3A_248 = arith.constant -1.000000e+01 : f32
      %mul3A_249 = vector.broadcast %mul3A_248 : f32 to vector<16xf32>
      %mul3A_250 = arith.mulf %mul3A_249, %get3A_247 : vector<16xf32>
      %exp3A_251 = math.exp %mul3A_250 : vector<16xf32>
      %swap3A_252 = arith.constant 320 : index
      %swap3A_253 = tpu.vector_load %arg12[%swap3A_252] {strides = array<i32>} : memref<640xf32, #tpu.memory_space<vmem>>, vector<16xf32>,
      tpu.vector_store %arg12[%swap3A_252], %exp3A_251 {strides = array<i32>} : memref<640xf32, #tpu.memory_space<vmem>>, vector<16xf32>,
      %get3A_254 = arith.constant 336 : index
      %get3A_255 = tpu.vector_load %arg11[%get3A_254] {strides = array<i32>} : memref<640xf32, #tpu.memory_space<vmem>>, vector<16xf32>,
      %mul3A_256 = arith.constant -1.000000e+01 : f32
      %mul3A_257 = vector.broadcast %mul3A_256 : f32 to vector<16xf32>
      %mul3A_258 = arith.mulf %mul3A_257, %get3A_255 : vector<16xf32>
      %exp3A_259 = math.exp %mul3A_258 : vector<16xf32>
      %swap3A_260 = arith.constant 336 : index
      %swap3A_261 = tpu.vector_load %arg12[%swap3A_260] {strides = array<i32>} : memref<640xf32, #tpu.memory_space<vmem>>, vector<16xf32>,
      tpu.vector_store %arg12[%swap3A_260], %exp3A_259 {strides = array<i32>} : memref<640xf32, #tpu.memory_space<vmem>>, vector<16xf32>,
      %get3A_262 = arith.constant 352 : index
      %get3A_263 = tpu.vector_load %arg11[%get3A_262] {strides = array<i32>} : memref<640xf32, #tpu.memory_space<vmem>>, vector<16xf32>,
      %mul3A_264 = arith.constant -1.000000e+01 : f32
      %mul3A_265 = vector.broadcast %mul3A_264 : f32 to vector<16xf32>
      %mul3A_266 = arith.mulf %mul3A_265, %get3A_263 : vector<16xf32>
      %exp3A_267 = math.exp %mul3A_266 : vector<16xf32>
      %swap3A_268 = arith.constant 352 : index
      %swap3A_269 = tpu.vector_load %arg12[%swap3A_268] {strides = array<i32>} : memref<640xf32, #tpu.memory_space<vmem>>, vector<16xf32>,
      tpu.vector_store %arg12[%swap3A_268], %exp3A_267 {strides = array<i32>} : memref<640xf32, #tpu.memory_space<vmem>>, vector<16xf32>,
      %get3A_270 = arith.constant 368 : index
      %get3A_271 = tpu.vector_load %arg11[%get3A_270] {strides = array<i32>} : memref<640xf32, #tpu.memory_space<vmem>>, vector<16xf32>,
      %mul3A_272 = arith.constant -1.000000e+01 : f32
      %mul3A_273 = vector.broadcast %mul3A_272 : f32 to vector<16xf32>
      %mul3A_274 = arith.mulf %mul3A_273, %get3A_271 : vector<16xf32>
      %exp3A_275 = math.exp %mul3A_274 : vector<16xf32>
      %swap3A_276 = arith.constant 368 : index
      %swap3A_277 = tpu.vector_load %arg12[%swap3A_276] {strides = array<i32>} : memref<640xf32, #tpu.memory_space<vmem>>, vector<16xf32>,
      tpu.vector_store %arg12[%swap3A_276], %exp3A_275 {strides = array<i32>} : memref<640xf32, #tpu.memory_space<vmem>>, vector<16xf32>,
      %get3A_278 = arith.constant 384 : index
      %get3A_279 = tpu.vector_load %arg11[%get3A_278] {strides = array<i32>} : memref<640xf32, #tpu.memory_space<vmem>>, vector<16xf32>,
      %mul3A_280 = arith.constant -1.000000e+01 : f32
      %mul3A_281 = vector.broadcast %mul3A_280 : f32 to vector<16xf32>
      %mul3A_282 = arith.mulf %mul3A_281, %get3A_279 : vector<16xf32>
      %exp3A_283 = math.exp %mul3A_282 : vector<16xf32>
      %swap3A_284 = arith.constant 384 : index
      %swap3A_285 = tpu.vector_load %arg12[%swap3A_284] {strides = array<i32>} : memref<640xf32, #tpu.memory_space<vmem>>, vector<16xf32>,
      tpu.vector_store %arg12[%swap3A_284], %exp3A_283 {strides = array<i32>} : memref<640xf32, #tpu.memory_space<vmem>>, vector<16xf32>,
      %get3A_286 = arith.constant 400 : index
      %get3A_287 = tpu.vector_load %arg11[%get3A_286] {strides = array<i32>} : memref<640xf32, #tpu.memory_space<vmem>>, vector<16xf32>,
      %mul3A_288 = arith.constant -1.000000e+01 : f32
      %mul3A_289 = vector.broadcast %mul3A_288 : f32 to vector<16xf32>
      %mul3A_290 = arith.mulf %mul3A_289, %get3A_287 : vector<16xf32>
      %exp3A_291 = math.exp %mul3A_290 : vector<16xf32>
      %swap3A_292 = arith.constant 400 : index
      %swap3A_293 = tpu.vector_load %arg12[%swap3A_292] {strides = array<i32>} : memref<640xf32, #tpu.memory_space<vmem>>, vector<16xf32>,
      tpu.vector_store %arg12[%swap3A_292], %exp3A_291 {strides = array<i32>} : memref<640xf32, #tpu.memory_space<vmem>>, vector<16xf32>,
      %get3A_294 = arith.constant 416 : index
      %get3A_295 = tpu.vector_load %arg11[%get3A_294] {strides = array<i32>} : memref<640xf32, #tpu.memory_space<vmem>>, vector<16xf32>,
      %mul3A_296 = arith.constant -1.000000e+01 : f32
      %mul3A_297 = vector.broadcast %mul3A_296 : f32 to vector<16xf32>
      %mul3A_298 = arith.mulf %mul3A_297, %get3A_295 : vector<16xf32>
      %exp3A_299 = math.exp %mul3A_298 : vector<16xf32>
      %swap3A_300 = arith.constant 416 : index
      %swap3A_301 = tpu.vector_load %arg12[%swap3A_300] {strides = array<i32>} : memref<640xf32, #tpu.memory_space<vmem>>, vector<16xf32>,
      tpu.vector_store %arg12[%swap3A_300], %exp3A_299 {strides = array<i32>} : memref<640xf32, #tpu.memory_space<vmem>>, vector<16xf32>,
      %get3A_302 = arith.constant 432 : index
      %get3A_303 = tpu.vector_load %arg11[%get3A_302] {strides = array<i32>} : memref<640xf32, #tpu.memory_space<vmem>>, vector<16xf32>,
      %mul3A_304 = arith.constant -1.000000e+01 : f32
      %mul3A_305 = vector.broadcast %mul3A_304 : f32 to vector<16xf32>
      %mul3A_306 = arith.mulf %mul3A_305, %get3A_303 : vector<16xf32>
      %exp3A_307 = math.exp %mul3A_306 : vector<16xf32>
      %swap3A_308 = arith.constant 432 : index
      %swap3A_309 = tpu.vector_load %arg12[%swap3A_308] {strides = array<i32>} : memref<640xf32, #tpu.memory_space<vmem>>, vector<16xf32>,
      tpu.vector_store %arg12[%swap3A_308], %exp3A_307 {strides = array<i32>} : memref<640xf32, #tpu.memory_space<vmem>>, vector<16xf32>,
      %get3A_310 = arith.constant 448 : index
      %get3A_311 = tpu.vector_load %arg11[%get3A_310] {strides = array<i32>} : memref<640xf32, #tpu.memory_space<vmem>>, vector<16xf32>,
      %mul3A_312 = arith.constant -1.000000e+01 : f32
      %mul3A_313 = vector.broadcast %mul3A_312 : f32 to vector<16xf32>
      %mul3A_314 = arith.mulf %mul3A_313, %get3A_311 : vector<16xf32>
      %exp3A_315 = math.exp %mul3A_314 : vector<16xf32>
      %swap3A_316 = arith.constant 448 : index
      %swap3A_317 = tpu.vector_load %arg12[%swap3A_316] {strides = array<i32>} : memref<640xf32, #tpu.memory_space<vmem>>, vector<16xf32>,
      tpu.vector_store %arg12[%swap3A_316], %exp3A_315 {strides = array<i32>} : memref<640xf32, #tpu.memory_space<vmem>>, vector<16xf32>,
      %get3A_318 = arith.constant 464 : index
      %get3A_319 = tpu.vector_load %arg11[%get3A_318] {strides = array<i32>} : memref<640xf32, #tpu.memory_space<vmem>>, vector<16xf32>,
      %mul3A_320 = arith.constant -1.000000e+01 : f32
      %mul3A_321 = vector.broadcast %mul3A_320 : f32 to vector<16xf32>
      %mul3A_322 = arith.mulf %mul3A_321, %get3A_319 : vector<16xf32>
      %exp3A_323 = math.exp %mul3A_322 : vector<16xf32>
      %swap3A_324 = arith.constant 464 : index
      %swap3A_325 = tpu.vector_load %arg12[%swap3A_324] {strides = array<i32>} : memref<640xf32, #tpu.memory_space<vmem>>, vector<16xf32>,
      tpu.vector_store %arg12[%swap3A_324], %exp3A_323 {strides = array<i32>} : memref<640xf32, #tpu.memory_space<vmem>>, vector<16xf32>,
      %get3A_326 = arith.constant 480 : index
      %get3A_327 = tpu.vector_load %arg11[%get3A_326] {strides = array<i32>} : memref<640xf32, #tpu.memory_space<vmem>>, vector<16xf32>,
      %mul3A_328 = arith.constant -1.000000e+01 : f32
      %mul3A_329 = vector.broadcast %mul3A_328 : f32 to vector<16xf32>
      %mul3A_330 = arith.mulf %mul3A_329, %get3A_327 : vector<16xf32>
      %exp3A_331 = math.exp %mul3A_330 : vector<16xf32>
      %swap3A_332 = arith.constant 480 : index
      %swap3A_333 = tpu.vector_load %arg12[%swap3A_332] {strides = array<i32>} : memref<640xf32, #tpu.memory_space<vmem>>, vector<16xf32>,
      tpu.vector_store %arg12[%swap3A_332], %exp3A_331 {strides = array<i32>} : memref<640xf32, #tpu.memory_space<vmem>>, vector<16xf32>,
      %get3A_334 = arith.constant 496 : index
      %get3A_335 = tpu.vector_load %arg11[%get3A_334] {strides = array<i32>} : memref<640xf32, #tpu.memory_space<vmem>>, vector<16xf32>,
      %mul3A_336 = arith.constant -1.000000e+01 : f32
      %mul3A_337 = vector.broadcast %mul3A_336 : f32 to vector<16xf32>
      %mul3A_338 = arith.mulf %mul3A_337, %get3A_335 : vector<16xf32>
      %exp3A_339 = math.exp %mul3A_338 : vector<16xf32>
      %swap3A_340 = arith.constant 496 : index
      %swap3A_341 = tpu.vector_load %arg12[%swap3A_340] {strides = array<i32>} : memref<640xf32, #tpu.memory_space<vmem>>, vector<16xf32>,
      tpu.vector_store %arg12[%swap3A_340], %exp3A_339 {strides = array<i32>} : memref<640xf32, #tpu.memory_space<vmem>>, vector<16xf32>,
      %get3A_342 = arith.constant 512 : index
      %get3A_343 = tpu.vector_load %arg11[%get3A_342] {strides = array<i32>} : memref<640xf32, #tpu.memory_space<vmem>>, vector<16xf32>,
      %mul3A_344 = arith.constant -1.000000e+01 : f32
      %mul3A_345 = vector.broadcast %mul3A_344 : f32 to vector<16xf32>
      %mul3A_346 = arith.mulf %mul3A_345, %get3A_343 : vector<16xf32>
      %exp3A_347 = math.exp %mul3A_346 : vector<16xf32>
      %swap3A_348 = arith.constant 512 : index
      %swap3A_349 = tpu.vector_load %arg12[%swap3A_348] {strides = array<i32>} : memref<640xf32, #tpu.memory_space<vmem>>, vector<16xf32>,
      tpu.vector_store %arg12[%swap3A_348], %exp3A_347 {strides = array<i32>} : memref<640xf32, #tpu.memory_space<vmem>>, vector<16xf32>,
      %get3A_350 = arith.constant 528 : index
      %get3A_351 = tpu.vector_load %arg11[%get3A_350] {strides = array<i32>} : memref<640xf32, #tpu.memory_space<vmem>>, vector<16xf32>,
      %mul3A_352 = arith.constant -1.000000e+01 : f32
      %mul3A_353 = vector.broadcast %mul3A_352 : f32 to vector<16xf32>
      %mul3A_354 = arith.mulf %mul3A_353, %get3A_351 : vector<16xf32>
      %exp3A_355 = math.exp %mul3A_354 : vector<16xf32>
      %swap3A_356 = arith.constant 528 : index
      %swap3A_357 = tpu.vector_load %arg12[%swap3A_356] {strides = array<i32>} : memref<640xf32, #tpu.memory_space<vmem>>, vector<16xf32>,
      tpu.vector_store %arg12[%swap3A_356], %exp3A_355 {strides = array<i32>} : memref<640xf32, #tpu.memory_space<vmem>>, vector<16xf32>,
      %get3A_358 = arith.constant 544 : index
      %get3A_359 = tpu.vector_load %arg11[%get3A_358] {strides = array<i32>} : memref<640xf32, #tpu.memory_space<vmem>>, vector<16xf32>,
      %mul3A_360 = arith.constant -1.000000e+01 : f32
      %mul3A_361 = vector.broadcast %mul3A_360 : f32 to vector<16xf32>
      %mul3A_362 = arith.mulf %mul3A_361, %get3A_359 : vector<16xf32>
      %exp3A_363 = math.exp %mul3A_362 : vector<16xf32>
      %swap3A_364 = arith.constant 544 : index
      %swap3A_365 = tpu.vector_load %arg12[%swap3A_364] {strides = array<i32>} : memref<640xf32, #tpu.memory_space<vmem>>, vector<16xf32>,
      tpu.vector_store %arg12[%swap3A_364], %exp3A_363 {strides = array<i32>} : memref<640xf32, #tpu.memory_space<vmem>>, vector<16xf32>,
      %get3A_366 = arith.constant 560 : index
      %get3A_367 = tpu.vector_load %arg11[%get3A_366] {strides = array<i32>} : memref<640xf32, #tpu.memory_space<vmem>>, vector<16xf32>,
      %mul3A_368 = arith.constant -1.000000e+01 : f32
      %mul3A_369 = vector.broadcast %mul3A_368 : f32 to vector<16xf32>
      %mul3A_370 = arith.mulf %mul3A_369, %get3A_367 : vector<16xf32>
      %exp3A_371 = math.exp %mul3A_370 : vector<16xf32>
      %swap3A_372 = arith.constant 560 : index
      %swap3A_373 = tpu.vector_load %arg12[%swap3A_372] {strides = array<i32>} : memref<640xf32, #tpu.memory_space<vmem>>, vector<16xf32>,
      tpu.vector_store %arg12[%swap3A_372], %exp3A_371 {strides = array<i32>} : memref<640xf32, #tpu.memory_space<vmem>>, vector<16xf32>,
      %get3A_374 = arith.constant 576 : index
      %get3A_375 = tpu.vector_load %arg11[%get3A_374] {strides = array<i32>} : memref<640xf32, #tpu.memory_space<vmem>>, vector<16xf32>,
      %mul3A_376 = arith.constant -1.000000e+01 : f32
      %mul3A_377 = vector.broadcast %mul3A_376 : f32 to vector<16xf32>
      %mul3A_378 = arith.mulf %mul3A_377, %get3A_375 : vector<16xf32>
      %exp3A_379 = math.exp %mul3A_378 : vector<16xf32>
      %swap3A_380 = arith.constant 576 : index
      %swap3A_381 = tpu.vector_load %arg12[%swap3A_380] {strides = array<i32>} : memref<640xf32, #tpu.memory_space<vmem>>, vector<16xf32>,
      tpu.vector_store %arg12[%swap3A_380], %exp3A_379 {strides = array<i32>} : memref<640xf32, #tpu.memory_space<vmem>>, vector<16xf32>,
      %get3A_382 = arith.constant 592 : index
      %get3A_383 = tpu.vector_load %arg11[%get3A_382] {strides = array<i32>} : memref<640xf32, #tpu.memory_space<vmem>>, vector<16xf32>,
      %mul3A_384 = arith.constant -1.000000e+01 : f32
      %mul3A_385 = vector.broadcast %mul3A_384 : f32 to vector<16xf32>
      %mul3A_386 = arith.mulf %mul3A_385, %get3A_383 : vector<16xf32>
      %exp3A_387 = math.exp %mul3A_386 : vector<16xf32>
      %swap3A_388 = arith.constant 592 : index
      %swap3A_389 = tpu.vector_load %arg12[%swap3A_388] {strides = array<i32>} : memref<640xf32, #tpu.memory_space<vmem>>, vector<16xf32>,
      tpu.vector_store %arg12[%swap3A_388], %exp3A_387 {strides = array<i32>} : memref<640xf32, #tpu.memory_space<vmem>>, vector<16xf32>,
      %get3A_390 = arith.constant 608 : index
      %get3A_391 = tpu.vector_load %arg11[%get3A_390] {strides = array<i32>} : memref<640xf32, #tpu.memory_space<vmem>>, vector<16xf32>,
      %mul3A_392 = arith.constant -1.000000e+01 : f32
      %mul3A_393 = vector.broadcast %mul3A_392 : f32 to vector<16xf32>
      %mul3A_394 = arith.mulf %mul3A_393, %get3A_391 : vector<16xf32>
      %exp3A_395 = math.exp %mul3A_394 : vector<16xf32>
      %swap3A_396 = arith.constant 608 : index
      %swap3A_397 = tpu.vector_load %arg12[%swap3A_396] {strides = array<i32>} : memref<640xf32, #tpu.memory_space<vmem>>, vector<16xf32>,
      tpu.vector_store %arg12[%swap3A_396], %exp3A_395 {strides = array<i32>} : memref<640xf32, #tpu.memory_space<vmem>>, vector<16xf32>,
      %get3A_398 = arith.constant 624 : index
      %get3A_399 = tpu.vector_load %arg11[%get3A_398] {strides = array<i32>} : memref<640xf32, #tpu.memory_space<vmem>>, vector<16xf32>,
      %mul3A_400 = arith.constant -1.000000e+01 : f32
      %mul3A_401 = vector.broadcast %mul3A_400 : f32 to vector<16xf32>
      %mul3A_402 = arith.mulf %mul3A_401, %get3A_399 : vector<16xf32>
      %exp3A_403 = math.exp %mul3A_402 : vector<16xf32>
      %swap3A_404 = arith.constant 624 : index
      %swap3A_405 = tpu.vector_load %arg12[%swap3A_404] {strides = array<i32>} : memref<640xf32, #tpu.memory_space<vmem>>, vector<16xf32>,
      tpu.vector_store %arg12[%swap3A_404], %exp3A_403 {strides = array<i32>} : memref<640xf32, #tpu.memory_space<vmem>>, vector<16xf32>,
      %mul3A_406 = arith.constant 20 : i32
      %mul3A_407 = arith.muli %add3A, %mul3A_406 : i32
      %add3A_408 = arith.addi %mul3A_407, %scan3A_10 : i32
      %mul3A_409 = arith.constant 640 : i32
      %mul3A_410 = arith.muli %add3A_408, %mul3A_409 : i32
      "tpu.region"() ({
        %run_scoped3A = tpu.sem_alloc : memref<!tpu.dma_semaphore, #tpu.memory_space<semaphore_mem>>
        %dma_start3A = tpu.memref_slice %arg4[%mul3A_410] : memref<409600xi32, #tpu.memory_space<hbm>> -> memref<640xi32, #tpu.memory_space<hbm>>
        %dma_start3A_413 = tpu.memref_slice %arg4[%mul3A_410] : memref<409600xi32, #tpu.memory_space<hbm>> -> memref<640xi32, #tpu.memory_space<hbm>>
        tpu.enqueue_dma source(%arg10 : memref<640xi32, #tpu.memory_space<vmem>>) target(%dma_start3A_413 : memref<640xi32, #tpu.memory_space<hbm>>) target_semaphore(%run_scoped3A : memref<!tpu.dma_semaphore, #tpu.memory_space<semaphore_mem>>)
        %dma_wait3A = tpu.memref_slice %arg4[%mul3A_410] : memref<409600xi32, #tpu.memory_space<hbm>> -> memref<640xi32, #tpu.memory_space<hbm>>
        %dma_wait3A_414 = tpu.memref_slice %arg4[%mul3A_410] : memref<409600xi32, #tpu.memory_space<hbm>> -> memref<640xi32, #tpu.memory_space<hbm>>
        tpu.wait_dma2 semaphore(%run_scoped3A : memref<!tpu.dma_semaphore, #tpu.memory_space<semaphore_mem>>) src(%arg10 : memref<640xi32, #tpu.memory_space<vmem>>) dst(%dma_wait3A_414 : memref<640xi32, #tpu.memory_space<hbm>>)
        tpu.yield
      }) : () -> ()
      %mul3A_411 = arith.constant 640 : i32
      %mul3A_412 = arith.muli %add3A_408, %mul3A_411 : i32
      "tpu.region"() ({
        %run_scoped3A = tpu.sem_alloc : memref<!tpu.dma_semaphore, #tpu.memory_space<semaphore_mem>>
        %dma_start3A = tpu.memref_slice %arg5[%mul3A_412] : memref<409600xf32, #tpu.memory_space<hbm>> -> memref<640xf32, #tpu.memory_space<hbm>>
        %dma_start3A_413 = tpu.memref_slice %arg5[%mul3A_412] : memref<409600xf32, #tpu.memory_space<hbm>> -> memref<640xf32, #tpu.memory_space<hbm>>
        tpu.enqueue_dma source(%arg12 : memref<640xf32, #tpu.memory_space<vmem>>) target(%dma_start3A_413 : memref<640xf32, #tpu.memory_space<hbm>>) target_semaphore(%run_scoped3A : memref<!tpu.dma_semaphore, #tpu.memory_space<semaphore_mem>>)
        %dma_wait3A = tpu.memref_slice %arg5[%mul3A_412] : memref<409600xf32, #tpu.memory_space<hbm>> -> memref<640xf32, #tpu.memory_space<hbm>>
        %dma_wait3A_414 = tpu.memref_slice %arg5[%mul3A_412] : memref<409600xf32, #tpu.memory_space<hbm>> -> memref<640xf32, #tpu.memory_space<hbm>>
        tpu.wait_dma2 semaphore(%run_scoped3A : memref<!tpu.dma_semaphore, #tpu.memory_space<semaphore_mem>>) src(%arg12 : memref<640xf32, #tpu.memory_space<vmem>>) dst(%dma_wait3A_414 : memref<640xf32, #tpu.memory_space<hbm>>)
        tpu.yield
      }) : () -> ()
    }
    %scan3A_9 = arith.constant 20 : i32
    return
  }
}

#map = affine_map<(d0, d1) -> (0, 0)>
#map1 = affine_map<(d0, d1) -> (0)>
module attributes {stable_mosaic.version = 14 : i64} {
  func.func @_sc_agg_hp_body(%arg0: i32, %arg1: i32, %arg2: memref<10240x32xf32, #tpu.memory_space<hbm>>, %arg3: memref<409600xi32, #tpu.memory_space<hbm>>, %arg4: memref<409600xf32, #tpu.memory_space<hbm>>, %arg5: memref<10240x64xf32, #tpu.memory_space<hbm>>, %arg6: memref<640xi32, #tpu.memory_space<vmem>>, %arg7: memref<640xf32, #tpu.memory_space<vmem>>, %arg8: memref<640x32xf32, #tpu.memory_space<vmem>>, %arg9: memref<16x64xf32, #tpu.memory_space<vmem>>, %arg10: memref<!tpu.dma_semaphore, #tpu.memory_space<semaphore_mem>>) attributes {dimension_semantics = [#tpu.dimension_semantics<core_parallel>, #tpu.dimension_semantics<subcore_parallel>], iteration_bounds = array<i64: 2, 16>, scalar_prefetch = 0 : i64, scratch_operands = 5 : i64, tpu.core_type = #tpu.core_type<sc_vector_subcore>, window_params = [{transform_indices = #map}, {transform_indices = #map1}, {transform_indices = #map1}, {transform_indices = #map}]} {
    %mul3A = arith.constant 2 : i32
    %mul3A_0 = arith.muli %arg1, %mul3A : i32
    %add3A = arith.addi %mul3A_0, %arg0 : i32
    %scan3A = arith.constant 0 : i32
    %scan3A_1 = arith.constant 0 : i32
    %scan3A_2 = arith.constant 20 : i32
    %scan3A_3 = arith.addi %scan3A_1, %scan3A_2 : i32
    %scan3A_4 = arith.constant 1 : i32
    scf.for %scan3A_6 = %scan3A_1 to %scan3A_3 step %scan3A_4  : i32 {
      %mul3A_7 = arith.constant 20 : i32
      %mul3A_8 = arith.muli %add3A, %mul3A_7 : i32
      %add3A_9 = arith.addi %mul3A_8, %scan3A_6 : i32
      %mul3A_10 = arith.constant 320 : i32
      %mul3A_11 = arith.muli %add3A, %mul3A_10 : i32
      %mul3A_12 = arith.constant 16 : i32
      %mul3A_13 = arith.muli %scan3A_6, %mul3A_12 : i32
      %add3A_14 = arith.addi %mul3A_11, %mul3A_13 : i32
      %mul3A_15 = arith.constant 640 : i32
      %mul3A_16 = arith.muli %add3A_9, %mul3A_15 : i32
      "tpu.region"() ({
        %run_scoped3A = tpu.sem_alloc : memref<!tpu.dma_semaphore, #tpu.memory_space<semaphore_mem>>
        %dma_start3A_103 = tpu.memref_slice %arg3[%mul3A_16] : memref<409600xi32, #tpu.memory_space<hbm>> -> memref<640xi32, #tpu.memory_space<hbm>>
        %dma_start3A_104 = tpu.memref_slice %arg3[%mul3A_16] : memref<409600xi32, #tpu.memory_space<hbm>> -> memref<640xi32, #tpu.memory_space<hbm>>
        tpu.enqueue_dma source(%dma_start3A_104 : memref<640xi32, #tpu.memory_space<hbm>>) target(%arg6 : memref<640xi32, #tpu.memory_space<vmem>>) target_semaphore(%run_scoped3A : memref<!tpu.dma_semaphore, #tpu.memory_space<semaphore_mem>>)
        %dma_wait3A_105 = tpu.memref_slice %arg3[%mul3A_16] : memref<409600xi32, #tpu.memory_space<hbm>> -> memref<640xi32, #tpu.memory_space<hbm>>
        %dma_wait3A_106 = tpu.memref_slice %arg3[%mul3A_16] : memref<409600xi32, #tpu.memory_space<hbm>> -> memref<640xi32, #tpu.memory_space<hbm>>
        tpu.wait_dma2 semaphore(%run_scoped3A : memref<!tpu.dma_semaphore, #tpu.memory_space<semaphore_mem>>) src(%dma_wait3A_106 : memref<640xi32, #tpu.memory_space<hbm>>) dst(%arg6 : memref<640xi32, #tpu.memory_space<vmem>>)
        tpu.yield
      }) : () -> ()
      %mul3A_17 = arith.constant 640 : i32
      %mul3A_18 = arith.muli %add3A_9, %mul3A_17 : i32
      "tpu.region"() ({
        %run_scoped3A = tpu.sem_alloc : memref<!tpu.dma_semaphore, #tpu.memory_space<semaphore_mem>>
        %dma_start3A_103 = tpu.memref_slice %arg4[%mul3A_18] : memref<409600xf32, #tpu.memory_space<hbm>> -> memref<640xf32, #tpu.memory_space<hbm>>
        %dma_start3A_104 = tpu.memref_slice %arg4[%mul3A_18] : memref<409600xf32, #tpu.memory_space<hbm>> -> memref<640xf32, #tpu.memory_space<hbm>>
        tpu.enqueue_dma source(%dma_start3A_104 : memref<640xf32, #tpu.memory_space<hbm>>) target(%arg7 : memref<640xf32, #tpu.memory_space<vmem>>) target_semaphore(%run_scoped3A : memref<!tpu.dma_semaphore, #tpu.memory_space<semaphore_mem>>)
        %dma_wait3A_105 = tpu.memref_slice %arg4[%mul3A_18] : memref<409600xf32, #tpu.memory_space<hbm>> -> memref<640xf32, #tpu.memory_space<hbm>>
        %dma_wait3A_106 = tpu.memref_slice %arg4[%mul3A_18] : memref<409600xf32, #tpu.memory_space<hbm>> -> memref<640xf32, #tpu.memory_space<hbm>>
        tpu.wait_dma2 semaphore(%run_scoped3A : memref<!tpu.dma_semaphore, #tpu.memory_space<semaphore_mem>>) src(%dma_wait3A_106 : memref<640xf32, #tpu.memory_space<hbm>>) dst(%arg7 : memref<640xf32, #tpu.memory_space<vmem>>)
        tpu.yield
      }) : () -> ()
      %dma_start3A = arith.constant 0 : i32
      %dma_start3A_19 = arith.constant 0 : i32
      %dma_start3A_20 = tpu.memref_slice %arg8[%dma_start3A, %dma_start3A_19] : memref<640x32xf32, #tpu.memory_space<vmem>> -> memref<128x32xf32, #tpu.memory_space<vmem>>
      %dma_start3A_21 = arith.constant 0 : i32
      %dma_start3A_22 = tpu.memref_slice %arg6[%dma_start3A_21] : memref<640xi32, #tpu.memory_space<vmem>> -> memref<128xi32, #tpu.memory_space<vmem>>
      %dma_start3A_23 = arith.constant 0 : i32
      %dma_start3A_24 = arith.constant 0 : i32
      %dma_start3A_25 = tpu.memref_slice %arg2[%dma_start3A_23, %dma_start3A_24] : memref<10240x32xf32, #tpu.memory_space<hbm>> -> memref<10240x32xf32, #tpu.memory_space<hbm>>
      tpu.enqueue_indirect_dma source(%dma_start3A_25 : memref<10240x32xf32, #tpu.memory_space<hbm>>) target(%dma_start3A_20 : memref<128x32xf32, #tpu.memory_space<vmem>>) offsets(%dma_start3A_22 : memref<128xi32, #tpu.memory_space<vmem>>) semaphore(%arg10 : memref<!tpu.dma_semaphore, #tpu.memory_space<semaphore_mem>>)
      %dma_start3A_26 = arith.constant 128 : i32
      %dma_start3A_27 = arith.constant 0 : i32
      %dma_start3A_28 = tpu.memref_slice %arg8[%dma_start3A_26, %dma_start3A_27] : memref<640x32xf32, #tpu.memory_space<vmem>> -> memref<128x32xf32, #tpu.memory_space<vmem>>
      %dma_start3A_29 = arith.constant 128 : i32
      %dma_start3A_30 = tpu.memref_slice %arg6[%dma_start3A_29] : memref<640xi32, #tpu.memory_space<vmem>> -> memref<128xi32, #tpu.memory_space<vmem>>
      %dma_start3A_31 = arith.constant 0 : i32
      %dma_start3A_32 = arith.constant 0 : i32
      %dma_start3A_33 = tpu.memref_slice %arg2[%dma_start3A_31, %dma_start3A_32] : memref<10240x32xf32, #tpu.memory_space<hbm>> -> memref<10240x32xf32, #tpu.memory_space<hbm>>
      tpu.enqueue_indirect_dma source(%dma_start3A_33 : memref<10240x32xf32, #tpu.memory_space<hbm>>) target(%dma_start3A_28 : memref<128x32xf32, #tpu.memory_space<vmem>>) offsets(%dma_start3A_30 : memref<128xi32, #tpu.memory_space<vmem>>) semaphore(%arg10 : memref<!tpu.dma_semaphore, #tpu.memory_space<semaphore_mem>>)
      %dma_start3A_34 = arith.constant 256 : i32
      %dma_start3A_35 = arith.constant 0 : i32
      %dma_start3A_36 = tpu.memref_slice %arg8[%dma_start3A_34, %dma_start3A_35] : memref<640x32xf32, #tpu.memory_space<vmem>> -> memref<128x32xf32, #tpu.memory_space<vmem>>
      %dma_start3A_37 = arith.constant 256 : i32
      %dma_start3A_38 = tpu.memref_slice %arg6[%dma_start3A_37] : memref<640xi32, #tpu.memory_space<vmem>> -> memref<128xi32, #tpu.memory_space<vmem>>
      %dma_start3A_39 = arith.constant 0 : i32
      %dma_start3A_40 = arith.constant 0 : i32
      %dma_start3A_41 = tpu.memref_slice %arg2[%dma_start3A_39, %dma_start3A_40] : memref<10240x32xf32, #tpu.memory_space<hbm>> -> memref<10240x32xf32, #tpu.memory_space<hbm>>
      tpu.enqueue_indirect_dma source(%dma_start3A_41 : memref<10240x32xf32, #tpu.memory_space<hbm>>) target(%dma_start3A_36 : memref<128x32xf32, #tpu.memory_space<vmem>>) offsets(%dma_start3A_38 : memref<128xi32, #tpu.memory_space<vmem>>) semaphore(%arg10 : memref<!tpu.dma_semaphore, #tpu.memory_space<semaphore_mem>>)
      %dma_start3A_42 = arith.constant 384 : i32
      %dma_start3A_43 = arith.constant 0 : i32
      %dma_start3A_44 = tpu.memref_slice %arg8[%dma_start3A_42, %dma_start3A_43] : memref<640x32xf32, #tpu.memory_space<vmem>> -> memref<128x32xf32, #tpu.memory_space<vmem>>
      %dma_start3A_45 = arith.constant 384 : i32
      %dma_start3A_46 = tpu.memref_slice %arg6[%dma_start3A_45] : memref<640xi32, #tpu.memory_space<vmem>> -> memref<128xi32, #tpu.memory_space<vmem>>
      %dma_start3A_47 = arith.constant 0 : i32
      %dma_start3A_48 = arith.constant 0 : i32
      %dma_start3A_49 = tpu.memref_slice %arg2[%dma_start3A_47, %dma_start3A_48] : memref<10240x32xf32, #tpu.memory_space<hbm>> -> memref<10240x32xf32, #tpu.memory_space<hbm>>
      tpu.enqueue_indirect_dma source(%dma_start3A_49 : memref<10240x32xf32, #tpu.memory_space<hbm>>) target(%dma_start3A_44 : memref<128x32xf32, #tpu.memory_space<vmem>>) offsets(%dma_start3A_46 : memref<128xi32, #tpu.memory_space<vmem>>) semaphore(%arg10 : memref<!tpu.dma_semaphore, #tpu.memory_space<semaphore_mem>>)
      %dma_start3A_50 = arith.constant 512 : i32
      %dma_start3A_51 = arith.constant 0 : i32
      %dma_start3A_52 = tpu.memref_slice %arg8[%dma_start3A_50, %dma_start3A_51] : memref<640x32xf32, #tpu.memory_space<vmem>> -> memref<128x32xf32, #tpu.memory_space<vmem>>
      %dma_start3A_53 = arith.constant 512 : i32
      %dma_start3A_54 = tpu.memref_slice %arg6[%dma_start3A_53] : memref<640xi32, #tpu.memory_space<vmem>> -> memref<128xi32, #tpu.memory_space<vmem>>
      %dma_start3A_55 = arith.constant 0 : i32
      %dma_start3A_56 = arith.constant 0 : i32
      %dma_start3A_57 = tpu.memref_slice %arg2[%dma_start3A_55, %dma_start3A_56] : memref<10240x32xf32, #tpu.memory_space<hbm>> -> memref<10240x32xf32, #tpu.memory_space<hbm>>
      tpu.enqueue_indirect_dma source(%dma_start3A_57 : memref<10240x32xf32, #tpu.memory_space<hbm>>) target(%dma_start3A_52 : memref<128x32xf32, #tpu.memory_space<vmem>>) offsets(%dma_start3A_54 : memref<128xi32, #tpu.memory_space<vmem>>) semaphore(%arg10 : memref<!tpu.dma_semaphore, #tpu.memory_space<semaphore_mem>>)
      %dma_wait3A = arith.constant 0 : i32
      %dma_wait3A_58 = arith.constant 0 : i32
      %dma_wait3A_59 = tpu.memref_slice %arg8[%dma_wait3A, %dma_wait3A_58] : memref<640x32xf32, #tpu.memory_space<vmem>> -> memref<128x32xf32, #tpu.memory_space<vmem>>
      %dma_wait3A_60 = arith.constant 0 : i32
      %dma_wait3A_61 = tpu.memref_slice %arg6[%dma_wait3A_60] : memref<640xi32, #tpu.memory_space<vmem>> -> memref<128xi32, #tpu.memory_space<vmem>>
      %dma_wait3A_62 = arith.constant 0 : i32
      %dma_wait3A_63 = arith.constant 0 : i32
      %dma_wait3A_64 = tpu.memref_slice %arg2[%dma_wait3A_62, %dma_wait3A_63] : memref<10240x32xf32, #tpu.memory_space<hbm>> -> memref<10240x32xf32, #tpu.memory_space<hbm>>
      tpu.wait_indirect_dma semaphore(%arg10 : memref<!tpu.dma_semaphore, #tpu.memory_space<semaphore_mem>>) src(%dma_wait3A_64 : memref<10240x32xf32, #tpu.memory_space<hbm>>) dst(%dma_wait3A_59 : memref<128x32xf32, #tpu.memory_space<vmem>>)
      %dma_wait3A_65 = arith.constant 128 : i32
      %dma_wait3A_66 = arith.constant 0 : i32
      %dma_wait3A_67 = tpu.memref_slice %arg8[%dma_wait3A_65, %dma_wait3A_66] : memref<640x32xf32, #tpu.memory_space<vmem>> -> memref<128x32xf32, #tpu.memory_space<vmem>>
      %dma_wait3A_68 = arith.constant 128 : i32
      %dma_wait3A_69 = tpu.memref_slice %arg6[%dma_wait3A_68] : memref<640xi32, #tpu.memory_space<vmem>> -> memref<128xi32, #tpu.memory_space<vmem>>
      %dma_wait3A_70 = arith.constant 0 : i32
      %dma_wait3A_71 = arith.constant 0 : i32
      %dma_wait3A_72 = tpu.memref_slice %arg2[%dma_wait3A_70, %dma_wait3A_71] : memref<10240x32xf32, #tpu.memory_space<hbm>> -> memref<10240x32xf32, #tpu.memory_space<hbm>>
      tpu.wait_indirect_dma semaphore(%arg10 : memref<!tpu.dma_semaphore, #tpu.memory_space<semaphore_mem>>) src(%dma_wait3A_72 : memref<10240x32xf32, #tpu.memory_space<hbm>>) dst(%dma_wait3A_67 : memref<128x32xf32, #tpu.memory_space<vmem>>)
      %dma_wait3A_73 = arith.constant 256 : i32
      %dma_wait3A_74 = arith.constant 0 : i32
      %dma_wait3A_75 = tpu.memref_slice %arg8[%dma_wait3A_73, %dma_wait3A_74] : memref<640x32xf32, #tpu.memory_space<vmem>> -> memref<128x32xf32, #tpu.memory_space<vmem>>
      %dma_wait3A_76 = arith.constant 256 : i32
      %dma_wait3A_77 = tpu.memref_slice %arg6[%dma_wait3A_76] : memref<640xi32, #tpu.memory_space<vmem>> -> memref<128xi32, #tpu.memory_space<vmem>>
      %dma_wait3A_78 = arith.constant 0 : i32
      %dma_wait3A_79 = arith.constant 0 : i32
      %dma_wait3A_80 = tpu.memref_slice %arg2[%dma_wait3A_78, %dma_wait3A_79] : memref<10240x32xf32, #tpu.memory_space<hbm>> -> memref<10240x32xf32, #tpu.memory_space<hbm>>
      tpu.wait_indirect_dma semaphore(%arg10 : memref<!tpu.dma_semaphore, #tpu.memory_space<semaphore_mem>>) src(%dma_wait3A_80 : memref<10240x32xf32, #tpu.memory_space<hbm>>) dst(%dma_wait3A_75 : memref<128x32xf32, #tpu.memory_space<vmem>>)
      %dma_wait3A_81 = arith.constant 384 : i32
      %dma_wait3A_82 = arith.constant 0 : i32
      %dma_wait3A_83 = tpu.memref_slice %arg8[%dma_wait3A_81, %dma_wait3A_82] : memref<640x32xf32, #tpu.memory_space<vmem>> -> memref<128x32xf32, #tpu.memory_space<vmem>>
      %dma_wait3A_84 = arith.constant 384 : i32
      %dma_wait3A_85 = tpu.memref_slice %arg6[%dma_wait3A_84] : memref<640xi32, #tpu.memory_space<vmem>> -> memref<128xi32, #tpu.memory_space<vmem>>
      %dma_wait3A_86 = arith.constant 0 : i32
      %dma_wait3A_87 = arith.constant 0 : i32
      %dma_wait3A_88 = tpu.memref_slice %arg2[%dma_wait3A_86, %dma_wait3A_87] : memref<10240x32xf32, #tpu.memory_space<hbm>> -> memref<10240x32xf32, #tpu.memory_space<hbm>>
      tpu.wait_indirect_dma semaphore(%arg10 : memref<!tpu.dma_semaphore, #tpu.memory_space<semaphore_mem>>) src(%dma_wait3A_88 : memref<10240x32xf32, #tpu.memory_space<hbm>>) dst(%dma_wait3A_83 : memref<128x32xf32, #tpu.memory_space<vmem>>)
      %dma_wait3A_89 = arith.constant 512 : i32
      %dma_wait3A_90 = arith.constant 0 : i32
      %dma_wait3A_91 = tpu.memref_slice %arg8[%dma_wait3A_89, %dma_wait3A_90] : memref<640x32xf32, #tpu.memory_space<vmem>> -> memref<128x32xf32, #tpu.memory_space<vmem>>
      %dma_wait3A_92 = arith.constant 512 : i32
      %dma_wait3A_93 = tpu.memref_slice %arg6[%dma_wait3A_92] : memref<640xi32, #tpu.memory_space<vmem>> -> memref<128xi32, #tpu.memory_space<vmem>>
      %dma_wait3A_94 = arith.constant 0 : i32
      %dma_wait3A_95 = arith.constant 0 : i32
      %dma_wait3A_96 = tpu.memref_slice %arg2[%dma_wait3A_94, %dma_wait3A_95] : memref<10240x32xf32, #tpu.memory_space<hbm>> -> memref<10240x32xf32, #tpu.memory_space<hbm>>
      tpu.wait_indirect_dma semaphore(%arg10 : memref<!tpu.dma_semaphore, #tpu.memory_space<semaphore_mem>>) src(%dma_wait3A_96 : memref<10240x32xf32, #tpu.memory_space<hbm>>) dst(%dma_wait3A_91 : memref<128x32xf32, #tpu.memory_space<vmem>>)
      %scan3A_97 = arith.constant 0 : i32
      %scan3A_98 = arith.constant 0 : i32
      %scan3A_99 = arith.constant 16 : i32
      %scan3A_100 = arith.addi %scan3A_98, %scan3A_99 : i32
      %scan3A_101 = arith.constant 1 : i32
      scf.for %scan3A_103 = %scan3A_98 to %scan3A_100 step %scan3A_101  : i32 {
        %broadcast_in_dim3A = arith.constant 0.000000e+00 : f32
        %broadcast_in_dim3A_104 = vector.broadcast %broadcast_in_dim3A : f32 to vector<16xf32>
        %broadcast_in_dim3A_105 = arith.constant 0.000000e+00 : f32
        %broadcast_in_dim3A_106 = vector.broadcast %broadcast_in_dim3A_105 : f32 to vector<16xf32>
        %broadcast_in_dim3A_107 = arith.constant -3.000000e+38 : f32
        %broadcast_in_dim3A_108 = vector.broadcast %broadcast_in_dim3A_107 : f32 to vector<16xf32>
        %broadcast_in_dim3A_109 = arith.constant -3.000000e+38 : f32
        %broadcast_in_dim3A_110 = vector.broadcast %broadcast_in_dim3A_109 : f32 to vector<16xf32>
        %add3A_111 = arith.constant 0 : i32
        %add3A_112 = arith.addi %add3A_111, %scan3A_103 : i32
        %broadcast_in_dim3A_113 = vector.broadcast %add3A_112 : i32 to vector<16xi32>
        %gather3A = tpu.vector_load_idx %arg7[%broadcast_in_dim3A_113] : memref<640xf32, #tpu.memory_space<vmem>>[vector<16xi32>], vector<16xf32>,
        %get3A = arith.index_cast %add3A_112 : i32 to index
        %get3A_114 = arith.constant 0 : index
        %get3A_115 = tpu.vector_load %arg8[%get3A, %get3A_114] {strides = array<i32>} : memref<640x32xf32, #tpu.memory_space<vmem>>, vector<16xf32>,
        %mul3A_116 = arith.mulf %get3A_115, %gather3A : vector<16xf32>
        %get3A_117 = arith.index_cast %add3A_112 : i32 to index
        %get3A_118 = arith.constant 16 : index
        %get3A_119 = tpu.vector_load %arg8[%get3A_117, %get3A_118] {strides = array<i32>} : memref<640x32xf32, #tpu.memory_space<vmem>>, vector<16xf32>,
        %mul3A_120 = arith.mulf %get3A_119, %gather3A : vector<16xf32>
        %add3A_121 = arith.addf %broadcast_in_dim3A_104, %mul3A_116 : vector<16xf32>
        %add3A_122 = arith.addf %broadcast_in_dim3A_106, %mul3A_120 : vector<16xf32>
        %max3A = arith.maximumf %broadcast_in_dim3A_108, %mul3A_116 : vector<16xf32>
        %max3A_123 = arith.maximumf %broadcast_in_dim3A_110, %mul3A_120 : vector<16xf32>
        %add3A_124 = arith.constant 16 : i32
        %add3A_125 = arith.addi %add3A_124, %scan3A_103 : i32
        %broadcast_in_dim3A_126 = vector.broadcast %add3A_125 : i32 to vector<16xi32>
        %gather3A_127 = tpu.vector_load_idx %arg7[%broadcast_in_dim3A_126] : memref<640xf32, #tpu.memory_space<vmem>>[vector<16xi32>], vector<16xf32>,
        %get3A_128 = arith.index_cast %add3A_125 : i32 to index
        %get3A_129 = arith.constant 0 : index
        %get3A_130 = tpu.vector_load %arg8[%get3A_128, %get3A_129] {strides = array<i32>} : memref<640x32xf32, #tpu.memory_space<vmem>>, vector<16xf32>,
        %mul3A_131 = arith.mulf %get3A_130, %gather3A_127 : vector<16xf32>
        %get3A_132 = arith.index_cast %add3A_125 : i32 to index
        %get3A_133 = arith.constant 16 : index
        %get3A_134 = tpu.vector_load %arg8[%get3A_132, %get3A_133] {strides = array<i32>} : memref<640x32xf32, #tpu.memory_space<vmem>>, vector<16xf32>,
        %mul3A_135 = arith.mulf %get3A_134, %gather3A_127 : vector<16xf32>
        %add3A_136 = arith.addf %add3A_121, %mul3A_131 : vector<16xf32>
        %add3A_137 = arith.addf %add3A_122, %mul3A_135 : vector<16xf32>
        %max3A_138 = arith.maximumf %max3A, %mul3A_131 : vector<16xf32>
        %max3A_139 = arith.maximumf %max3A_123, %mul3A_135 : vector<16xf32>
        %add3A_140 = arith.constant 32 : i32
        %add3A_141 = arith.addi %add3A_140, %scan3A_103 : i32
        %broadcast_in_dim3A_142 = vector.broadcast %add3A_141 : i32 to vector<16xi32>
        %gather3A_143 = tpu.vector_load_idx %arg7[%broadcast_in_dim3A_142] : memref<640xf32, #tpu.memory_space<vmem>>[vector<16xi32>], vector<16xf32>,
        %get3A_144 = arith.index_cast %add3A_141 : i32 to index
        %get3A_145 = arith.constant 0 : index
        %get3A_146 = tpu.vector_load %arg8[%get3A_144, %get3A_145] {strides = array<i32>} : memref<640x32xf32, #tpu.memory_space<vmem>>, vector<16xf32>,
        %mul3A_147 = arith.mulf %get3A_146, %gather3A_143 : vector<16xf32>
        %get3A_148 = arith.index_cast %add3A_141 : i32 to index
        %get3A_149 = arith.constant 16 : index
        %get3A_150 = tpu.vector_load %arg8[%get3A_148, %get3A_149] {strides = array<i32>} : memref<640x32xf32, #tpu.memory_space<vmem>>, vector<16xf32>,
        %mul3A_151 = arith.mulf %get3A_150, %gather3A_143 : vector<16xf32>
        %add3A_152 = arith.addf %add3A_136, %mul3A_147 : vector<16xf32>
        %add3A_153 = arith.addf %add3A_137, %mul3A_151 : vector<16xf32>
        %max3A_154 = arith.maximumf %max3A_138, %mul3A_147 : vector<16xf32>
        %max3A_155 = arith.maximumf %max3A_139, %mul3A_151 : vector<16xf32>
        %add3A_156 = arith.constant 48 : i32
        %add3A_157 = arith.addi %add3A_156, %scan3A_103 : i32
        %broadcast_in_dim3A_158 = vector.broadcast %add3A_157 : i32 to vector<16xi32>
        %gather3A_159 = tpu.vector_load_idx %arg7[%broadcast_in_dim3A_158] : memref<640xf32, #tpu.memory_space<vmem>>[vector<16xi32>], vector<16xf32>,
        %get3A_160 = arith.index_cast %add3A_157 : i32 to index
        %get3A_161 = arith.constant 0 : index
        %get3A_162 = tpu.vector_load %arg8[%get3A_160, %get3A_161] {strides = array<i32>} : memref<640x32xf32, #tpu.memory_space<vmem>>, vector<16xf32>,
        %mul3A_163 = arith.mulf %get3A_162, %gather3A_159 : vector<16xf32>
        %get3A_164 = arith.index_cast %add3A_157 : i32 to index
        %get3A_165 = arith.constant 16 : index
        %get3A_166 = tpu.vector_load %arg8[%get3A_164, %get3A_165] {strides = array<i32>} : memref<640x32xf32, #tpu.memory_space<vmem>>, vector<16xf32>,
        %mul3A_167 = arith.mulf %get3A_166, %gather3A_159 : vector<16xf32>
        %add3A_168 = arith.addf %add3A_152, %mul3A_163 : vector<16xf32>
        %add3A_169 = arith.addf %add3A_153, %mul3A_167 : vector<16xf32>
        %max3A_170 = arith.maximumf %max3A_154, %mul3A_163 : vector<16xf32>
        %max3A_171 = arith.maximumf %max3A_155, %mul3A_167 : vector<16xf32>
        %add3A_172 = arith.constant 64 : i32
        %add3A_173 = arith.addi %add3A_172, %scan3A_103 : i32
        %broadcast_in_dim3A_174 = vector.broadcast %add3A_173 : i32 to vector<16xi32>
        %gather3A_175 = tpu.vector_load_idx %arg7[%broadcast_in_dim3A_174] : memref<640xf32, #tpu.memory_space<vmem>>[vector<16xi32>], vector<16xf32>,
        %get3A_176 = arith.index_cast %add3A_173 : i32 to index
        %get3A_177 = arith.constant 0 : index
        %get3A_178 = tpu.vector_load %arg8[%get3A_176, %get3A_177] {strides = array<i32>} : memref<640x32xf32, #tpu.memory_space<vmem>>, vector<16xf32>,
        %mul3A_179 = arith.mulf %get3A_178, %gather3A_175 : vector<16xf32>
        %get3A_180 = arith.index_cast %add3A_173 : i32 to index
        %get3A_181 = arith.constant 16 : index
        %get3A_182 = tpu.vector_load %arg8[%get3A_180, %get3A_181] {strides = array<i32>} : memref<640x32xf32, #tpu.memory_space<vmem>>, vector<16xf32>,
        %mul3A_183 = arith.mulf %get3A_182, %gather3A_175 : vector<16xf32>
        %add3A_184 = arith.addf %add3A_168, %mul3A_179 : vector<16xf32>
        %add3A_185 = arith.addf %add3A_169, %mul3A_183 : vector<16xf32>
        %max3A_186 = arith.maximumf %max3A_170, %mul3A_179 : vector<16xf32>
        %max3A_187 = arith.maximumf %max3A_171, %mul3A_183 : vector<16xf32>
        %add3A_188 = arith.constant 80 : i32
        %add3A_189 = arith.addi %add3A_188, %scan3A_103 : i32
        %broadcast_in_dim3A_190 = vector.broadcast %add3A_189 : i32 to vector<16xi32>
        %gather3A_191 = tpu.vector_load_idx %arg7[%broadcast_in_dim3A_190] : memref<640xf32, #tpu.memory_space<vmem>>[vector<16xi32>], vector<16xf32>,
        %get3A_192 = arith.index_cast %add3A_189 : i32 to index
        %get3A_193 = arith.constant 0 : index
        %get3A_194 = tpu.vector_load %arg8[%get3A_192, %get3A_193] {strides = array<i32>} : memref<640x32xf32, #tpu.memory_space<vmem>>, vector<16xf32>,
        %mul3A_195 = arith.mulf %get3A_194, %gather3A_191 : vector<16xf32>
        %get3A_196 = arith.index_cast %add3A_189 : i32 to index
        %get3A_197 = arith.constant 16 : index
        %get3A_198 = tpu.vector_load %arg8[%get3A_196, %get3A_197] {strides = array<i32>} : memref<640x32xf32, #tpu.memory_space<vmem>>, vector<16xf32>,
        %mul3A_199 = arith.mulf %get3A_198, %gather3A_191 : vector<16xf32>
        %add3A_200 = arith.addf %add3A_184, %mul3A_195 : vector<16xf32>
        %add3A_201 = arith.addf %add3A_185, %mul3A_199 : vector<16xf32>
        %max3A_202 = arith.maximumf %max3A_186, %mul3A_195 : vector<16xf32>
        %max3A_203 = arith.maximumf %max3A_187, %mul3A_199 : vector<16xf32>
        %add3A_204 = arith.constant 96 : i32
        %add3A_205 = arith.addi %add3A_204, %scan3A_103 : i32
        %broadcast_in_dim3A_206 = vector.broadcast %add3A_205 : i32 to vector<16xi32>
        %gather3A_207 = tpu.vector_load_idx %arg7[%broadcast_in_dim3A_206] : memref<640xf32, #tpu.memory_space<vmem>>[vector<16xi32>], vector<16xf32>,
        %get3A_208 = arith.index_cast %add3A_205 : i32 to index
        %get3A_209 = arith.constant 0 : index
        %get3A_210 = tpu.vector_load %arg8[%get3A_208, %get3A_209] {strides = array<i32>} : memref<640x32xf32, #tpu.memory_space<vmem>>, vector<16xf32>,
        %mul3A_211 = arith.mulf %get3A_210, %gather3A_207 : vector<16xf32>
        %get3A_212 = arith.index_cast %add3A_205 : i32 to index
        %get3A_213 = arith.constant 16 : index
        %get3A_214 = tpu.vector_load %arg8[%get3A_212, %get3A_213] {strides = array<i32>} : memref<640x32xf32, #tpu.memory_space<vmem>>, vector<16xf32>,
        %mul3A_215 = arith.mulf %get3A_214, %gather3A_207 : vector<16xf32>
        %add3A_216 = arith.addf %add3A_200, %mul3A_211 : vector<16xf32>
        %add3A_217 = arith.addf %add3A_201, %mul3A_215 : vector<16xf32>
        %max3A_218 = arith.maximumf %max3A_202, %mul3A_211 : vector<16xf32>
        %max3A_219 = arith.maximumf %max3A_203, %mul3A_215 : vector<16xf32>
        %add3A_220 = arith.constant 112 : i32
        %add3A_221 = arith.addi %add3A_220, %scan3A_103 : i32
        %broadcast_in_dim3A_222 = vector.broadcast %add3A_221 : i32 to vector<16xi32>
        %gather3A_223 = tpu.vector_load_idx %arg7[%broadcast_in_dim3A_222] : memref<640xf32, #tpu.memory_space<vmem>>[vector<16xi32>], vector<16xf32>,
        %get3A_224 = arith.index_cast %add3A_221 : i32 to index
        %get3A_225 = arith.constant 0 : index
        %get3A_226 = tpu.vector_load %arg8[%get3A_224, %get3A_225] {strides = array<i32>} : memref<640x32xf32, #tpu.memory_space<vmem>>, vector<16xf32>,
        %mul3A_227 = arith.mulf %get3A_226, %gather3A_223 : vector<16xf32>
        %get3A_228 = arith.index_cast %add3A_221 : i32 to index
        %get3A_229 = arith.constant 16 : index
        %get3A_230 = tpu.vector_load %arg8[%get3A_228, %get3A_229] {strides = array<i32>} : memref<640x32xf32, #tpu.memory_space<vmem>>, vector<16xf32>,
        %mul3A_231 = arith.mulf %get3A_230, %gather3A_223 : vector<16xf32>
        %add3A_232 = arith.addf %add3A_216, %mul3A_227 : vector<16xf32>
        %add3A_233 = arith.addf %add3A_217, %mul3A_231 : vector<16xf32>
        %max3A_234 = arith.maximumf %max3A_218, %mul3A_227 : vector<16xf32>
        %max3A_235 = arith.maximumf %max3A_219, %mul3A_231 : vector<16xf32>
        %add3A_236 = arith.constant 128 : i32
        %add3A_237 = arith.addi %add3A_236, %scan3A_103 : i32
        %broadcast_in_dim3A_238 = vector.broadcast %add3A_237 : i32 to vector<16xi32>
        %gather3A_239 = tpu.vector_load_idx %arg7[%broadcast_in_dim3A_238] : memref<640xf32, #tpu.memory_space<vmem>>[vector<16xi32>], vector<16xf32>,
        %get3A_240 = arith.index_cast %add3A_237 : i32 to index
        %get3A_241 = arith.constant 0 : index
        %get3A_242 = tpu.vector_load %arg8[%get3A_240, %get3A_241] {strides = array<i32>} : memref<640x32xf32, #tpu.memory_space<vmem>>, vector<16xf32>,
        %mul3A_243 = arith.mulf %get3A_242, %gather3A_239 : vector<16xf32>
        %get3A_244 = arith.index_cast %add3A_237 : i32 to index
        %get3A_245 = arith.constant 16 : index
        %get3A_246 = tpu.vector_load %arg8[%get3A_244, %get3A_245] {strides = array<i32>} : memref<640x32xf32, #tpu.memory_space<vmem>>, vector<16xf32>,
        %mul3A_247 = arith.mulf %get3A_246, %gather3A_239 : vector<16xf32>
        %add3A_248 = arith.addf %add3A_232, %mul3A_243 : vector<16xf32>
        %add3A_249 = arith.addf %add3A_233, %mul3A_247 : vector<16xf32>
        %max3A_250 = arith.maximumf %max3A_234, %mul3A_243 : vector<16xf32>
        %max3A_251 = arith.maximumf %max3A_235, %mul3A_247 : vector<16xf32>
        %add3A_252 = arith.constant 144 : i32
        %add3A_253 = arith.addi %add3A_252, %scan3A_103 : i32
        %broadcast_in_dim3A_254 = vector.broadcast %add3A_253 : i32 to vector<16xi32>
        %gather3A_255 = tpu.vector_load_idx %arg7[%broadcast_in_dim3A_254] : memref<640xf32, #tpu.memory_space<vmem>>[vector<16xi32>], vector<16xf32>,
        %get3A_256 = arith.index_cast %add3A_253 : i32 to index
        %get3A_257 = arith.constant 0 : index
        %get3A_258 = tpu.vector_load %arg8[%get3A_256, %get3A_257] {strides = array<i32>} : memref<640x32xf32, #tpu.memory_space<vmem>>, vector<16xf32>,
        %mul3A_259 = arith.mulf %get3A_258, %gather3A_255 : vector<16xf32>
        %get3A_260 = arith.index_cast %add3A_253 : i32 to index
        %get3A_261 = arith.constant 16 : index
        %get3A_262 = tpu.vector_load %arg8[%get3A_260, %get3A_261] {strides = array<i32>} : memref<640x32xf32, #tpu.memory_space<vmem>>, vector<16xf32>,
        %mul3A_263 = arith.mulf %get3A_262, %gather3A_255 : vector<16xf32>
        %add3A_264 = arith.addf %add3A_248, %mul3A_259 : vector<16xf32>
        %add3A_265 = arith.addf %add3A_249, %mul3A_263 : vector<16xf32>
        %max3A_266 = arith.maximumf %max3A_250, %mul3A_259 : vector<16xf32>
        %max3A_267 = arith.maximumf %max3A_251, %mul3A_263 : vector<16xf32>
        %add3A_268 = arith.constant 160 : i32
        %add3A_269 = arith.addi %add3A_268, %scan3A_103 : i32
        %broadcast_in_dim3A_270 = vector.broadcast %add3A_269 : i32 to vector<16xi32>
        %gather3A_271 = tpu.vector_load_idx %arg7[%broadcast_in_dim3A_270] : memref<640xf32, #tpu.memory_space<vmem>>[vector<16xi32>], vector<16xf32>,
        %get3A_272 = arith.index_cast %add3A_269 : i32 to index
        %get3A_273 = arith.constant 0 : index
        %get3A_274 = tpu.vector_load %arg8[%get3A_272, %get3A_273] {strides = array<i32>} : memref<640x32xf32, #tpu.memory_space<vmem>>, vector<16xf32>,
        %mul3A_275 = arith.mulf %get3A_274, %gather3A_271 : vector<16xf32>
        %get3A_276 = arith.index_cast %add3A_269 : i32 to index
        %get3A_277 = arith.constant 16 : index
        %get3A_278 = tpu.vector_load %arg8[%get3A_276, %get3A_277] {strides = array<i32>} : memref<640x32xf32, #tpu.memory_space<vmem>>, vector<16xf32>,
        %mul3A_279 = arith.mulf %get3A_278, %gather3A_271 : vector<16xf32>
        %add3A_280 = arith.addf %add3A_264, %mul3A_275 : vector<16xf32>
        %add3A_281 = arith.addf %add3A_265, %mul3A_279 : vector<16xf32>
        %max3A_282 = arith.maximumf %max3A_266, %mul3A_275 : vector<16xf32>
        %max3A_283 = arith.maximumf %max3A_267, %mul3A_279 : vector<16xf32>
        %add3A_284 = arith.constant 176 : i32
        %add3A_285 = arith.addi %add3A_284, %scan3A_103 : i32
        %broadcast_in_dim3A_286 = vector.broadcast %add3A_285 : i32 to vector<16xi32>
        %gather3A_287 = tpu.vector_load_idx %arg7[%broadcast_in_dim3A_286] : memref<640xf32, #tpu.memory_space<vmem>>[vector<16xi32>], vector<16xf32>,
        %get3A_288 = arith.index_cast %add3A_285 : i32 to index
        %get3A_289 = arith.constant 0 : index
        %get3A_290 = tpu.vector_load %arg8[%get3A_288, %get3A_289] {strides = array<i32>} : memref<640x32xf32, #tpu.memory_space<vmem>>, vector<16xf32>,
        %mul3A_291 = arith.mulf %get3A_290, %gather3A_287 : vector<16xf32>
        %get3A_292 = arith.index_cast %add3A_285 : i32 to index
        %get3A_293 = arith.constant 16 : index
        %get3A_294 = tpu.vector_load %arg8[%get3A_292, %get3A_293] {strides = array<i32>} : memref<640x32xf32, #tpu.memory_space<vmem>>, vector<16xf32>,
        %mul3A_295 = arith.mulf %get3A_294, %gather3A_287 : vector<16xf32>
        %add3A_296 = arith.addf %add3A_280, %mul3A_291 : vector<16xf32>
        %add3A_297 = arith.addf %add3A_281, %mul3A_295 : vector<16xf32>
        %max3A_298 = arith.maximumf %max3A_282, %mul3A_291 : vector<16xf32>
        %max3A_299 = arith.maximumf %max3A_283, %mul3A_295 : vector<16xf32>
        %add3A_300 = arith.constant 192 : i32
        %add3A_301 = arith.addi %add3A_300, %scan3A_103 : i32
        %broadcast_in_dim3A_302 = vector.broadcast %add3A_301 : i32 to vector<16xi32>
        %gather3A_303 = tpu.vector_load_idx %arg7[%broadcast_in_dim3A_302] : memref<640xf32, #tpu.memory_space<vmem>>[vector<16xi32>], vector<16xf32>,
        %get3A_304 = arith.index_cast %add3A_301 : i32 to index
        %get3A_305 = arith.constant 0 : index
        %get3A_306 = tpu.vector_load %arg8[%get3A_304, %get3A_305] {strides = array<i32>} : memref<640x32xf32, #tpu.memory_space<vmem>>, vector<16xf32>,
        %mul3A_307 = arith.mulf %get3A_306, %gather3A_303 : vector<16xf32>
        %get3A_308 = arith.index_cast %add3A_301 : i32 to index
        %get3A_309 = arith.constant 16 : index
        %get3A_310 = tpu.vector_load %arg8[%get3A_308, %get3A_309] {strides = array<i32>} : memref<640x32xf32, #tpu.memory_space<vmem>>, vector<16xf32>,
        %mul3A_311 = arith.mulf %get3A_310, %gather3A_303 : vector<16xf32>
        %add3A_312 = arith.addf %add3A_296, %mul3A_307 : vector<16xf32>
        %add3A_313 = arith.addf %add3A_297, %mul3A_311 : vector<16xf32>
        %max3A_314 = arith.maximumf %max3A_298, %mul3A_307 : vector<16xf32>
        %max3A_315 = arith.maximumf %max3A_299, %mul3A_311 : vector<16xf32>
        %add3A_316 = arith.constant 208 : i32
        %add3A_317 = arith.addi %add3A_316, %scan3A_103 : i32
        %broadcast_in_dim3A_318 = vector.broadcast %add3A_317 : i32 to vector<16xi32>
        %gather3A_319 = tpu.vector_load_idx %arg7[%broadcast_in_dim3A_318] : memref<640xf32, #tpu.memory_space<vmem>>[vector<16xi32>], vector<16xf32>,
        %get3A_320 = arith.index_cast %add3A_317 : i32 to index
        %get3A_321 = arith.constant 0 : index
        %get3A_322 = tpu.vector_load %arg8[%get3A_320, %get3A_321] {strides = array<i32>} : memref<640x32xf32, #tpu.memory_space<vmem>>, vector<16xf32>,
        %mul3A_323 = arith.mulf %get3A_322, %gather3A_319 : vector<16xf32>
        %get3A_324 = arith.index_cast %add3A_317 : i32 to index
        %get3A_325 = arith.constant 16 : index
        %get3A_326 = tpu.vector_load %arg8[%get3A_324, %get3A_325] {strides = array<i32>} : memref<640x32xf32, #tpu.memory_space<vmem>>, vector<16xf32>,
        %mul3A_327 = arith.mulf %get3A_326, %gather3A_319 : vector<16xf32>
        %add3A_328 = arith.addf %add3A_312, %mul3A_323 : vector<16xf32>
        %add3A_329 = arith.addf %add3A_313, %mul3A_327 : vector<16xf32>
        %max3A_330 = arith.maximumf %max3A_314, %mul3A_323 : vector<16xf32>
        %max3A_331 = arith.maximumf %max3A_315, %mul3A_327 : vector<16xf32>
        %add3A_332 = arith.constant 224 : i32
        %add3A_333 = arith.addi %add3A_332, %scan3A_103 : i32
        %broadcast_in_dim3A_334 = vector.broadcast %add3A_333 : i32 to vector<16xi32>
        %gather3A_335 = tpu.vector_load_idx %arg7[%broadcast_in_dim3A_334] : memref<640xf32, #tpu.memory_space<vmem>>[vector<16xi32>], vector<16xf32>,
        %get3A_336 = arith.index_cast %add3A_333 : i32 to index
        %get3A_337 = arith.constant 0 : index
        %get3A_338 = tpu.vector_load %arg8[%get3A_336, %get3A_337] {strides = array<i32>} : memref<640x32xf32, #tpu.memory_space<vmem>>, vector<16xf32>,
        %mul3A_339 = arith.mulf %get3A_338, %gather3A_335 : vector<16xf32>
        %get3A_340 = arith.index_cast %add3A_333 : i32 to index
        %get3A_341 = arith.constant 16 : index
        %get3A_342 = tpu.vector_load %arg8[%get3A_340, %get3A_341] {strides = array<i32>} : memref<640x32xf32, #tpu.memory_space<vmem>>, vector<16xf32>,
        %mul3A_343 = arith.mulf %get3A_342, %gather3A_335 : vector<16xf32>
        %add3A_344 = arith.addf %add3A_328, %mul3A_339 : vector<16xf32>
        %add3A_345 = arith.addf %add3A_329, %mul3A_343 : vector<16xf32>
        %max3A_346 = arith.maximumf %max3A_330, %mul3A_339 : vector<16xf32>
        %max3A_347 = arith.maximumf %max3A_331, %mul3A_343 : vector<16xf32>
        %add3A_348 = arith.constant 240 : i32
        %add3A_349 = arith.addi %add3A_348, %scan3A_103 : i32
        %broadcast_in_dim3A_350 = vector.broadcast %add3A_349 : i32 to vector<16xi32>
        %gather3A_351 = tpu.vector_load_idx %arg7[%broadcast_in_dim3A_350] : memref<640xf32, #tpu.memory_space<vmem>>[vector<16xi32>], vector<16xf32>,
        %get3A_352 = arith.index_cast %add3A_349 : i32 to index
        %get3A_353 = arith.constant 0 : index
        %get3A_354 = tpu.vector_load %arg8[%get3A_352, %get3A_353] {strides = array<i32>} : memref<640x32xf32, #tpu.memory_space<vmem>>, vector<16xf32>,
        %mul3A_355 = arith.mulf %get3A_354, %gather3A_351 : vector<16xf32>
        %get3A_356 = arith.index_cast %add3A_349 : i32 to index
        %get3A_357 = arith.constant 16 : index
        %get3A_358 = tpu.vector_load %arg8[%get3A_356, %get3A_357] {strides = array<i32>} : memref<640x32xf32, #tpu.memory_space<vmem>>, vector<16xf32>,
        %mul3A_359 = arith.mulf %get3A_358, %gather3A_351 : vector<16xf32>
        %add3A_360 = arith.addf %add3A_344, %mul3A_355 : vector<16xf32>
        %add3A_361 = arith.addf %add3A_345, %mul3A_359 : vector<16xf32>
        %max3A_362 = arith.maximumf %max3A_346, %mul3A_355 : vector<16xf32>
        %max3A_363 = arith.maximumf %max3A_347, %mul3A_359 : vector<16xf32>
        %add3A_364 = arith.constant 256 : i32
        %add3A_365 = arith.addi %add3A_364, %scan3A_103 : i32
        %broadcast_in_dim3A_366 = vector.broadcast %add3A_365 : i32 to vector<16xi32>
        %gather3A_367 = tpu.vector_load_idx %arg7[%broadcast_in_dim3A_366] : memref<640xf32, #tpu.memory_space<vmem>>[vector<16xi32>], vector<16xf32>,
        %get3A_368 = arith.index_cast %add3A_365 : i32 to index
        %get3A_369 = arith.constant 0 : index
        %get3A_370 = tpu.vector_load %arg8[%get3A_368, %get3A_369] {strides = array<i32>} : memref<640x32xf32, #tpu.memory_space<vmem>>, vector<16xf32>,
        %mul3A_371 = arith.mulf %get3A_370, %gather3A_367 : vector<16xf32>
        %get3A_372 = arith.index_cast %add3A_365 : i32 to index
        %get3A_373 = arith.constant 16 : index
        %get3A_374 = tpu.vector_load %arg8[%get3A_372, %get3A_373] {strides = array<i32>} : memref<640x32xf32, #tpu.memory_space<vmem>>, vector<16xf32>,
        %mul3A_375 = arith.mulf %get3A_374, %gather3A_367 : vector<16xf32>
        %add3A_376 = arith.addf %add3A_360, %mul3A_371 : vector<16xf32>
        %add3A_377 = arith.addf %add3A_361, %mul3A_375 : vector<16xf32>
        %max3A_378 = arith.maximumf %max3A_362, %mul3A_371 : vector<16xf32>
        %max3A_379 = arith.maximumf %max3A_363, %mul3A_375 : vector<16xf32>
        %add3A_380 = arith.constant 272 : i32
        %add3A_381 = arith.addi %add3A_380, %scan3A_103 : i32
        %broadcast_in_dim3A_382 = vector.broadcast %add3A_381 : i32 to vector<16xi32>
        %gather3A_383 = tpu.vector_load_idx %arg7[%broadcast_in_dim3A_382] : memref<640xf32, #tpu.memory_space<vmem>>[vector<16xi32>], vector<16xf32>,
        %get3A_384 = arith.index_cast %add3A_381 : i32 to index
        %get3A_385 = arith.constant 0 : index
        %get3A_386 = tpu.vector_load %arg8[%get3A_384, %get3A_385] {strides = array<i32>} : memref<640x32xf32, #tpu.memory_space<vmem>>, vector<16xf32>,
        %mul3A_387 = arith.mulf %get3A_386, %gather3A_383 : vector<16xf32>
        %get3A_388 = arith.index_cast %add3A_381 : i32 to index
        %get3A_389 = arith.constant 16 : index
        %get3A_390 = tpu.vector_load %arg8[%get3A_388, %get3A_389] {strides = array<i32>} : memref<640x32xf32, #tpu.memory_space<vmem>>, vector<16xf32>,
        %mul3A_391 = arith.mulf %get3A_390, %gather3A_383 : vector<16xf32>
        %add3A_392 = arith.addf %add3A_376, %mul3A_387 : vector<16xf32>
        %add3A_393 = arith.addf %add3A_377, %mul3A_391 : vector<16xf32>
        %max3A_394 = arith.maximumf %max3A_378, %mul3A_387 : vector<16xf32>
        %max3A_395 = arith.maximumf %max3A_379, %mul3A_391 : vector<16xf32>
        %add3A_396 = arith.constant 288 : i32
        %add3A_397 = arith.addi %add3A_396, %scan3A_103 : i32
        %broadcast_in_dim3A_398 = vector.broadcast %add3A_397 : i32 to vector<16xi32>
        %gather3A_399 = tpu.vector_load_idx %arg7[%broadcast_in_dim3A_398] : memref<640xf32, #tpu.memory_space<vmem>>[vector<16xi32>], vector<16xf32>,
        %get3A_400 = arith.index_cast %add3A_397 : i32 to index
        %get3A_401 = arith.constant 0 : index
        %get3A_402 = tpu.vector_load %arg8[%get3A_400, %get3A_401] {strides = array<i32>} : memref<640x32xf32, #tpu.memory_space<vmem>>, vector<16xf32>,
        %mul3A_403 = arith.mulf %get3A_402, %gather3A_399 : vector<16xf32>
        %get3A_404 = arith.index_cast %add3A_397 : i32 to index
        %get3A_405 = arith.constant 16 : index
        %get3A_406 = tpu.vector_load %arg8[%get3A_404, %get3A_405] {strides = array<i32>} : memref<640x32xf32, #tpu.memory_space<vmem>>, vector<16xf32>,
        %mul3A_407 = arith.mulf %get3A_406, %gather3A_399 : vector<16xf32>
        %add3A_408 = arith.addf %add3A_392, %mul3A_403 : vector<16xf32>
        %add3A_409 = arith.addf %add3A_393, %mul3A_407 : vector<16xf32>
        %max3A_410 = arith.maximumf %max3A_394, %mul3A_403 : vector<16xf32>
        %max3A_411 = arith.maximumf %max3A_395, %mul3A_407 : vector<16xf32>
        %add3A_412 = arith.constant 304 : i32
        %add3A_413 = arith.addi %add3A_412, %scan3A_103 : i32
        %broadcast_in_dim3A_414 = vector.broadcast %add3A_413 : i32 to vector<16xi32>
        %gather3A_415 = tpu.vector_load_idx %arg7[%broadcast_in_dim3A_414] : memref<640xf32, #tpu.memory_space<vmem>>[vector<16xi32>], vector<16xf32>,
        %get3A_416 = arith.index_cast %add3A_413 : i32 to index
        %get3A_417 = arith.constant 0 : index
        %get3A_418 = tpu.vector_load %arg8[%get3A_416, %get3A_417] {strides = array<i32>} : memref<640x32xf32, #tpu.memory_space<vmem>>, vector<16xf32>,
        %mul3A_419 = arith.mulf %get3A_418, %gather3A_415 : vector<16xf32>
        %get3A_420 = arith.index_cast %add3A_413 : i32 to index
        %get3A_421 = arith.constant 16 : index
        %get3A_422 = tpu.vector_load %arg8[%get3A_420, %get3A_421] {strides = array<i32>} : memref<640x32xf32, #tpu.memory_space<vmem>>, vector<16xf32>,
        %mul3A_423 = arith.mulf %get3A_422, %gather3A_415 : vector<16xf32>
        %add3A_424 = arith.addf %add3A_408, %mul3A_419 : vector<16xf32>
        %add3A_425 = arith.addf %add3A_409, %mul3A_423 : vector<16xf32>
        %max3A_426 = arith.maximumf %max3A_410, %mul3A_419 : vector<16xf32>
        %max3A_427 = arith.maximumf %max3A_411, %mul3A_423 : vector<16xf32>
        %add3A_428 = arith.constant 320 : i32
        %add3A_429 = arith.addi %add3A_428, %scan3A_103 : i32
        %broadcast_in_dim3A_430 = vector.broadcast %add3A_429 : i32 to vector<16xi32>
        %gather3A_431 = tpu.vector_load_idx %arg7[%broadcast_in_dim3A_430] : memref<640xf32, #tpu.memory_space<vmem>>[vector<16xi32>], vector<16xf32>,
        %get3A_432 = arith.index_cast %add3A_429 : i32 to index
        %get3A_433 = arith.constant 0 : index
        %get3A_434 = tpu.vector_load %arg8[%get3A_432, %get3A_433] {strides = array<i32>} : memref<640x32xf32, #tpu.memory_space<vmem>>, vector<16xf32>,
        %mul3A_435 = arith.mulf %get3A_434, %gather3A_431 : vector<16xf32>
        %get3A_436 = arith.index_cast %add3A_429 : i32 to index
        %get3A_437 = arith.constant 16 : index
        %get3A_438 = tpu.vector_load %arg8[%get3A_436, %get3A_437] {strides = array<i32>} : memref<640x32xf32, #tpu.memory_space<vmem>>, vector<16xf32>,
        %mul3A_439 = arith.mulf %get3A_438, %gather3A_431 : vector<16xf32>
        %add3A_440 = arith.addf %add3A_424, %mul3A_435 : vector<16xf32>
        %add3A_441 = arith.addf %add3A_425, %mul3A_439 : vector<16xf32>
        %max3A_442 = arith.maximumf %max3A_426, %mul3A_435 : vector<16xf32>
        %max3A_443 = arith.maximumf %max3A_427, %mul3A_439 : vector<16xf32>
        %add3A_444 = arith.constant 336 : i32
        %add3A_445 = arith.addi %add3A_444, %scan3A_103 : i32
        %broadcast_in_dim3A_446 = vector.broadcast %add3A_445 : i32 to vector<16xi32>
        %gather3A_447 = tpu.vector_load_idx %arg7[%broadcast_in_dim3A_446] : memref<640xf32, #tpu.memory_space<vmem>>[vector<16xi32>], vector<16xf32>,
        %get3A_448 = arith.index_cast %add3A_445 : i32 to index
        %get3A_449 = arith.constant 0 : index
        %get3A_450 = tpu.vector_load %arg8[%get3A_448, %get3A_449] {strides = array<i32>} : memref<640x32xf32, #tpu.memory_space<vmem>>, vector<16xf32>,
        %mul3A_451 = arith.mulf %get3A_450, %gather3A_447 : vector<16xf32>
        %get3A_452 = arith.index_cast %add3A_445 : i32 to index
        %get3A_453 = arith.constant 16 : index
        %get3A_454 = tpu.vector_load %arg8[%get3A_452, %get3A_453] {strides = array<i32>} : memref<640x32xf32, #tpu.memory_space<vmem>>, vector<16xf32>,
        %mul3A_455 = arith.mulf %get3A_454, %gather3A_447 : vector<16xf32>
        %add3A_456 = arith.addf %add3A_440, %mul3A_451 : vector<16xf32>
        %add3A_457 = arith.addf %add3A_441, %mul3A_455 : vector<16xf32>
        %max3A_458 = arith.maximumf %max3A_442, %mul3A_451 : vector<16xf32>
        %max3A_459 = arith.maximumf %max3A_443, %mul3A_455 : vector<16xf32>
        %add3A_460 = arith.constant 352 : i32
        %add3A_461 = arith.addi %add3A_460, %scan3A_103 : i32
        %broadcast_in_dim3A_462 = vector.broadcast %add3A_461 : i32 to vector<16xi32>
        %gather3A_463 = tpu.vector_load_idx %arg7[%broadcast_in_dim3A_462] : memref<640xf32, #tpu.memory_space<vmem>>[vector<16xi32>], vector<16xf32>,
        %get3A_464 = arith.index_cast %add3A_461 : i32 to index
        %get3A_465 = arith.constant 0 : index
        %get3A_466 = tpu.vector_load %arg8[%get3A_464, %get3A_465] {strides = array<i32>} : memref<640x32xf32, #tpu.memory_space<vmem>>, vector<16xf32>,
        %mul3A_467 = arith.mulf %get3A_466, %gather3A_463 : vector<16xf32>
        %get3A_468 = arith.index_cast %add3A_461 : i32 to index
        %get3A_469 = arith.constant 16 : index
        %get3A_470 = tpu.vector_load %arg8[%get3A_468, %get3A_469] {strides = array<i32>} : memref<640x32xf32, #tpu.memory_space<vmem>>, vector<16xf32>,
        %mul3A_471 = arith.mulf %get3A_470, %gather3A_463 : vector<16xf32>
        %add3A_472 = arith.addf %add3A_456, %mul3A_467 : vector<16xf32>
        %add3A_473 = arith.addf %add3A_457, %mul3A_471 : vector<16xf32>
        %max3A_474 = arith.maximumf %max3A_458, %mul3A_467 : vector<16xf32>
        %max3A_475 = arith.maximumf %max3A_459, %mul3A_471 : vector<16xf32>
        %add3A_476 = arith.constant 368 : i32
        %add3A_477 = arith.addi %add3A_476, %scan3A_103 : i32
        %broadcast_in_dim3A_478 = vector.broadcast %add3A_477 : i32 to vector<16xi32>
        %gather3A_479 = tpu.vector_load_idx %arg7[%broadcast_in_dim3A_478] : memref<640xf32, #tpu.memory_space<vmem>>[vector<16xi32>], vector<16xf32>,
        %get3A_480 = arith.index_cast %add3A_477 : i32 to index
        %get3A_481 = arith.constant 0 : index
        %get3A_482 = tpu.vector_load %arg8[%get3A_480, %get3A_481] {strides = array<i32>} : memref<640x32xf32, #tpu.memory_space<vmem>>, vector<16xf32>,
        %mul3A_483 = arith.mulf %get3A_482, %gather3A_479 : vector<16xf32>
        %get3A_484 = arith.index_cast %add3A_477 : i32 to index
        %get3A_485 = arith.constant 16 : index
        %get3A_486 = tpu.vector_load %arg8[%get3A_484, %get3A_485] {strides = array<i32>} : memref<640x32xf32, #tpu.memory_space<vmem>>, vector<16xf32>,
        %mul3A_487 = arith.mulf %get3A_486, %gather3A_479 : vector<16xf32>
        %add3A_488 = arith.addf %add3A_472, %mul3A_483 : vector<16xf32>
        %add3A_489 = arith.addf %add3A_473, %mul3A_487 : vector<16xf32>
        %max3A_490 = arith.maximumf %max3A_474, %mul3A_483 : vector<16xf32>
        %max3A_491 = arith.maximumf %max3A_475, %mul3A_487 : vector<16xf32>
        %add3A_492 = arith.constant 384 : i32
        %add3A_493 = arith.addi %add3A_492, %scan3A_103 : i32
        %broadcast_in_dim3A_494 = vector.broadcast %add3A_493 : i32 to vector<16xi32>
        %gather3A_495 = tpu.vector_load_idx %arg7[%broadcast_in_dim3A_494] : memref<640xf32, #tpu.memory_space<vmem>>[vector<16xi32>], vector<16xf32>,
        %get3A_496 = arith.index_cast %add3A_493 : i32 to index
        %get3A_497 = arith.constant 0 : index
        %get3A_498 = tpu.vector_load %arg8[%get3A_496, %get3A_497] {strides = array<i32>} : memref<640x32xf32, #tpu.memory_space<vmem>>, vector<16xf32>,
        %mul3A_499 = arith.mulf %get3A_498, %gather3A_495 : vector<16xf32>
        %get3A_500 = arith.index_cast %add3A_493 : i32 to index
        %get3A_501 = arith.constant 16 : index
        %get3A_502 = tpu.vector_load %arg8[%get3A_500, %get3A_501] {strides = array<i32>} : memref<640x32xf32, #tpu.memory_space<vmem>>, vector<16xf32>,
        %mul3A_503 = arith.mulf %get3A_502, %gather3A_495 : vector<16xf32>
        %add3A_504 = arith.addf %add3A_488, %mul3A_499 : vector<16xf32>
        %add3A_505 = arith.addf %add3A_489, %mul3A_503 : vector<16xf32>
        %max3A_506 = arith.maximumf %max3A_490, %mul3A_499 : vector<16xf32>
        %max3A_507 = arith.maximumf %max3A_491, %mul3A_503 : vector<16xf32>
        %add3A_508 = arith.constant 400 : i32
        %add3A_509 = arith.addi %add3A_508, %scan3A_103 : i32
        %broadcast_in_dim3A_510 = vector.broadcast %add3A_509 : i32 to vector<16xi32>
        %gather3A_511 = tpu.vector_load_idx %arg7[%broadcast_in_dim3A_510] : memref<640xf32, #tpu.memory_space<vmem>>[vector<16xi32>], vector<16xf32>,
        %get3A_512 = arith.index_cast %add3A_509 : i32 to index
        %get3A_513 = arith.constant 0 : index
        %get3A_514 = tpu.vector_load %arg8[%get3A_512, %get3A_513] {strides = array<i32>} : memref<640x32xf32, #tpu.memory_space<vmem>>, vector<16xf32>,
        %mul3A_515 = arith.mulf %get3A_514, %gather3A_511 : vector<16xf32>
        %get3A_516 = arith.index_cast %add3A_509 : i32 to index
        %get3A_517 = arith.constant 16 : index
        %get3A_518 = tpu.vector_load %arg8[%get3A_516, %get3A_517] {strides = array<i32>} : memref<640x32xf32, #tpu.memory_space<vmem>>, vector<16xf32>,
        %mul3A_519 = arith.mulf %get3A_518, %gather3A_511 : vector<16xf32>
        %add3A_520 = arith.addf %add3A_504, %mul3A_515 : vector<16xf32>
        %add3A_521 = arith.addf %add3A_505, %mul3A_519 : vector<16xf32>
        %max3A_522 = arith.maximumf %max3A_506, %mul3A_515 : vector<16xf32>
        %max3A_523 = arith.maximumf %max3A_507, %mul3A_519 : vector<16xf32>
        %add3A_524 = arith.constant 416 : i32
        %add3A_525 = arith.addi %add3A_524, %scan3A_103 : i32
        %broadcast_in_dim3A_526 = vector.broadcast %add3A_525 : i32 to vector<16xi32>
        %gather3A_527 = tpu.vector_load_idx %arg7[%broadcast_in_dim3A_526] : memref<640xf32, #tpu.memory_space<vmem>>[vector<16xi32>], vector<16xf32>,
        %get3A_528 = arith.index_cast %add3A_525 : i32 to index
        %get3A_529 = arith.constant 0 : index
        %get3A_530 = tpu.vector_load %arg8[%get3A_528, %get3A_529] {strides = array<i32>} : memref<640x32xf32, #tpu.memory_space<vmem>>, vector<16xf32>,
        %mul3A_531 = arith.mulf %get3A_530, %gather3A_527 : vector<16xf32>
        %get3A_532 = arith.index_cast %add3A_525 : i32 to index
        %get3A_533 = arith.constant 16 : index
        %get3A_534 = tpu.vector_load %arg8[%get3A_532, %get3A_533] {strides = array<i32>} : memref<640x32xf32, #tpu.memory_space<vmem>>, vector<16xf32>,
        %mul3A_535 = arith.mulf %get3A_534, %gather3A_527 : vector<16xf32>
        %add3A_536 = arith.addf %add3A_520, %mul3A_531 : vector<16xf32>
        %add3A_537 = arith.addf %add3A_521, %mul3A_535 : vector<16xf32>
        %max3A_538 = arith.maximumf %max3A_522, %mul3A_531 : vector<16xf32>
        %max3A_539 = arith.maximumf %max3A_523, %mul3A_535 : vector<16xf32>
        %add3A_540 = arith.constant 432 : i32
        %add3A_541 = arith.addi %add3A_540, %scan3A_103 : i32
        %broadcast_in_dim3A_542 = vector.broadcast %add3A_541 : i32 to vector<16xi32>
        %gather3A_543 = tpu.vector_load_idx %arg7[%broadcast_in_dim3A_542] : memref<640xf32, #tpu.memory_space<vmem>>[vector<16xi32>], vector<16xf32>,
        %get3A_544 = arith.index_cast %add3A_541 : i32 to index
        %get3A_545 = arith.constant 0 : index
        %get3A_546 = tpu.vector_load %arg8[%get3A_544, %get3A_545] {strides = array<i32>} : memref<640x32xf32, #tpu.memory_space<vmem>>, vector<16xf32>,
        %mul3A_547 = arith.mulf %get3A_546, %gather3A_543 : vector<16xf32>
        %get3A_548 = arith.index_cast %add3A_541 : i32 to index
        %get3A_549 = arith.constant 16 : index
        %get3A_550 = tpu.vector_load %arg8[%get3A_548, %get3A_549] {strides = array<i32>} : memref<640x32xf32, #tpu.memory_space<vmem>>, vector<16xf32>,
        %mul3A_551 = arith.mulf %get3A_550, %gather3A_543 : vector<16xf32>
        %add3A_552 = arith.addf %add3A_536, %mul3A_547 : vector<16xf32>
        %add3A_553 = arith.addf %add3A_537, %mul3A_551 : vector<16xf32>
        %max3A_554 = arith.maximumf %max3A_538, %mul3A_547 : vector<16xf32>
        %max3A_555 = arith.maximumf %max3A_539, %mul3A_551 : vector<16xf32>
        %add3A_556 = arith.constant 448 : i32
        %add3A_557 = arith.addi %add3A_556, %scan3A_103 : i32
        %broadcast_in_dim3A_558 = vector.broadcast %add3A_557 : i32 to vector<16xi32>
        %gather3A_559 = tpu.vector_load_idx %arg7[%broadcast_in_dim3A_558] : memref<640xf32, #tpu.memory_space<vmem>>[vector<16xi32>], vector<16xf32>,
        %get3A_560 = arith.index_cast %add3A_557 : i32 to index
        %get3A_561 = arith.constant 0 : index
        %get3A_562 = tpu.vector_load %arg8[%get3A_560, %get3A_561] {strides = array<i32>} : memref<640x32xf32, #tpu.memory_space<vmem>>, vector<16xf32>,
        %mul3A_563 = arith.mulf %get3A_562, %gather3A_559 : vector<16xf32>
        %get3A_564 = arith.index_cast %add3A_557 : i32 to index
        %get3A_565 = arith.constant 16 : index
        %get3A_566 = tpu.vector_load %arg8[%get3A_564, %get3A_565] {strides = array<i32>} : memref<640x32xf32, #tpu.memory_space<vmem>>, vector<16xf32>,
        %mul3A_567 = arith.mulf %get3A_566, %gather3A_559 : vector<16xf32>
        %add3A_568 = arith.addf %add3A_552, %mul3A_563 : vector<16xf32>
        %add3A_569 = arith.addf %add3A_553, %mul3A_567 : vector<16xf32>
        %max3A_570 = arith.maximumf %max3A_554, %mul3A_563 : vector<16xf32>
        %max3A_571 = arith.maximumf %max3A_555, %mul3A_567 : vector<16xf32>
        %add3A_572 = arith.constant 464 : i32
        %add3A_573 = arith.addi %add3A_572, %scan3A_103 : i32
        %broadcast_in_dim3A_574 = vector.broadcast %add3A_573 : i32 to vector<16xi32>
        %gather3A_575 = tpu.vector_load_idx %arg7[%broadcast_in_dim3A_574] : memref<640xf32, #tpu.memory_space<vmem>>[vector<16xi32>], vector<16xf32>,
        %get3A_576 = arith.index_cast %add3A_573 : i32 to index
        %get3A_577 = arith.constant 0 : index
        %get3A_578 = tpu.vector_load %arg8[%get3A_576, %get3A_577] {strides = array<i32>} : memref<640x32xf32, #tpu.memory_space<vmem>>, vector<16xf32>,
        %mul3A_579 = arith.mulf %get3A_578, %gather3A_575 : vector<16xf32>
        %get3A_580 = arith.index_cast %add3A_573 : i32 to index
        %get3A_581 = arith.constant 16 : index
        %get3A_582 = tpu.vector_load %arg8[%get3A_580, %get3A_581] {strides = array<i32>} : memref<640x32xf32, #tpu.memory_space<vmem>>, vector<16xf32>,
        %mul3A_583 = arith.mulf %get3A_582, %gather3A_575 : vector<16xf32>
        %add3A_584 = arith.addf %add3A_568, %mul3A_579 : vector<16xf32>
        %add3A_585 = arith.addf %add3A_569, %mul3A_583 : vector<16xf32>
        %max3A_586 = arith.maximumf %max3A_570, %mul3A_579 : vector<16xf32>
        %max3A_587 = arith.maximumf %max3A_571, %mul3A_583 : vector<16xf32>
        %add3A_588 = arith.constant 480 : i32
        %add3A_589 = arith.addi %add3A_588, %scan3A_103 : i32
        %broadcast_in_dim3A_590 = vector.broadcast %add3A_589 : i32 to vector<16xi32>
        %gather3A_591 = tpu.vector_load_idx %arg7[%broadcast_in_dim3A_590] : memref<640xf32, #tpu.memory_space<vmem>>[vector<16xi32>], vector<16xf32>,
        %get3A_592 = arith.index_cast %add3A_589 : i32 to index
        %get3A_593 = arith.constant 0 : index
        %get3A_594 = tpu.vector_load %arg8[%get3A_592, %get3A_593] {strides = array<i32>} : memref<640x32xf32, #tpu.memory_space<vmem>>, vector<16xf32>,
        %mul3A_595 = arith.mulf %get3A_594, %gather3A_591 : vector<16xf32>
        %get3A_596 = arith.index_cast %add3A_589 : i32 to index
        %get3A_597 = arith.constant 16 : index
        %get3A_598 = tpu.vector_load %arg8[%get3A_596, %get3A_597] {strides = array<i32>} : memref<640x32xf32, #tpu.memory_space<vmem>>, vector<16xf32>,
        %mul3A_599 = arith.mulf %get3A_598, %gather3A_591 : vector<16xf32>
        %add3A_600 = arith.addf %add3A_584, %mul3A_595 : vector<16xf32>
        %add3A_601 = arith.addf %add3A_585, %mul3A_599 : vector<16xf32>
        %max3A_602 = arith.maximumf %max3A_586, %mul3A_595 : vector<16xf32>
        %max3A_603 = arith.maximumf %max3A_587, %mul3A_599 : vector<16xf32>
        %add3A_604 = arith.constant 496 : i32
        %add3A_605 = arith.addi %add3A_604, %scan3A_103 : i32
        %broadcast_in_dim3A_606 = vector.broadcast %add3A_605 : i32 to vector<16xi32>
        %gather3A_607 = tpu.vector_load_idx %arg7[%broadcast_in_dim3A_606] : memref<640xf32, #tpu.memory_space<vmem>>[vector<16xi32>], vector<16xf32>,
        %get3A_608 = arith.index_cast %add3A_605 : i32 to index
        %get3A_609 = arith.constant 0 : index
        %get3A_610 = tpu.vector_load %arg8[%get3A_608, %get3A_609] {strides = array<i32>} : memref<640x32xf32, #tpu.memory_space<vmem>>, vector<16xf32>,
        %mul3A_611 = arith.mulf %get3A_610, %gather3A_607 : vector<16xf32>
        %get3A_612 = arith.index_cast %add3A_605 : i32 to index
        %get3A_613 = arith.constant 16 : index
        %get3A_614 = tpu.vector_load %arg8[%get3A_612, %get3A_613] {strides = array<i32>} : memref<640x32xf32, #tpu.memory_space<vmem>>, vector<16xf32>,
        %mul3A_615 = arith.mulf %get3A_614, %gather3A_607 : vector<16xf32>
        %add3A_616 = arith.addf %add3A_600, %mul3A_611 : vector<16xf32>
        %add3A_617 = arith.addf %add3A_601, %mul3A_615 : vector<16xf32>
        %max3A_618 = arith.maximumf %max3A_602, %mul3A_611 : vector<16xf32>
        %max3A_619 = arith.maximumf %max3A_603, %mul3A_615 : vector<16xf32>
        %add3A_620 = arith.constant 512 : i32
        %add3A_621 = arith.addi %add3A_620, %scan3A_103 : i32
        %broadcast_in_dim3A_622 = vector.broadcast %add3A_621 : i32 to vector<16xi32>
        %gather3A_623 = tpu.vector_load_idx %arg7[%broadcast_in_dim3A_622] : memref<640xf32, #tpu.memory_space<vmem>>[vector<16xi32>], vector<16xf32>,
        %get3A_624 = arith.index_cast %add3A_621 : i32 to index
        %get3A_625 = arith.constant 0 : index
        %get3A_626 = tpu.vector_load %arg8[%get3A_624, %get3A_625] {strides = array<i32>} : memref<640x32xf32, #tpu.memory_space<vmem>>, vector<16xf32>,
        %mul3A_627 = arith.mulf %get3A_626, %gather3A_623 : vector<16xf32>
        %get3A_628 = arith.index_cast %add3A_621 : i32 to index
        %get3A_629 = arith.constant 16 : index
        %get3A_630 = tpu.vector_load %arg8[%get3A_628, %get3A_629] {strides = array<i32>} : memref<640x32xf32, #tpu.memory_space<vmem>>, vector<16xf32>,
        %mul3A_631 = arith.mulf %get3A_630, %gather3A_623 : vector<16xf32>
        %add3A_632 = arith.addf %add3A_616, %mul3A_627 : vector<16xf32>
        %add3A_633 = arith.addf %add3A_617, %mul3A_631 : vector<16xf32>
        %max3A_634 = arith.maximumf %max3A_618, %mul3A_627 : vector<16xf32>
        %max3A_635 = arith.maximumf %max3A_619, %mul3A_631 : vector<16xf32>
        %add3A_636 = arith.constant 528 : i32
        %add3A_637 = arith.addi %add3A_636, %scan3A_103 : i32
        %broadcast_in_dim3A_638 = vector.broadcast %add3A_637 : i32 to vector<16xi32>
        %gather3A_639 = tpu.vector_load_idx %arg7[%broadcast_in_dim3A_638] : memref<640xf32, #tpu.memory_space<vmem>>[vector<16xi32>], vector<16xf32>,
        %get3A_640 = arith.index_cast %add3A_637 : i32 to index
        %get3A_641 = arith.constant 0 : index
        %get3A_642 = tpu.vector_load %arg8[%get3A_640, %get3A_641] {strides = array<i32>} : memref<640x32xf32, #tpu.memory_space<vmem>>, vector<16xf32>,
        %mul3A_643 = arith.mulf %get3A_642, %gather3A_639 : vector<16xf32>
        %get3A_644 = arith.index_cast %add3A_637 : i32 to index
        %get3A_645 = arith.constant 16 : index
        %get3A_646 = tpu.vector_load %arg8[%get3A_644, %get3A_645] {strides = array<i32>} : memref<640x32xf32, #tpu.memory_space<vmem>>, vector<16xf32>,
        %mul3A_647 = arith.mulf %get3A_646, %gather3A_639 : vector<16xf32>
        %add3A_648 = arith.addf %add3A_632, %mul3A_643 : vector<16xf32>
        %add3A_649 = arith.addf %add3A_633, %mul3A_647 : vector<16xf32>
        %max3A_650 = arith.maximumf %max3A_634, %mul3A_643 : vector<16xf32>
        %max3A_651 = arith.maximumf %max3A_635, %mul3A_647 : vector<16xf32>
        %add3A_652 = arith.constant 544 : i32
        %add3A_653 = arith.addi %add3A_652, %scan3A_103 : i32
        %broadcast_in_dim3A_654 = vector.broadcast %add3A_653 : i32 to vector<16xi32>
        %gather3A_655 = tpu.vector_load_idx %arg7[%broadcast_in_dim3A_654] : memref<640xf32, #tpu.memory_space<vmem>>[vector<16xi32>], vector<16xf32>,
        %get3A_656 = arith.index_cast %add3A_653 : i32 to index
        %get3A_657 = arith.constant 0 : index
        %get3A_658 = tpu.vector_load %arg8[%get3A_656, %get3A_657] {strides = array<i32>} : memref<640x32xf32, #tpu.memory_space<vmem>>, vector<16xf32>,
        %mul3A_659 = arith.mulf %get3A_658, %gather3A_655 : vector<16xf32>
        %get3A_660 = arith.index_cast %add3A_653 : i32 to index
        %get3A_661 = arith.constant 16 : index
        %get3A_662 = tpu.vector_load %arg8[%get3A_660, %get3A_661] {strides = array<i32>} : memref<640x32xf32, #tpu.memory_space<vmem>>, vector<16xf32>,
        %mul3A_663 = arith.mulf %get3A_662, %gather3A_655 : vector<16xf32>
        %add3A_664 = arith.addf %add3A_648, %mul3A_659 : vector<16xf32>
        %add3A_665 = arith.addf %add3A_649, %mul3A_663 : vector<16xf32>
        %max3A_666 = arith.maximumf %max3A_650, %mul3A_659 : vector<16xf32>
        %max3A_667 = arith.maximumf %max3A_651, %mul3A_663 : vector<16xf32>
        %add3A_668 = arith.constant 560 : i32
        %add3A_669 = arith.addi %add3A_668, %scan3A_103 : i32
        %broadcast_in_dim3A_670 = vector.broadcast %add3A_669 : i32 to vector<16xi32>
        %gather3A_671 = tpu.vector_load_idx %arg7[%broadcast_in_dim3A_670] : memref<640xf32, #tpu.memory_space<vmem>>[vector<16xi32>], vector<16xf32>,
        %get3A_672 = arith.index_cast %add3A_669 : i32 to index
        %get3A_673 = arith.constant 0 : index
        %get3A_674 = tpu.vector_load %arg8[%get3A_672, %get3A_673] {strides = array<i32>} : memref<640x32xf32, #tpu.memory_space<vmem>>, vector<16xf32>,
        %mul3A_675 = arith.mulf %get3A_674, %gather3A_671 : vector<16xf32>
        %get3A_676 = arith.index_cast %add3A_669 : i32 to index
        %get3A_677 = arith.constant 16 : index
        %get3A_678 = tpu.vector_load %arg8[%get3A_676, %get3A_677] {strides = array<i32>} : memref<640x32xf32, #tpu.memory_space<vmem>>, vector<16xf32>,
        %mul3A_679 = arith.mulf %get3A_678, %gather3A_671 : vector<16xf32>
        %add3A_680 = arith.addf %add3A_664, %mul3A_675 : vector<16xf32>
        %add3A_681 = arith.addf %add3A_665, %mul3A_679 : vector<16xf32>
        %max3A_682 = arith.maximumf %max3A_666, %mul3A_675 : vector<16xf32>
        %max3A_683 = arith.maximumf %max3A_667, %mul3A_679 : vector<16xf32>
        %add3A_684 = arith.constant 576 : i32
        %add3A_685 = arith.addi %add3A_684, %scan3A_103 : i32
        %broadcast_in_dim3A_686 = vector.broadcast %add3A_685 : i32 to vector<16xi32>
        %gather3A_687 = tpu.vector_load_idx %arg7[%broadcast_in_dim3A_686] : memref<640xf32, #tpu.memory_space<vmem>>[vector<16xi32>], vector<16xf32>,
        %get3A_688 = arith.index_cast %add3A_685 : i32 to index
        %get3A_689 = arith.constant 0 : index
        %get3A_690 = tpu.vector_load %arg8[%get3A_688, %get3A_689] {strides = array<i32>} : memref<640x32xf32, #tpu.memory_space<vmem>>, vector<16xf32>,
        %mul3A_691 = arith.mulf %get3A_690, %gather3A_687 : vector<16xf32>
        %get3A_692 = arith.index_cast %add3A_685 : i32 to index
        %get3A_693 = arith.constant 16 : index
        %get3A_694 = tpu.vector_load %arg8[%get3A_692, %get3A_693] {strides = array<i32>} : memref<640x32xf32, #tpu.memory_space<vmem>>, vector<16xf32>,
        %mul3A_695 = arith.mulf %get3A_694, %gather3A_687 : vector<16xf32>
        %add3A_696 = arith.addf %add3A_680, %mul3A_691 : vector<16xf32>
        %add3A_697 = arith.addf %add3A_681, %mul3A_695 : vector<16xf32>
        %max3A_698 = arith.maximumf %max3A_682, %mul3A_691 : vector<16xf32>
        %max3A_699 = arith.maximumf %max3A_683, %mul3A_695 : vector<16xf32>
        %add3A_700 = arith.constant 592 : i32
        %add3A_701 = arith.addi %add3A_700, %scan3A_103 : i32
        %broadcast_in_dim3A_702 = vector.broadcast %add3A_701 : i32 to vector<16xi32>
        %gather3A_703 = tpu.vector_load_idx %arg7[%broadcast_in_dim3A_702] : memref<640xf32, #tpu.memory_space<vmem>>[vector<16xi32>], vector<16xf32>,
        %get3A_704 = arith.index_cast %add3A_701 : i32 to index
        %get3A_705 = arith.constant 0 : index
        %get3A_706 = tpu.vector_load %arg8[%get3A_704, %get3A_705] {strides = array<i32>} : memref<640x32xf32, #tpu.memory_space<vmem>>, vector<16xf32>,
        %mul3A_707 = arith.mulf %get3A_706, %gather3A_703 : vector<16xf32>
        %get3A_708 = arith.index_cast %add3A_701 : i32 to index
        %get3A_709 = arith.constant 16 : index
        %get3A_710 = tpu.vector_load %arg8[%get3A_708, %get3A_709] {strides = array<i32>} : memref<640x32xf32, #tpu.memory_space<vmem>>, vector<16xf32>,
        %mul3A_711 = arith.mulf %get3A_710, %gather3A_703 : vector<16xf32>
        %add3A_712 = arith.addf %add3A_696, %mul3A_707 : vector<16xf32>
        %add3A_713 = arith.addf %add3A_697, %mul3A_711 : vector<16xf32>
        %max3A_714 = arith.maximumf %max3A_698, %mul3A_707 : vector<16xf32>
        %max3A_715 = arith.maximumf %max3A_699, %mul3A_711 : vector<16xf32>
        %add3A_716 = arith.constant 608 : i32
        %add3A_717 = arith.addi %add3A_716, %scan3A_103 : i32
        %broadcast_in_dim3A_718 = vector.broadcast %add3A_717 : i32 to vector<16xi32>
        %gather3A_719 = tpu.vector_load_idx %arg7[%broadcast_in_dim3A_718] : memref<640xf32, #tpu.memory_space<vmem>>[vector<16xi32>], vector<16xf32>,
        %get3A_720 = arith.index_cast %add3A_717 : i32 to index
        %get3A_721 = arith.constant 0 : index
        %get3A_722 = tpu.vector_load %arg8[%get3A_720, %get3A_721] {strides = array<i32>} : memref<640x32xf32, #tpu.memory_space<vmem>>, vector<16xf32>,
        %mul3A_723 = arith.mulf %get3A_722, %gather3A_719 : vector<16xf32>
        %get3A_724 = arith.index_cast %add3A_717 : i32 to index
        %get3A_725 = arith.constant 16 : index
        %get3A_726 = tpu.vector_load %arg8[%get3A_724, %get3A_725] {strides = array<i32>} : memref<640x32xf32, #tpu.memory_space<vmem>>, vector<16xf32>,
        %mul3A_727 = arith.mulf %get3A_726, %gather3A_719 : vector<16xf32>
        %add3A_728 = arith.addf %add3A_712, %mul3A_723 : vector<16xf32>
        %add3A_729 = arith.addf %add3A_713, %mul3A_727 : vector<16xf32>
        %max3A_730 = arith.maximumf %max3A_714, %mul3A_723 : vector<16xf32>
        %max3A_731 = arith.maximumf %max3A_715, %mul3A_727 : vector<16xf32>
        %add3A_732 = arith.constant 624 : i32
        %add3A_733 = arith.addi %add3A_732, %scan3A_103 : i32
        %broadcast_in_dim3A_734 = vector.broadcast %add3A_733 : i32 to vector<16xi32>
        %gather3A_735 = tpu.vector_load_idx %arg7[%broadcast_in_dim3A_734] : memref<640xf32, #tpu.memory_space<vmem>>[vector<16xi32>], vector<16xf32>,
        %get3A_736 = arith.index_cast %add3A_733 : i32 to index
        %get3A_737 = arith.constant 0 : index
        %get3A_738 = tpu.vector_load %arg8[%get3A_736, %get3A_737] {strides = array<i32>} : memref<640x32xf32, #tpu.memory_space<vmem>>, vector<16xf32>,
        %mul3A_739 = arith.mulf %get3A_738, %gather3A_735 : vector<16xf32>
        %get3A_740 = arith.index_cast %add3A_733 : i32 to index
        %get3A_741 = arith.constant 16 : index
        %get3A_742 = tpu.vector_load %arg8[%get3A_740, %get3A_741] {strides = array<i32>} : memref<640x32xf32, #tpu.memory_space<vmem>>, vector<16xf32>,
        %mul3A_743 = arith.mulf %get3A_742, %gather3A_735 : vector<16xf32>
        %add3A_744 = arith.addf %add3A_728, %mul3A_739 : vector<16xf32>
        %add3A_745 = arith.addf %add3A_729, %mul3A_743 : vector<16xf32>
        %max3A_746 = arith.maximumf %max3A_730, %mul3A_739 : vector<16xf32>
        %max3A_747 = arith.maximumf %max3A_731, %mul3A_743 : vector<16xf32>
        %mul3A_748 = arith.constant 2.500000e-02 : f32
        %mul3A_749 = vector.broadcast %mul3A_748 : f32 to vector<16xf32>
        %mul3A_750 = arith.mulf %add3A_744, %mul3A_749 : vector<16xf32>
        %swap3A = arith.index_cast %scan3A_103 : i32 to index
        %swap3A_751 = arith.constant 0 : index
        %swap3A_752 = tpu.vector_load %arg9[%swap3A, %swap3A_751] {strides = array<i32>} : memref<16x64xf32, #tpu.memory_space<vmem>>, vector<16xf32>,
        tpu.vector_store %arg9[%swap3A, %swap3A_751], %mul3A_750 {strides = array<i32>} : memref<16x64xf32, #tpu.memory_space<vmem>>, vector<16xf32>,
        %mul3A_753 = arith.constant 2.500000e-02 : f32
        %mul3A_754 = vector.broadcast %mul3A_753 : f32 to vector<16xf32>
        %mul3A_755 = arith.mulf %add3A_745, %mul3A_754 : vector<16xf32>
        %swap3A_756 = arith.index_cast %scan3A_103 : i32 to index
        %swap3A_757 = arith.constant 16 : index
        %swap3A_758 = tpu.vector_load %arg9[%swap3A_756, %swap3A_757] {strides = array<i32>} : memref<16x64xf32, #tpu.memory_space<vmem>>, vector<16xf32>,
        tpu.vector_store %arg9[%swap3A_756, %swap3A_757], %mul3A_755 {strides = array<i32>} : memref<16x64xf32, #tpu.memory_space<vmem>>, vector<16xf32>,
        %swap3A_759 = arith.index_cast %scan3A_103 : i32 to index
        %swap3A_760 = arith.constant 32 : index
        %swap3A_761 = tpu.vector_load %arg9[%swap3A_759, %swap3A_760] {strides = array<i32>} : memref<16x64xf32, #tpu.memory_space<vmem>>, vector<16xf32>,
        tpu.vector_store %arg9[%swap3A_759, %swap3A_760], %max3A_746 {strides = array<i32>} : memref<16x64xf32, #tpu.memory_space<vmem>>, vector<16xf32>,
        %swap3A_762 = arith.index_cast %scan3A_103 : i32 to index
        %swap3A_763 = arith.constant 48 : index
        %swap3A_764 = tpu.vector_load %arg9[%swap3A_762, %swap3A_763] {strides = array<i32>} : memref<16x64xf32, #tpu.memory_space<vmem>>, vector<16xf32>,
        tpu.vector_store %arg9[%swap3A_762, %swap3A_763], %max3A_747 {strides = array<i32>} : memref<16x64xf32, #tpu.memory_space<vmem>>, vector<16xf32>,
      }
      %scan3A_102 = arith.constant 16 : i32
      "tpu.region"() ({
        %run_scoped3A = tpu.sem_alloc : memref<!tpu.dma_semaphore, #tpu.memory_space<semaphore_mem>>
        %dma_start3A_103 = arith.constant 0 : i32
        %dma_start3A_104 = tpu.memref_slice %arg5[%add3A_14, %dma_start3A_103] : memref<10240x64xf32, #tpu.memory_space<hbm>> -> memref<16x64xf32, #tpu.memory_space<hbm>>
        %dma_start3A_105 = arith.constant 0 : i32
        %dma_start3A_106 = tpu.memref_slice %arg5[%add3A_14, %dma_start3A_105] : memref<10240x64xf32, #tpu.memory_space<hbm>> -> memref<16x64xf32, #tpu.memory_space<hbm>>
        tpu.enqueue_dma source(%arg9 : memref<16x64xf32, #tpu.memory_space<vmem>>) target(%dma_start3A_106 : memref<16x64xf32, #tpu.memory_space<hbm>>) target_semaphore(%run_scoped3A : memref<!tpu.dma_semaphore, #tpu.memory_space<semaphore_mem>>)
        %dma_wait3A_107 = arith.constant 0 : i32
        %dma_wait3A_108 = tpu.memref_slice %arg5[%add3A_14, %dma_wait3A_107] : memref<10240x64xf32, #tpu.memory_space<hbm>> -> memref<16x64xf32, #tpu.memory_space<hbm>>
        %dma_wait3A_109 = arith.constant 0 : i32
        %dma_wait3A_110 = tpu.memref_slice %arg5[%add3A_14, %dma_wait3A_109] : memref<10240x64xf32, #tpu.memory_space<hbm>> -> memref<16x64xf32, #tpu.memory_space<hbm>>
        tpu.wait_dma2 semaphore(%run_scoped3A : memref<!tpu.dma_semaphore, #tpu.memory_space<semaphore_mem>>) src(%arg9 : memref<16x64xf32, #tpu.memory_space<vmem>>) dst(%dma_wait3A_110 : memref<16x64xf32, #tpu.memory_space<hbm>>)
        tpu.yield
      }) : () -> ()
    }
    %scan3A_5 = arith.constant 20 : i32
    return
  }
}

module attributes {stable_mosaic.version = 14 : i64} {
  func.func @_encoder_body(%arg0: memref<10000x12xf32, #tpu.memory_space<vmem>>, %arg1: memref<12x64xf32, #tpu.memory_space<vmem>>, %arg2: memref<1x64xf32, #tpu.memory_space<vmem>>, %arg3: memref<64x64xf32, #tpu.memory_space<vmem>>, %arg4: memref<1x64xf32, #tpu.memory_space<vmem>>, %arg5: memref<64x12xf32, #tpu.memory_space<vmem>>, %arg6: memref<1x12xf32, #tpu.memory_space<vmem>>, %arg7: memref<12x8xf32, #tpu.memory_space<vmem>>, %arg8: memref<1x8xf32, #tpu.memory_space<vmem>>, %arg9: memref<12x22xf32, #tpu.memory_space<vmem>>, %arg10: memref<1x22xf32, #tpu.memory_space<vmem>>, %arg11: memref<10000x12xf32, #tpu.memory_space<vmem>>, %arg12: memref<10000x8xf32, #tpu.memory_space<vmem>>, %arg13: memref<10000x22xf32, #tpu.memory_space<vmem>>) attributes {dimension_semantics = [], scalar_prefetch = 0 : i64, scratch_operands = 0 : i64, tpu.core_type = #tpu.core_type<tc>} {
    %get3A = arith.constant 0 : index
    %get3A_0 = arith.constant 0 : index
    %get3A_1 = vector.load %arg0[%get3A, %get3A_0] : memref<10000x12xf32, #tpu.memory_space<vmem>>, vector<10000x12xf32>
    %get3A_2 = arith.constant 0 : index
    %get3A_3 = arith.constant 0 : index
    %get3A_4 = vector.load %arg1[%get3A_2, %get3A_3] : memref<12x64xf32, #tpu.memory_space<vmem>>, vector<12x64xf32>
    %dot_general3A = arith.constant dense<0.000000e+00> : vector<10000x64xf32>
    %dot_general3A_5 = tpu.matmul %get3A_1, %get3A_4, %dot_general3A {dimension_numbers = #tpu.dot_dimension_numbers<[1], [0], [0], [1], [0, 0, 1, 1], [], []>, transpose_lhs_hint = false} : vector<10000x12xf32>, vector<12x64xf32>, vector<10000x64xf32> -> vector<10000x64xf32>
    %get3A_6 = arith.constant 0 : index
    %get3A_7 = arith.constant 0 : index
    %get3A_8 = vector.load %arg2[%get3A_6, %get3A_7] : memref<1x64xf32, #tpu.memory_space<vmem>>, vector<1x64xf32>
    %add3A = vector.broadcast %get3A_8 : vector<1x64xf32> to vector<10000x64xf32>
    %add3A_9 = arith.addf %dot_general3A_5, %add3A : vector<10000x64xf32>
    %jit3A = arith.constant 5.000000e-01 : f32
    %ge3A = arith.constant 0.000000e+00 : f32
    %ge3A_10 = vector.broadcast %ge3A : f32 to vector<10000x64xf32>
    %ge3A_11 = arith.cmpf oge, %add3A_9, %ge3A_10 : vector<10000x64xf32>
    %mul3A = vector.broadcast %jit3A : f32 to vector<10000x64xf32>
    %mul3A_12 = arith.mulf %mul3A, %add3A_9 : vector<10000x64xf32>
    %select_n3A = arith.select %ge3A_11, %add3A_9, %mul3A_12 : vector<10000x64xi1>, vector<10000x64xf32>
    %get3A_13 = arith.constant 0 : index
    %get3A_14 = arith.constant 0 : index
    %get3A_15 = vector.load %arg3[%get3A_13, %get3A_14] : memref<64x64xf32, #tpu.memory_space<vmem>>, vector<64x64xf32>
    %dot_general3A_16 = arith.constant dense<0.000000e+00> : vector<10000x64xf32>
    %dot_general3A_17 = tpu.matmul %select_n3A, %get3A_15, %dot_general3A_16 {dimension_numbers = #tpu.dot_dimension_numbers<[1], [0], [0], [1], [0, 0, 1, 1], [], []>, transpose_lhs_hint = false} : vector<10000x64xf32>, vector<64x64xf32>, vector<10000x64xf32> -> vector<10000x64xf32>
    %get3A_18 = arith.constant 0 : index
    %get3A_19 = arith.constant 0 : index
    %get3A_20 = vector.load %arg4[%get3A_18, %get3A_19] : memref<1x64xf32, #tpu.memory_space<vmem>>, vector<1x64xf32>
    %add3A_21 = vector.broadcast %get3A_20 : vector<1x64xf32> to vector<10000x64xf32>
    %add3A_22 = arith.addf %dot_general3A_17, %add3A_21 : vector<10000x64xf32>
    %jit3A_23 = arith.constant 5.000000e-01 : f32
    %ge3A_24 = arith.constant 0.000000e+00 : f32
    %ge3A_25 = vector.broadcast %ge3A_24 : f32 to vector<10000x64xf32>
    %ge3A_26 = arith.cmpf oge, %add3A_22, %ge3A_25 : vector<10000x64xf32>
    %mul3A_27 = vector.broadcast %jit3A_23 : f32 to vector<10000x64xf32>
    %mul3A_28 = arith.mulf %mul3A_27, %add3A_22 : vector<10000x64xf32>
    %select_n3A_29 = arith.select %ge3A_26, %add3A_22, %mul3A_28 : vector<10000x64xi1>, vector<10000x64xf32>
    %get3A_30 = arith.constant 0 : index
    %get3A_31 = arith.constant 0 : index
    %get3A_32 = vector.load %arg5[%get3A_30, %get3A_31] : memref<64x12xf32, #tpu.memory_space<vmem>>, vector<64x12xf32>
    %dot_general3A_33 = arith.constant dense<0.000000e+00> : vector<10000x12xf32>
    %dot_general3A_34 = tpu.matmul %select_n3A_29, %get3A_32, %dot_general3A_33 {dimension_numbers = #tpu.dot_dimension_numbers<[1], [0], [0], [1], [0, 0, 1, 1], [], []>, transpose_lhs_hint = false} : vector<10000x64xf32>, vector<64x12xf32>, vector<10000x12xf32> -> vector<10000x12xf32>
    %get3A_35 = arith.constant 0 : index
    %get3A_36 = arith.constant 0 : index
    %get3A_37 = vector.load %arg6[%get3A_35, %get3A_36] : memref<1x12xf32, #tpu.memory_space<vmem>>, vector<1x12xf32>
    %add3A_38 = vector.broadcast %get3A_37 : vector<1x12xf32> to vector<10000x12xf32>
    %add3A_39 = arith.addf %dot_general3A_34, %add3A_38 : vector<10000x12xf32>
    %jit3A_40 = arith.constant 5.000000e-01 : f32
    %ge3A_41 = arith.constant 0.000000e+00 : f32
    %ge3A_42 = vector.broadcast %ge3A_41 : f32 to vector<10000x12xf32>
    %ge3A_43 = arith.cmpf oge, %add3A_39, %ge3A_42 : vector<10000x12xf32>
    %mul3A_44 = vector.broadcast %jit3A_40 : f32 to vector<10000x12xf32>
    %mul3A_45 = arith.mulf %mul3A_44, %add3A_39 : vector<10000x12xf32>
    %select_n3A_46 = arith.select %ge3A_43, %add3A_39, %mul3A_45 : vector<10000x12xi1>, vector<10000x12xf32>
    %swap3A = arith.constant 0 : index
    %swap3A_47 = arith.constant 0 : index
    %swap3A_48 = vector.load %arg11[%swap3A, %swap3A_47] : memref<10000x12xf32, #tpu.memory_space<vmem>>, vector<10000x12xf32>
    tpu.vector_store %arg11[%swap3A, %swap3A_47], %select_n3A_46 {strides = array<i32>} : memref<10000x12xf32, #tpu.memory_space<vmem>>, vector<10000x12xf32>,
    %get3A_49 = arith.constant 0 : index
    %get3A_50 = arith.constant 0 : index
    %get3A_51 = vector.load %arg7[%get3A_49, %get3A_50] : memref<12x8xf32, #tpu.memory_space<vmem>>, vector<12x8xf32>
    %dot_general3A_52 = arith.constant dense<0.000000e+00> : vector<10000x8xf32>
    %dot_general3A_53 = tpu.matmul %select_n3A_46, %get3A_51, %dot_general3A_52 {dimension_numbers = #tpu.dot_dimension_numbers<[1], [0], [0], [1], [0, 0, 1, 1], [], []>, transpose_lhs_hint = false} : vector<10000x12xf32>, vector<12x8xf32>, vector<10000x8xf32> -> vector<10000x8xf32>
    %get3A_54 = arith.constant 0 : index
    %get3A_55 = arith.constant 0 : index
    %get3A_56 = vector.load %arg8[%get3A_54, %get3A_55] : memref<1x8xf32, #tpu.memory_space<vmem>>, vector<1x8xf32>
    %add3A_57 = vector.broadcast %get3A_56 : vector<1x8xf32> to vector<10000x8xf32>
    %add3A_58 = arith.addf %dot_general3A_53, %add3A_57 : vector<10000x8xf32>
    %swap3A_59 = arith.constant 0 : index
    %swap3A_60 = arith.constant 0 : index
    %swap3A_61 = vector.load %arg12[%swap3A_59, %swap3A_60] : memref<10000x8xf32, #tpu.memory_space<vmem>>, vector<10000x8xf32>
    tpu.vector_store %arg12[%swap3A_59, %swap3A_60], %add3A_58 {strides = array<i32>} : memref<10000x8xf32, #tpu.memory_space<vmem>>, vector<10000x8xf32>,
    %get3A_62 = arith.constant 0 : index
    %get3A_63 = arith.constant 0 : index
    %get3A_64 = vector.load %arg9[%get3A_62, %get3A_63] : memref<12x22xf32, #tpu.memory_space<vmem>>, vector<12x22xf32>
    %dot_general3A_65 = arith.constant dense<0.000000e+00> : vector<10000x22xf32>
    %dot_general3A_66 = tpu.matmul %select_n3A_46, %get3A_64, %dot_general3A_65 {dimension_numbers = #tpu.dot_dimension_numbers<[1], [0], [0], [1], [0, 0, 1, 1], [], []>, transpose_lhs_hint = false} : vector<10000x12xf32>, vector<12x22xf32>, vector<10000x22xf32> -> vector<10000x22xf32>
    %get3A_67 = arith.constant 0 : index
    %get3A_68 = arith.constant 0 : index
    %get3A_69 = vector.load %arg10[%get3A_67, %get3A_68] : memref<1x22xf32, #tpu.memory_space<vmem>>, vector<1x22xf32>
    %add3A_70 = vector.broadcast %get3A_69 : vector<1x22xf32> to vector<10000x22xf32>
    %add3A_71 = arith.addf %dot_general3A_66, %add3A_70 : vector<10000x22xf32>
    %swap3A_72 = arith.constant 0 : index
    %swap3A_73 = arith.constant 0 : index
    %swap3A_74 = vector.load %arg13[%swap3A_72, %swap3A_73] : memref<10000x22xf32, #tpu.memory_space<vmem>>, vector<10000x22xf32>
    tpu.vector_store %arg13[%swap3A_72, %swap3A_73], %add3A_71 {strides = array<i32>} : memref<10000x22xf32, #tpu.memory_space<vmem>>, vector<10000x22xf32>,
    return
  }
}

module attributes {stable_mosaic.version = 14 : i64} {
  func.func @_d2_body(%arg0: i32, %arg1: memref<10240x8xf32, #tpu.memory_space<vmem>>, %arg2: memref<256x8xf32, #tpu.memory_space<vmem>>, %arg3: memref<256x10240xf32, #tpu.memory_space<vmem>>, %arg4: memref<256x1xf32, #tpu.memory_space<vmem>>) attributes {dimension_semantics = [#tpu.dimension_semantics<arbitrary>], iteration_bounds = array<i64: 40>, scalar_prefetch = 0 : i64, scratch_operands = 0 : i64, tpu.core_type = #tpu.core_type<tc>, window_params = [{pipeline_mode = #tpu.pipeline_mode<synchronous>, transform_indices = @transform_0, window_bounds = array<i64: 10240, 8>}, {transform_indices = @transform_1, window_bounds = array<i64: 256, 8>}, {transform_indices = @transform_2, window_bounds = array<i64: 256, 10240>}, {transform_indices = @transform_3, window_bounds = array<i64: 256, 1>}]} {
    %get3A = arith.constant 0 : index
    %get3A_0 = arith.constant 0 : index
    %get3A_1 = vector.load %arg2[%get3A, %get3A_0] : memref<256x8xf32, #tpu.memory_space<vmem>>, vector<256x8xf32>
    %get3A_2 = arith.constant 0 : index
    %get3A_3 = arith.constant 0 : index
    %get3A_4 = vector.load %arg1[%get3A_2, %get3A_3] : memref<10240x8xf32, #tpu.memory_space<vmem>>, vector<10240x8xf32>
    %mul3A = arith.mulf %get3A_1, %get3A_1 : vector<256x8xf32>
    %reduce_sum3A = arith.constant dense<0.000000e+00> : vector<256xf32>
    %reduce_sum3A_5 = vector.multi_reduction <add>, %mul3A, %reduce_sum3A [1] : vector<256x8xf32> to vector<256xf32>
    %broadcast_in_dim3A = vector.shape_cast %reduce_sum3A_5 : vector<256xf32> to vector<256x1xf32>
    %mul3A_6 = arith.mulf %get3A_4, %get3A_4 : vector<10240x8xf32>
    %reduce_sum3A_7 = arith.constant dense<0.000000e+00> : vector<10240xf32>
    %reduce_sum3A_8 = vector.multi_reduction <add>, %mul3A_6, %reduce_sum3A_7 [1] : vector<10240x8xf32> to vector<10240xf32>
    %reshape3A = vector.shape_cast %reduce_sum3A_8 : vector<10240xf32> to vector<1x10240xf32>
    %dot_general3A = arith.constant dense<0.000000e+00> : vector<256x10240xf32>
    %dot_general3A_9 = tpu.matmul %get3A_1, %get3A_4, %dot_general3A {dimension_numbers = #tpu.dot_dimension_numbers<[1], [1], [0], [0], [0, 0, 1, 0], [], []>, transpose_lhs_hint = false} : vector<256x8xf32>, vector<10240x8xf32>, vector<256x10240xf32> -> vector<256x10240xf32>
    %mul3A_10 = arith.constant 2.000000e+00 : f32
    %mul3A_11 = vector.broadcast %mul3A_10 : f32 to vector<256x10240xf32>
    %mul3A_12 = arith.mulf %mul3A_11, %dot_general3A_9 : vector<256x10240xf32>
    %sub3A = vector.broadcast %broadcast_in_dim3A : vector<256x1xf32> to vector<256x10240xf32>
    %sub3A_13 = arith.subf %sub3A, %mul3A_12 : vector<256x10240xf32>
    %add3A = vector.broadcast %reshape3A : vector<1x10240xf32> to vector<256x10240xf32>
    %add3A_14 = arith.addf %sub3A_13, %add3A : vector<256x10240xf32>
    %max3A = arith.constant 0.000000e+00 : f32
    %max3A_15 = vector.broadcast %max3A : f32 to vector<256x10240xf32>
    %max3A_16 = arith.maximumf %add3A_14, %max3A_15 : vector<256x10240xf32>
    %swap3A = arith.constant 0 : index
    %swap3A_17 = arith.constant 0 : index
    %swap3A_18 = vector.load %arg3[%swap3A, %swap3A_17] : memref<256x10240xf32, #tpu.memory_space<vmem>>, vector<256x10240xf32>
    tpu.vector_store %arg3[%swap3A, %swap3A_17], %max3A_16 {strides = array<i32>} : memref<256x10240xf32, #tpu.memory_space<vmem>>, vector<256x10240xf32>,
    %slice3A = vector.extract_strided_slice %max3A_16 {offsets = [0, 0], sizes = [256, 128], strides = [1, 1]} : vector<256x10240xf32> to vector<256x128xf32>
    %slice3A_19 = vector.extract_strided_slice %max3A_16 {offsets = [0, 128], sizes = [256, 128], strides = [1, 1]} : vector<256x10240xf32> to vector<256x128xf32>
    %min3A = arith.minimumf %slice3A, %slice3A_19 : vector<256x128xf32>
    %slice3A_20 = vector.extract_strided_slice %max3A_16 {offsets = [0, 256], sizes = [256, 128], strides = [1, 1]} : vector<256x10240xf32> to vector<256x128xf32>
    %min3A_21 = arith.minimumf %min3A, %slice3A_20 : vector<256x128xf32>
    %slice3A_22 = vector.extract_strided_slice %max3A_16 {offsets = [0, 384], sizes = [256, 128], strides = [1, 1]} : vector<256x10240xf32> to vector<256x128xf32>
    %min3A_23 = arith.minimumf %min3A_21, %slice3A_22 : vector<256x128xf32>
    %slice3A_24 = vector.extract_strided_slice %max3A_16 {offsets = [0, 512], sizes = [256, 128], strides = [1, 1]} : vector<256x10240xf32> to vector<256x128xf32>
    %min3A_25 = arith.minimumf %min3A_23, %slice3A_24 : vector<256x128xf32>
    %slice3A_26 = vector.extract_strided_slice %max3A_16 {offsets = [0, 640], sizes = [256, 128], strides = [1, 1]} : vector<256x10240xf32> to vector<256x128xf32>
    %min3A_27 = arith.minimumf %min3A_25, %slice3A_26 : vector<256x128xf32>
    %slice3A_28 = vector.extract_strided_slice %max3A_16 {offsets = [0, 768], sizes = [256, 128], strides = [1, 1]} : vector<256x10240xf32> to vector<256x128xf32>
    %min3A_29 = arith.minimumf %min3A_27, %slice3A_28 : vector<256x128xf32>
    %slice3A_30 = vector.extract_strided_slice %max3A_16 {offsets = [0, 896], sizes = [256, 128], strides = [1, 1]} : vector<256x10240xf32> to vector<256x128xf32>
    %min3A_31 = arith.minimumf %min3A_29, %slice3A_30 : vector<256x128xf32>
    %slice3A_32 = vector.extract_strided_slice %max3A_16 {offsets = [0, 1024], sizes = [256, 128], strides = [1, 1]} : vector<256x10240xf32> to vector<256x128xf32>
    %min3A_33 = arith.minimumf %min3A_31, %slice3A_32 : vector<256x128xf32>
    %slice3A_34 = vector.extract_strided_slice %max3A_16 {offsets = [0, 1152], sizes = [256, 128], strides = [1, 1]} : vector<256x10240xf32> to vector<256x128xf32>
    %min3A_35 = arith.minimumf %min3A_33, %slice3A_34 : vector<256x128xf32>
    %slice3A_36 = vector.extract_strided_slice %max3A_16 {offsets = [0, 1280], sizes = [256, 128], strides = [1, 1]} : vector<256x10240xf32> to vector<256x128xf32>
    %min3A_37 = arith.minimumf %min3A_35, %slice3A_36 : vector<256x128xf32>
    %slice3A_38 = vector.extract_strided_slice %max3A_16 {offsets = [0, 1408], sizes = [256, 128], strides = [1, 1]} : vector<256x10240xf32> to vector<256x128xf32>
    %min3A_39 = arith.minimumf %min3A_37, %slice3A_38 : vector<256x128xf32>
    %slice3A_40 = vector.extract_strided_slice %max3A_16 {offsets = [0, 1536], sizes = [256, 128], strides = [1, 1]} : vector<256x10240xf32> to vector<256x128xf32>
    %min3A_41 = arith.minimumf %min3A_39, %slice3A_40 : vector<256x128xf32>
    %slice3A_42 = vector.extract_strided_slice %max3A_16 {offsets = [0, 1664], sizes = [256, 128], strides = [1, 1]} : vector<256x10240xf32> to vector<256x128xf32>
    %min3A_43 = arith.minimumf %min3A_41, %slice3A_42 : vector<256x128xf32>
    %slice3A_44 = vector.extract_strided_slice %max3A_16 {offsets = [0, 1792], sizes = [256, 128], strides = [1, 1]} : vector<256x10240xf32> to vector<256x128xf32>
    %min3A_45 = arith.minimumf %min3A_43, %slice3A_44 : vector<256x128xf32>
    %slice3A_46 = vector.extract_strided_slice %max3A_16 {offsets = [0, 1920], sizes = [256, 128], strides = [1, 1]} : vector<256x10240xf32> to vector<256x128xf32>
    %min3A_47 = arith.minimumf %min3A_45, %slice3A_46 : vector<256x128xf32>
    %slice3A_48 = vector.extract_strided_slice %max3A_16 {offsets = [0, 2048], sizes = [256, 128], strides = [1, 1]} : vector<256x10240xf32> to vector<256x128xf32>
    %min3A_49 = arith.minimumf %min3A_47, %slice3A_48 : vector<256x128xf32>
    %slice3A_50 = vector.extract_strided_slice %max3A_16 {offsets = [0, 2176], sizes = [256, 128], strides = [1, 1]} : vector<256x10240xf32> to vector<256x128xf32>
    %min3A_51 = arith.minimumf %min3A_49, %slice3A_50 : vector<256x128xf32>
    %slice3A_52 = vector.extract_strided_slice %max3A_16 {offsets = [0, 2304], sizes = [256, 128], strides = [1, 1]} : vector<256x10240xf32> to vector<256x128xf32>
    %min3A_53 = arith.minimumf %min3A_51, %slice3A_52 : vector<256x128xf32>
    %slice3A_54 = vector.extract_strided_slice %max3A_16 {offsets = [0, 2432], sizes = [256, 128], strides = [1, 1]} : vector<256x10240xf32> to vector<256x128xf32>
    %min3A_55 = arith.minimumf %min3A_53, %slice3A_54 : vector<256x128xf32>
    %slice3A_56 = vector.extract_strided_slice %max3A_16 {offsets = [0, 2560], sizes = [256, 128], strides = [1, 1]} : vector<256x10240xf32> to vector<256x128xf32>
    %min3A_57 = arith.minimumf %min3A_55, %slice3A_56 : vector<256x128xf32>
    %slice3A_58 = vector.extract_strided_slice %max3A_16 {offsets = [0, 2688], sizes = [256, 128], strides = [1, 1]} : vector<256x10240xf32> to vector<256x128xf32>
    %min3A_59 = arith.minimumf %min3A_57, %slice3A_58 : vector<256x128xf32>
    %slice3A_60 = vector.extract_strided_slice %max3A_16 {offsets = [0, 2816], sizes = [256, 128], strides = [1, 1]} : vector<256x10240xf32> to vector<256x128xf32>
    %min3A_61 = arith.minimumf %min3A_59, %slice3A_60 : vector<256x128xf32>
    %slice3A_62 = vector.extract_strided_slice %max3A_16 {offsets = [0, 2944], sizes = [256, 128], strides = [1, 1]} : vector<256x10240xf32> to vector<256x128xf32>
    %min3A_63 = arith.minimumf %min3A_61, %slice3A_62 : vector<256x128xf32>
    %slice3A_64 = vector.extract_strided_slice %max3A_16 {offsets = [0, 3072], sizes = [256, 128], strides = [1, 1]} : vector<256x10240xf32> to vector<256x128xf32>
    %min3A_65 = arith.minimumf %min3A_63, %slice3A_64 : vector<256x128xf32>
    %slice3A_66 = vector.extract_strided_slice %max3A_16 {offsets = [0, 3200], sizes = [256, 128], strides = [1, 1]} : vector<256x10240xf32> to vector<256x128xf32>
    %min3A_67 = arith.minimumf %min3A_65, %slice3A_66 : vector<256x128xf32>
    %slice3A_68 = vector.extract_strided_slice %max3A_16 {offsets = [0, 3328], sizes = [256, 128], strides = [1, 1]} : vector<256x10240xf32> to vector<256x128xf32>
    %min3A_69 = arith.minimumf %min3A_67, %slice3A_68 : vector<256x128xf32>
    %slice3A_70 = vector.extract_strided_slice %max3A_16 {offsets = [0, 3456], sizes = [256, 128], strides = [1, 1]} : vector<256x10240xf32> to vector<256x128xf32>
    %min3A_71 = arith.minimumf %min3A_69, %slice3A_70 : vector<256x128xf32>
    %slice3A_72 = vector.extract_strided_slice %max3A_16 {offsets = [0, 3584], sizes = [256, 128], strides = [1, 1]} : vector<256x10240xf32> to vector<256x128xf32>
    %min3A_73 = arith.minimumf %min3A_71, %slice3A_72 : vector<256x128xf32>
    %slice3A_74 = vector.extract_strided_slice %max3A_16 {offsets = [0, 3712], sizes = [256, 128], strides = [1, 1]} : vector<256x10240xf32> to vector<256x128xf32>
    %min3A_75 = arith.minimumf %min3A_73, %slice3A_74 : vector<256x128xf32>
    %slice3A_76 = vector.extract_strided_slice %max3A_16 {offsets = [0, 3840], sizes = [256, 128], strides = [1, 1]} : vector<256x10240xf32> to vector<256x128xf32>
    %min3A_77 = arith.minimumf %min3A_75, %slice3A_76 : vector<256x128xf32>
    %slice3A_78 = vector.extract_strided_slice %max3A_16 {offsets = [0, 3968], sizes = [256, 128], strides = [1, 1]} : vector<256x10240xf32> to vector<256x128xf32>
    %min3A_79 = arith.minimumf %min3A_77, %slice3A_78 : vector<256x128xf32>
    %slice3A_80 = vector.extract_strided_slice %max3A_16 {offsets = [0, 4096], sizes = [256, 128], strides = [1, 1]} : vector<256x10240xf32> to vector<256x128xf32>
    %min3A_81 = arith.minimumf %min3A_79, %slice3A_80 : vector<256x128xf32>
    %slice3A_82 = vector.extract_strided_slice %max3A_16 {offsets = [0, 4224], sizes = [256, 128], strides = [1, 1]} : vector<256x10240xf32> to vector<256x128xf32>
    %min3A_83 = arith.minimumf %min3A_81, %slice3A_82 : vector<256x128xf32>
    %slice3A_84 = vector.extract_strided_slice %max3A_16 {offsets = [0, 4352], sizes = [256, 128], strides = [1, 1]} : vector<256x10240xf32> to vector<256x128xf32>
    %min3A_85 = arith.minimumf %min3A_83, %slice3A_84 : vector<256x128xf32>
    %slice3A_86 = vector.extract_strided_slice %max3A_16 {offsets = [0, 4480], sizes = [256, 128], strides = [1, 1]} : vector<256x10240xf32> to vector<256x128xf32>
    %min3A_87 = arith.minimumf %min3A_85, %slice3A_86 : vector<256x128xf32>
    %slice3A_88 = vector.extract_strided_slice %max3A_16 {offsets = [0, 4608], sizes = [256, 128], strides = [1, 1]} : vector<256x10240xf32> to vector<256x128xf32>
    %min3A_89 = arith.minimumf %min3A_87, %slice3A_88 : vector<256x128xf32>
    %slice3A_90 = vector.extract_strided_slice %max3A_16 {offsets = [0, 4736], sizes = [256, 128], strides = [1, 1]} : vector<256x10240xf32> to vector<256x128xf32>
    %min3A_91 = arith.minimumf %min3A_89, %slice3A_90 : vector<256x128xf32>
    %slice3A_92 = vector.extract_strided_slice %max3A_16 {offsets = [0, 4864], sizes = [256, 128], strides = [1, 1]} : vector<256x10240xf32> to vector<256x128xf32>
    %min3A_93 = arith.minimumf %min3A_91, %slice3A_92 : vector<256x128xf32>
    %slice3A_94 = vector.extract_strided_slice %max3A_16 {offsets = [0, 4992], sizes = [256, 128], strides = [1, 1]} : vector<256x10240xf32> to vector<256x128xf32>
    %min3A_95 = arith.minimumf %min3A_93, %slice3A_94 : vector<256x128xf32>
    %slice3A_96 = vector.extract_strided_slice %max3A_16 {offsets = [0, 5120], sizes = [256, 128], strides = [1, 1]} : vector<256x10240xf32> to vector<256x128xf32>
    %min3A_97 = arith.minimumf %min3A_95, %slice3A_96 : vector<256x128xf32>
    %slice3A_98 = vector.extract_strided_slice %max3A_16 {offsets = [0, 5248], sizes = [256, 128], strides = [1, 1]} : vector<256x10240xf32> to vector<256x128xf32>
    %min3A_99 = arith.minimumf %min3A_97, %slice3A_98 : vector<256x128xf32>
    %slice3A_100 = vector.extract_strided_slice %max3A_16 {offsets = [0, 5376], sizes = [256, 128], strides = [1, 1]} : vector<256x10240xf32> to vector<256x128xf32>
    %min3A_101 = arith.minimumf %min3A_99, %slice3A_100 : vector<256x128xf32>
    %slice3A_102 = vector.extract_strided_slice %max3A_16 {offsets = [0, 5504], sizes = [256, 128], strides = [1, 1]} : vector<256x10240xf32> to vector<256x128xf32>
    %min3A_103 = arith.minimumf %min3A_101, %slice3A_102 : vector<256x128xf32>
    %slice3A_104 = vector.extract_strided_slice %max3A_16 {offsets = [0, 5632], sizes = [256, 128], strides = [1, 1]} : vector<256x10240xf32> to vector<256x128xf32>
    %min3A_105 = arith.minimumf %min3A_103, %slice3A_104 : vector<256x128xf32>
    %slice3A_106 = vector.extract_strided_slice %max3A_16 {offsets = [0, 5760], sizes = [256, 128], strides = [1, 1]} : vector<256x10240xf32> to vector<256x128xf32>
    %min3A_107 = arith.minimumf %min3A_105, %slice3A_106 : vector<256x128xf32>
    %slice3A_108 = vector.extract_strided_slice %max3A_16 {offsets = [0, 5888], sizes = [256, 128], strides = [1, 1]} : vector<256x10240xf32> to vector<256x128xf32>
    %min3A_109 = arith.minimumf %min3A_107, %slice3A_108 : vector<256x128xf32>
    %slice3A_110 = vector.extract_strided_slice %max3A_16 {offsets = [0, 6016], sizes = [256, 128], strides = [1, 1]} : vector<256x10240xf32> to vector<256x128xf32>
    %min3A_111 = arith.minimumf %min3A_109, %slice3A_110 : vector<256x128xf32>
    %slice3A_112 = vector.extract_strided_slice %max3A_16 {offsets = [0, 6144], sizes = [256, 128], strides = [1, 1]} : vector<256x10240xf32> to vector<256x128xf32>
    %min3A_113 = arith.minimumf %min3A_111, %slice3A_112 : vector<256x128xf32>
    %slice3A_114 = vector.extract_strided_slice %max3A_16 {offsets = [0, 6272], sizes = [256, 128], strides = [1, 1]} : vector<256x10240xf32> to vector<256x128xf32>
    %min3A_115 = arith.minimumf %min3A_113, %slice3A_114 : vector<256x128xf32>
    %slice3A_116 = vector.extract_strided_slice %max3A_16 {offsets = [0, 6400], sizes = [256, 128], strides = [1, 1]} : vector<256x10240xf32> to vector<256x128xf32>
    %min3A_117 = arith.minimumf %min3A_115, %slice3A_116 : vector<256x128xf32>
    %slice3A_118 = vector.extract_strided_slice %max3A_16 {offsets = [0, 6528], sizes = [256, 128], strides = [1, 1]} : vector<256x10240xf32> to vector<256x128xf32>
    %min3A_119 = arith.minimumf %min3A_117, %slice3A_118 : vector<256x128xf32>
    %slice3A_120 = vector.extract_strided_slice %max3A_16 {offsets = [0, 6656], sizes = [256, 128], strides = [1, 1]} : vector<256x10240xf32> to vector<256x128xf32>
    %min3A_121 = arith.minimumf %min3A_119, %slice3A_120 : vector<256x128xf32>
    %slice3A_122 = vector.extract_strided_slice %max3A_16 {offsets = [0, 6784], sizes = [256, 128], strides = [1, 1]} : vector<256x10240xf32> to vector<256x128xf32>
    %min3A_123 = arith.minimumf %min3A_121, %slice3A_122 : vector<256x128xf32>
    %slice3A_124 = vector.extract_strided_slice %max3A_16 {offsets = [0, 6912], sizes = [256, 128], strides = [1, 1]} : vector<256x10240xf32> to vector<256x128xf32>
    %min3A_125 = arith.minimumf %min3A_123, %slice3A_124 : vector<256x128xf32>
    %slice3A_126 = vector.extract_strided_slice %max3A_16 {offsets = [0, 7040], sizes = [256, 128], strides = [1, 1]} : vector<256x10240xf32> to vector<256x128xf32>
    %min3A_127 = arith.minimumf %min3A_125, %slice3A_126 : vector<256x128xf32>
    %slice3A_128 = vector.extract_strided_slice %max3A_16 {offsets = [0, 7168], sizes = [256, 128], strides = [1, 1]} : vector<256x10240xf32> to vector<256x128xf32>
    %min3A_129 = arith.minimumf %min3A_127, %slice3A_128 : vector<256x128xf32>
    %slice3A_130 = vector.extract_strided_slice %max3A_16 {offsets = [0, 7296], sizes = [256, 128], strides = [1, 1]} : vector<256x10240xf32> to vector<256x128xf32>
    %min3A_131 = arith.minimumf %min3A_129, %slice3A_130 : vector<256x128xf32>
    %slice3A_132 = vector.extract_strided_slice %max3A_16 {offsets = [0, 7424], sizes = [256, 128], strides = [1, 1]} : vector<256x10240xf32> to vector<256x128xf32>
    %min3A_133 = arith.minimumf %min3A_131, %slice3A_132 : vector<256x128xf32>
    %slice3A_134 = vector.extract_strided_slice %max3A_16 {offsets = [0, 7552], sizes = [256, 128], strides = [1, 1]} : vector<256x10240xf32> to vector<256x128xf32>
    %min3A_135 = arith.minimumf %min3A_133, %slice3A_134 : vector<256x128xf32>
    %slice3A_136 = vector.extract_strided_slice %max3A_16 {offsets = [0, 7680], sizes = [256, 128], strides = [1, 1]} : vector<256x10240xf32> to vector<256x128xf32>
    %min3A_137 = arith.minimumf %min3A_135, %slice3A_136 : vector<256x128xf32>
    %slice3A_138 = vector.extract_strided_slice %max3A_16 {offsets = [0, 7808], sizes = [256, 128], strides = [1, 1]} : vector<256x10240xf32> to vector<256x128xf32>
    %min3A_139 = arith.minimumf %min3A_137, %slice3A_138 : vector<256x128xf32>
    %slice3A_140 = vector.extract_strided_slice %max3A_16 {offsets = [0, 7936], sizes = [256, 128], strides = [1, 1]} : vector<256x10240xf32> to vector<256x128xf32>
    %min3A_141 = arith.minimumf %min3A_139, %slice3A_140 : vector<256x128xf32>
    %slice3A_142 = vector.extract_strided_slice %max3A_16 {offsets = [0, 8064], sizes = [256, 128], strides = [1, 1]} : vector<256x10240xf32> to vector<256x128xf32>
    %min3A_143 = arith.minimumf %min3A_141, %slice3A_142 : vector<256x128xf32>
    %slice3A_144 = vector.extract_strided_slice %max3A_16 {offsets = [0, 8192], sizes = [256, 128], strides = [1, 1]} : vector<256x10240xf32> to vector<256x128xf32>
    %min3A_145 = arith.minimumf %min3A_143, %slice3A_144 : vector<256x128xf32>
    %slice3A_146 = vector.extract_strided_slice %max3A_16 {offsets = [0, 8320], sizes = [256, 128], strides = [1, 1]} : vector<256x10240xf32> to vector<256x128xf32>
    %min3A_147 = arith.minimumf %min3A_145, %slice3A_146 : vector<256x128xf32>
    %slice3A_148 = vector.extract_strided_slice %max3A_16 {offsets = [0, 8448], sizes = [256, 128], strides = [1, 1]} : vector<256x10240xf32> to vector<256x128xf32>
    %min3A_149 = arith.minimumf %min3A_147, %slice3A_148 : vector<256x128xf32>
    %slice3A_150 = vector.extract_strided_slice %max3A_16 {offsets = [0, 8576], sizes = [256, 128], strides = [1, 1]} : vector<256x10240xf32> to vector<256x128xf32>
    %min3A_151 = arith.minimumf %min3A_149, %slice3A_150 : vector<256x128xf32>
    %slice3A_152 = vector.extract_strided_slice %max3A_16 {offsets = [0, 8704], sizes = [256, 128], strides = [1, 1]} : vector<256x10240xf32> to vector<256x128xf32>
    %min3A_153 = arith.minimumf %min3A_151, %slice3A_152 : vector<256x128xf32>
    %slice3A_154 = vector.extract_strided_slice %max3A_16 {offsets = [0, 8832], sizes = [256, 128], strides = [1, 1]} : vector<256x10240xf32> to vector<256x128xf32>
    %min3A_155 = arith.minimumf %min3A_153, %slice3A_154 : vector<256x128xf32>
    %slice3A_156 = vector.extract_strided_slice %max3A_16 {offsets = [0, 8960], sizes = [256, 128], strides = [1, 1]} : vector<256x10240xf32> to vector<256x128xf32>
    %min3A_157 = arith.minimumf %min3A_155, %slice3A_156 : vector<256x128xf32>
    %slice3A_158 = vector.extract_strided_slice %max3A_16 {offsets = [0, 9088], sizes = [256, 128], strides = [1, 1]} : vector<256x10240xf32> to vector<256x128xf32>
    %min3A_159 = arith.minimumf %min3A_157, %slice3A_158 : vector<256x128xf32>
    %slice3A_160 = vector.extract_strided_slice %max3A_16 {offsets = [0, 9216], sizes = [256, 128], strides = [1, 1]} : vector<256x10240xf32> to vector<256x128xf32>
    %min3A_161 = arith.minimumf %min3A_159, %slice3A_160 : vector<256x128xf32>
    %slice3A_162 = vector.extract_strided_slice %max3A_16 {offsets = [0, 9344], sizes = [256, 128], strides = [1, 1]} : vector<256x10240xf32> to vector<256x128xf32>
    %min3A_163 = arith.minimumf %min3A_161, %slice3A_162 : vector<256x128xf32>
    %slice3A_164 = vector.extract_strided_slice %max3A_16 {offsets = [0, 9472], sizes = [256, 128], strides = [1, 1]} : vector<256x10240xf32> to vector<256x128xf32>
    %min3A_165 = arith.minimumf %min3A_163, %slice3A_164 : vector<256x128xf32>
    %slice3A_166 = vector.extract_strided_slice %max3A_16 {offsets = [0, 9600], sizes = [256, 128], strides = [1, 1]} : vector<256x10240xf32> to vector<256x128xf32>
    %min3A_167 = arith.minimumf %min3A_165, %slice3A_166 : vector<256x128xf32>
    %slice3A_168 = vector.extract_strided_slice %max3A_16 {offsets = [0, 9728], sizes = [256, 128], strides = [1, 1]} : vector<256x10240xf32> to vector<256x128xf32>
    %min3A_169 = arith.minimumf %min3A_167, %slice3A_168 : vector<256x128xf32>
    %slice3A_170 = vector.extract_strided_slice %max3A_16 {offsets = [0, 9856], sizes = [256, 128], strides = [1, 1]} : vector<256x10240xf32> to vector<256x128xf32>
    %min3A_171 = arith.minimumf %min3A_169, %slice3A_170 : vector<256x128xf32>
    %slice3A_172 = vector.extract_strided_slice %max3A_16 {offsets = [0, 9984], sizes = [256, 128], strides = [1, 1]} : vector<256x10240xf32> to vector<256x128xf32>
    %min3A_173 = arith.minimumf %min3A_171, %slice3A_172 : vector<256x128xf32>
    %slice3A_174 = vector.extract_strided_slice %max3A_16 {offsets = [0, 10112], sizes = [256, 128], strides = [1, 1]} : vector<256x10240xf32> to vector<256x128xf32>
    %min3A_175 = arith.minimumf %min3A_173, %slice3A_174 : vector<256x128xf32>
    %bitcast_convert_type3A = tpu.bitcast %min3A_175 : vector<256x128xf32> -> vector<256x128xi32>
    %broadcast_in_dim3A_176 = arith.constant 0 : i32
    %broadcast_in_dim3A_177 = vector.broadcast %broadcast_in_dim3A_176 : i32 to vector<256x1xi32>
    %add3A_178 = arith.constant 1073741824 : i32
    %add3A_179 = vector.broadcast %add3A_178 : i32 to vector<256x1xi32>
    %add3A_180 = arith.addi %broadcast_in_dim3A_177, %add3A_179 : vector<256x1xi32>
    %lt3A = vector.broadcast %add3A_180 : vector<256x1xi32> to vector<256x128xi32>
    %lt3A_181 = arith.cmpi slt, %bitcast_convert_type3A, %lt3A : vector<256x128xi32>
    %convert_element_type3A = arith.extui %lt3A_181 : vector<256x128xi1> to vector<256x128xi32>
    %convert_element_type3A_182 = arith.sitofp %convert_element_type3A : vector<256x128xi32> to vector<256x128xf32>
    %reduce_sum3A_183 = arith.constant dense<0.000000e+00> : vector<256xf32>
    %reduce_sum3A_184 = vector.multi_reduction <add>, %convert_element_type3A_182, %reduce_sum3A_183 [1] : vector<256x128xf32> to vector<256xf32>
    %broadcast_in_dim3A_185 = vector.shape_cast %reduce_sum3A_184 : vector<256xf32> to vector<256x1xf32>
    %le3A = arith.constant 3.900000e+01 : f32
    %le3A_186 = vector.broadcast %le3A : f32 to vector<256x1xf32>
    %le3A_187 = arith.cmpf ole, %broadcast_in_dim3A_185, %le3A_186 : vector<256x1xf32>
    %select_n3A = arith.select %le3A_187, %add3A_180, %broadcast_in_dim3A_177 : vector<256x1xi1>, vector<256x1xi32>
    %add3A_188 = arith.constant 536870912 : i32
    %add3A_189 = vector.broadcast %add3A_188 : i32 to vector<256x1xi32>
    %add3A_190 = arith.addi %select_n3A, %add3A_189 : vector<256x1xi32>
    %lt3A_191 = vector.broadcast %add3A_190 : vector<256x1xi32> to vector<256x128xi32>
    %lt3A_192 = arith.cmpi slt, %bitcast_convert_type3A, %lt3A_191 : vector<256x128xi32>
    %convert_element_type3A_193 = arith.extui %lt3A_192 : vector<256x128xi1> to vector<256x128xi32>
    %convert_element_type3A_194 = arith.sitofp %convert_element_type3A_193 : vector<256x128xi32> to vector<256x128xf32>
    %reduce_sum3A_195 = arith.constant dense<0.000000e+00> : vector<256xf32>
    %reduce_sum3A_196 = vector.multi_reduction <add>, %convert_element_type3A_194, %reduce_sum3A_195 [1] : vector<256x128xf32> to vector<256xf32>
    %broadcast_in_dim3A_197 = vector.shape_cast %reduce_sum3A_196 : vector<256xf32> to vector<256x1xf32>
    %le3A_198 = arith.constant 3.900000e+01 : f32
    %le3A_199 = vector.broadcast %le3A_198 : f32 to vector<256x1xf32>
    %le3A_200 = arith.cmpf ole, %broadcast_in_dim3A_197, %le3A_199 : vector<256x1xf32>
    %select_n3A_201 = arith.select %le3A_200, %add3A_190, %select_n3A : vector<256x1xi1>, vector<256x1xi32>
    %add3A_202 = arith.constant 268435456 : i32
    %add3A_203 = vector.broadcast %add3A_202 : i32 to vector<256x1xi32>
    %add3A_204 = arith.addi %select_n3A_201, %add3A_203 : vector<256x1xi32>
    %lt3A_205 = vector.broadcast %add3A_204 : vector<256x1xi32> to vector<256x128xi32>
    %lt3A_206 = arith.cmpi slt, %bitcast_convert_type3A, %lt3A_205 : vector<256x128xi32>
    %convert_element_type3A_207 = arith.extui %lt3A_206 : vector<256x128xi1> to vector<256x128xi32>
    %convert_element_type3A_208 = arith.sitofp %convert_element_type3A_207 : vector<256x128xi32> to vector<256x128xf32>
    %reduce_sum3A_209 = arith.constant dense<0.000000e+00> : vector<256xf32>
    %reduce_sum3A_210 = vector.multi_reduction <add>, %convert_element_type3A_208, %reduce_sum3A_209 [1] : vector<256x128xf32> to vector<256xf32>
    %broadcast_in_dim3A_211 = vector.shape_cast %reduce_sum3A_210 : vector<256xf32> to vector<256x1xf32>
    %le3A_212 = arith.constant 3.900000e+01 : f32
    %le3A_213 = vector.broadcast %le3A_212 : f32 to vector<256x1xf32>
    %le3A_214 = arith.cmpf ole, %broadcast_in_dim3A_211, %le3A_213 : vector<256x1xf32>
    %select_n3A_215 = arith.select %le3A_214, %add3A_204, %select_n3A_201 : vector<256x1xi1>, vector<256x1xi32>
    %add3A_216 = arith.constant 134217728 : i32
    %add3A_217 = vector.broadcast %add3A_216 : i32 to vector<256x1xi32>
    %add3A_218 = arith.addi %select_n3A_215, %add3A_217 : vector<256x1xi32>
    %lt3A_219 = vector.broadcast %add3A_218 : vector<256x1xi32> to vector<256x128xi32>
    %lt3A_220 = arith.cmpi slt, %bitcast_convert_type3A, %lt3A_219 : vector<256x128xi32>
    %convert_element_type3A_221 = arith.extui %lt3A_220 : vector<256x128xi1> to vector<256x128xi32>
    %convert_element_type3A_222 = arith.sitofp %convert_element_type3A_221 : vector<256x128xi32> to vector<256x128xf32>
    %reduce_sum3A_223 = arith.constant dense<0.000000e+00> : vector<256xf32>
    %reduce_sum3A_224 = vector.multi_reduction <add>, %convert_element_type3A_222, %reduce_sum3A_223 [1] : vector<256x128xf32> to vector<256xf32>
    %broadcast_in_dim3A_225 = vector.shape_cast %reduce_sum3A_224 : vector<256xf32> to vector<256x1xf32>
    %le3A_226 = arith.constant 3.900000e+01 : f32
    %le3A_227 = vector.broadcast %le3A_226 : f32 to vector<256x1xf32>
    %le3A_228 = arith.cmpf ole, %broadcast_in_dim3A_225, %le3A_227 : vector<256x1xf32>
    %select_n3A_229 = arith.select %le3A_228, %add3A_218, %select_n3A_215 : vector<256x1xi1>, vector<256x1xi32>
    %add3A_230 = arith.constant 67108864 : i32
    %add3A_231 = vector.broadcast %add3A_230 : i32 to vector<256x1xi32>
    %add3A_232 = arith.addi %select_n3A_229, %add3A_231 : vector<256x1xi32>
    %lt3A_233 = vector.broadcast %add3A_232 : vector<256x1xi32> to vector<256x128xi32>
    %lt3A_234 = arith.cmpi slt, %bitcast_convert_type3A, %lt3A_233 : vector<256x128xi32>
    %convert_element_type3A_235 = arith.extui %lt3A_234 : vector<256x128xi1> to vector<256x128xi32>
    %convert_element_type3A_236 = arith.sitofp %convert_element_type3A_235 : vector<256x128xi32> to vector<256x128xf32>
    %reduce_sum3A_237 = arith.constant dense<0.000000e+00> : vector<256xf32>
    %reduce_sum3A_238 = vector.multi_reduction <add>, %convert_element_type3A_236, %reduce_sum3A_237 [1] : vector<256x128xf32> to vector<256xf32>
    %broadcast_in_dim3A_239 = vector.shape_cast %reduce_sum3A_238 : vector<256xf32> to vector<256x1xf32>
    %le3A_240 = arith.constant 3.900000e+01 : f32
    %le3A_241 = vector.broadcast %le3A_240 : f32 to vector<256x1xf32>
    %le3A_242 = arith.cmpf ole, %broadcast_in_dim3A_239, %le3A_241 : vector<256x1xf32>
    %select_n3A_243 = arith.select %le3A_242, %add3A_232, %select_n3A_229 : vector<256x1xi1>, vector<256x1xi32>
    %add3A_244 = arith.constant 33554432 : i32
    %add3A_245 = vector.broadcast %add3A_244 : i32 to vector<256x1xi32>
    %add3A_246 = arith.addi %select_n3A_243, %add3A_245 : vector<256x1xi32>
    %lt3A_247 = vector.broadcast %add3A_246 : vector<256x1xi32> to vector<256x128xi32>
    %lt3A_248 = arith.cmpi slt, %bitcast_convert_type3A, %lt3A_247 : vector<256x128xi32>
    %convert_element_type3A_249 = arith.extui %lt3A_248 : vector<256x128xi1> to vector<256x128xi32>
    %convert_element_type3A_250 = arith.sitofp %convert_element_type3A_249 : vector<256x128xi32> to vector<256x128xf32>
    %reduce_sum3A_251 = arith.constant dense<0.000000e+00> : vector<256xf32>
    %reduce_sum3A_252 = vector.multi_reduction <add>, %convert_element_type3A_250, %reduce_sum3A_251 [1] : vector<256x128xf32> to vector<256xf32>
    %broadcast_in_dim3A_253 = vector.shape_cast %reduce_sum3A_252 : vector<256xf32> to vector<256x1xf32>
    %le3A_254 = arith.constant 3.900000e+01 : f32
    %le3A_255 = vector.broadcast %le3A_254 : f32 to vector<256x1xf32>
    %le3A_256 = arith.cmpf ole, %broadcast_in_dim3A_253, %le3A_255 : vector<256x1xf32>
    %select_n3A_257 = arith.select %le3A_256, %add3A_246, %select_n3A_243 : vector<256x1xi1>, vector<256x1xi32>
    %add3A_258 = arith.constant 16777216 : i32
    %add3A_259 = vector.broadcast %add3A_258 : i32 to vector<256x1xi32>
    %add3A_260 = arith.addi %select_n3A_257, %add3A_259 : vector<256x1xi32>
    %lt3A_261 = vector.broadcast %add3A_260 : vector<256x1xi32> to vector<256x128xi32>
    %lt3A_262 = arith.cmpi slt, %bitcast_convert_type3A, %lt3A_261 : vector<256x128xi32>
    %convert_element_type3A_263 = arith.extui %lt3A_262 : vector<256x128xi1> to vector<256x128xi32>
    %convert_element_type3A_264 = arith.sitofp %convert_element_type3A_263 : vector<256x128xi32> to vector<256x128xf32>
    %reduce_sum3A_265 = arith.constant dense<0.000000e+00> : vector<256xf32>
    %reduce_sum3A_266 = vector.multi_reduction <add>, %convert_element_type3A_264, %reduce_sum3A_265 [1] : vector<256x128xf32> to vector<256xf32>
    %broadcast_in_dim3A_267 = vector.shape_cast %reduce_sum3A_266 : vector<256xf32> to vector<256x1xf32>
    %le3A_268 = arith.constant 3.900000e+01 : f32
    %le3A_269 = vector.broadcast %le3A_268 : f32 to vector<256x1xf32>
    %le3A_270 = arith.cmpf ole, %broadcast_in_dim3A_267, %le3A_269 : vector<256x1xf32>
    %select_n3A_271 = arith.select %le3A_270, %add3A_260, %select_n3A_257 : vector<256x1xi1>, vector<256x1xi32>
    %add3A_272 = arith.constant 8388608 : i32
    %add3A_273 = vector.broadcast %add3A_272 : i32 to vector<256x1xi32>
    %add3A_274 = arith.addi %select_n3A_271, %add3A_273 : vector<256x1xi32>
    %lt3A_275 = vector.broadcast %add3A_274 : vector<256x1xi32> to vector<256x128xi32>
    %lt3A_276 = arith.cmpi slt, %bitcast_convert_type3A, %lt3A_275 : vector<256x128xi32>
    %convert_element_type3A_277 = arith.extui %lt3A_276 : vector<256x128xi1> to vector<256x128xi32>
    %convert_element_type3A_278 = arith.sitofp %convert_element_type3A_277 : vector<256x128xi32> to vector<256x128xf32>
    %reduce_sum3A_279 = arith.constant dense<0.000000e+00> : vector<256xf32>
    %reduce_sum3A_280 = vector.multi_reduction <add>, %convert_element_type3A_278, %reduce_sum3A_279 [1] : vector<256x128xf32> to vector<256xf32>
    %broadcast_in_dim3A_281 = vector.shape_cast %reduce_sum3A_280 : vector<256xf32> to vector<256x1xf32>
    %le3A_282 = arith.constant 3.900000e+01 : f32
    %le3A_283 = vector.broadcast %le3A_282 : f32 to vector<256x1xf32>
    %le3A_284 = arith.cmpf ole, %broadcast_in_dim3A_281, %le3A_283 : vector<256x1xf32>
    %select_n3A_285 = arith.select %le3A_284, %add3A_274, %select_n3A_271 : vector<256x1xi1>, vector<256x1xi32>
    %add3A_286 = arith.constant 4194304 : i32
    %add3A_287 = vector.broadcast %add3A_286 : i32 to vector<256x1xi32>
    %add3A_288 = arith.addi %select_n3A_285, %add3A_287 : vector<256x1xi32>
    %lt3A_289 = vector.broadcast %add3A_288 : vector<256x1xi32> to vector<256x128xi32>
    %lt3A_290 = arith.cmpi slt, %bitcast_convert_type3A, %lt3A_289 : vector<256x128xi32>
    %convert_element_type3A_291 = arith.extui %lt3A_290 : vector<256x128xi1> to vector<256x128xi32>
    %convert_element_type3A_292 = arith.sitofp %convert_element_type3A_291 : vector<256x128xi32> to vector<256x128xf32>
    %reduce_sum3A_293 = arith.constant dense<0.000000e+00> : vector<256xf32>
    %reduce_sum3A_294 = vector.multi_reduction <add>, %convert_element_type3A_292, %reduce_sum3A_293 [1] : vector<256x128xf32> to vector<256xf32>
    %broadcast_in_dim3A_295 = vector.shape_cast %reduce_sum3A_294 : vector<256xf32> to vector<256x1xf32>
    %le3A_296 = arith.constant 3.900000e+01 : f32
    %le3A_297 = vector.broadcast %le3A_296 : f32 to vector<256x1xf32>
    %le3A_298 = arith.cmpf ole, %broadcast_in_dim3A_295, %le3A_297 : vector<256x1xf32>
    %select_n3A_299 = arith.select %le3A_298, %add3A_288, %select_n3A_285 : vector<256x1xi1>, vector<256x1xi32>
    %add3A_300 = arith.constant 2097152 : i32
    %add3A_301 = vector.broadcast %add3A_300 : i32 to vector<256x1xi32>
    %add3A_302 = arith.addi %select_n3A_299, %add3A_301 : vector<256x1xi32>
    %lt3A_303 = vector.broadcast %add3A_302 : vector<256x1xi32> to vector<256x128xi32>
    %lt3A_304 = arith.cmpi slt, %bitcast_convert_type3A, %lt3A_303 : vector<256x128xi32>
    %convert_element_type3A_305 = arith.extui %lt3A_304 : vector<256x128xi1> to vector<256x128xi32>
    %convert_element_type3A_306 = arith.sitofp %convert_element_type3A_305 : vector<256x128xi32> to vector<256x128xf32>
    %reduce_sum3A_307 = arith.constant dense<0.000000e+00> : vector<256xf32>
    %reduce_sum3A_308 = vector.multi_reduction <add>, %convert_element_type3A_306, %reduce_sum3A_307 [1] : vector<256x128xf32> to vector<256xf32>
    %broadcast_in_dim3A_309 = vector.shape_cast %reduce_sum3A_308 : vector<256xf32> to vector<256x1xf32>
    %le3A_310 = arith.constant 3.900000e+01 : f32
    %le3A_311 = vector.broadcast %le3A_310 : f32 to vector<256x1xf32>
    %le3A_312 = arith.cmpf ole, %broadcast_in_dim3A_309, %le3A_311 : vector<256x1xf32>
    %select_n3A_313 = arith.select %le3A_312, %add3A_302, %select_n3A_299 : vector<256x1xi1>, vector<256x1xi32>
    %add3A_314 = arith.constant 1048576 : i32
    %add3A_315 = vector.broadcast %add3A_314 : i32 to vector<256x1xi32>
    %add3A_316 = arith.addi %select_n3A_313, %add3A_315 : vector<256x1xi32>
    %lt3A_317 = vector.broadcast %add3A_316 : vector<256x1xi32> to vector<256x128xi32>
    %lt3A_318 = arith.cmpi slt, %bitcast_convert_type3A, %lt3A_317 : vector<256x128xi32>
    %convert_element_type3A_319 = arith.extui %lt3A_318 : vector<256x128xi1> to vector<256x128xi32>
    %convert_element_type3A_320 = arith.sitofp %convert_element_type3A_319 : vector<256x128xi32> to vector<256x128xf32>
    %reduce_sum3A_321 = arith.constant dense<0.000000e+00> : vector<256xf32>
    %reduce_sum3A_322 = vector.multi_reduction <add>, %convert_element_type3A_320, %reduce_sum3A_321 [1] : vector<256x128xf32> to vector<256xf32>
    %broadcast_in_dim3A_323 = vector.shape_cast %reduce_sum3A_322 : vector<256xf32> to vector<256x1xf32>
    %le3A_324 = arith.constant 3.900000e+01 : f32
    %le3A_325 = vector.broadcast %le3A_324 : f32 to vector<256x1xf32>
    %le3A_326 = arith.cmpf ole, %broadcast_in_dim3A_323, %le3A_325 : vector<256x1xf32>
    %select_n3A_327 = arith.select %le3A_326, %add3A_316, %select_n3A_313 : vector<256x1xi1>, vector<256x1xi32>
    %add3A_328 = arith.constant 524288 : i32
    %add3A_329 = vector.broadcast %add3A_328 : i32 to vector<256x1xi32>
    %add3A_330 = arith.addi %select_n3A_327, %add3A_329 : vector<256x1xi32>
    %lt3A_331 = vector.broadcast %add3A_330 : vector<256x1xi32> to vector<256x128xi32>
    %lt3A_332 = arith.cmpi slt, %bitcast_convert_type3A, %lt3A_331 : vector<256x128xi32>
    %convert_element_type3A_333 = arith.extui %lt3A_332 : vector<256x128xi1> to vector<256x128xi32>
    %convert_element_type3A_334 = arith.sitofp %convert_element_type3A_333 : vector<256x128xi32> to vector<256x128xf32>
    %reduce_sum3A_335 = arith.constant dense<0.000000e+00> : vector<256xf32>
    %reduce_sum3A_336 = vector.multi_reduction <add>, %convert_element_type3A_334, %reduce_sum3A_335 [1] : vector<256x128xf32> to vector<256xf32>
    %broadcast_in_dim3A_337 = vector.shape_cast %reduce_sum3A_336 : vector<256xf32> to vector<256x1xf32>
    %le3A_338 = arith.constant 3.900000e+01 : f32
    %le3A_339 = vector.broadcast %le3A_338 : f32 to vector<256x1xf32>
    %le3A_340 = arith.cmpf ole, %broadcast_in_dim3A_337, %le3A_339 : vector<256x1xf32>
    %select_n3A_341 = arith.select %le3A_340, %add3A_330, %select_n3A_327 : vector<256x1xi1>, vector<256x1xi32>
    %add3A_342 = arith.constant 262144 : i32
    %add3A_343 = vector.broadcast %add3A_342 : i32 to vector<256x1xi32>
    %add3A_344 = arith.addi %select_n3A_341, %add3A_343 : vector<256x1xi32>
    %lt3A_345 = vector.broadcast %add3A_344 : vector<256x1xi32> to vector<256x128xi32>
    %lt3A_346 = arith.cmpi slt, %bitcast_convert_type3A, %lt3A_345 : vector<256x128xi32>
    %convert_element_type3A_347 = arith.extui %lt3A_346 : vector<256x128xi1> to vector<256x128xi32>
    %convert_element_type3A_348 = arith.sitofp %convert_element_type3A_347 : vector<256x128xi32> to vector<256x128xf32>
    %reduce_sum3A_349 = arith.constant dense<0.000000e+00> : vector<256xf32>
    %reduce_sum3A_350 = vector.multi_reduction <add>, %convert_element_type3A_348, %reduce_sum3A_349 [1] : vector<256x128xf32> to vector<256xf32>
    %broadcast_in_dim3A_351 = vector.shape_cast %reduce_sum3A_350 : vector<256xf32> to vector<256x1xf32>
    %le3A_352 = arith.constant 3.900000e+01 : f32
    %le3A_353 = vector.broadcast %le3A_352 : f32 to vector<256x1xf32>
    %le3A_354 = arith.cmpf ole, %broadcast_in_dim3A_351, %le3A_353 : vector<256x1xf32>
    %select_n3A_355 = arith.select %le3A_354, %add3A_344, %select_n3A_341 : vector<256x1xi1>, vector<256x1xi32>
    %add3A_356 = arith.constant 131072 : i32
    %add3A_357 = vector.broadcast %add3A_356 : i32 to vector<256x1xi32>
    %add3A_358 = arith.addi %select_n3A_355, %add3A_357 : vector<256x1xi32>
    %lt3A_359 = vector.broadcast %add3A_358 : vector<256x1xi32> to vector<256x128xi32>
    %lt3A_360 = arith.cmpi slt, %bitcast_convert_type3A, %lt3A_359 : vector<256x128xi32>
    %convert_element_type3A_361 = arith.extui %lt3A_360 : vector<256x128xi1> to vector<256x128xi32>
    %convert_element_type3A_362 = arith.sitofp %convert_element_type3A_361 : vector<256x128xi32> to vector<256x128xf32>
    %reduce_sum3A_363 = arith.constant dense<0.000000e+00> : vector<256xf32>
    %reduce_sum3A_364 = vector.multi_reduction <add>, %convert_element_type3A_362, %reduce_sum3A_363 [1] : vector<256x128xf32> to vector<256xf32>
    %broadcast_in_dim3A_365 = vector.shape_cast %reduce_sum3A_364 : vector<256xf32> to vector<256x1xf32>
    %le3A_366 = arith.constant 3.900000e+01 : f32
    %le3A_367 = vector.broadcast %le3A_366 : f32 to vector<256x1xf32>
    %le3A_368 = arith.cmpf ole, %broadcast_in_dim3A_365, %le3A_367 : vector<256x1xf32>
    %select_n3A_369 = arith.select %le3A_368, %add3A_358, %select_n3A_355 : vector<256x1xi1>, vector<256x1xi32>
    %add3A_370 = arith.constant 65536 : i32
    %add3A_371 = vector.broadcast %add3A_370 : i32 to vector<256x1xi32>
    %add3A_372 = arith.addi %select_n3A_369, %add3A_371 : vector<256x1xi32>
    %lt3A_373 = vector.broadcast %add3A_372 : vector<256x1xi32> to vector<256x128xi32>
    %lt3A_374 = arith.cmpi slt, %bitcast_convert_type3A, %lt3A_373 : vector<256x128xi32>
    %convert_element_type3A_375 = arith.extui %lt3A_374 : vector<256x128xi1> to vector<256x128xi32>
    %convert_element_type3A_376 = arith.sitofp %convert_element_type3A_375 : vector<256x128xi32> to vector<256x128xf32>
    %reduce_sum3A_377 = arith.constant dense<0.000000e+00> : vector<256xf32>
    %reduce_sum3A_378 = vector.multi_reduction <add>, %convert_element_type3A_376, %reduce_sum3A_377 [1] : vector<256x128xf32> to vector<256xf32>
    %broadcast_in_dim3A_379 = vector.shape_cast %reduce_sum3A_378 : vector<256xf32> to vector<256x1xf32>
    %le3A_380 = arith.constant 3.900000e+01 : f32
    %le3A_381 = vector.broadcast %le3A_380 : f32 to vector<256x1xf32>
    %le3A_382 = arith.cmpf ole, %broadcast_in_dim3A_379, %le3A_381 : vector<256x1xf32>
    %select_n3A_383 = arith.select %le3A_382, %add3A_372, %select_n3A_369 : vector<256x1xi1>, vector<256x1xi32>
    %add3A_384 = arith.constant 32768 : i32
    %add3A_385 = vector.broadcast %add3A_384 : i32 to vector<256x1xi32>
    %add3A_386 = arith.addi %select_n3A_383, %add3A_385 : vector<256x1xi32>
    %lt3A_387 = vector.broadcast %add3A_386 : vector<256x1xi32> to vector<256x128xi32>
    %lt3A_388 = arith.cmpi slt, %bitcast_convert_type3A, %lt3A_387 : vector<256x128xi32>
    %convert_element_type3A_389 = arith.extui %lt3A_388 : vector<256x128xi1> to vector<256x128xi32>
    %convert_element_type3A_390 = arith.sitofp %convert_element_type3A_389 : vector<256x128xi32> to vector<256x128xf32>
    %reduce_sum3A_391 = arith.constant dense<0.000000e+00> : vector<256xf32>
    %reduce_sum3A_392 = vector.multi_reduction <add>, %convert_element_type3A_390, %reduce_sum3A_391 [1] : vector<256x128xf32> to vector<256xf32>
    %broadcast_in_dim3A_393 = vector.shape_cast %reduce_sum3A_392 : vector<256xf32> to vector<256x1xf32>
    %le3A_394 = arith.constant 3.900000e+01 : f32
    %le3A_395 = vector.broadcast %le3A_394 : f32 to vector<256x1xf32>
    %le3A_396 = arith.cmpf ole, %broadcast_in_dim3A_393, %le3A_395 : vector<256x1xf32>
    %select_n3A_397 = arith.select %le3A_396, %add3A_386, %select_n3A_383 : vector<256x1xi1>, vector<256x1xi32>
    %add3A_398 = arith.constant 16384 : i32
    %add3A_399 = vector.broadcast %add3A_398 : i32 to vector<256x1xi32>
    %add3A_400 = arith.addi %select_n3A_397, %add3A_399 : vector<256x1xi32>
    %lt3A_401 = vector.broadcast %add3A_400 : vector<256x1xi32> to vector<256x128xi32>
    %lt3A_402 = arith.cmpi slt, %bitcast_convert_type3A, %lt3A_401 : vector<256x128xi32>
    %convert_element_type3A_403 = arith.extui %lt3A_402 : vector<256x128xi1> to vector<256x128xi32>
    %convert_element_type3A_404 = arith.sitofp %convert_element_type3A_403 : vector<256x128xi32> to vector<256x128xf32>
    %reduce_sum3A_405 = arith.constant dense<0.000000e+00> : vector<256xf32>
    %reduce_sum3A_406 = vector.multi_reduction <add>, %convert_element_type3A_404, %reduce_sum3A_405 [1] : vector<256x128xf32> to vector<256xf32>
    %broadcast_in_dim3A_407 = vector.shape_cast %reduce_sum3A_406 : vector<256xf32> to vector<256x1xf32>
    %le3A_408 = arith.constant 3.900000e+01 : f32
    %le3A_409 = vector.broadcast %le3A_408 : f32 to vector<256x1xf32>
    %le3A_410 = arith.cmpf ole, %broadcast_in_dim3A_407, %le3A_409 : vector<256x1xf32>
    %select_n3A_411 = arith.select %le3A_410, %add3A_400, %select_n3A_397 : vector<256x1xi1>, vector<256x1xi32>
    %add3A_412 = arith.constant 8192 : i32
    %add3A_413 = vector.broadcast %add3A_412 : i32 to vector<256x1xi32>
    %add3A_414 = arith.addi %select_n3A_411, %add3A_413 : vector<256x1xi32>
    %lt3A_415 = vector.broadcast %add3A_414 : vector<256x1xi32> to vector<256x128xi32>
    %lt3A_416 = arith.cmpi slt, %bitcast_convert_type3A, %lt3A_415 : vector<256x128xi32>
    %convert_element_type3A_417 = arith.extui %lt3A_416 : vector<256x128xi1> to vector<256x128xi32>
    %convert_element_type3A_418 = arith.sitofp %convert_element_type3A_417 : vector<256x128xi32> to vector<256x128xf32>
    %reduce_sum3A_419 = arith.constant dense<0.000000e+00> : vector<256xf32>
    %reduce_sum3A_420 = vector.multi_reduction <add>, %convert_element_type3A_418, %reduce_sum3A_419 [1] : vector<256x128xf32> to vector<256xf32>
    %broadcast_in_dim3A_421 = vector.shape_cast %reduce_sum3A_420 : vector<256xf32> to vector<256x1xf32>
    %le3A_422 = arith.constant 3.900000e+01 : f32
    %le3A_423 = vector.broadcast %le3A_422 : f32 to vector<256x1xf32>
    %le3A_424 = arith.cmpf ole, %broadcast_in_dim3A_421, %le3A_423 : vector<256x1xf32>
    %select_n3A_425 = arith.select %le3A_424, %add3A_414, %select_n3A_411 : vector<256x1xi1>, vector<256x1xi32>
    %add3A_426 = arith.constant 4096 : i32
    %add3A_427 = vector.broadcast %add3A_426 : i32 to vector<256x1xi32>
    %add3A_428 = arith.addi %select_n3A_425, %add3A_427 : vector<256x1xi32>
    %lt3A_429 = vector.broadcast %add3A_428 : vector<256x1xi32> to vector<256x128xi32>
    %lt3A_430 = arith.cmpi slt, %bitcast_convert_type3A, %lt3A_429 : vector<256x128xi32>
    %convert_element_type3A_431 = arith.extui %lt3A_430 : vector<256x128xi1> to vector<256x128xi32>
    %convert_element_type3A_432 = arith.sitofp %convert_element_type3A_431 : vector<256x128xi32> to vector<256x128xf32>
    %reduce_sum3A_433 = arith.constant dense<0.000000e+00> : vector<256xf32>
    %reduce_sum3A_434 = vector.multi_reduction <add>, %convert_element_type3A_432, %reduce_sum3A_433 [1] : vector<256x128xf32> to vector<256xf32>
    %broadcast_in_dim3A_435 = vector.shape_cast %reduce_sum3A_434 : vector<256xf32> to vector<256x1xf32>
    %le3A_436 = arith.constant 3.900000e+01 : f32
    %le3A_437 = vector.broadcast %le3A_436 : f32 to vector<256x1xf32>
    %le3A_438 = arith.cmpf ole, %broadcast_in_dim3A_435, %le3A_437 : vector<256x1xf32>
    %select_n3A_439 = arith.select %le3A_438, %add3A_428, %select_n3A_425 : vector<256x1xi1>, vector<256x1xi32>
    %add3A_440 = arith.constant 2048 : i32
    %add3A_441 = vector.broadcast %add3A_440 : i32 to vector<256x1xi32>
    %add3A_442 = arith.addi %select_n3A_439, %add3A_441 : vector<256x1xi32>
    %lt3A_443 = vector.broadcast %add3A_442 : vector<256x1xi32> to vector<256x128xi32>
    %lt3A_444 = arith.cmpi slt, %bitcast_convert_type3A, %lt3A_443 : vector<256x128xi32>
    %convert_element_type3A_445 = arith.extui %lt3A_444 : vector<256x128xi1> to vector<256x128xi32>
    %convert_element_type3A_446 = arith.sitofp %convert_element_type3A_445 : vector<256x128xi32> to vector<256x128xf32>
    %reduce_sum3A_447 = arith.constant dense<0.000000e+00> : vector<256xf32>
    %reduce_sum3A_448 = vector.multi_reduction <add>, %convert_element_type3A_446, %reduce_sum3A_447 [1] : vector<256x128xf32> to vector<256xf32>
    %broadcast_in_dim3A_449 = vector.shape_cast %reduce_sum3A_448 : vector<256xf32> to vector<256x1xf32>
    %le3A_450 = arith.constant 3.900000e+01 : f32
    %le3A_451 = vector.broadcast %le3A_450 : f32 to vector<256x1xf32>
    %le3A_452 = arith.cmpf ole, %broadcast_in_dim3A_449, %le3A_451 : vector<256x1xf32>
    %select_n3A_453 = arith.select %le3A_452, %add3A_442, %select_n3A_439 : vector<256x1xi1>, vector<256x1xi32>
    %add3A_454 = arith.constant 1024 : i32
    %add3A_455 = vector.broadcast %add3A_454 : i32 to vector<256x1xi32>
    %add3A_456 = arith.addi %select_n3A_453, %add3A_455 : vector<256x1xi32>
    %lt3A_457 = vector.broadcast %add3A_456 : vector<256x1xi32> to vector<256x128xi32>
    %lt3A_458 = arith.cmpi slt, %bitcast_convert_type3A, %lt3A_457 : vector<256x128xi32>
    %convert_element_type3A_459 = arith.extui %lt3A_458 : vector<256x128xi1> to vector<256x128xi32>
    %convert_element_type3A_460 = arith.sitofp %convert_element_type3A_459 : vector<256x128xi32> to vector<256x128xf32>
    %reduce_sum3A_461 = arith.constant dense<0.000000e+00> : vector<256xf32>
    %reduce_sum3A_462 = vector.multi_reduction <add>, %convert_element_type3A_460, %reduce_sum3A_461 [1] : vector<256x128xf32> to vector<256xf32>
    %broadcast_in_dim3A_463 = vector.shape_cast %reduce_sum3A_462 : vector<256xf32> to vector<256x1xf32>
    %le3A_464 = arith.constant 3.900000e+01 : f32
    %le3A_465 = vector.broadcast %le3A_464 : f32 to vector<256x1xf32>
    %le3A_466 = arith.cmpf ole, %broadcast_in_dim3A_463, %le3A_465 : vector<256x1xf32>
    %select_n3A_467 = arith.select %le3A_466, %add3A_456, %select_n3A_453 : vector<256x1xi1>, vector<256x1xi32>
    %add3A_468 = arith.constant 512 : i32
    %add3A_469 = vector.broadcast %add3A_468 : i32 to vector<256x1xi32>
    %add3A_470 = arith.addi %select_n3A_467, %add3A_469 : vector<256x1xi32>
    %lt3A_471 = vector.broadcast %add3A_470 : vector<256x1xi32> to vector<256x128xi32>
    %lt3A_472 = arith.cmpi slt, %bitcast_convert_type3A, %lt3A_471 : vector<256x128xi32>
    %convert_element_type3A_473 = arith.extui %lt3A_472 : vector<256x128xi1> to vector<256x128xi32>
    %convert_element_type3A_474 = arith.sitofp %convert_element_type3A_473 : vector<256x128xi32> to vector<256x128xf32>
    %reduce_sum3A_475 = arith.constant dense<0.000000e+00> : vector<256xf32>
    %reduce_sum3A_476 = vector.multi_reduction <add>, %convert_element_type3A_474, %reduce_sum3A_475 [1] : vector<256x128xf32> to vector<256xf32>
    %broadcast_in_dim3A_477 = vector.shape_cast %reduce_sum3A_476 : vector<256xf32> to vector<256x1xf32>
    %le3A_478 = arith.constant 3.900000e+01 : f32
    %le3A_479 = vector.broadcast %le3A_478 : f32 to vector<256x1xf32>
    %le3A_480 = arith.cmpf ole, %broadcast_in_dim3A_477, %le3A_479 : vector<256x1xf32>
    %select_n3A_481 = arith.select %le3A_480, %add3A_470, %select_n3A_467 : vector<256x1xi1>, vector<256x1xi32>
    %add3A_482 = arith.constant 256 : i32
    %add3A_483 = vector.broadcast %add3A_482 : i32 to vector<256x1xi32>
    %add3A_484 = arith.addi %select_n3A_481, %add3A_483 : vector<256x1xi32>
    %lt3A_485 = vector.broadcast %add3A_484 : vector<256x1xi32> to vector<256x128xi32>
    %lt3A_486 = arith.cmpi slt, %bitcast_convert_type3A, %lt3A_485 : vector<256x128xi32>
    %convert_element_type3A_487 = arith.extui %lt3A_486 : vector<256x128xi1> to vector<256x128xi32>
    %convert_element_type3A_488 = arith.sitofp %convert_element_type3A_487 : vector<256x128xi32> to vector<256x128xf32>
    %reduce_sum3A_489 = arith.constant dense<0.000000e+00> : vector<256xf32>
    %reduce_sum3A_490 = vector.multi_reduction <add>, %convert_element_type3A_488, %reduce_sum3A_489 [1] : vector<256x128xf32> to vector<256xf32>
    %broadcast_in_dim3A_491 = vector.shape_cast %reduce_sum3A_490 : vector<256xf32> to vector<256x1xf32>
    %le3A_492 = arith.constant 3.900000e+01 : f32
    %le3A_493 = vector.broadcast %le3A_492 : f32 to vector<256x1xf32>
    %le3A_494 = arith.cmpf ole, %broadcast_in_dim3A_491, %le3A_493 : vector<256x1xf32>
    %select_n3A_495 = arith.select %le3A_494, %add3A_484, %select_n3A_481 : vector<256x1xi1>, vector<256x1xi32>
    %add3A_496 = arith.constant 128 : i32
    %add3A_497 = vector.broadcast %add3A_496 : i32 to vector<256x1xi32>
    %add3A_498 = arith.addi %select_n3A_495, %add3A_497 : vector<256x1xi32>
    %lt3A_499 = vector.broadcast %add3A_498 : vector<256x1xi32> to vector<256x128xi32>
    %lt3A_500 = arith.cmpi slt, %bitcast_convert_type3A, %lt3A_499 : vector<256x128xi32>
    %convert_element_type3A_501 = arith.extui %lt3A_500 : vector<256x128xi1> to vector<256x128xi32>
    %convert_element_type3A_502 = arith.sitofp %convert_element_type3A_501 : vector<256x128xi32> to vector<256x128xf32>
    %reduce_sum3A_503 = arith.constant dense<0.000000e+00> : vector<256xf32>
    %reduce_sum3A_504 = vector.multi_reduction <add>, %convert_element_type3A_502, %reduce_sum3A_503 [1] : vector<256x128xf32> to vector<256xf32>
    %broadcast_in_dim3A_505 = vector.shape_cast %reduce_sum3A_504 : vector<256xf32> to vector<256x1xf32>
    %le3A_506 = arith.constant 3.900000e+01 : f32
    %le3A_507 = vector.broadcast %le3A_506 : f32 to vector<256x1xf32>
    %le3A_508 = arith.cmpf ole, %broadcast_in_dim3A_505, %le3A_507 : vector<256x1xf32>
    %select_n3A_509 = arith.select %le3A_508, %add3A_498, %select_n3A_495 : vector<256x1xi1>, vector<256x1xi32>
    %add3A_510 = arith.constant 64 : i32
    %add3A_511 = vector.broadcast %add3A_510 : i32 to vector<256x1xi32>
    %add3A_512 = arith.addi %select_n3A_509, %add3A_511 : vector<256x1xi32>
    %lt3A_513 = vector.broadcast %add3A_512 : vector<256x1xi32> to vector<256x128xi32>
    %lt3A_514 = arith.cmpi slt, %bitcast_convert_type3A, %lt3A_513 : vector<256x128xi32>
    %convert_element_type3A_515 = arith.extui %lt3A_514 : vector<256x128xi1> to vector<256x128xi32>
    %convert_element_type3A_516 = arith.sitofp %convert_element_type3A_515 : vector<256x128xi32> to vector<256x128xf32>
    %reduce_sum3A_517 = arith.constant dense<0.000000e+00> : vector<256xf32>
    %reduce_sum3A_518 = vector.multi_reduction <add>, %convert_element_type3A_516, %reduce_sum3A_517 [1] : vector<256x128xf32> to vector<256xf32>
    %broadcast_in_dim3A_519 = vector.shape_cast %reduce_sum3A_518 : vector<256xf32> to vector<256x1xf32>
    %le3A_520 = arith.constant 3.900000e+01 : f32
    %le3A_521 = vector.broadcast %le3A_520 : f32 to vector<256x1xf32>
    %le3A_522 = arith.cmpf ole, %broadcast_in_dim3A_519, %le3A_521 : vector<256x1xf32>
    %select_n3A_523 = arith.select %le3A_522, %add3A_512, %select_n3A_509 : vector<256x1xi1>, vector<256x1xi32>
    %add3A_524 = arith.constant 32 : i32
    %add3A_525 = vector.broadcast %add3A_524 : i32 to vector<256x1xi32>
    %add3A_526 = arith.addi %select_n3A_523, %add3A_525 : vector<256x1xi32>
    %lt3A_527 = vector.broadcast %add3A_526 : vector<256x1xi32> to vector<256x128xi32>
    %lt3A_528 = arith.cmpi slt, %bitcast_convert_type3A, %lt3A_527 : vector<256x128xi32>
    %convert_element_type3A_529 = arith.extui %lt3A_528 : vector<256x128xi1> to vector<256x128xi32>
    %convert_element_type3A_530 = arith.sitofp %convert_element_type3A_529 : vector<256x128xi32> to vector<256x128xf32>
    %reduce_sum3A_531 = arith.constant dense<0.000000e+00> : vector<256xf32>
    %reduce_sum3A_532 = vector.multi_reduction <add>, %convert_element_type3A_530, %reduce_sum3A_531 [1] : vector<256x128xf32> to vector<256xf32>
    %broadcast_in_dim3A_533 = vector.shape_cast %reduce_sum3A_532 : vector<256xf32> to vector<256x1xf32>
    %le3A_534 = arith.constant 3.900000e+01 : f32
    %le3A_535 = vector.broadcast %le3A_534 : f32 to vector<256x1xf32>
    %le3A_536 = arith.cmpf ole, %broadcast_in_dim3A_533, %le3A_535 : vector<256x1xf32>
    %select_n3A_537 = arith.select %le3A_536, %add3A_526, %select_n3A_523 : vector<256x1xi1>, vector<256x1xi32>
    %add3A_538 = arith.constant 16 : i32
    %add3A_539 = vector.broadcast %add3A_538 : i32 to vector<256x1xi32>
    %add3A_540 = arith.addi %select_n3A_537, %add3A_539 : vector<256x1xi32>
    %lt3A_541 = vector.broadcast %add3A_540 : vector<256x1xi32> to vector<256x128xi32>
    %lt3A_542 = arith.cmpi slt, %bitcast_convert_type3A, %lt3A_541 : vector<256x128xi32>
    %convert_element_type3A_543 = arith.extui %lt3A_542 : vector<256x128xi1> to vector<256x128xi32>
    %convert_element_type3A_544 = arith.sitofp %convert_element_type3A_543 : vector<256x128xi32> to vector<256x128xf32>
    %reduce_sum3A_545 = arith.constant dense<0.000000e+00> : vector<256xf32>
    %reduce_sum3A_546 = vector.multi_reduction <add>, %convert_element_type3A_544, %reduce_sum3A_545 [1] : vector<256x128xf32> to vector<256xf32>
    %broadcast_in_dim3A_547 = vector.shape_cast %reduce_sum3A_546 : vector<256xf32> to vector<256x1xf32>
    %le3A_548 = arith.constant 3.900000e+01 : f32
    %le3A_549 = vector.broadcast %le3A_548 : f32 to vector<256x1xf32>
    %le3A_550 = arith.cmpf ole, %broadcast_in_dim3A_547, %le3A_549 : vector<256x1xf32>
    %select_n3A_551 = arith.select %le3A_550, %add3A_540, %select_n3A_537 : vector<256x1xi1>, vector<256x1xi32>
    %add3A_552 = arith.constant 8 : i32
    %add3A_553 = vector.broadcast %add3A_552 : i32 to vector<256x1xi32>
    %add3A_554 = arith.addi %select_n3A_551, %add3A_553 : vector<256x1xi32>
    %lt3A_555 = vector.broadcast %add3A_554 : vector<256x1xi32> to vector<256x128xi32>
    %lt3A_556 = arith.cmpi slt, %bitcast_convert_type3A, %lt3A_555 : vector<256x128xi32>
    %convert_element_type3A_557 = arith.extui %lt3A_556 : vector<256x128xi1> to vector<256x128xi32>
    %convert_element_type3A_558 = arith.sitofp %convert_element_type3A_557 : vector<256x128xi32> to vector<256x128xf32>
    %reduce_sum3A_559 = arith.constant dense<0.000000e+00> : vector<256xf32>
    %reduce_sum3A_560 = vector.multi_reduction <add>, %convert_element_type3A_558, %reduce_sum3A_559 [1] : vector<256x128xf32> to vector<256xf32>
    %broadcast_in_dim3A_561 = vector.shape_cast %reduce_sum3A_560 : vector<256xf32> to vector<256x1xf32>
    %le3A_562 = arith.constant 3.900000e+01 : f32
    %le3A_563 = vector.broadcast %le3A_562 : f32 to vector<256x1xf32>
    %le3A_564 = arith.cmpf ole, %broadcast_in_dim3A_561, %le3A_563 : vector<256x1xf32>
    %select_n3A_565 = arith.select %le3A_564, %add3A_554, %select_n3A_551 : vector<256x1xi1>, vector<256x1xi32>
    %add3A_566 = arith.constant 4 : i32
    %add3A_567 = vector.broadcast %add3A_566 : i32 to vector<256x1xi32>
    %add3A_568 = arith.addi %select_n3A_565, %add3A_567 : vector<256x1xi32>
    %lt3A_569 = vector.broadcast %add3A_568 : vector<256x1xi32> to vector<256x128xi32>
    %lt3A_570 = arith.cmpi slt, %bitcast_convert_type3A, %lt3A_569 : vector<256x128xi32>
    %convert_element_type3A_571 = arith.extui %lt3A_570 : vector<256x128xi1> to vector<256x128xi32>
    %convert_element_type3A_572 = arith.sitofp %convert_element_type3A_571 : vector<256x128xi32> to vector<256x128xf32>
    %reduce_sum3A_573 = arith.constant dense<0.000000e+00> : vector<256xf32>
    %reduce_sum3A_574 = vector.multi_reduction <add>, %convert_element_type3A_572, %reduce_sum3A_573 [1] : vector<256x128xf32> to vector<256xf32>
    %broadcast_in_dim3A_575 = vector.shape_cast %reduce_sum3A_574 : vector<256xf32> to vector<256x1xf32>
    %le3A_576 = arith.constant 3.900000e+01 : f32
    %le3A_577 = vector.broadcast %le3A_576 : f32 to vector<256x1xf32>
    %le3A_578 = arith.cmpf ole, %broadcast_in_dim3A_575, %le3A_577 : vector<256x1xf32>
    %select_n3A_579 = arith.select %le3A_578, %add3A_568, %select_n3A_565 : vector<256x1xi1>, vector<256x1xi32>
    %add3A_580 = arith.constant 2 : i32
    %add3A_581 = vector.broadcast %add3A_580 : i32 to vector<256x1xi32>
    %add3A_582 = arith.addi %select_n3A_579, %add3A_581 : vector<256x1xi32>
    %lt3A_583 = vector.broadcast %add3A_582 : vector<256x1xi32> to vector<256x128xi32>
    %lt3A_584 = arith.cmpi slt, %bitcast_convert_type3A, %lt3A_583 : vector<256x128xi32>
    %convert_element_type3A_585 = arith.extui %lt3A_584 : vector<256x128xi1> to vector<256x128xi32>
    %convert_element_type3A_586 = arith.sitofp %convert_element_type3A_585 : vector<256x128xi32> to vector<256x128xf32>
    %reduce_sum3A_587 = arith.constant dense<0.000000e+00> : vector<256xf32>
    %reduce_sum3A_588 = vector.multi_reduction <add>, %convert_element_type3A_586, %reduce_sum3A_587 [1] : vector<256x128xf32> to vector<256xf32>
    %broadcast_in_dim3A_589 = vector.shape_cast %reduce_sum3A_588 : vector<256xf32> to vector<256x1xf32>
    %le3A_590 = arith.constant 3.900000e+01 : f32
    %le3A_591 = vector.broadcast %le3A_590 : f32 to vector<256x1xf32>
    %le3A_592 = arith.cmpf ole, %broadcast_in_dim3A_589, %le3A_591 : vector<256x1xf32>
    %select_n3A_593 = arith.select %le3A_592, %add3A_582, %select_n3A_579 : vector<256x1xi1>, vector<256x1xi32>
    %add3A_594 = arith.constant 1 : i32
    %add3A_595 = vector.broadcast %add3A_594 : i32 to vector<256x1xi32>
    %add3A_596 = arith.addi %select_n3A_593, %add3A_595 : vector<256x1xi32>
    %lt3A_597 = vector.broadcast %add3A_596 : vector<256x1xi32> to vector<256x128xi32>
    %lt3A_598 = arith.cmpi slt, %bitcast_convert_type3A, %lt3A_597 : vector<256x128xi32>
    %convert_element_type3A_599 = arith.extui %lt3A_598 : vector<256x128xi1> to vector<256x128xi32>
    %convert_element_type3A_600 = arith.sitofp %convert_element_type3A_599 : vector<256x128xi32> to vector<256x128xf32>
    %reduce_sum3A_601 = arith.constant dense<0.000000e+00> : vector<256xf32>
    %reduce_sum3A_602 = vector.multi_reduction <add>, %convert_element_type3A_600, %reduce_sum3A_601 [1] : vector<256x128xf32> to vector<256xf32>
    %broadcast_in_dim3A_603 = vector.shape_cast %reduce_sum3A_602 : vector<256xf32> to vector<256x1xf32>
    %le3A_604 = arith.constant 3.900000e+01 : f32
    %le3A_605 = vector.broadcast %le3A_604 : f32 to vector<256x1xf32>
    %le3A_606 = arith.cmpf ole, %broadcast_in_dim3A_603, %le3A_605 : vector<256x1xf32>
    %select_n3A_607 = arith.select %le3A_606, %add3A_596, %select_n3A_593 : vector<256x1xi1>, vector<256x1xi32>
    %add3A_608 = arith.constant 1 : i32
    %add3A_609 = vector.broadcast %add3A_608 : i32 to vector<256x1xi32>
    %add3A_610 = arith.addi %select_n3A_607, %add3A_609 : vector<256x1xi32>
    %bitcast_convert_type3A_611 = tpu.bitcast %add3A_610 : vector<256x1xi32> -> vector<256x1xf32>
    %swap3A_612 = arith.constant 0 : index
    %swap3A_613 = arith.constant 0 : index
    %swap3A_614 = vector.load %arg4[%swap3A_612, %swap3A_613] : memref<256x1xf32, #tpu.memory_space<vmem>>, vector<256x1xf32>
    tpu.vector_store %arg4[%swap3A_612, %swap3A_613], %bitcast_convert_type3A_611 {strides = array<i32>} : memref<256x1xf32, #tpu.memory_space<vmem>>, vector<256x1xf32>,
    return
  }
  func.func @transform_0(%arg0: i32) -> (i32, i32) {
    %c0_i32 = arith.constant 0 : i32
    %c0_i32_0 = arith.constant 0 : i32
    %c0_i32_1 = arith.constant 0 : i32
    return %c0_i32, %c0_i32_0 : i32, i32
  }
  func.func @transform_1(%arg0: i32) -> (i32, i32) {
    %c0_i32 = arith.constant 0 : i32
    %c0_i32_0 = arith.constant 0 : i32
    return %arg0, %c0_i32 : i32, i32
  }
  func.func @transform_2(%arg0: i32) -> (i32, i32) {
    %c0_i32 = arith.constant 0 : i32
    %c0_i32_0 = arith.constant 0 : i32
    return %arg0, %c0_i32 : i32, i32
  }
  func.func @transform_3(%arg0: i32) -> (i32, i32) {
    %c0_i32 = arith.constant 0 : i32
    %c0_i32_0 = arith.constant 0 : i32
    return %arg0, %c0_i32 : i32, i32
  }
}

module attributes {stable_mosaic.version = 14 : i64} {
  func.func @_xc_body(%arg0: memref<10240x12xf32, #tpu.memory_space<vmem>>, %arg1: memref<10240x64xf32, #tpu.memory_space<vmem>>, %arg2: memref<12x64xf32, #tpu.memory_space<vmem>>, %arg3: memref<22x64xf32, #tpu.memory_space<vmem>>, %arg4: memref<22x64xf32, #tpu.memory_space<vmem>>, %arg5: memref<1x64xf32, #tpu.memory_space<vmem>>, %arg6: memref<10240x64xf32, #tpu.memory_space<vmem>>) attributes {dimension_semantics = [], scalar_prefetch = 0 : i64, scratch_operands = 0 : i64, tpu.core_type = #tpu.core_type<tc>} {
    %get3A = arith.constant 0 : index
    %get3A_0 = arith.constant 0 : index
    %get3A_1 = vector.load %arg1[%get3A, %get3A_0] : memref<10240x64xf32, #tpu.memory_space<vmem>>, vector<10240x64xf32>
    %slice3A = vector.extract_strided_slice %get3A_1 {offsets = [0, 0], sizes = [10240, 22], strides = [1, 1]} : vector<10240x64xf32> to vector<10240x22xf32>
    %slice3A_2 = vector.extract_strided_slice %get3A_1 {offsets = [0, 32], sizes = [10240, 22], strides = [1, 1]} : vector<10240x64xf32> to vector<10240x22xf32>
    %get3A_3 = arith.constant 0 : index
    %get3A_4 = arith.constant 0 : index
    %get3A_5 = vector.load %arg0[%get3A_3, %get3A_4] : memref<10240x12xf32, #tpu.memory_space<vmem>>, vector<10240x12xf32>
    %get3A_6 = arith.constant 0 : index
    %get3A_7 = arith.constant 0 : index
    %get3A_8 = vector.load %arg2[%get3A_6, %get3A_7] : memref<12x64xf32, #tpu.memory_space<vmem>>, vector<12x64xf32>
    %dot_general3A = arith.constant dense<0.000000e+00> : vector<10240x64xf32>
    %dot_general3A_9 = tpu.matmul %get3A_5, %get3A_8, %dot_general3A {dimension_numbers = #tpu.dot_dimension_numbers<[1], [0], [0], [1], [0, 0, 1, 1], [], []>, transpose_lhs_hint = false} : vector<10240x12xf32>, vector<12x64xf32>, vector<10240x64xf32> -> vector<10240x64xf32>
    %get3A_10 = arith.constant 0 : index
    %get3A_11 = arith.constant 0 : index
    %get3A_12 = vector.load %arg3[%get3A_10, %get3A_11] : memref<22x64xf32, #tpu.memory_space<vmem>>, vector<22x64xf32>
    %dot_general3A_13 = arith.constant dense<0.000000e+00> : vector<10240x64xf32>
    %dot_general3A_14 = tpu.matmul %slice3A, %get3A_12, %dot_general3A_13 {dimension_numbers = #tpu.dot_dimension_numbers<[1], [0], [0], [1], [0, 0, 1, 1], [], []>, transpose_lhs_hint = false} : vector<10240x22xf32>, vector<22x64xf32>, vector<10240x64xf32> -> vector<10240x64xf32>
    %add3A = arith.addf %dot_general3A_9, %dot_general3A_14 : vector<10240x64xf32>
    %get3A_15 = arith.constant 0 : index
    %get3A_16 = arith.constant 0 : index
    %get3A_17 = vector.load %arg4[%get3A_15, %get3A_16] : memref<22x64xf32, #tpu.memory_space<vmem>>, vector<22x64xf32>
    %dot_general3A_18 = arith.constant dense<0.000000e+00> : vector<10240x64xf32>
    %dot_general3A_19 = tpu.matmul %slice3A_2, %get3A_17, %dot_general3A_18 {dimension_numbers = #tpu.dot_dimension_numbers<[1], [0], [0], [1], [0, 0, 1, 1], [], []>, transpose_lhs_hint = false} : vector<10240x22xf32>, vector<22x64xf32>, vector<10240x64xf32> -> vector<10240x64xf32>
    %add3A_20 = arith.addf %add3A, %dot_general3A_19 : vector<10240x64xf32>
    %get3A_21 = arith.constant 0 : index
    %get3A_22 = arith.constant 0 : index
    %get3A_23 = vector.load %arg5[%get3A_21, %get3A_22] : memref<1x64xf32, #tpu.memory_space<vmem>>, vector<1x64xf32>
    %add3A_24 = vector.broadcast %get3A_23 : vector<1x64xf32> to vector<10240x64xf32>
    %add3A_25 = arith.addf %add3A_20, %add3A_24 : vector<10240x64xf32>
    %swap3A = arith.constant 0 : index
    %swap3A_26 = arith.constant 0 : index
    %swap3A_27 = vector.load %arg6[%swap3A, %swap3A_26] : memref<10240x64xf32, #tpu.memory_space<vmem>>, vector<10240x64xf32>
    tpu.vector_store %arg6[%swap3A, %swap3A_26], %add3A_25 {strides = array<i32>} : memref<10240x64xf32, #tpu.memory_space<vmem>>, vector<10240x64xf32>,
    return
  }
}

module attributes {stable_mosaic.version = 14 : i64} {
  func.func @_heads_body(%arg0: memref<10000x64xf32, #tpu.memory_space<vmem>>, %arg1: memref<10000x64xf32, #tpu.memory_space<vmem>>, %arg2: memref<10000x12xf32, #tpu.memory_space<vmem>>, %arg3: memref<64x64xf32, #tpu.memory_space<vmem>>, %arg4: memref<1x64xf32, #tpu.memory_space<vmem>>, %arg5: memref<64x64xf32, #tpu.memory_space<vmem>>, %arg6: memref<64x126xf32, #tpu.memory_space<vmem>>, %arg7: memref<1x126xf32, #tpu.memory_space<vmem>>, %arg8: memref<126x126xf32, #tpu.memory_space<vmem>>, %arg9: memref<1x126xf32, #tpu.memory_space<vmem>>, %arg10: memref<126x126xf32, #tpu.memory_space<vmem>>, %arg11: memref<1x126xf32, #tpu.memory_space<vmem>>, %arg12: memref<126x6xf32, #tpu.memory_space<vmem>>, %arg13: memref<1x6xf32, #tpu.memory_space<vmem>>, %arg14: memref<82x126xf32, #tpu.memory_space<vmem>>, %arg15: memref<1x126xf32, #tpu.memory_space<vmem>>, %arg16: memref<126x126xf32, #tpu.memory_space<vmem>>, %arg17: memref<1x126xf32, #tpu.memory_space<vmem>>, %arg18: memref<126x126xf32, #tpu.memory_space<vmem>>, %arg19: memref<1x126xf32, #tpu.memory_space<vmem>>, %arg20: memref<126x6xf32, #tpu.memory_space<vmem>>, %arg21: memref<1x6xf32, #tpu.memory_space<vmem>>, %arg22: memref<10000x6xf32, #tpu.memory_space<vmem>>, %arg23: memref<10000x6xf32, #tpu.memory_space<vmem>>) attributes {dimension_semantics = [], scalar_prefetch = 0 : i64, scratch_operands = 0 : i64, tpu.core_type = #tpu.core_type<tc>} {
    %get3A = arith.constant 0 : index
    %get3A_0 = arith.constant 0 : index
    %get3A_1 = vector.load %arg0[%get3A, %get3A_0] : memref<10000x64xf32, #tpu.memory_space<vmem>>, vector<10000x64xf32>
    %get3A_2 = arith.constant 0 : index
    %get3A_3 = arith.constant 0 : index
    %get3A_4 = vector.load %arg1[%get3A_2, %get3A_3] : memref<10000x64xf32, #tpu.memory_space<vmem>>, vector<10000x64xf32>
    %get3A_5 = arith.constant 0 : index
    %get3A_6 = arith.constant 0 : index
    %get3A_7 = vector.load %arg3[%get3A_5, %get3A_6] : memref<64x64xf32, #tpu.memory_space<vmem>>, vector<64x64xf32>
    %dot_general3A = arith.constant dense<0.000000e+00> : vector<10000x64xf32>
    %dot_general3A_8 = tpu.matmul %get3A_4, %get3A_7, %dot_general3A {dimension_numbers = #tpu.dot_dimension_numbers<[1], [0], [0], [1], [0, 0, 1, 1], [], []>, transpose_lhs_hint = false} : vector<10000x64xf32>, vector<64x64xf32>, vector<10000x64xf32> -> vector<10000x64xf32>
    %get3A_9 = arith.constant 0 : index
    %get3A_10 = arith.constant 0 : index
    %get3A_11 = vector.load %arg4[%get3A_9, %get3A_10] : memref<1x64xf32, #tpu.memory_space<vmem>>, vector<1x64xf32>
    %add3A = vector.broadcast %get3A_11 : vector<1x64xf32> to vector<10000x64xf32>
    %add3A_12 = arith.addf %dot_general3A_8, %add3A : vector<10000x64xf32>
    %get3A_13 = arith.constant 0 : index
    %get3A_14 = arith.constant 0 : index
    %get3A_15 = vector.load %arg5[%get3A_13, %get3A_14] : memref<64x64xf32, #tpu.memory_space<vmem>>, vector<64x64xf32>
    %dot_general3A_16 = arith.constant dense<0.000000e+00> : vector<10000x64xf32>
    %dot_general3A_17 = tpu.matmul %get3A_1, %get3A_15, %dot_general3A_16 {dimension_numbers = #tpu.dot_dimension_numbers<[1], [0], [0], [1], [0, 0, 1, 1], [], []>, transpose_lhs_hint = false} : vector<10000x64xf32>, vector<64x64xf32>, vector<10000x64xf32> -> vector<10000x64xf32>
    %add3A_18 = arith.addf %add3A_12, %dot_general3A_17 : vector<10000x64xf32>
    %get3A_19 = arith.constant 0 : index
    %get3A_20 = arith.constant 0 : index
    %get3A_21 = vector.load %arg6[%get3A_19, %get3A_20] : memref<64x126xf32, #tpu.memory_space<vmem>>, vector<64x126xf32>
    %dot_general3A_22 = arith.constant dense<0.000000e+00> : vector<10000x126xf32>
    %dot_general3A_23 = tpu.matmul %add3A_18, %get3A_21, %dot_general3A_22 {dimension_numbers = #tpu.dot_dimension_numbers<[1], [0], [0], [1], [0, 0, 1, 1], [], []>, transpose_lhs_hint = false} : vector<10000x64xf32>, vector<64x126xf32>, vector<10000x126xf32> -> vector<10000x126xf32>
    %get3A_24 = arith.constant 0 : index
    %get3A_25 = arith.constant 0 : index
    %get3A_26 = vector.load %arg7[%get3A_24, %get3A_25] : memref<1x126xf32, #tpu.memory_space<vmem>>, vector<1x126xf32>
    %add3A_27 = vector.broadcast %get3A_26 : vector<1x126xf32> to vector<10000x126xf32>
    %add3A_28 = arith.addf %dot_general3A_23, %add3A_27 : vector<10000x126xf32>
    %jit3A = arith.constant 5.000000e-01 : f32
    %ge3A = arith.constant 0.000000e+00 : f32
    %ge3A_29 = vector.broadcast %ge3A : f32 to vector<10000x126xf32>
    %ge3A_30 = arith.cmpf oge, %add3A_28, %ge3A_29 : vector<10000x126xf32>
    %mul3A = vector.broadcast %jit3A : f32 to vector<10000x126xf32>
    %mul3A_31 = arith.mulf %mul3A, %add3A_28 : vector<10000x126xf32>
    %select_n3A = arith.select %ge3A_30, %add3A_28, %mul3A_31 : vector<10000x126xi1>, vector<10000x126xf32>
    %get3A_32 = arith.constant 0 : index
    %get3A_33 = arith.constant 0 : index
    %get3A_34 = vector.load %arg8[%get3A_32, %get3A_33] : memref<126x126xf32, #tpu.memory_space<vmem>>, vector<126x126xf32>
    %dot_general3A_35 = arith.constant dense<0.000000e+00> : vector<10000x126xf32>
    %dot_general3A_36 = tpu.matmul %select_n3A, %get3A_34, %dot_general3A_35 {dimension_numbers = #tpu.dot_dimension_numbers<[1], [0], [0], [1], [0, 0, 1, 1], [], []>, transpose_lhs_hint = false} : vector<10000x126xf32>, vector<126x126xf32>, vector<10000x126xf32> -> vector<10000x126xf32>
    %get3A_37 = arith.constant 0 : index
    %get3A_38 = arith.constant 0 : index
    %get3A_39 = vector.load %arg9[%get3A_37, %get3A_38] : memref<1x126xf32, #tpu.memory_space<vmem>>, vector<1x126xf32>
    %add3A_40 = vector.broadcast %get3A_39 : vector<1x126xf32> to vector<10000x126xf32>
    %add3A_41 = arith.addf %dot_general3A_36, %add3A_40 : vector<10000x126xf32>
    %jit3A_42 = arith.constant 5.000000e-01 : f32
    %ge3A_43 = arith.constant 0.000000e+00 : f32
    %ge3A_44 = vector.broadcast %ge3A_43 : f32 to vector<10000x126xf32>
    %ge3A_45 = arith.cmpf oge, %add3A_41, %ge3A_44 : vector<10000x126xf32>
    %mul3A_46 = vector.broadcast %jit3A_42 : f32 to vector<10000x126xf32>
    %mul3A_47 = arith.mulf %mul3A_46, %add3A_41 : vector<10000x126xf32>
    %select_n3A_48 = arith.select %ge3A_45, %add3A_41, %mul3A_47 : vector<10000x126xi1>, vector<10000x126xf32>
    %get3A_49 = arith.constant 0 : index
    %get3A_50 = arith.constant 0 : index
    %get3A_51 = vector.load %arg10[%get3A_49, %get3A_50] : memref<126x126xf32, #tpu.memory_space<vmem>>, vector<126x126xf32>
    %dot_general3A_52 = arith.constant dense<0.000000e+00> : vector<10000x126xf32>
    %dot_general3A_53 = tpu.matmul %select_n3A_48, %get3A_51, %dot_general3A_52 {dimension_numbers = #tpu.dot_dimension_numbers<[1], [0], [0], [1], [0, 0, 1, 1], [], []>, transpose_lhs_hint = false} : vector<10000x126xf32>, vector<126x126xf32>, vector<10000x126xf32> -> vector<10000x126xf32>
    %get3A_54 = arith.constant 0 : index
    %get3A_55 = arith.constant 0 : index
    %get3A_56 = vector.load %arg11[%get3A_54, %get3A_55] : memref<1x126xf32, #tpu.memory_space<vmem>>, vector<1x126xf32>
    %add3A_57 = vector.broadcast %get3A_56 : vector<1x126xf32> to vector<10000x126xf32>
    %add3A_58 = arith.addf %dot_general3A_53, %add3A_57 : vector<10000x126xf32>
    %jit3A_59 = arith.constant 5.000000e-01 : f32
    %ge3A_60 = arith.constant 0.000000e+00 : f32
    %ge3A_61 = vector.broadcast %ge3A_60 : f32 to vector<10000x126xf32>
    %ge3A_62 = arith.cmpf oge, %add3A_58, %ge3A_61 : vector<10000x126xf32>
    %mul3A_63 = vector.broadcast %jit3A_59 : f32 to vector<10000x126xf32>
    %mul3A_64 = arith.mulf %mul3A_63, %add3A_58 : vector<10000x126xf32>
    %select_n3A_65 = arith.select %ge3A_62, %add3A_58, %mul3A_64 : vector<10000x126xi1>, vector<10000x126xf32>
    %get3A_66 = arith.constant 0 : index
    %get3A_67 = arith.constant 0 : index
    %get3A_68 = vector.load %arg12[%get3A_66, %get3A_67] : memref<126x6xf32, #tpu.memory_space<vmem>>, vector<126x6xf32>
    %dot_general3A_69 = arith.constant dense<0.000000e+00> : vector<10000x6xf32>
    %dot_general3A_70 = tpu.matmul %select_n3A_65, %get3A_68, %dot_general3A_69 {dimension_numbers = #tpu.dot_dimension_numbers<[1], [0], [0], [1], [0, 0, 1, 1], [], []>, transpose_lhs_hint = false} : vector<10000x126xf32>, vector<126x6xf32>, vector<10000x6xf32> -> vector<10000x6xf32>
    %get3A_71 = arith.constant 0 : index
    %get3A_72 = arith.constant 0 : index
    %get3A_73 = vector.load %arg13[%get3A_71, %get3A_72] : memref<1x6xf32, #tpu.memory_space<vmem>>, vector<1x6xf32>
    %add3A_74 = vector.broadcast %get3A_73 : vector<1x6xf32> to vector<10000x6xf32>
    %add3A_75 = arith.addf %dot_general3A_70, %add3A_74 : vector<10000x6xf32>
    %jit3A_76 = arith.constant 5.000000e-01 : f32
    %ge3A_77 = arith.constant 0.000000e+00 : f32
    %ge3A_78 = vector.broadcast %ge3A_77 : f32 to vector<10000x6xf32>
    %ge3A_79 = arith.cmpf oge, %add3A_75, %ge3A_78 : vector<10000x6xf32>
    %mul3A_80 = vector.broadcast %jit3A_76 : f32 to vector<10000x6xf32>
    %mul3A_81 = arith.mulf %mul3A_80, %add3A_75 : vector<10000x6xf32>
    %select_n3A_82 = arith.select %ge3A_79, %add3A_75, %mul3A_81 : vector<10000x6xi1>, vector<10000x6xf32>
    %swap3A = arith.constant 0 : index
    %swap3A_83 = arith.constant 0 : index
    %swap3A_84 = vector.load %arg22[%swap3A, %swap3A_83] : memref<10000x6xf32, #tpu.memory_space<vmem>>, vector<10000x6xf32>
    tpu.vector_store %arg22[%swap3A, %swap3A_83], %select_n3A_82 {strides = array<i32>} : memref<10000x6xf32, #tpu.memory_space<vmem>>, vector<10000x6xf32>,
    %get3A_85 = arith.constant 0 : index
    %get3A_86 = arith.constant 0 : index
    %get3A_87 = vector.load %arg2[%get3A_85, %get3A_86] : memref<10000x12xf32, #tpu.memory_space<vmem>>, vector<10000x12xf32>
    %concatenate3A = tpu.concatenate %add3A_18, %select_n3A_82, %get3A_87 in 1 : vector<10000x64xf32>, vector<10000x6xf32>, vector<10000x12xf32> -> vector<10000x82xf32>
    %get3A_88 = arith.constant 0 : index
    %get3A_89 = arith.constant 0 : index
    %get3A_90 = vector.load %arg14[%get3A_88, %get3A_89] : memref<82x126xf32, #tpu.memory_space<vmem>>, vector<82x126xf32>
    %dot_general3A_91 = arith.constant dense<0.000000e+00> : vector<10000x126xf32>
    %dot_general3A_92 = tpu.matmul %concatenate3A, %get3A_90, %dot_general3A_91 {dimension_numbers = #tpu.dot_dimension_numbers<[1], [0], [0], [1], [0, 0, 1, 1], [], []>, transpose_lhs_hint = false} : vector<10000x82xf32>, vector<82x126xf32>, vector<10000x126xf32> -> vector<10000x126xf32>
    %get3A_93 = arith.constant 0 : index
    %get3A_94 = arith.constant 0 : index
    %get3A_95 = vector.load %arg15[%get3A_93, %get3A_94] : memref<1x126xf32, #tpu.memory_space<vmem>>, vector<1x126xf32>
    %add3A_96 = vector.broadcast %get3A_95 : vector<1x126xf32> to vector<10000x126xf32>
    %add3A_97 = arith.addf %dot_general3A_92, %add3A_96 : vector<10000x126xf32>
    %jit3A_98 = arith.constant 5.000000e-01 : f32
    %ge3A_99 = arith.constant 0.000000e+00 : f32
    %ge3A_100 = vector.broadcast %ge3A_99 : f32 to vector<10000x126xf32>
    %ge3A_101 = arith.cmpf oge, %add3A_97, %ge3A_100 : vector<10000x126xf32>
    %mul3A_102 = vector.broadcast %jit3A_98 : f32 to vector<10000x126xf32>
    %mul3A_103 = arith.mulf %mul3A_102, %add3A_97 : vector<10000x126xf32>
    %select_n3A_104 = arith.select %ge3A_101, %add3A_97, %mul3A_103 : vector<10000x126xi1>, vector<10000x126xf32>
    %get3A_105 = arith.constant 0 : index
    %get3A_106 = arith.constant 0 : index
    %get3A_107 = vector.load %arg16[%get3A_105, %get3A_106] : memref<126x126xf32, #tpu.memory_space<vmem>>, vector<126x126xf32>
    %dot_general3A_108 = arith.constant dense<0.000000e+00> : vector<10000x126xf32>
    %dot_general3A_109 = tpu.matmul %select_n3A_104, %get3A_107, %dot_general3A_108 {dimension_numbers = #tpu.dot_dimension_numbers<[1], [0], [0], [1], [0, 0, 1, 1], [], []>, transpose_lhs_hint = false} : vector<10000x126xf32>, vector<126x126xf32>, vector<10000x126xf32> -> vector<10000x126xf32>
    %get3A_110 = arith.constant 0 : index
    %get3A_111 = arith.constant 0 : index
    %get3A_112 = vector.load %arg17[%get3A_110, %get3A_111] : memref<1x126xf32, #tpu.memory_space<vmem>>, vector<1x126xf32>
    %add3A_113 = vector.broadcast %get3A_112 : vector<1x126xf32> to vector<10000x126xf32>
    %add3A_114 = arith.addf %dot_general3A_109, %add3A_113 : vector<10000x126xf32>
    %jit3A_115 = arith.constant 5.000000e-01 : f32
    %ge3A_116 = arith.constant 0.000000e+00 : f32
    %ge3A_117 = vector.broadcast %ge3A_116 : f32 to vector<10000x126xf32>
    %ge3A_118 = arith.cmpf oge, %add3A_114, %ge3A_117 : vector<10000x126xf32>
    %mul3A_119 = vector.broadcast %jit3A_115 : f32 to vector<10000x126xf32>
    %mul3A_120 = arith.mulf %mul3A_119, %add3A_114 : vector<10000x126xf32>
    %select_n3A_121 = arith.select %ge3A_118, %add3A_114, %mul3A_120 : vector<10000x126xi1>, vector<10000x126xf32>
    %get3A_122 = arith.constant 0 : index
    %get3A_123 = arith.constant 0 : index
    %get3A_124 = vector.load %arg18[%get3A_122, %get3A_123] : memref<126x126xf32, #tpu.memory_space<vmem>>, vector<126x126xf32>
    %dot_general3A_125 = arith.constant dense<0.000000e+00> : vector<10000x126xf32>
    %dot_general3A_126 = tpu.matmul %select_n3A_121, %get3A_124, %dot_general3A_125 {dimension_numbers = #tpu.dot_dimension_numbers<[1], [0], [0], [1], [0, 0, 1, 1], [], []>, transpose_lhs_hint = false} : vector<10000x126xf32>, vector<126x126xf32>, vector<10000x126xf32> -> vector<10000x126xf32>
    %get3A_127 = arith.constant 0 : index
    %get3A_128 = arith.constant 0 : index
    %get3A_129 = vector.load %arg19[%get3A_127, %get3A_128] : memref<1x126xf32, #tpu.memory_space<vmem>>, vector<1x126xf32>
    %add3A_130 = vector.broadcast %get3A_129 : vector<1x126xf32> to vector<10000x126xf32>
    %add3A_131 = arith.addf %dot_general3A_126, %add3A_130 : vector<10000x126xf32>
    %jit3A_132 = arith.constant 5.000000e-01 : f32
    %ge3A_133 = arith.constant 0.000000e+00 : f32
    %ge3A_134 = vector.broadcast %ge3A_133 : f32 to vector<10000x126xf32>
    %ge3A_135 = arith.cmpf oge, %add3A_131, %ge3A_134 : vector<10000x126xf32>
    %mul3A_136 = vector.broadcast %jit3A_132 : f32 to vector<10000x126xf32>
    %mul3A_137 = arith.mulf %mul3A_136, %add3A_131 : vector<10000x126xf32>
    %select_n3A_138 = arith.select %ge3A_135, %add3A_131, %mul3A_137 : vector<10000x126xi1>, vector<10000x126xf32>
    %get3A_139 = arith.constant 0 : index
    %get3A_140 = arith.constant 0 : index
    %get3A_141 = vector.load %arg20[%get3A_139, %get3A_140] : memref<126x6xf32, #tpu.memory_space<vmem>>, vector<126x6xf32>
    %dot_general3A_142 = arith.constant dense<0.000000e+00> : vector<10000x6xf32>
    %dot_general3A_143 = tpu.matmul %select_n3A_138, %get3A_141, %dot_general3A_142 {dimension_numbers = #tpu.dot_dimension_numbers<[1], [0], [0], [1], [0, 0, 1, 1], [], []>, transpose_lhs_hint = false} : vector<10000x126xf32>, vector<126x6xf32>, vector<10000x6xf32> -> vector<10000x6xf32>
    %get3A_144 = arith.constant 0 : index
    %get3A_145 = arith.constant 0 : index
    %get3A_146 = vector.load %arg21[%get3A_144, %get3A_145] : memref<1x6xf32, #tpu.memory_space<vmem>>, vector<1x6xf32>
    %add3A_147 = vector.broadcast %get3A_146 : vector<1x6xf32> to vector<10000x6xf32>
    %add3A_148 = arith.addf %dot_general3A_143, %add3A_147 : vector<10000x6xf32>
    %jit3A_149 = arith.constant 5.000000e-01 : f32
    %ge3A_150 = arith.constant 0.000000e+00 : f32
    %ge3A_151 = vector.broadcast %ge3A_150 : f32 to vector<10000x6xf32>
    %ge3A_152 = arith.cmpf oge, %add3A_148, %ge3A_151 : vector<10000x6xf32>
    %mul3A_153 = vector.broadcast %jit3A_149 : f32 to vector<10000x6xf32>
    %mul3A_154 = arith.mulf %mul3A_153, %add3A_148 : vector<10000x6xf32>
    %select_n3A_155 = arith.select %ge3A_152, %add3A_148, %mul3A_154 : vector<10000x6xi1>, vector<10000x6xf32>
    %swap3A_156 = arith.constant 0 : index
    %swap3A_157 = arith.constant 0 : index
    %swap3A_158 = vector.load %arg23[%swap3A_156, %swap3A_157] : memref<10000x6xf32, #tpu.memory_space<vmem>>, vector<10000x6xf32>
    tpu.vector_store %arg23[%swap3A_156, %swap3A_157], %select_n3A_155 {strides = array<i32>} : memref<10000x6xf32, #tpu.memory_space<vmem>>, vector<10000x6xf32>,
    return
  }
}

</mosaic_0001>

<sc_bundles>
// kernel: kernel.12.cloned.1.call-start
scs
__scs_entry_jumppad:
0x0: {  	(pc) =	sbr.rel $0x88, $3  }
0x1: {  	(tag) =	ssettag $0x0;
	lr =	simm.s32 $0x1  }
0x2: {  	[smem:$0x3F7D] =	sst lr;
	_ =	strace $0xD0000000  }
0x3: {  	_ = 	snop  }
0x4: {  	_ = 	snop  }
0x5: {  	_ = 	snop  }
0x6: {  	_ = 	snop  }
0x7: {  	_ = 	snop  }
__scs_overlays_trampoline_lowered:
0x8: {  	[smem:$0x3F8C] =	sst s0  }
0x9: {  	[smem:$0x3F8D] =	sst s1  }
0xa: {  	[smem:$0x3F8E] =	sst s2  }
0xb: {  	[smem:$0x3F8F] =	sst s3  }
0xc: {  	[smem:$0x3F90] =	sst s4  }
0xd: {  	[smem:$0x3F91] =	sst s5  }
0xe: {  	[smem:$0x3F92] =	sst s6  }
0xf: {  	[smem:$0x3F93] =	sst s7  }
0x10: {  	[smem:$0x3F94] =	sst s8  }
0x11: {  	[smem:$0x3F95] =	sst s9;
	s0 =	simm.s32 @!p0 $0x0  }
0x12: {  	s1 =	sld [smem:$0x3F7B];
	s0 =	simm.s32 @p0 $0x1  }
0x13: {  	[smem:$0x3F96] =	sst s0;
	s0 =	simm.s32 @!p1 $0x0  }
0x14: {  	s2 =	sld [smem:$0x3F7A];
	s0 =	simm.s32 @p1 $0x1  }
0x15: {  	[smem:$0x3F97] =	sst s0;
	s0 =	simm.s32 @!p2 $0x0  }
0x16: {  	s3 =	sld [smem:$0x3FDB];
	s0 =	simm.s32 @p2 $0x1  }
0x17: {  	s4 =	simm.s32 $0x1BF5;
	[smem:$0x3F99] =	sst s0  }
0x18: {  	s0 =	sld [smem:$0x3F7C];
	_ =	swait.ge [sflag:s4], $0x0  }
0x19: {  	s7 =	sld [smem:$0x3F7D]  }
0x1a: {  	s8 =	sadd.s32 $0xFFFFE003, lr  }
0x1b: {  	s9 =	sadd.s32 $0xFFFFFEF7, lr;
	s5 =	simm.s32 $0xFFFFFFFF;
	p2 =	slt.u32 s8, $0xFFFFF086  }
0x1c: {  	p1 =	slt.u32 s9, $0xF7A;
	s5 =	simm.s32 @!p2 $0x0  }
0x1d: {  	s5 =	simm.s32 @p1 $0x1;
	p0 =	seq.s32 s7, s2  }
0x1e: {  	s7 =	smul.u32 @!p0 $0xF7A, s2;
	p2 =	seq.s32 @!p0 s5, $0x0  }
0x1f: {  	s9 =	smul.u32 $0xF7A, s1;
	s8 =	simm.s32 @!p0 $0x1BF5;
	p2 =	por !p2, p0  }
0x20: {  	[sflag:s8] =	ssyncset.s32 @!p0 $0xFFFFF086;
	s6 =	sadd.s32 @!p0 s3, s7;
	s7 =	simm.s32 @!p0 $0x108  }
0x21: {  	s3 =	sadd.s32 s3, s9;
	s6 =	sadd.s32 @!p0 $0x88, s6;
	s7 =	simm.s32 @p2 $0x1082  }
0x22: {  	[simem:s7], [sflag:s8] =	dma.local @!p0 [hbm:s6], $0xF7A  }
0x23: {  	s9 =	sor.u32 $0xD0000000, s2;
	s6 =	simm.s32 $0x108;
	_ =	swait.ge @!p0 [sflag:s8], $0x0  }
0x24: {  	s3 =	sadd.s32 $0x88, s3;
	s6 =	simm.s32 @!p1 $0x1082;
	[sflag:s4] =	ssyncset.s32 $0xFFFFF086  }
0x25: {  	[simem:s6], [sflag:s4] =	dma.local [hbm:s3], $0xF7A  }
0x26: {  	[smem:$0x3F7D] =	sst s1;
	(tag) =	ssettag s2;
	_ =	strace s9  }
0x27: {  	s1 =	sld [smem:$0x3F8D]  }
0x28: {  	s2 =	sld [smem:$0x3F8E]  }
0x29: {  	s4 =	sld [smem:$0x3F90]  }
0x2a: {  	p0 =	seq.s32 s5, $0x0;
	s5 =	sld [smem:$0x3F91]  }
0x2b: {  	s6 =	sld [smem:$0x3F92]  }
0x2c: {  	s7 =	sld [smem:$0x3F93]  }
0x2d: {  	s3 =	simm.s32 $0x108;
	s8 =	sld [smem:$0x3F94]  }
0x2e: {  	s3 =	simm.s32 @!p0 $0x1082;
	s9 =	sld [smem:$0x3F95]  }
0x2f: {  	lr =	sadd.s32 s0, s3;
	s0 =	sld [smem:$0x3F8C]  }
0x30: {  	s3 =	sld [smem:$0x3F8F]  }
0x31: {  	[smem:$0x3F98] =	sst s10  }
0x32: {  	s10 =	sld [smem:$0x3F96];
	_ =	sdelay $0x3  }
0x33: {  	p0 =	seq.s32 s10, $0x1;
	s10 =	sld [smem:$0x3F98];
	_ =	sdelay $0x3  }
0x34: {  	[smem:$0x3F98] =	sst s10  }
0x35: {  	s10 =	sld [smem:$0x3F97];
	_ =	sdelay $0x3  }
0x36: {  	p1 =	seq.s32 s10, $0x1;
	s10 =	sld [smem:$0x3F98];
	_ =	sdelay $0x3  }
0x37: {  	[smem:$0x3F98] =	sst s10  }
0x38: {  	s10 =	sld [smem:$0x3F99]  }
0x39: {  	_ = 	snop;
	(pc) =	sbr.ind lr, $3  }
0x3a: {  	_ = 	snop  }
0x3b: {  	_ = 	snop  }
0x3c: {  	p2 =	seq.s32 s10, $0x1;
	s10 =	sld [smem:$0x3F98]  }
0x3d: {  	_ =	shalt  }
0x3e: {  	_ =	shalt  }
0x3f: {  	_ =	shalt  }
0x40: {  	_ =	shalt  }
0x41: {  	_ =	shalt  }
0x42: {  	_ =	shalt  }
0x43: {  	_ =	shalt  }
0x44: {  	_ =	shalt  }
0x45: {  	_ =	shalt  }
0x46: {  	_ =	shalt  }
0x47: {  	_ =	shalt  }
0x48: {  	_ =	shalt  }
0x49: {  	_ =	shalt  }
0x4a: {  	_ =	shalt  }
0x4b: {  	_ =	shalt  }
0x4c: {  	_ =	shalt  }
0x4d: {  	_ =	shalt  }
0x4e: {  	_ =	shalt  }
0x4f: {  	_ =	shalt  }
0x50: {  	_ =	shalt  }
0x51: {  	_ =	shalt  }
0x52: {  	_ =	shalt  }
0x53: {  	_ =	shalt  }
0x54: {  	_ =	shalt  }
0x55: {  	_ =	shalt  }
0x56: {  	_ =	shalt  }
0x57: {  	_ =	shalt  }
0x58: {  	_ =	shalt  }
0x59: {  	_ =	shalt  }
0x5a: {  	_ =	shalt  }
0x5b: {  	_ =	shalt  }
0x5c: {  	_ =	shalt  }
0x5d: {  	_ =	shalt  }
0x5e: {  	_ =	shalt  }
0x5f: {  	_ =	shalt  }
0x60: {  	_ =	shalt  }
0x61: {  	_ =	shalt  }
0x62: {  	_ =	shalt  }
0x63: {  	_ =	shalt  }
0x64: {  	_ =	shalt  }
0x65: {  	_ =	shalt  }
0x66: {  	_ =	shalt  }
0x67: {  	_ =	shalt  }
0x68: {  	_ =	shalt  }
0x69: {  	_ =	shalt  }
0x6a: {  	_ =	shalt  }
0x6b: {  	_ =	shalt  }
0x6c: {  	_ =	shalt  }
0x6d: {  	_ =	shalt  }
0x6e: {  	_ =	shalt  }
0x6f: {  	_ =	shalt  }
0x70: {  	_ =	shalt  }
0x71: {  	_ =	shalt  }
0x72: {  	_ =	shalt  }
0x73: {  	_ =	shalt  }
0x74: {  	_ =	shalt  }
0x75: {  	_ =	shalt  }
0x76: {  	_ =	shalt  }
0x77: {  	_ =	shalt  }
0x78: {  	_ =	shalt  }
0x79: {  	_ =	shalt  }
0x7a: {  	_ =	shalt  }
0x7b: {  	_ =	shalt  }
0x7c: {  	_ =	shalt  }
0x7d: {  	_ =	shalt  }
0x7e: {  	_ =	shalt  }
0x7f: {  	_ =	shalt  }
0x80: {  	_ =	shalt  }
0x81: {  	_ =	shalt  }
0x82: {  	_ =	shalt  }
0x83: {  	_ =	shalt  }
0x84: {  	_ =	shalt  }
0x85: {  	_ =	shalt  }
0x86: {  	_ =	shalt  }
0x87: {  	_ =	shalt  }
.Lfunc_end0:
.L_simem_size_0:
called_computation.2_lowered:
.L_overlay_start_0:
0x88: {  	s2 =	sld [smem:$0x3FD9]  }
0x89: {  	s3 =	sld [smem:$0x3FFE];
	_ =	sdelay $0x1  }
0x8a: {  	s1 =	srdreg.scid  }
0x8b: {  	s0 =	sand.u32 $0x1, s1  }
0x8c: {  	s16 =	sshll.u32 s0, $0xA;
	s2 =	sadd.s32 s3, s2  }
0x8d: {  	s2 =	sadd.s32 s2, s16  }
0x8e: {  	[smem:$0x3FA4] =	sst s2  }
0x8f: {  	_ = 	snop  }
0x90: {  	(tm) =	ssettm $0x1  }
0x91: {  	s17 =	sld [smem:$0x3FFB];
	_ =	sdelay $0x3  }
0x92: {  	_ =	strace s17  }
0x93: {  	s2 =	sld [smem:$0x3FFC];
	_ =	sdelay $0x3  }
0x94: {  	_ =	strace s2  }
0x95: {  	s2 =	sld [smem:$0x3FFD];
	_ =	sdelay $0x3  }
0x96: {  	_ =	strace s2  }
0x97: {  	_ =	strace $0x8FFFFFFF  }
0x98: {  	s18 =	sld [smem:$0x3FDB];
	_ =	sdelay $0x1  }
0x99: {  	s19 =	simm.s32 $_scs_section_size  }
0x9a: {  	s4 =	simm.s32 $_size__tile_overlayer_lowered;
	s5 =	simm.s32 $_tile_overlayer_lowered  }
0x9b: {  	s22 =	simm.s32 $0x1BFF;
	s21 =	sshll.u32 s5, $0x1;
	s2 =	sadd.s32 s19, s18  }
0x9c: {  	s6 =	simm.s32 $0x0;
	s20 =	sshll.u32 s4, $0x1;
	s4 =	sadd.s32 s21, s2  }
0x9d: {  	[timem:s6], [sflag:s22] =	dma.local [hbm:s4], s20  }
0x9e: {  	_ =	swait.ge [sflag:s22], s20  }
0x9f: {  	s3 =	ssub.s32 $0x0, s20;
	[sflag:s22] =	ssyncset.done $0x0  }
0xa0: {  	[sflag:s22] =	ssyncadd.s32 s3;
	_ =	sdelay $0x1  }
0xa1: {  	s23 =	simm.s32 $0x1B8B  }
0xa2: {  	_ =	swait.ge [sflag:s23], $0x1  }
0xa3: {  	[sflag:s23] =	ssyncset.done $0x0  }
0xa4: {  	s25 =	simm.s32 $0x1B8E;
	s24 =	sld [smem:$0x3FFE];
	[sflag:s23] =	ssyncadd.s32 $0xFFFFFFFF  }
0xa5: {  	s26 =	simm.s32 $execute0_lowered;
	[smem:$0x3FD2] =	sst s25  }
0xa6: {  	s4 =	sshll.u32 s26, $0x1;
	_ =	strace $0x8000004C;
	[dreg:$0x1] =	wrdreg $0xFFFFFFFF  }
0xa7: {  	s28 =	simm.s32 $_size_execute0_lowered;
	s2 =	sadd.s32 s2, s4;
	[dreg:$0x0] =	wrdreg $0x0  }
0xa8: {  	s4 =	sshll.u32 s28, $0x1;
	[dreg:$0x2] =	wrdreg s2  }
0xa9: {  	[dreg:$0x3] =	wrdreg s4  }
0xaa: {  	[dreg:$0x4] =	wrdreg $0xC0  }
0xab: {  	_ =	task [dreg:s6], $0x5FFFF  }
0xac: {  	[dreg:$0x1] =	wrdreg $0xFFFFFFFF  }
0xad: {  	[dreg:$0x0] =	wrdreg $0x60  }
0xae: {  	[dreg:$0x2] =	wrdreg s24  }
0xaf: {  	[dreg:$0x3] =	wrdreg $0x9  }
0xb0: {  	_ =	task.clear_ibuf [dreg:s6], $0x4FFFF;
	_ =	strace $0x9000004C  }
0xb1: {  	s29 =	simm.s32 $0x9;
	_ =	strace $0x8000004E  }
0xb2: {  	_ =	swait.ge [sflag:s29], $0x1  }
0xb3: {  	[sflag:s29] =	ssyncadd.s32 $0xFFFFFFFF  }
0xb4: {  	_ =	strace $0x9000004E  }
0xb5: {  	_ =	sfence  }
0xb6: {  	s30 =	sld [smem:$0x0];
	_ =	sdelay $0x2  }
0xb7: {  	s31 =	sshll.u32 s1, $0xD;
	s1 =	sshrl.u32 s1, $0x2  }
0xb8: {  	s3 =	sand.u32 $0x4000, s31;
	s1 =	sadd.s32 s1, s30  }
0xb9: {  	s0 =	sor.u32 s3, s0;
	s1 =	sshll.u32 s1, $0x11  }
0xba: {  	s0 =	sor.u32 s1, s0  }
0xbb: {  	s0 =	sadd.s32 $0x8F2B, s0  }
0xbc: {  	[sflag:s0] =	ssyncadd.remote.s32 $0x1  }
0xbd: {  	_ =	sfence.sel $0xFFFF  }
0xbe: {  	[dreg:$0x0] =	wrdreg $0xFFFFFFFF;
	(pc) =	sbr.abs _section_cstart, $3  }
0xbf: {  	[dreg:$0x1] =	wrdreg $0xFFFFFFFF  }
0xc0: {  	_ =	task.clear_ibuf [dreg:s6], $0x2FFFF;
	_ =	strace $0x9FFFFFFF  }
0xc1: {  	(tm) =	ssettm $0x7FFFFFFF  }
tec
execute0_lowered:
.L_overlay_start_1:
0x0: {  	(tag) =	ssettag $0x1  }
0x1: {  	s6 =	rddreg [dreg:$0x0]  }
0x2: {  	s0 =	rddreg [dreg:$0x1];
	s1 =	simm.s32 $0x0  }
0x3: {  	s4 =	srdreg.scid;
	s2 =	stileid.u32;
	s11 =	simm.s32 $0x280  }
0x4: {  	s12 =	simm.s32 $0x80;
	s13 =	simm.s32 $0x1500;
	s14 =	simm.s32 $0x100  }
0x5: {  	s15 =	simm.s32 $0x2500;
	s16 =	simm.s32 $0x180;
	s17 =	simm.s32 $0x3500  }
0x6: {  	s18 =	simm.s32 $0x200;
	s19 =	simm.s32 $0x4500;
	s20 =	simm.s32 $0x1  }
0x7: {  	s21 =	simm.s32 $0x5500;
	s22 =	simm.s32 $0x0;
	[smem:$0x7FF] =	sst s1  }
0x8: {  	s3 =	sadd.s32 $0x55000, s6;
	s7 =	sand.u32 $0x1, s4;
	s4 =	sadd.s32 $0x7C200, s6  }
0x9: {  	s9 =	sshll.u32 s2, $0x1;
	s5 =	sadd.s32 $0x88A00, s6;
	s8 =	ssub.s32 $0x2, s7  }
0xa: {  	s6 =	sadd.s32 $0x5F000, s6;
	s9 =	sor.u32 s7, s9;
	s10 =	sshrl.u32 s8, $0x1  }
0xb: {  	_ =	strace $0x8000004D;
	s7 =	smul.u32 $0x14, s9;
	s10 =	ssub.s32 s8, s10  }
0xc: {  	s8 =	smul.u32 $0x5000, s9;
	s9 =	smax.u32 s10, $0x1;
	s10 =	simm.s32 $0x2  }
.LBB2_1:
0xd: {  	s23 =	simm.s32 $0x0  }
.LBB2_2:
0xe: {  	s24 =	sadd.s32 s7, s23  }
0xf: {  	s25 =	smul.u32 $0x50, s24;
	_ =	sdelay $0x1  }
0x10: {  	s24 =	simm.s32 $0x0;
	s26 =	sadd.s32 s4, s25  }
0x11: {  	[tilespmem:s24], [sflag:$0x2] =	stream.linear.gather [hbm4b:s26+s24], $0x280, $0x38;
	[tilespmem:$0x5900] =	vst v63  }
0x12: {  	_ =	swait.ge [sflag:s10], $0x280  }
0x13: {  	[sflag:s10] =	ssyncset.done $0x0  }
0x14: {  	s25 =	sadd.s32 s5, s25;
	[sflag:s10] =	ssyncadd.s32 $0xFFFFFD80  }
0x15: {  	[tilespmem:s11], [sflag:$0x2] =	stream.linear.gather [hbm4b:s25+s24], $0x280, $0x38;
	[tilespmem:$0x5900] =	vst v63  }
0x16: {  	_ =	swait.ge [sflag:s10], $0x280  }
0x17: {  	[sflag:s10] =	ssyncset.done $0x0  }
0x18: {  	s25 =	simm.s32 $0x500;
	[sflag:s10] =	ssyncadd.s32 $0xFFFFFD80  }
0x19: {  	[tilespmem:s25], [sflag:$0x1] =	stream.indirect.gather [hbm4b:s3+s12], $0x20, s24, s12, $0xb8;
	[tilespmem:$0x5900] =	vst v63  }
0x1a: {  	_ = 	snop  }
0x1b: {  	[tilespmem:s13], [sflag:$0x1] =	stream.indirect.gather [hbm4b:s3+s12], $0x20, s12, s12, $0xb8;
	[tilespmem:$0x5900] =	vst v63  }
0x1c: {  	_ = 	snop  }
0x1d: {  	[tilespmem:s15], [sflag:$0x1] =	stream.indirect.gather [hbm4b:s3+s12], $0x20, s14, s12, $0xb8;
	[tilespmem:$0x5900] =	vst v63  }
0x1e: {  	_ = 	snop  }
0x1f: {  	[tilespmem:s17], [sflag:$0x1] =	stream.indirect.gather [hbm4b:s3+s12], $0x20, s16, s12, $0xb8;
	[tilespmem:$0x5900] =	vst v63  }
0x20: {  	_ = 	snop  }
0x21: {  	[tilespmem:s19], [sflag:$0x1] =	stream.indirect.gather [hbm4b:s3+s12], $0x20, s18, s12, $0xb8;
	[tilespmem:$0x5900] =	vst v63  }
0x22: {  	_ =	swait.ge [sflag:s20], $0x1000  }
0x23: {  	[sflag:s20] =	ssyncset.done $0x0  }
0x24: {  	[sflag:s20] =	ssyncadd.s32 $0xFFFFF000  }
0x25: {  	_ =	swait.ge [sflag:s20], $0x1000  }
0x26: {  	[sflag:s20] =	ssyncset.done $0x0  }
0x27: {  	[sflag:s20] =	ssyncadd.s32 $0xFFFFF000  }
0x28: {  	_ =	swait.ge [sflag:s20], $0x1000  }
0x29: {  	[sflag:s20] =	ssyncset.done $0x0  }
0x2a: {  	[sflag:s20] =	ssyncadd.s32 $0xFFFFF000  }
0x2b: {  	_ =	swait.ge [sflag:s20], $0x1000  }
0x2c: {  	[sflag:s20] =	ssyncset.done $0x0  }
0x2d: {  	[sflag:s20] =	ssyncadd.s32 $0xFFFFF000  }
0x2e: {  	_ =	swait.ge [sflag:s20], $0x1000  }
0x2f: {  	[sflag:s20] =	ssyncset.done $0x0  }
0x30: {  	s26 =	simm.s32 $0x5520;
	[sflag:s20] =	ssyncadd.s32 $0xFFFFF000  }
.LBB2_3:
0x31: {  	v2 =	vld [tilespmem:s25+$0x0]  }
0x32: {  	v4 =	vld [tilespmem:s25+$0x10]  }
0x33: {  	v5 =	vld [tilespmem:s25+$0x200]  }
0x34: {  	v7 =	vld [tilespmem:s25+$0x210]  }
0x35: {  	v8 =	vld [tilespmem:s25+$0x400]  }
0x36: {  	v10 =	vld [tilespmem:s25+$0x410]  }
0x37: {  	v11 =	vld [tilespmem:s25+$0x600]  }
0x38: {  	v13 =	vld [tilespmem:s25+$0x610]  }
0x39: {  	v14 =	vld [tilespmem:s25+$0x800]  }
0x3a: {  	v16 =	vld [tilespmem:s25+$0x810]  }
0x3b: {  	v17 =	vld [tilespmem:s25+$0xA00]  }
0x3c: {  	v19 =	vld [tilespmem:s25+$0xA10]  }
0x3d: {  	v20 =	vld [tilespmem:s25+$0xC00]  }
0x3e: {  	v22 =	vld [tilespmem:s25+$0xC10]  }
0x3f: {  	v23 =	vld [tilespmem:s25+$0xE00]  }
0x40: {  	v25 =	vld [tilespmem:s25+$0xE10]  }
0x41: {  	v26 =	vld [tilespmem:s25+$0x1000]  }
0x42: {  	v28 =	vld [tilespmem:s25+$0x1010]  }
0x43: {  	v54 =	vld [tilespmem:s25+$0x1200]  }
0x44: {  	v30 =	vld [tilespmem:s25+$0x1210]  }
0x45: {  	v55 =	vld [tilespmem:s25+$0x1400]  }
0x46: {  	v34 =	vld [tilespmem:s25+$0x1410]  }
0x47: {  	v56 =	vld [tilespmem:s25+$0x1600]  }
0x48: {  	v36 =	vld [tilespmem:s25+$0x1610]  }
0x49: {  	v57 =	vld [tilespmem:s25+$0x1800]  }
0x4a: {  	v38 =	vld [tilespmem:s25+$0x1810]  }
0x4b: {  	v58 =	vld [tilespmem:s25+$0x1A00]  }
0x4c: {  	v40 =	vld [tilespmem:s25+$0x1A10]  }
0x4d: {  	v59 =	vld [tilespmem:s25+$0x1C00]  }
0x4e: {  	v0 =	vmov s24;
	s28 =	sadd.s32 $0x10, s24;
	v42 =	vld [tilespmem:s25+$0x1C10]  }
0x4f: {  	s30 =	sadd.s32 $0x20, s24;
	v44 =	vld [tilespmem:s25+$0x1E10];
	v1 =	vmov s28  }
0x50: {  	s31 =	sadd.s32 $0x30, s24;
	v46 =	vld [tilespmem:s25+$0x2410];
	v3 =	vmov s30  }
0x51: {  	s29 =	sadd.s32 $0x40, s24;
	v48 =	vld [tilespmem:s25+$0x2600];
	v6 =	vmov s31  }
0x52: {  	v51 =	vld [tilespmem:s25+$0x2800];
	v9 =	vmov s29;
	s30 =	sadd.s32 $0x50, s24  }
0x53: {  	s31 =	sadd.s32 $0x60, s24;
	v12 =	vmov s30;
	v0 =	vld.idx.msk [tilespmem:v0+s11+$0x0], $0xffff  }
0x54: {  	s29 =	sadd.s32 $0x70, s24;
	v15 =	vmov s31;
	s30 =	sadd.s32 $0x80, s24;
	v1 =	vld.idx.msk [tilespmem:v1+s11+$0x0], $0xffff  }
0x55: {  	v18 =	vmov s29;
	s31 =	sadd.s32 $0x90, s24;
	s29 =	sadd.s32 $0xA0, s24;
	v21 =	vmov s30;
	s30 =	sadd.s32 $0xB0, s24;
	v3 =	vld.idx.msk [tilespmem:v3+s11+$0x0], $0xffff  }
0x56: {  	v24 =	vmov s31;
	v27 =	vmov s29;
	s31 =	sadd.s32 $0xC0, s24;
	s29 =	sadd.s32 $0xD0, s24;
	v29 =	vmov s30;
	s30 =	sadd.s32 $0xE0, s24;
	v6 =	vld.idx.msk [tilespmem:v6+s11+$0x0], $0xffff  }
0x57: {  	v33 =	vmov s31;
	v35 =	vmov s29;
	s31 =	sadd.s32 $0xF0, s24;
	s29 =	sadd.s32 $0x100, s24;
	v37 =	vmov s30;
	s30 =	sadd.s32 $0x110, s24;
	v9 =	vld.idx.msk [tilespmem:v9+s11+$0x0], $0xffff  }
0x58: {  	v39 =	vmov s31;
	v41 =	vmov s29;
	s31 =	sadd.s32 $0x120, s24;
	v43 =	vmov s30;
	v12 =	vld.idx.msk [tilespmem:v12+s11+$0x0], $0xffff  }
0x59: {  	s29 =	sadd.s32 $0x130, s24;
	v45 =	vmov s31;
	v15 =	vld.idx.msk [tilespmem:v15+s11+$0x0], $0xffff;
	v2 =	vmul.f32 v2, v0;
	v0 =	vmul.f32 v4, v0  }
0x5a: {  	v62 =	vmov s29;
	s31 =	sadd.s32 $0x150, s24;
	v18 =	vld.idx.msk [tilespmem:v18+s11+$0x0], $0xffff;
	v5 =	vmul.f32 v5, v1;
	v1 =	vmul.f32 v7, v1  }
0x5b: {  	s29 =	sadd.s32 $0x160, s24;
	v49 =	vmov s31;
	v21 =	vld.idx.msk [tilespmem:v21+s11+$0x0], $0xffff;
	v8 =	vmul.f32 v8, v3;
	v3 =	vmul.f32 v10, v3  }
0x5c: {  	v52 =	vmov s29;
	v24 =	vld.idx.msk [tilespmem:v24+s11+$0x0], $0xffff;
	v11 =	vmul.f32 v11, v6;
	v6 =	vmul.f32 v13, v6  }
0x5d: {  	v27 =	vld.idx.msk [tilespmem:v27+s11+$0x0], $0xffff;
	v14 =	vmul.f32 v14, v9;
	v9 =	vmul.f32 v16, v9;
	v31 =	vadd.f32 $0.0e+00, v2  }
0x5e: {  	v29 =	vld.idx.msk [tilespmem:v29+s11+$0x0], $0xffff;
	v32 =	vadd.f32 $0.0e+00, v0;
	v17 =	vmul.f32 v17, v12;
	v12 =	vmul.f32 v19, v12  }
0x5f: {  	v33 =	vld.idx.msk [tilespmem:v33+s11+$0x0], $0xffff;
	v20 =	vmul.f32 v20, v15;
	v15 =	vmul.f32 v22, v15;
	v2 =	vmax.f32 v2, $-3.000000010e+38  }
0x60: {  	v35 =	vld.idx.msk [tilespmem:v35+s11+$0x0], $0xffff;
	v0 =	vmax.f32 v0, $-3.000000010e+38;
	v23 =	vmul.f32 v23, v18;
	v18 =	vmul.f32 v25, v18  }
0x61: {  	v37 =	vld.idx.msk [tilespmem:v37+s11+$0x0], $0xffff;
	v2 =	vmax.f32 v2, v5;
	v0 =	vmax.f32 v0, v1;
	v26 =	vmul.f32 v26, v21  }
0x62: {  	v39 =	vld.idx.msk [tilespmem:v39+s11+$0x0], $0xffff;
	v21 =	vmul.f32 v28, v21;
	v4 =	vmul.f32 v54, v24;
	v31 =	vadd.f32 v5, v31  }
0x63: {  	v41 =	vld.idx.msk [tilespmem:v41+s11+$0x0], $0xffff;
	v7 =	vmul.f32 v55, v27;
	v47 =	vmul.f32 v34, v27;
	v32 =	vadd.f32 v1, v32  }
0x64: {  	v22 =	vld [tilespmem:s25+$0x1E00];
	v2 =	vmax.f32 v2, v8;
	v0 =	vmax.f32 v0, v3;
	v31 =	vadd.f32 v8, v31  }
0x65: {  	v25 =	vld [tilespmem:s25+$0x2000];
	v10 =	vmul.f32 v56, v29;
	v50 =	vmul.f32 v36, v29;
	v32 =	vadd.f32 v3, v32  }
0x66: {  	v28 =	vld [tilespmem:s25+$0x2200];
	v13 =	vmul.f32 v57, v33;
	v53 =	vmul.f32 v38, v33;
	v31 =	vadd.f32 v11, v31  }
0x67: {  	s31 =	sadd.s32 $0x180, s24;
	v34 =	vld [tilespmem:s25+$0x3000];
	v16 =	vmul.f32 v58, v35;
	v55 =	vmul.f32 v40, v35;
	v32 =	vadd.f32 v6, v32  }
0x68: {  	v1 =	vld [tilespmem:s25+$0x2010];
	v56 =	vmov s31;
	v2 =	vmax.f32 v2, v11;
	v31 =	vadd.f32 v14, v31  }
0x69: {  	s31 =	sadd.s32 $0x1B0, s24;
	v0 =	vmax.f32 v0, v6;
	v57 =	vmul.f32 v59, v37;
	v59 =	vld [tilespmem:s25+$0x2E00];
	v32 =	vadd.f32 v9, v32  }
0x6a: {  	s30 =	sadd.s32 $0x140, s24;
	v58 =	vmul.f32 v42, v37;
	v37 =	vld [tilespmem:s25+$0x3010];
	v40 =	vmov s31;
	v31 =	vadd.f32 v17, v31  }
0x6b: {  	v8 =	vld.idx.msk [tilespmem:v45+s11+$0x0], $0xffff;
	v45 =	vmov s30;
	v2 =	vmax.f32 v2, v14;
	v32 =	vadd.f32 v12, v32  }
0x6c: {  	v3 =	vld [tilespmem:s25+$0x2210];
	v0 =	vmax.f32 v0, v9;
	v2 =	vmax.f32 v2, v17;
	v31 =	vadd.f32 v20, v31  }
0x6d: {  	v0 =	vmax.f32 v0, v12;
	v38 =	vmul.f32 v25, v41;
	v11 =	vld.idx.msk [tilespmem:v52+s11+$0x0], $0xffff;
	v32 =	vadd.f32 v15, v32  }
0x6e: {  	v2 =	vmax.f32 v2, v20;
	v1 =	vmul.f32 v1, v41;
	v41 =	vld [tilespmem:s25+$0x3210];
	v60 =	vadd.f32 v23, v31  }
0x6f: {  	v22 =	vmul.f32 v22, v39;
	v2 =	vmax.f32 v2, v23;
	v14 =	vld.idx.msk [tilespmem:v62+s11+$0x0], $0xffff;
	v61 =	vadd.f32 v18, v32  }
0x70: {  	v2 =	vmax.f32 v2, v26;
	v62 =	vmul.f32 v44, v39;
	v39 =	vld [tilespmem:s25+$0x3200];
	v5 =	vadd.f32 v26, v60  }
0x71: {  	s30 =	sadd.s32 $0x170, s24;
	v2 =	vmax.f32 v2, v4;
	v31 =	vld.idx.msk [tilespmem:v43+s11+$0x0], $0xffff;
	v43 =	vmul.f32 v30, v24;
	v63 =	vadd.f32 v21, v61  }
0x72: {  	v54 =	vmov s30;
	v9 =	vld [tilespmem:s25+$0x3600];
	v2 =	vmax.f32 v2, v7;
	v5 =	vadd.f32 v4, v5  }
0x73: {  	s31 =	sadd.s32 $0x1E0, s24;
	v0 =	vmax.f32 v0, v15;
	v12 =	vld [tilespmem:s25+$0x2610];
	v2 =	vmax.f32 v2, v10;
	v6 =	vadd.f32 v43, v63  }
0x74: {  	v52 =	vmov s31;
	v15 =	vld.idx.msk [tilespmem:v45+s11+$0x0], $0xffff;
	v2 =	vmax.f32 v2, v13;
	v5 =	vadd.f32 v7, v5  }
0x75: {  	v0 =	vmax.f32 v0, v18;
	v20 =	vld.idx.msk [tilespmem:v56+s11+$0x0], $0xffff;
	v2 =	vmax.f32 v2, v16;
	v6 =	vadd.f32 v47, v6  }
0x76: {  	v0 =	vmax.f32 v0, v21;
	v56 =	vld [tilespmem:s25+$0x3A00];
	v2 =	vmax.f32 v2, v57;
	v5 =	vadd.f32 v10, v5  }
0x77: {  	v48 =	vmul.f32 v48, v14;
	v24 =	vld [tilespmem:s25+$0x2400];
	v2 =	vmax.f32 v2, v22;
	v6 =	vadd.f32 v50, v6  }
0x78: {  	s29 =	sadd.s32 $0x190, s24;
	v18 =	vld [tilespmem:s25+$0x2810];
	v12 =	vmul.f32 v12, v14;
	v0 =	vmax.f32 v0, v43;
	v5 =	vadd.f32 v13, v5  }
0x79: {  	v23 =	vld.idx.msk [tilespmem:v49+s11+$0x0], $0xffff;
	v60 =	vmov s29;
	s29 =	sadd.s32 $0x1C0, s24;
	v2 =	vmax.f32 v2, v38;
	v6 =	vadd.f32 v53, v6  }
0x7a: {  	s30 =	sadd.s32 $0x1A0, s24;
	v32 =	vld [tilespmem:s25+$0x2A00];
	v0 =	vmax.f32 v0, v47;
	v44 =	vmov s29;
	v5 =	vadd.f32 v16, v5  }
0x7b: {  	v30 =	vld [tilespmem:s25+$0x2C00];
	v0 =	vmax.f32 v0, v50;
	v63 =	vmov s30;
	v6 =	vadd.f32 v55, v6  }
0x7c: {  	v49 =	vld [tilespmem:s25+$0x3610];
	v0 =	vmax.f32 v0, v53;
	v42 =	vmul.f32 v28, v31;
	v5 =	vadd.f32 v57, v5  }
0x7d: {  	v61 =	vld [tilespmem:s25+$0x2E10];
	v3 =	vmul.f32 v3, v31;
	v45 =	vmul.f32 v24, v8;
	v6 =	vadd.f32 v58, v6  }
0x7e: {  	v4 =	vld [tilespmem:s25+$0x2A10];
	s30 =	sadd.s32 $0x1D0, s24;
	v8 =	vmul.f32 v46, v8;
	v0 =	vmax.f32 v0, v55;
	v5 =	vadd.f32 v22, v5  }
0x7f: {  	v24 =	vld.idx.msk [tilespmem:v40+s11+$0x0], $0xffff;
	v46 =	vmov s30;
	s30 =	sadd.s32 $0x200, s24;
	v0 =	vmax.f32 v0, v58;
	v6 =	vadd.f32 v62, v6  }
0x80: {  	v17 =	vld.idx.msk [tilespmem:v60+s11+$0x0], $0xffff;
	v2 =	vmax.f32 v2, v42;
	v60 =	vmov s30;
	v5 =	vadd.f32 v38, v5  }
0x81: {  	v7 =	vld [tilespmem:s25+$0x2C10];
	v0 =	vmax.f32 v0, v62;
	v2 =	vmax.f32 v2, v45;
	v6 =	vadd.f32 v1, v6  }
0x82: {  	v43 =	vld [tilespmem:s25+$0x3400];
	v50 =	vmul.f32 v51, v15;
	v0 =	vmax.f32 v0, v1;
	v5 =	vadd.f32 v42, v5  }
0x83: {  	v31 =	vld [tilespmem:s25+$0x3C00];
	v2 =	vmax.f32 v2, v48;
	v4 =	vmul.f32 v4, v23;
	v6 =	vadd.f32 v3, v6  }
0x84: {  	v10 =	vld.idx.msk [tilespmem:v54+s11+$0x0], $0xffff;
	v0 =	vmax.f32 v0, v3;
	v53 =	vmul.f32 v18, v15;
	v47 =	vadd.f32 v45, v5  }
0x85: {  	v14 =	vld.idx.msk [tilespmem:v44+s11+$0x0], $0xffff;
	v2 =	vmax.f32 v2, v50;
	v9 =	vmul.f32 v9, v24;
	v6 =	vadd.f32 v8, v6  }
0x86: {  	v51 =	vld [tilespmem:s25+$0x3800];
	v0 =	vmax.f32 v0, v8;
	v7 =	vmul.f32 v7, v11;
	v3 =	vadd.f32 v48, v47  }
0x87: {  	v54 =	vld [tilespmem:s25+$0x3810];
	v55 =	vmul.f32 v32, v23;
	v0 =	vmax.f32 v0, v12;
	v6 =	vadd.f32 v12, v6  }
0x88: {  	v40 =	vld [tilespmem:s25+$0x3E10];
	v16 =	vmul.f32 v37, v20;
	v39 =	vmul.f32 v39, v17;
	v3 =	vadd.f32 v50, v3  }
0x89: {  	v44 =	vld [tilespmem:s25+$0x4000];
	v41 =	vmul.f32 v41, v17;
	v59 =	vmul.f32 v59, v10;
	v6 =	vadd.f32 v53, v6  }
0x8a: {  	v18 =	vld.idx.msk [tilespmem:v46+s11+$0x0], $0xffff;
	v0 =	vmax.f32 v0, v53;
	v58 =	vmul.f32 v30, v11;
	v3 =	vadd.f32 v55, v3  }
0x8b: {  	s29 =	sadd.s32 $0x1F0, s24;
	v46 =	vld [tilespmem:s25+$0x4010];
	v61 =	vmul.f32 v61, v10;
	v51 =	vmul.f32 v51, v14;
	v6 =	vadd.f32 v4, v6  }
0x8c: {  	v54 =	vmul.f32 v54, v14;
	v57 =	vmov s29;
	v11 =	vld.idx.msk [tilespmem:v52+s11+$0x0], $0xffff;
	v3 =	vadd.f32 v58, v3  }
0x8d: {  	v2 =	vmax.f32 v2, v55;
	v0 =	vmax.f32 v0, v4;
	v22 =	vld.idx.msk [tilespmem:v63+s11+$0x0], $0xffff;
	v6 =	vadd.f32 v7, v6  }
0x8e: {  	v0 =	vmax.f32 v0, v7;
	v63 =	vmul.f32 v34, v20;
	v1 =	vld [tilespmem:s25+$0x3410];
	v3 =	vadd.f32 v59, v3  }
0x8f: {  	v56 =	vmul.f32 v56, v18;
	v62 =	vld [tilespmem:s25+$0x3C10];
	v2 =	vmax.f32 v2, v58;
	v6 =	vadd.f32 v61, v6  }
0x90: {  	s31 =	sadd.s32 $0x210, s24;
	v37 =	vld [tilespmem:s25+$0x3E00];
	v0 =	vmax.f32 v0, v61;
	v2 =	vmax.f32 v2, v59;
	v3 =	vadd.f32 v63, v3  }
0x91: {  	v0 =	vmax.f32 v0, v16;
	v38 =	vmov s31;
	v36 =	vld.idx.msk [tilespmem:v57+s11+$0x0], $0xffff;
	v6 =	vadd.f32 v16, v6  }
0x92: {  	v30 =	vld [tilespmem:s25+$0x3A10];
	v2 =	vmax.f32 v2, v63;
	v43 =	vmul.f32 v43, v22;
	v3 =	vadd.f32 v39, v3  }
0x93: {  	v0 =	vmax.f32 v0, v41;
	v42 =	vld.idx.msk [tilespmem:v60+s11+$0x0], $0xffff;
	v1 =	vmul.f32 v1, v22;
	v6 =	vadd.f32 v41, v6  }
0x94: {  	s29 =	sadd.s32 $0x220, s24;
	v52 =	vld [tilespmem:s25+$0x4210];
	v2 =	vmax.f32 v2, v39;
	v10 =	vmul.f32 v62, v11;
	v3 =	vadd.f32 v43, v3  }
0x95: {  	v34 =	vld [tilespmem:s25+$0x4610];
	v45 =	vmov s29;
	v48 =	vmul.f32 v49, v24;
	v6 =	vadd.f32 v1, v6  }
0x96: {  	v57 =	vld [tilespmem:s25+$0x4400];
	v2 =	vmax.f32 v2, v43;
	v33 =	vmul.f32 v37, v36;
	v3 =	vadd.f32 v9, v3  }
0x97: {  	s30 =	sadd.s32 $0x230, s24;
	v60 =	vld [tilespmem:s25+$0x4410];
	v13 =	vmul.f32 v40, v36;
	v2 =	vmax.f32 v2, v9;
	v53 =	vadd.f32 v48, v6  }
0x98: {  	v47 =	vld.idx.msk [tilespmem:v38+s11+$0x0], $0xffff;
	v36 =	vmul.f32 v44, v42;
	v50 =	vmov s30;
	v3 =	vadd.f32 v51, v3  }
0x99: {  	v49 =	vld [tilespmem:s25+$0x4200];
	v0 =	vmax.f32 v0, v1;
	v59 =	vmul.f32 v30, v18;
	v5 =	vadd.f32 v54, v53  }
0x9a: {  	v62 =	vld [tilespmem:s25+$0x4600];
	v40 =	vmul.f32 v46, v42;
	s30 =	sadd.s32 $0x260, s24;
	v61 =	vmul.f32 v31, v11;
	v3 =	vadd.f32 v56, v3  }
0x9b: {  	s31 =	sadd.s32 $0x240, s24;
	v2 =	vmax.f32 v2, v51;
	v38 =	vmov s30;
	v55 =	vld.idx.msk [tilespmem:v45+s11+$0x0], $0xffff;
	v5 =	vadd.f32 v59, v5  }
0x9c: {  	v37 =	vld [tilespmem:s25+$0x4800];
	v0 =	vmax.f32 v0, v48;
	v58 =	vmov s31;
	v3 =	vadd.f32 v61, v3  }
0x9d: {  	s29 =	sadd.s32 $0x250, s24;
	v2 =	vmax.f32 v2, v56;
	v0 =	vmax.f32 v0, v54;
	v26 =	vld.idx.msk [tilespmem:v50+s11+$0x0], $0xffff;
	v5 =	vadd.f32 v10, v5  }
0x9e: {  	v44 =	vld [tilespmem:s25+$0x4A00];
	v42 =	vmul.f32 v49, v47;
	s31 =	sadd.s32 $0x270, s24;
	v63 =	vmov s29;
	v3 =	vadd.f32 v33, v3  }
0x9f: {  	v21 =	vmul.f32 v52, v47;
	v47 =	vld [tilespmem:s25+$0x4A10];
	v45 =	vmov s31;
	v39 =	vadd.f32 v13, v5  }
0xa0: {  	v49 =	vld.idx.msk [tilespmem:v38+s11+$0x0], $0xffff;
	v46 =	vmul.f32 v57, v55;
	v0 =	vmax.f32 v0, v59;
	v3 =	vadd.f32 v36, v3  }
0xa1: {  	v2 =	vmax.f32 v2, v61;
	v35 =	vld.idx.msk [tilespmem:v58+s11+$0x0], $0xffff;
	v0 =	vmax.f32 v0, v10;
	v1 =	vadd.f32 v40, v39  }
0xa2: {  	v2 =	vmax.f32 v2, v33;
	v41 =	vld [tilespmem:s25+$0x4810];
	v50 =	vmul.f32 v62, v26;
	v3 =	vadd.f32 v42, v3  }
0xa3: {  	v52 =	vmul.f32 v34, v26;
	v43 =	vld.idx.msk [tilespmem:v63+s11+$0x0], $0xffff;
	v48 =	vmul.f32 v60, v55;
	v1 =	vadd.f32 v21, v1  }
0xa4: {  	v57 =	vld [tilespmem:s25+$0x4E00];
	v0 =	vmax.f32 v0, v13;
	v2 =	vmax.f32 v2, v36;
	v3 =	vadd.f32 v46, v3  }
0xa5: {  	v0 =	vmax.f32 v0, v40;
	v2 =	vmax.f32 v2, v42;
	v51 =	vld [tilespmem:s25+$0x4C00];
	v1 =	vadd.f32 v48, v1  }
0xa6: {  	v0 =	vmax.f32 v0, v21;
	v53 =	vld [tilespmem:s25+$0x4C10];
	v54 =	vmul.f32 v37, v35;
	v3 =	vadd.f32 v50, v3  }
0xa7: {  	v2 =	vmax.f32 v2, v46;
	v55 =	vld.idx.msk [tilespmem:v45+s11+$0x0], $0xffff;
	v56 =	vmul.f32 v41, v35;
	v1 =	vadd.f32 v52, v1  }
0xa8: {  	v2 =	vmax.f32 v2, v50;
	v58 =	vmul.f32 v44, v43;
	v59 =	vld [tilespmem:s25+$0x4E10];
	v3 =	vadd.f32 v54, v3  }
0xa9: {  	v0 =	vmax.f32 v0, v48;
	v60 =	vmul.f32 v47, v43;
	v1 =	vadd.f32 v56, v1  }
0xaa: {  	v0 =	vmax.f32 v0, v52;
	v11 =	vmul.f32 v51, v49;
	v3 =	vadd.f32 v58, v3  }
0xab: {  	v2 =	vmax.f32 v2, v54;
	v61 =	vmul.f32 v53, v49;
	v1 =	vadd.f32 v60, v1  }
0xac: {  	v62 =	vmul.f32 v57, v55;
	v0 =	vmax.f32 v0, v56;
	v3 =	vadd.f32 v11, v3  }
0xad: {  	v2 =	vmax.f32 v2, v58;
	v63 =	vmul.f32 v59, v55;
	v1 =	vadd.f32 v61, v1  }
0xae: {  	p0 =	sne.s32 s24, $0xF;
	v0 =	vmax.f32 v0, v60;
	v2 =	vmax.f32 v2, v11;
	v3 =	vadd.f32 v62, v3  }
.Ltmp0:
0xaf: {  	v0 =	vmax.f32 v0, v61;
	v2 =	vmax.f32 v2, v62;
	v1 =	vadd.f32 v63, v1;
	(pc) =	sbr.rel @p0 .LBB2_3-.Ltmp0, $4  }
0xb0: {  	v0 =	vmax.f32 v0, v63;
	[tilespmem:s26+$0x0] =	vst v2;
	v3 =	vmul.f32 $2.500000040e-02, v3  }
0xb1: {  	[tilespmem:s26+$0x10] =	vst v0;
	v1 =	vmul.f32 $2.500000040e-02, v1  }
0xb2: {  	[tilespmem:s26+$0xFFFFFFE0] =	vst v3  }
0xb3: {  	s24 =	sadd.s32 $0x1, s24;
	s25 =	sadd.s32 $0x20, s25;
	[tilespmem:s26+$0xFFFFFFF0] =	vst v1;
	s26 =	sadd.s32 $0x40, s26  }
0xb4: {  	s24 =	sshll.u32 s23, $0xA  }
0xb5: {  	s23 =	sadd.s32 $0x1, s23;
	s24 =	sadd.s32 s8, s24  }
0xb6: {  	p0 =	sne.s32 s23, $0x14;
	s24 =	sshrl.u32 s24, $0x3  }
.Ltmp1:
0xb7: {  	s24 =	sadd.s32 s6, s24;
	(pc) =	sbr.rel @p0 .LBB2_2-.Ltmp1, $4  }
0xb8: {  	[hbm4b:s24+s1] =	stream.linear.scatter [tilespmem:s21], [sflag:$0x2], $0x400, $0x38;
	[tilespmem:$0x5900] =	vst v63  }
0xb9: {  	_ =	swait.ge [sflag:s10], $0x400  }
0xba: {  	[sflag:s10] =	ssyncset.done $0x0  }
0xbb: {  	[sflag:s10] =	ssyncadd.s32 $0xFFFFFC00  }
0xbc: {  	s22 =	sadd.s32 $0x1, s22  }
0xbd: {  	p0 =	sne.s32 s22, s9  }
.Ltmp2:
0xbe: {  	_ = 	snop;
	(pc) =	sbr.rel @p0 .LBB2_1-.Ltmp2, $1  }
0xbf: {  	_ =	sdelay $0x3  }
0xc0: {  	_ =	sfence.sel $0x180000  }
0xc1: {  	[bflag:$0x0] =	sbarrier.arrive $0xFFFF  }
0xc2: {  	p0 =	sne.s32 s2, $0x0;
	_ =	strace $0x9000004D  }
0xc3: {  	s0 =	sadd.s32 @!p0 $0x100000, s0;
	[bflag:$0x2] =	sbarrier.arrive $0xFFFF  }
0xc4: {  	[sflag:s0] =	ssyncadd.tile.s32 @!p0 $0x1;
	_ =	shalt  }
.Lfunc_end2:
_tile_overlayer_lowered:
.L_overlay_start_2:
0xc5: {  	(tag) =	ssettag $0x2  }
0xc6: {  	s0 =	rddreg [dreg:$0x0];
	s2 =	stileid.u32  }
0xc7: {  	s1 =	rddreg [dreg:$0x1];
	p0 =	sne.s32 s2, $0x0  }
0xc8: {  	s3 =	rddreg [dreg:$0x2];
	[bflag:$0x3] =	sbarrier.arrive $0xFFFF;
	s2 =	simm.s32 @!p0 $0x1C02  }
0xc9: {  	[timem:s3], [sflag:s2] =	dma.local @!p0 [hbm:s0], s1  }
0xca: {  	s0 =	simm.s32 @!p0 $0x2  }
0xcb: {  	_ =	swait.ge @!p0 [sflag:s0], s1  }
0xcc: {  	s1 =	ssub.s32 @!p0 $0x0, s1;
	[sflag:s0] =	ssyncset.done @!p0 $0x0  }
0xcd: {  	[sflag:s0] =	ssyncadd.s32 @!p0 s1  }
0xce: {  	[bflag:$0x3] =	sbarrier.arrive $0xFFFF  }
0xcf: {  	_ =	shalt  }

// kernel: kernel.15.cloned.1.call-start
scs
__scs_entry_jumppad:
0x0: {  	(pc) =	sbr.rel $0x88, $3  }
0x1: {  	(tag) =	ssettag $0x0;
	lr =	simm.s32 $0x1  }
0x2: {  	[smem:$0x3F7D] =	sst lr;
	_ =	strace $0xD0000000  }
0x3: {  	_ = 	snop  }
0x4: {  	_ = 	snop  }
0x5: {  	_ = 	snop  }
0x6: {  	_ = 	snop  }
0x7: {  	_ = 	snop  }
__scs_overlays_trampoline_lowered:
0x8: {  	[smem:$0x3F8C] =	sst s0  }
0x9: {  	[smem:$0x3F8D] =	sst s1  }
0xa: {  	[smem:$0x3F8E] =	sst s2  }
0xb: {  	[smem:$0x3F8F] =	sst s3  }
0xc: {  	[smem:$0x3F90] =	sst s4  }
0xd: {  	[smem:$0x3F91] =	sst s5  }
0xe: {  	[smem:$0x3F92] =	sst s6  }
0xf: {  	[smem:$0x3F93] =	sst s7  }
0x10: {  	[smem:$0x3F94] =	sst s8  }
0x11: {  	[smem:$0x3F95] =	sst s9;
	s0 =	simm.s32 @!p0 $0x0  }
0x12: {  	s1 =	sld [smem:$0x3F7B];
	s0 =	simm.s32 @p0 $0x1  }
0x13: {  	[smem:$0x3F96] =	sst s0;
	s0 =	simm.s32 @!p1 $0x0  }
0x14: {  	s2 =	sld [smem:$0x3F7A];
	s0 =	simm.s32 @p1 $0x1  }
0x15: {  	[smem:$0x3F97] =	sst s0;
	s0 =	simm.s32 @!p2 $0x0  }
0x16: {  	s3 =	sld [smem:$0x3FDB];
	s0 =	simm.s32 @p2 $0x1  }
0x17: {  	s4 =	simm.s32 $0x1BF5;
	[smem:$0x3F99] =	sst s0  }
0x18: {  	s0 =	sld [smem:$0x3F7C];
	_ =	swait.ge [sflag:s4], $0x0  }
0x19: {  	s7 =	sld [smem:$0x3F7D]  }
0x1a: {  	s8 =	sadd.s32 $0xFFFFE003, lr  }
0x1b: {  	s9 =	sadd.s32 $0xFFFFFEF7, lr;
	s5 =	simm.s32 $0xFFFFFFFF;
	p2 =	slt.u32 s8, $0xFFFFF086  }
0x1c: {  	p1 =	slt.u32 s9, $0xF7A;
	s5 =	simm.s32 @!p2 $0x0  }
0x1d: {  	s5 =	simm.s32 @p1 $0x1;
	p0 =	seq.s32 s7, s2  }
0x1e: {  	s7 =	smul.u32 @!p0 $0xF7A, s2;
	p2 =	seq.s32 @!p0 s5, $0x0  }
0x1f: {  	s9 =	smul.u32 $0xF7A, s1;
	s8 =	simm.s32 @!p0 $0x1BF5;
	p2 =	por !p2, p0  }
0x20: {  	[sflag:s8] =	ssyncset.s32 @!p0 $0xFFFFF086;
	s6 =	sadd.s32 @!p0 s3, s7;
	s7 =	simm.s32 @!p0 $0x108  }
0x21: {  	s3 =	sadd.s32 s3, s9;
	s6 =	sadd.s32 @!p0 $0x88, s6;
	s7 =	simm.s32 @p2 $0x1082  }
0x22: {  	[simem:s7], [sflag:s8] =	dma.local @!p0 [hbm:s6], $0xF7A  }
0x23: {  	s9 =	sor.u32 $0xD0000000, s2;
	s6 =	simm.s32 $0x108;
	_ =	swait.ge @!p0 [sflag:s8], $0x0  }
0x24: {  	s3 =	sadd.s32 $0x88, s3;
	s6 =	simm.s32 @!p1 $0x1082;
	[sflag:s4] =	ssyncset.s32 $0xFFFFF086  }
0x25: {  	[simem:s6], [sflag:s4] =	dma.local [hbm:s3], $0xF7A  }
0x26: {  	[smem:$0x3F7D] =	sst s1;
	(tag) =	ssettag s2;
	_ =	strace s9  }
0x27: {  	s1 =	sld [smem:$0x3F8D]  }
0x28: {  	s2 =	sld [smem:$0x3F8E]  }
0x29: {  	s4 =	sld [smem:$0x3F90]  }
0x2a: {  	p0 =	seq.s32 s5, $0x0;
	s5 =	sld [smem:$0x3F91]  }
0x2b: {  	s6 =	sld [smem:$0x3F92]  }
0x2c: {  	s7 =	sld [smem:$0x3F93]  }
0x2d: {  	s3 =	simm.s32 $0x108;
	s8 =	sld [smem:$0x3F94]  }
0x2e: {  	s3 =	simm.s32 @!p0 $0x1082;
	s9 =	sld [smem:$0x3F95]  }
0x2f: {  	lr =	sadd.s32 s0, s3;
	s0 =	sld [smem:$0x3F8C]  }
0x30: {  	s3 =	sld [smem:$0x3F8F]  }
0x31: {  	[smem:$0x3F98] =	sst s10  }
0x32: {  	s10 =	sld [smem:$0x3F96];
	_ =	sdelay $0x3  }
0x33: {  	p0 =	seq.s32 s10, $0x1;
	s10 =	sld [smem:$0x3F98];
	_ =	sdelay $0x3  }
0x34: {  	[smem:$0x3F98] =	sst s10  }
0x35: {  	s10 =	sld [smem:$0x3F97];
	_ =	sdelay $0x3  }
0x36: {  	p1 =	seq.s32 s10, $0x1;
	s10 =	sld [smem:$0x3F98];
	_ =	sdelay $0x3  }
0x37: {  	[smem:$0x3F98] =	sst s10  }
0x38: {  	s10 =	sld [smem:$0x3F99]  }
0x39: {  	_ = 	snop;
	(pc) =	sbr.ind lr, $3  }
0x3a: {  	_ = 	snop  }
0x3b: {  	_ = 	snop  }
0x3c: {  	p2 =	seq.s32 s10, $0x1;
	s10 =	sld [smem:$0x3F98]  }
0x3d: {  	_ =	shalt  }
0x3e: {  	_ =	shalt  }
0x3f: {  	_ =	shalt  }
0x40: {  	_ =	shalt  }
0x41: {  	_ =	shalt  }
0x42: {  	_ =	shalt  }
0x43: {  	_ =	shalt  }
0x44: {  	_ =	shalt  }
0x45: {  	_ =	shalt  }
0x46: {  	_ =	shalt  }
0x47: {  	_ =	shalt  }
0x48: {  	_ =	shalt  }
0x49: {  	_ =	shalt  }
0x4a: {  	_ =	shalt  }
0x4b: {  	_ =	shalt  }
0x4c: {  	_ =	shalt  }
0x4d: {  	_ =	shalt  }
0x4e: {  	_ =	shalt  }
0x4f: {  	_ =	shalt  }
0x50: {  	_ =	shalt  }
0x51: {  	_ =	shalt  }
0x52: {  	_ =	shalt  }
0x53: {  	_ =	shalt  }
0x54: {  	_ =	shalt  }
0x55: {  	_ =	shalt  }
0x56: {  	_ =	shalt  }
0x57: {  	_ =	shalt  }
0x58: {  	_ =	shalt  }
0x59: {  	_ =	shalt  }
0x5a: {  	_ =	shalt  }
0x5b: {  	_ =	shalt  }
0x5c: {  	_ =	shalt  }
0x5d: {  	_ =	shalt  }
0x5e: {  	_ =	shalt  }
0x5f: {  	_ =	shalt  }
0x60: {  	_ =	shalt  }
0x61: {  	_ =	shalt  }
0x62: {  	_ =	shalt  }
0x63: {  	_ =	shalt  }
0x64: {  	_ =	shalt  }
0x65: {  	_ =	shalt  }
0x66: {  	_ =	shalt  }
0x67: {  	_ =	shalt  }
0x68: {  	_ =	shalt  }
0x69: {  	_ =	shalt  }
0x6a: {  	_ =	shalt  }
0x6b: {  	_ =	shalt  }
0x6c: {  	_ =	shalt  }
0x6d: {  	_ =	shalt  }
0x6e: {  	_ =	shalt  }
0x6f: {  	_ =	shalt  }
0x70: {  	_ =	shalt  }
0x71: {  	_ =	shalt  }
0x72: {  	_ =	shalt  }
0x73: {  	_ =	shalt  }
0x74: {  	_ =	shalt  }
0x75: {  	_ =	shalt  }
0x76: {  	_ =	shalt  }
0x77: {  	_ =	shalt  }
0x78: {  	_ =	shalt  }
0x79: {  	_ =	shalt  }
0x7a: {  	_ =	shalt  }
0x7b: {  	_ =	shalt  }
0x7c: {  	_ =	shalt  }
0x7d: {  	_ =	shalt  }
0x7e: {  	_ =	shalt  }
0x7f: {  	_ =	shalt  }
0x80: {  	_ =	shalt  }
0x81: {  	_ =	shalt  }
0x82: {  	_ =	shalt  }
0x83: {  	_ =	shalt  }
0x84: {  	_ =	shalt  }
0x85: {  	_ =	shalt  }
0x86: {  	_ =	shalt  }
0x87: {  	_ =	shalt  }
.Lfunc_end0:
.L_simem_size_0:
called_computation.3_lowered:
.L_overlay_start_0:
0x88: {  	s2 =	sld [smem:$0x3FD9]  }
0x89: {  	s3 =	sld [smem:$0x3FFE];
	_ =	sdelay $0x1  }
0x8a: {  	s1 =	srdreg.scid  }
0x8b: {  	s0 =	sand.u32 $0x1, s1  }
0x8c: {  	s16 =	sshll.u32 s0, $0xA;
	s2 =	sadd.s32 s3, s2  }
0x8d: {  	s2 =	sadd.s32 s2, s16  }
0x8e: {  	[smem:$0x3FA4] =	sst s2  }
0x8f: {  	_ = 	snop  }
0x90: {  	(tm) =	ssettm $0x1  }
0x91: {  	s17 =	sld [smem:$0x3FFB];
	_ =	sdelay $0x3  }
0x92: {  	_ =	strace s17  }
0x93: {  	s2 =	sld [smem:$0x3FFC];
	_ =	sdelay $0x3  }
0x94: {  	_ =	strace s2  }
0x95: {  	s2 =	sld [smem:$0x3FFD];
	_ =	sdelay $0x3  }
0x96: {  	_ =	strace s2  }
0x97: {  	_ =	strace $0x8FFFFFFF  }
0x98: {  	s18 =	sld [smem:$0x3FDB];
	_ =	sdelay $0x1  }
0x99: {  	s19 =	simm.s32 $_scs_section_size  }
0x9a: {  	s4 =	simm.s32 $_size__tile_overlayer_lowered;
	s5 =	simm.s32 $_tile_overlayer_lowered  }
0x9b: {  	s22 =	simm.s32 $0x1BFF;
	s21 =	sshll.u32 s5, $0x1;
	s2 =	sadd.s32 s19, s18  }
0x9c: {  	s6 =	simm.s32 $0x0;
	s20 =	sshll.u32 s4, $0x1;
	s4 =	sadd.s32 s21, s2  }
0x9d: {  	[timem:s6], [sflag:s22] =	dma.local [hbm:s4], s20  }
0x9e: {  	_ =	swait.ge [sflag:s22], s20  }
0x9f: {  	s3 =	ssub.s32 $0x0, s20;
	[sflag:s22] =	ssyncset.done $0x0  }
0xa0: {  	[sflag:s22] =	ssyncadd.s32 s3;
	_ =	sdelay $0x1  }
0xa1: {  	s23 =	simm.s32 $0x1B8B  }
0xa2: {  	_ =	swait.ge [sflag:s23], $0x1  }
0xa3: {  	[sflag:s23] =	ssyncset.done $0x0  }
0xa4: {  	s25 =	simm.s32 $0x1B8E;
	s24 =	sld [smem:$0x3FFE];
	[sflag:s23] =	ssyncadd.s32 $0xFFFFFFFF  }
0xa5: {  	s26 =	simm.s32 $execute0_lowered;
	[smem:$0x3FD2] =	sst s25  }
0xa6: {  	s4 =	sshll.u32 s26, $0x1;
	_ =	strace $0x8000004F;
	[dreg:$0x1] =	wrdreg $0xFFFFFFFF  }
0xa7: {  	s28 =	simm.s32 $_size_execute0_lowered;
	s2 =	sadd.s32 s2, s4;
	[dreg:$0x0] =	wrdreg $0x0  }
0xa8: {  	s4 =	sshll.u32 s28, $0x1;
	[dreg:$0x2] =	wrdreg s2  }
0xa9: {  	[dreg:$0x3] =	wrdreg s4  }
0xaa: {  	[dreg:$0x4] =	wrdreg $0xC0  }
0xab: {  	_ =	task [dreg:s6], $0x5FFFF  }
0xac: {  	[dreg:$0x1] =	wrdreg $0xFFFFFFFF  }
0xad: {  	[dreg:$0x0] =	wrdreg $0x60  }
0xae: {  	[dreg:$0x2] =	wrdreg s24  }
0xaf: {  	[dreg:$0x3] =	wrdreg $0x9  }
0xb0: {  	_ =	task.clear_ibuf [dreg:s6], $0x4FFFF;
	_ =	strace $0x9000004F  }
0xb1: {  	s29 =	simm.s32 $0x9;
	_ =	strace $0x80000051  }
0xb2: {  	_ =	swait.ge [sflag:s29], $0x1  }
0xb3: {  	[sflag:s29] =	ssyncadd.s32 $0xFFFFFFFF  }
0xb4: {  	_ =	strace $0x90000051  }
0xb5: {  	_ =	sfence  }
0xb6: {  	s30 =	sld [smem:$0x0];
	_ =	sdelay $0x2  }
0xb7: {  	s31 =	sshll.u32 s1, $0xD;
	s1 =	sshrl.u32 s1, $0x2  }
0xb8: {  	s3 =	sand.u32 $0x4000, s31;
	s1 =	sadd.s32 s1, s30  }
0xb9: {  	s0 =	sor.u32 s3, s0;
	s1 =	sshll.u32 s1, $0x11  }
0xba: {  	s0 =	sor.u32 s1, s0  }
0xbb: {  	s0 =	sadd.s32 $0x8F2B, s0  }
0xbc: {  	[sflag:s0] =	ssyncadd.remote.s32 $0x1  }
0xbd: {  	_ =	sfence.sel $0xFFFF  }
0xbe: {  	[dreg:$0x0] =	wrdreg $0xFFFFFFFF;
	(pc) =	sbr.abs _section_cstart, $3  }
0xbf: {  	[dreg:$0x1] =	wrdreg $0xFFFFFFFF  }
0xc0: {  	_ =	task.clear_ibuf [dreg:s6], $0x2FFFF;
	_ =	strace $0x9FFFFFFF  }
0xc1: {  	(tm) =	ssettm $0x7FFFFFFF  }
tec
execute0_lowered:
.L_overlay_start_1:
0x0: {  	(tag) =	ssettag $0x1  }
0x1: {  	s0 =	rddreg [dreg:$0x0]  }
0x2: {  	s1 =	simm.s32 $0x0;
	s29 =	srdreg.scid;
	s2 =	stileid.u32  }
0x3: {  	s10 =	simm.s32 $0x2;
	s11 =	simm.s32 $0x280;
	s12 =	simm.s32 $0x80  }
0x4: {  	s19 =	simm.s32 $0x200;
	s20 =	simm.s32 $0x8500;
	s21 =	simm.s32 $0x1  }
0x5: {  	s22 =	simm.s32 $0xA500;
	[smem:$0x7FF] =	sst s1;
	s1 =	sand.u32 $0x1, s29  }
0x6: {  	s3 =	sadd.s32 $0x2DE00, s0;
	s2 =	sshll.u32 s2, $0x1;
	s8 =	ssub.s32 $0x2, s1  }
0x7: {  	s4 =	sadd.s32 $0x7C200, s0;
	s5 =	sadd.s32 $0x88A00, s0;
	s30 =	sshrl.u32 s8, $0x1  }
0x8: {  	s7 =	sadd.s32 $0x41E00, s0;
	s1 =	sor.u32 s1, s2;
	s31 =	ssub.s32 s8, s30  }
0x9: {  	_ =	strace $0x80000050;
	s6 =	smul.u32 $0x14, s1;
	s0 =	smax.u32 s31, $0x1  }
0xa: {  	s8 =	smul.u32 $0x5000, s1;
	s1 =	simm.s32 $0x0;
	[dreg:$0x2] =	wrdreg s0  }
.LBB2_1:
0xb: {  	[dreg:$0x3] =	wrdreg s1;
	s24 =	simm.s32 $0x0  }
.LBB2_2:
0xc: {  	s0 =	sadd.s32 s6, s24  }
0xd: {  	s0 =	smul.u32 $0x50, s0;
	_ =	sdelay $0x1  }
0xe: {  	s25 =	simm.s32 $0x0;
	s1 =	sadd.s32 s4, s0  }
0xf: {  	[tilespmem:s25], [sflag:$0x2] =	stream.linear.gather [hbm4b:s1+s25], $0x280, $0x38;
	[tilespmem:$0xA900] =	vst v63  }
0x10: {  	_ =	swait.ge [sflag:s10], $0x280  }
0x11: {  	[sflag:s10] =	ssyncset.done $0x0  }
0x12: {  	s0 =	sadd.s32 s5, s0;
	[sflag:s10] =	ssyncadd.s32 $0xFFFFFD80  }
0x13: {  	[tilespmem:s11], [sflag:$0x2] =	stream.linear.gather [hbm4b:s0+s25], $0x280, $0x38;
	[tilespmem:$0xA900] =	vst v63  }
0x14: {  	_ =	swait.ge [sflag:s10], $0x280  }
0x15: {  	[sflag:s10] =	ssyncset.done $0x0  }
0x16: {  	s23 =	simm.s32 $0x500;
	[sflag:s10] =	ssyncadd.s32 $0xFFFFFD80  }
0x17: {  	[tilespmem:s23], [sflag:$0x1] =	stream.indirect.gather [hbm4b:s3+s12], $0x40, s25, s12, $0xb8;
	[tilespmem:$0xA900] =	vst v63  }
0x18: {  	s26 =	simm.s32 $0x2500  }
0x19: {  	[tilespmem:s26], [sflag:$0x1] =	stream.indirect.gather [hbm4b:s3+s12], $0x40, s12, s12, $0xb8;
	[tilespmem:$0xA900] =	vst v63  }
0x1a: {  	s28 =	simm.s32 $0x100;
	s29 =	simm.s32 $0x4500  }
0x1b: {  	[tilespmem:s29], [sflag:$0x1] =	stream.indirect.gather [hbm4b:s3+s12], $0x40, s28, s12, $0xb8;
	[tilespmem:$0xA900] =	vst v63  }
0x1c: {  	s30 =	simm.s32 $0x180;
	s31 =	simm.s32 $0x6500  }
0x1d: {  	[tilespmem:s31], [sflag:$0x1] =	stream.indirect.gather [hbm4b:s3+s12], $0x40, s30, s12, $0xb8;
	[tilespmem:$0xA900] =	vst v63  }
0x1e: {  	_ = 	snop  }
0x1f: {  	[tilespmem:s20], [sflag:$0x1] =	stream.indirect.gather [hbm4b:s3+s12], $0x40, s19, s12, $0xb8;
	[tilespmem:$0xA900] =	vst v63  }
0x20: {  	_ =	swait.ge [sflag:s21], $0x2000  }
0x21: {  	[sflag:s21] =	ssyncset.done $0x0  }
0x22: {  	[sflag:s21] =	ssyncadd.s32 $0xFFFFE000  }
0x23: {  	_ =	swait.ge [sflag:s21], $0x2000  }
0x24: {  	[sflag:s21] =	ssyncset.done $0x0  }
0x25: {  	[sflag:s21] =	ssyncadd.s32 $0xFFFFE000  }
0x26: {  	_ =	swait.ge [sflag:s21], $0x2000  }
0x27: {  	[sflag:s21] =	ssyncset.done $0x0  }
0x28: {  	[sflag:s21] =	ssyncadd.s32 $0xFFFFE000  }
0x29: {  	_ =	swait.ge [sflag:s21], $0x2000  }
0x2a: {  	[sflag:s21] =	ssyncset.done $0x0  }
0x2b: {  	[sflag:s21] =	ssyncadd.s32 $0xFFFFE000  }
0x2c: {  	_ =	swait.ge [sflag:s21], $0x2000  }
0x2d: {  	[sflag:s21] =	ssyncset.done $0x0  }
0x2e: {  	[sflag:s21] =	ssyncadd.s32 $0xFFFFE000  }
.LBB2_3:
0x2f: {  	s0 =	sor.u32 $0x10, s25  }
0x30: {  	v1 =	vmov s0;
	s0 =	sshll.u32 s0, $0x6  }
0x31: {  	s0 =	sand.u32 $0x3FFFFFC0, s0  }
0x32: {  	v29 =	vld [tilespmem:s0+$0x500]  }
0x33: {  	s1 =	sor.u32 $0x20, s25;
	v35 =	vld [tilespmem:s0+$0x510]  }
0x34: {  	s15 =	sshll.u32 s1, $0x6;
	v39 =	vld [tilespmem:s0+$0x520]  }
0x35: {  	v56 =	vld [tilespmem:s0+$0x530];
	s0 =	sand.u32 $0x3FFFFFC0, s15  }
0x36: {  	v40 =	vld [tilespmem:s0+$0x500]  }
0x37: {  	s16 =	sor.u32 $0x30, s25;
	v41 =	vld [tilespmem:s0+$0x510]  }
0x38: {  	s17 =	sshll.u32 s16, $0x6;
	v57 =	vld [tilespmem:s0+$0x520]  }
0x39: {  	v26 =	vmov s1;
	v60 =	vld [tilespmem:s0+$0x530];
	s0 =	sand.u32 $0x3FFFFFC0, s17  }
0x3a: {  	v37 =	vmov s16;
	v44 =	vld [tilespmem:s0+$0x500]  }
0x3b: {  	v45 =	vld [tilespmem:s0+$0x510]  }
0x3c: {  	v53 =	vld [tilespmem:s0+$0x520]  }
0x3d: {  	s18 =	sor.u32 $0x40, s25;
	v52 =	vld [tilespmem:s0+$0x530]  }
0x3e: {  	s26 =	sor.u32 $0x50, s25;
	s23 =	sshll.u32 s18, $0x6;
	v54 =	vld.idx.msk [tilespmem:v26+s11+$0x0], $0xffff  }
0x3f: {  	s29 =	sor.u32 $0x60, s25;
	v49 =	vmov s26;
	s0 =	sand.u32 $0x3FFFFFC0, s23;
	v51 =	vld.idx.msk [tilespmem:v37+s11+$0x0], $0xffff  }
0x40: {  	s31 =	sor.u32 $0x70, s25;
	v59 =	vmov s29;
	v47 =	vld [tilespmem:s0+$0x500]  }
0x41: {  	s2 =	sor.u32 $0x80, s25;
	v5 =	vmov s31;
	v58 =	vld [tilespmem:s0+$0x510]  }
0x42: {  	v10 =	vmov s2;
	v50 =	vld [tilespmem:s0+$0x520]  }
0x43: {  	v55 =	vld [tilespmem:s0+$0x530]  }
0x44: {  	v25 =	vld.idx.msk [tilespmem:v49+s11+$0x0], $0xffff  }
0x45: {  	v21 =	vld.idx.msk [tilespmem:v59+s11+$0x0], $0xffff  }
0x46: {  	v38 =	vmov s18;
	s28 =	sshll.u32 s26, $0x6;
	s18 =	sor.u32 $0xF0, s25;
	v18 =	vld.idx.msk [tilespmem:v5+s11+$0x0], $0xffff  }
0x47: {  	v33 =	vmov s18;
	s0 =	sand.u32 $0x3FFFFFC0, s28;
	v17 =	vld.idx.msk [tilespmem:v10+s11+$0x0], $0xffff  }
0x48: {  	v62 =	vld [tilespmem:s0+$0x500]  }
0x49: {  	v63 =	vld [tilespmem:s0+$0x510]  }
0x4a: {  	v61 =	vld [tilespmem:s0+$0x520]  }
0x4b: {  	s30 =	sshll.u32 s29, $0x6;
	v4 =	vld [tilespmem:s0+$0x530]  }
0x4c: {  	s0 =	sand.u32 $0x3FFFFFC0, s30;
	v10 =	vld.idx.msk [tilespmem:v33+s11+$0x0], $0xffff  }
0x4d: {  	v6 =	vld [tilespmem:s0+$0x500]  }
0x4e: {  	v7 =	vld [tilespmem:s0+$0x510]  }
0x4f: {  	s1 =	sshll.u32 s31, $0x6;
	v8 =	vld [tilespmem:s0+$0x520]  }
0x50: {  	v9 =	vld [tilespmem:s0+$0x530];
	s0 =	sand.u32 $0x3FFFFFC0, s1  }
0x51: {  	v11 =	vld [tilespmem:s0+$0x500]  }
0x52: {  	v12 =	vld [tilespmem:s0+$0x510]  }
0x53: {  	s9 =	sshll.u32 s2, $0x6;
	v13 =	vld [tilespmem:s0+$0x520]  }
0x54: {  	v14 =	vld [tilespmem:s0+$0x530];
	s0 =	sand.u32 $0x3FFFFFC0, s9  }
0x55: {  	v16 =	vld [tilespmem:s0+$0x500]  }
0x56: {  	s13 =	sor.u32 $0x90, s25;
	v19 =	vld [tilespmem:s0+$0x510]  }
0x57: {  	s14 =	sshll.u32 s13, $0x6;
	v20 =	vld [tilespmem:s0+$0x520]  }
0x58: {  	v15 =	vmov s13;
	s13 =	sor.u32 $0x100, s25;
	v22 =	vld [tilespmem:s0+$0x530];
	s0 =	sand.u32 $0x3FFFFFC0, s14  }
0x59: {  	s2 =	sor.u32 $0x110, s25;
	v34 =	vmov s13;
	v24 =	vld [tilespmem:s0+$0x500]  }
0x5a: {  	v36 =	vmov s2;
	s15 =	sor.u32 $0xA0, s25;
	s23 =	sor.u32 $0x120, s25;
	v26 =	vld [tilespmem:s0+$0x510]  }
0x5b: {  	s16 =	sshll.u32 s15, $0x6;
	v37 =	vmov s23;
	v27 =	vld [tilespmem:s0+$0x520]  }
0x5c: {  	s16 =	sand.u32 $0x3FFFFFC0, s16;
	v2 =	vld [tilespmem:s0+$0x530]  }
0x5d: {  	[tilespmem:$0x1FE10] =	vst v4;
	v4 =	vld [tilespmem:s16+$0x510]  }
0x5e: {  	s14 =	sor.u32 $0xC0, s25;
	[tilespmem:$0x1FE50] =	vst v9;
	v9 =	vld.idx.msk [tilespmem:v34+s11+$0x0], $0xffff  }
0x5f: {  	s26 =	sor.u32 $0xB0, s25;
	v30 =	vmov s14;
	s14 =	sshll.u32 s14, $0x6;
	[tilespmem:$0x1FE40] =	vst v8;
	v8 =	vld.idx.msk [tilespmem:v36+s11+$0x0], $0xffff  }
0x60: {  	v28 =	vmov s26;
	v23 =	vmov s15;
	s15 =	sor.u32 $0xD0, s25;
	s14 =	sand.u32 $0x3FFFFFC0, s14;
	[tilespmem:$0x1FE30] =	vst v7;
	v7 =	vld.idx.msk [tilespmem:v37+s11+$0x0], $0xffff  }
0x61: {  	s17 =	sor.u32 $0xE0, s25;
	v31 =	vmov s15;
	v33 =	vld [tilespmem:s14+$0x500]  }
0x62: {  	v32 =	vmov s17;
	s15 =	sshll.u32 s15, $0x6;
	s1 =	sor.u32 $0x140, s25;
	v36 =	vld [tilespmem:s14+$0x520]  }
0x63: {  	s15 =	sand.u32 $0x3FFFFFC0, s15;
	v46 =	vmov s1;
	v34 =	vld [tilespmem:s14+$0x530]  }
0x64: {  	v37 =	vld [tilespmem:s15+$0x500]  }
0x65: {  	[tilespmem:$0x1FE90] =	vst v14;
	v14 =	vld.idx.msk [tilespmem:v28+s11+$0x0], $0xffff  }
0x66: {  	[tilespmem:$0x1FE70] =	vst v12;
	v12 =	vld.idx.msk [tilespmem:v31+s11+$0x0], $0xffff  }
0x67: {  	s26 =	sshll.u32 s26, $0x6;
	s9 =	sor.u32 $0x130, s25;
	[tilespmem:$0x1FE60] =	vst v11;
	v11 =	vld.idx.msk [tilespmem:v32+s11+$0x0], $0xffff  }
0x68: {  	s26 =	sand.u32 $0x3FFFFFC0, s26;
	v43 =	vmov s9;
	v5 =	vld.idx.msk [tilespmem:v46+s11+$0x0], $0xffff  }
0x69: {  	v28 =	vld [tilespmem:s26+$0x510]  }
0x6a: {  	v31 =	vld [tilespmem:s26+$0x530]  }
0x6b: {  	v32 =	vld [tilespmem:s14+$0x510]  }
0x6c: {  	v46 =	vld [tilespmem:s15+$0x520]  }
0x6d: {  	s17 =	sshll.u32 s17, $0x6;
	s0 =	sor.u32 $0x150, s25;
	[tilespmem:$0x1FE20] =	vst v6;
	v6 =	vld.idx.msk [tilespmem:v43+s11+$0x0], $0xffff  }
0x6e: {  	v49 =	vmov s0;
	s14 =	sand.u32 $0x3FFFFFC0, s17;
	v43 =	vld [tilespmem:s15+$0x510]  }
0x6f: {  	v59 =	vld [tilespmem:s14+$0x530]  }
0x70: {  	[tilespmem:$0x1FE80] =	vst v13;
	v13 =	vld.idx.msk [tilespmem:v30+s11+$0x0], $0xffff  }
0x71: {  	[tilespmem:$0x1FF00] =	vst v27;
	v27 =	vld [tilespmem:s26+$0x500]  }
0x72: {  	v30 =	vld [tilespmem:s26+$0x520]  }
0x73: {  	s26 =	sshll.u32 s18, $0x6;
	[tilespmem:$0x1FF30] =	vst v4;
	v4 =	vld.idx.msk [tilespmem:v49+s11+$0x0], $0xffff  }
0x74: {  	v49 =	vld [tilespmem:s15+$0x530];
	s15 =	sand.u32 $0x3FFFFFC0, s26  }
0x75: {  	[tilespmem:$0x1FF40] =	vst v59;
	v59 =	vld [tilespmem:s15+$0x500];
	_ =	sdelay $0x4  }
0x76: {  	[tilespmem:$0x1FF50] =	vst v59;
	v59 =	vld [tilespmem:s15+$0x510];
	_ =	sdelay $0x4  }
0x77: {  	[tilespmem:$0x1FF60] =	vst v59;
	v59 =	vld [tilespmem:s15+$0x520];
	_ =	sdelay $0x4  }
0x78: {  	[tilespmem:$0x1FF70] =	vst v59;
	v59 =	vld [tilespmem:s15+$0x530]  }
0x79: {  	v0 =	vmov s25;
	_ =	sdelay $0x1  }
0x7a: {  	s13 =	sshll.u32 s13, $0x6  }
0x7b: {  	s13 =	sand.u32 $0x3FFFFFC0, s13  }
0x7c: {  	[tilespmem:$0x1FF80] =	vst v59;
	v59 =	vld [tilespmem:s13+$0x500]  }
0x7d: {  	v42 =	vld.idx.msk [tilespmem:v0+s11+$0x0], $0xffff  }
0x7e: {  	v48 =	vld.idx.msk [tilespmem:v1+s11+$0x0], $0xffff  }
0x7f: {  	v3 =	vld [tilespmem:s16+$0x500]  }
0x80: {  	v38 =	vld.idx.msk [tilespmem:v38+s11+$0x0], $0xffff  }
0x81: {  	[tilespmem:$0x1FF90] =	vst v59;
	v59 =	vld [tilespmem:s13+$0x510]  }
0x82: {  	v15 =	vld.idx.msk [tilespmem:v15+s11+$0x0], $0xffff;
	s26 =	sshll.u32 s25, $0x6  }
0x83: {  	[tilespmem:$0x1FDE0] =	vst v50;
	v0 =	vld [tilespmem:s26+$0x500]  }
0x84: {  	s31 =	sor.u32 $0x160, s25;
	[tilespmem:$0x1FF20] =	vst v3;
	v3 =	vld [tilespmem:s26+$0x510]  }
0x85: {  	v50 =	vmov s31;
	[tilespmem:$0x1FF10] =	vst v2;
	v2 =	vld [tilespmem:s26+$0x520]  }
0x86: {  	[tilespmem:$0x1FFA0] =	vst v59;
	v59 =	vld [tilespmem:s13+$0x520]  }
0x87: {  	s30 =	sor.u32 $0x170, s25;
	[tilespmem:$0x1FDF0] =	vst v55;
	v1 =	vld [tilespmem:s26+$0x530]  }
0x88: {  	v55 =	vmov s30;
	[tilespmem:$0x1FEA0] =	vst v16;
	v16 =	vld.idx.msk [tilespmem:v23+s11+$0x0], $0xffff  }
0x89: {  	[tilespmem:$0x1FE00] =	vst v61;
	v61 =	vld [tilespmem:s14+$0x510]  }
0x8a: {  	s2 =	sshll.u32 s2, $0x6;
	[tilespmem:$0x1FED0] =	vst v22;
	v22 =	vld.idx.msk [tilespmem:v50+s11+$0x0], $0xffff  }
0x8b: {  	s2 =	sand.u32 $0x3FFFFFC0, s2;
	v0 =	vmul.f32 v0, v42;
	v3 =	vmul.f32 v3, v42;
	[tilespmem:$0x1FFB0] =	vst v59;
	v59 =	vld [tilespmem:s13+$0x530]  }
0x8c: {  	[tilespmem:$0x1FEB0] =	vst v19;
	v2 =	vmul.f32 v2, v42;
	v1 =	vmul.f32 v1, v42;
	v42 =	vld [tilespmem:s2+$0x510]  }
0x8d: {  	[tilespmem:$0x1FEC0] =	vst v20;
	v23 =	vld.idx.msk [tilespmem:v55+s11+$0x0], $0xffff  }
0x8e: {  	s29 =	sor.u32 $0x180, s25;
	[tilespmem:$0x1FEF0] =	vst v26;
	v26 =	vld [tilespmem:s16+$0x520]  }
0x8f: {  	s28 =	sor.u32 $0x190, s25;
	v19 =	vmov s29;
	[tilespmem:$0x1FEE0] =	vst v24;
	v24 =	vld [tilespmem:s16+$0x530]  }
0x90: {  	v20 =	vmov s28;
	[tilespmem:$0x1FFC0] =	vst v59;
	v59 =	vld [tilespmem:s2+$0x500]  }
0x91: {  	[tilespmem:$0x1FFE0] =	vst v42;
	v42 =	vld [tilespmem:s2+$0x520]  }
0x92: {  	v50 =	vld [tilespmem:s14+$0x500]  }
0x93: {  	v55 =	vld [tilespmem:s14+$0x520];
	v0 =	vadd.f32 $0.0e+00, v0  }
0x94: {  	v29 =	vmul.f32 v29, v48;
	v19 =	vld.idx.msk [tilespmem:v19+s11+$0x0], $0xffff;
	v3 =	vadd.f32 $0.0e+00, v3;
	v2 =	vadd.f32 $0.0e+00, v2  }
0x95: {  	v20 =	vld.idx.msk [tilespmem:v20+s11+$0x0], $0xffff;
	v1 =	vadd.f32 $0.0e+00, v1;
	s15 =	sshll.u32 s9, $0x6;
	[tilespmem:$0x1FFD0] =	vst v59;
	v59 =	vmul.f32 v35, v48;
	v35 =	vmul.f32 v39, v48  }
0x96: {  	s14 =	sshll.u32 s23, $0x6;
	v0 =	vadd.f32 v29, v0;
	v29 =	vmul.f32 v40, v54;
	[tilespmem:$0x1FFF0] =	vst v42;
	v42 =	vld [tilespmem:s2+$0x530];
	s2 =	sand.u32 $0x3FFFFFC0, s15;
	v48 =	vmul.f32 v56, v48  }
0x97: {  	v40 =	vmul.f32 v41, v54;
	s13 =	sand.u32 $0x3FFFFFC0, s14;
	v41 =	vld [tilespmem:s2+$0x510];
	v3 =	vadd.f32 v59, v3;
	v2 =	vadd.f32 v35, v2  }
0x98: {  	v56 =	vld [tilespmem:s13+$0x500];
	v1 =	vadd.f32 v48, v1;
	v48 =	vmul.f32 v57, v54;
	v59 =	vmul.f32 v60, v54  }
0x99: {  	v57 =	vld [tilespmem:s13+$0x510];
	v35 =	vmul.f32 v44, v51;
	v44 =	vmul.f32 v45, v51;
	v3 =	vadd.f32 v40, v3  }
0x9a: {  	v45 =	vmul.f32 v53, v51;
	v1 =	vadd.f32 v59, v1;
	v59 =	vmul.f32 v52, v51;
	v52 =	vld [tilespmem:$0x1FDF0]  }
0x9b: {  	v2 =	vadd.f32 v48, v2;
	v3 =	vadd.f32 v44, v3;
	v44 =	vmul.f32 v47, v38;
	v47 =	vld [tilespmem:$0x1FDE0]  }
0x9c: {  	v54 =	vld [tilespmem:s13+$0x520]  }
0x9d: {  	v60 =	vld [tilespmem:s13+$0x530];
	v2 =	vadd.f32 v45, v2;
	v45 =	vmul.f32 v58, v38  }
0x9e: {  	v0 =	vadd.f32 v29, v0;
	v51 =	vld [tilespmem:s2+$0x500]  }
0x9f: {  	v53 =	vmul.f32 v62, v25;
	v62 =	vmul.f32 v63, v25;
	v3 =	vadd.f32 v45, v3;
	v45 =	vld [tilespmem:$0x1FE10]  }
0xa0: {  	v0 =	vadd.f32 v35, v0;
	v35 =	vmul.f32 v47, v38;
	v38 =	vmul.f32 v52, v38;
	v52 =	vld [tilespmem:$0x1FE30]  }
0xa1: {  	v29 =	vadd.f32 v62, v3;
	v62 =	vld [tilespmem:$0x1FE50]  }
0xa2: {  	v40 =	vld [tilespmem:$0x1FE00];
	v1 =	vadd.f32 v59, v1;
	v0 =	vadd.f32 v44, v0  }
0xa3: {  	v47 =	vld [tilespmem:$0x1FE20]  }
0xa4: {  	v0 =	vadd.f32 v53, v0;
	v53 =	vld [tilespmem:$0x1FE40];
	v63 =	vadd.f32 v38, v1;
	v3 =	vmul.f32 v45, v25  }
0xa5: {  	v39 =	vmul.f32 v52, v21;
	v52 =	vld [tilespmem:$0x1FE60]  }
0xa6: {  	v2 =	vadd.f32 v35, v2;
	v35 =	vadd.f32 v3, v63;
	v63 =	vmul.f32 v62, v21;
	v62 =	vld [tilespmem:$0x1FE70]  }
0xa7: {  	s1 =	sshll.u32 s1, $0x6;
	v48 =	vld [tilespmem:s2+$0x520]  }
0xa8: {  	s1 =	sand.u32 $0x3FFFFFC0, s1;
	v58 =	vld [tilespmem:s2+$0x530];
	v38 =	vmul.f32 v47, v21  }
0xa9: {  	v59 =	vld [tilespmem:s1+$0x500];
	v44 =	vmul.f32 v40, v25  }
0xaa: {  	v1 =	vld [tilespmem:s1+$0x510];
	v40 =	vmul.f32 v53, v21;
	v0 =	vadd.f32 v38, v0;
	v53 =	vmul.f32 v52, v18  }
0xab: {  	v35 =	vadd.f32 v63, v35;
	v63 =	vmul.f32 v62, v18;
	v62 =	vld [tilespmem:$0x1FEB0]  }
0xac: {  	v0 =	vadd.f32 v53, v0;
	v53 =	vld [tilespmem:$0x1FEA0]  }
0xad: {  	v25 =	vld [tilespmem:s1+$0x520]  }
0xae: {  	v47 =	vld [tilespmem:$0x1FE80];
	v29 =	vadd.f32 v39, v29  }
0xaf: {  	v2 =	vadd.f32 v44, v2;
	v52 =	vld [tilespmem:$0x1FE90]  }
0xb0: {  	v29 =	vadd.f32 v63, v29;
	v63 =	vmul.f32 v62, v17;
	v62 =	vld [tilespmem:$0x1FED0]  }
0xb1: {  	s0 =	sshll.u32 s0, $0x6;
	v2 =	vadd.f32 v40, v2;
	v40 =	vmul.f32 v53, v17;
	v53 =	vld [tilespmem:$0x1FEC0]  }
0xb2: {  	s0 =	sand.u32 $0x3FFFFFC0, s0;
	v45 =	vld [tilespmem:s1+$0x530]  }
0xb3: {  	v3 =	vld [tilespmem:s0+$0x500]  }
0xb4: {  	v21 =	vld [tilespmem:s0+$0x510];
	v44 =	vmul.f32 v47, v18;
	v47 =	vmul.f32 v52, v18  }
0xb5: {  	v29 =	vadd.f32 v63, v29;
	v63 =	vmul.f32 v62, v17;
	v62 =	vld [tilespmem:$0x1FEF0]  }
0xb6: {  	v2 =	vadd.f32 v44, v2;
	v44 =	vadd.f32 v47, v35;
	v47 =	vmul.f32 v53, v17;
	v53 =	vld [tilespmem:$0x1FEE0]  }
0xb7: {  	s16 =	sshll.u32 s31, $0x6;
	v39 =	vld [tilespmem:s0+$0x520]  }
0xb8: {  	s1 =	sand.u32 $0x3FFFFFC0, s16;
	v38 =	vld [tilespmem:s0+$0x530]  }
0xb9: {  	v18 =	vld [tilespmem:s1+$0x500]  }
0xba: {  	v44 =	vadd.f32 v63, v44;
	v63 =	vld [tilespmem:$0x1FF00]  }
0xbb: {  	v35 =	vld [tilespmem:s1+$0x510];
	v2 =	vadd.f32 v47, v2;
	v47 =	vmul.f32 v53, v15;
	v53 =	vmul.f32 v62, v15  }
0xbc: {  	v62 =	vld [tilespmem:$0x1FF10]  }
0xbd: {  	v29 =	vadd.f32 v53, v29;
	v53 =	vld [tilespmem:$0x1FF20]  }
0xbe: {  	v0 =	vadd.f32 v40, v0;
	v40 =	vld [tilespmem:s1+$0x530]  }
0xbf: {  	s17 =	sshll.u32 s30, $0x6;
	v52 =	vmul.f32 v63, v15;
	v63 =	vld [tilespmem:$0x1FF30]  }
0xc0: {  	s0 =	sand.u32 $0x3FFFFFC0, s17;
	v17 =	vld [tilespmem:s1+$0x520]  }
0xc1: {  	v2 =	vadd.f32 v52, v2;
	v52 =	vld [tilespmem:s0+$0x520];
	v62 =	vmul.f32 v62, v15  }
0xc2: {  	v0 =	vadd.f32 v47, v0;
	v47 =	vld [tilespmem:s0+$0x510];
	v53 =	vmul.f32 v53, v16  }
0xc3: {  	s18 =	sshll.u32 s29, $0x6;
	v26 =	vmul.f32 v26, v16;
	v15 =	vld [tilespmem:s0+$0x500];
	v44 =	vadd.f32 v62, v44  }
0xc4: {  	s1 =	sand.u32 $0x3FFFFFC0, s18;
	v62 =	vmul.f32 v63, v16;
	v16 =	vmul.f32 v24, v16;
	v63 =	vadd.f32 v53, v0;
	v53 =	vld [tilespmem:s0+$0x530]  }
0xc5: {  	v27 =	vmul.f32 v27, v14;
	v2 =	vadd.f32 v26, v2;
	v0 =	vld [tilespmem:s1+$0x500]  }
0xc6: {  	v28 =	vmul.f32 v28, v14;
	v24 =	vadd.f32 v62, v29;
	v26 =	vadd.f32 v16, v44;
	v16 =	vld [tilespmem:s1+$0x510]  }
0xc7: {  	s23 =	sshll.u32 s28, $0x6;
	v62 =	vmul.f32 v30, v14;
	v27 =	vadd.f32 v27, v63;
	v63 =	vmul.f32 v31, v14;
	v14 =	vld [tilespmem:s1+$0x520]  }
0xc8: {  	s30 =	sor.u32 $0x1B0, s25;
	s0 =	sand.u32 $0x3FFFFFC0, s23;
	v28 =	vadd.f32 v28, v24;
	v24 =	vld [tilespmem:s1+$0x530]  }
0xc9: {  	s31 =	sshll.u32 s30, $0x6;
	v29 =	vadd.f32 v62, v2;
	v2 =	vld [tilespmem:s0+$0x510]  }
0xca: {  	s28 =	sor.u32 $0x1A0, s25;
	v37 =	vmul.f32 v37, v12;
	v46 =	vmul.f32 v46, v12;
	v31 =	vld [tilespmem:s0+$0x520];
	s1 =	sand.u32 $0x3FFFFFC0, s31  }
0xcb: {  	s29 =	sshll.u32 s28, $0x6;
	v44 =	vmul.f32 v33, v13;
	v62 =	vmul.f32 v32, v13;
	v32 =	vld [tilespmem:s1+$0x500]  }
0xcc: {  	s2 =	sand.u32 $0x3FFFFFC0, s29;
	v26 =	vadd.f32 v63, v26;
	v63 =	vmul.f32 v36, v13;
	v36 =	vmul.f32 v34, v13;
	v13 =	vld [tilespmem:s0+$0x500]  }
0xcd: {  	v49 =	vmul.f32 v49, v12;
	v27 =	vadd.f32 v44, v27;
	v44 =	vmul.f32 v43, v12;
	v12 =	vld [tilespmem:s2+$0x500]  }
0xce: {  	v28 =	vadd.f32 v62, v28;
	v62 =	vmul.f32 v50, v11;
	v50 =	vld [tilespmem:$0x1FF40];
	v29 =	vadd.f32 v63, v29  }
0xcf: {  	v30 =	vadd.f32 v36, v26;
	v33 =	vadd.f32 v37, v27;
	v26 =	vld [tilespmem:s0+$0x530]  }
0xd0: {  	v28 =	vadd.f32 v44, v28;
	v29 =	vadd.f32 v46, v29;
	v46 =	vmul.f32 v55, v11;
	v55 =	vld [tilespmem:$0x1FF50]  }
0xd1: {  	v63 =	vmul.f32 v61, v11;
	v30 =	vadd.f32 v49, v30;
	v49 =	vadd.f32 v62, v33;
	v62 =	vld [tilespmem:$0x1FF60]  }
0xd2: {  	v27 =	vld [tilespmem:s2+$0x510]  }
0xd3: {  	v34 =	vmov s28;
	v36 =	vadd.f32 v63, v28;
	v28 =	vld [tilespmem:s2+$0x530]  }
0xd4: {  	v33 =	vmul.f32 v50, v11;
	v50 =	vld [tilespmem:$0x1FF80]  }
0xd5: {  	v61 =	vmul.f32 v55, v10;
	v55 =	vld [tilespmem:$0x1FF90]  }
0xd6: {  	v63 =	vmul.f32 v62, v10;
	v62 =	vld [tilespmem:$0x1FFA0]  }
0xd7: {  	v43 =	vadd.f32 v61, v49;
	v49 =	vld [tilespmem:$0x1FF70]  }
0xd8: {  	v37 =	vadd.f32 v46, v29;
	v29 =	vld.idx.msk [tilespmem:v34+s11+$0x0], $0xffff;
	v34 =	vmov s30  }
0xd9: {  	v46 =	vmul.f32 v50, v10;
	v50 =	vld [tilespmem:$0x1FFB0]  }
0xda: {  	v11 =	vld [tilespmem:s2+$0x520];
	v61 =	vmul.f32 v55, v9  }
0xdb: {  	v30 =	vadd.f32 v33, v30;
	v33 =	vadd.f32 v63, v36;
	v63 =	vmul.f32 v62, v9;
	v62 =	vld [tilespmem:$0x1FFD0]  }
0xdc: {  	v44 =	vmul.f32 v49, v10;
	v36 =	vadd.f32 v61, v43;
	v61 =	vld [tilespmem:$0x1FFC0]  }
0xdd: {  	v34 =	vld.idx.msk [tilespmem:v34+s11+$0x0], $0xffff  }
0xde: {  	v55 =	vmul.f32 v50, v9;
	v10 =	vld [tilespmem:s1+$0x510];
	v37 =	vadd.f32 v44, v37  }
0xdf: {  	s9 =	sor.u32 $0x1C0, s25;
	v41 =	vmul.f32 v41, v6;
	v44 =	vadd.f32 v46, v30;
	v30 =	vld [tilespmem:s1+$0x520]  }
0xe0: {  	s13 =	sshll.u32 s9, $0x6;
	v33 =	vadd.f32 v63, v33;
	v63 =	vmul.f32 v62, v8;
	v46 =	vadd.f32 v55, v37;
	v55 =	vld [tilespmem:$0x1FFE0]  }
0xe1: {  	s14 =	sand.u32 $0x3FFFFFC0, s13;
	v56 =	vmul.f32 v56, v7;
	v43 =	vmul.f32 v61, v9;
	v61 =	vld [tilespmem:$0x1FFF0]  }
0xe2: {  	v54 =	vmul.f32 v54, v7;
	v51 =	vmul.f32 v51, v6;
	v37 =	vld [tilespmem:s14+$0x500];
	v36 =	vadd.f32 v63, v36  }
0xe3: {  	s15 =	sor.u32 $0x1D0, s25;
	s17 =	sor.u32 $0x1E0, s25;
	v50 =	vmov s9;
	v9 =	vld [tilespmem:s1+$0x530];
	v63 =	vmul.f32 v42, v8;
	v43 =	vadd.f32 v43, v44  }
0xe4: {  	v48 =	vmul.f32 v48, v6;
	s16 =	sshll.u32 s15, $0x6;
	v42 =	vld [tilespmem:s14+$0x520];
	v36 =	vadd.f32 v56, v36;
	v56 =	vmov s17  }
0xe5: {  	v6 =	vmul.f32 v58, v6;
	s0 =	sand.u32 $0x3FFFFFC0, s16;
	v44 =	vmul.f32 v55, v8;
	v49 =	vadd.f32 v63, v43;
	v43 =	vld [tilespmem:s14+$0x530]  }
0xe6: {  	s23 =	sor.u32 $0x1F0, s25;
	v36 =	vadd.f32 v51, v36;
	v55 =	vmul.f32 v59, v5;
	v51 =	vld [tilespmem:s0+$0x520];
	v62 =	vmul.f32 v61, v8  }
0xe7: {  	v3 =	vmul.f32 v3, v4;
	v58 =	vmul.f32 v35, v22;
	v59 =	vmov s23;
	v8 =	vld [tilespmem:s14+$0x510]  }
0xe8: {  	v63 =	vmov s15;
	v36 =	vadd.f32 v55, v36;
	v61 =	vadd.f32 v62, v46;
	v46 =	vld.idx.msk [tilespmem:v50+s11+$0x0], $0xffff  }
0xe9: {  	v33 =	vadd.f32 v44, v33;
	v62 =	vmul.f32 v57, v7;
	v7 =	vmul.f32 v60, v7;
	v35 =	vld.idx.msk [tilespmem:v56+s11+$0x0], $0xffff  }
0xea: {  	v18 =	vmul.f32 v18, v22;
	v3 =	vadd.f32 v3, v36;
	v44 =	vadd.f32 v54, v61;
	v54 =	vld [tilespmem:s0+$0x500]  }
0xeb: {  	v33 =	vadd.f32 v62, v33;
	v7 =	vadd.f32 v7, v49;
	v49 =	vld [tilespmem:s0+$0x510]  }
0xec: {  	v1 =	vmul.f32 v1, v5;
	v3 =	vadd.f32 v18, v3;
	v18 =	vld.idx.msk [tilespmem:v59+s11+$0x0], $0xffff  }
0xed: {  	v25 =	vmul.f32 v25, v5;
	s18 =	sshll.u32 s17, $0x6;
	v33 =	vadd.f32 v41, v33;
	v6 =	vadd.f32 v6, v7;
	v7 =	vld [tilespmem:s0+$0x530]  }
0xee: {  	v21 =	vmul.f32 v21, v4;
	v39 =	vmul.f32 v39, v4;
	v44 =	vadd.f32 v48, v44;
	v41 =	vld.idx.msk [tilespmem:v63+s11+$0x0], $0xffff;
	s0 =	sand.u32 $0x3FFFFFC0, s18  }
0xef: {  	v4 =	vmul.f32 v38, v4;
	v5 =	vmul.f32 v45, v5;
	v1 =	vadd.f32 v1, v33;
	v33 =	vld [tilespmem:s0+$0x500]  }
0xf0: {  	v17 =	vmul.f32 v17, v22;
	v0 =	vmul.f32 v0, v19;
	v25 =	vadd.f32 v25, v44;
	v44 =	vld [tilespmem:s0+$0x510]  }
0xf1: {  	s28 =	sshll.u32 s23, $0x6;
	v14 =	vmul.f32 v14, v19;
	v2 =	vmul.f32 v2, v20;
	v5 =	vadd.f32 v5, v6;
	v6 =	vld [tilespmem:s0+$0x520]  }
0xf2: {  	v13 =	vmul.f32 v13, v20;
	v61 =	vmul.f32 v15, v23;
	v57 =	vadd.f32 v39, v25;
	v25 =	vld [tilespmem:s0+$0x530];
	s0 =	sand.u32 $0x3FFFFFC0, s28  }
0xf3: {  	v45 =	vmul.f32 v16, v19;
	v60 =	vmul.f32 v40, v22;
	v22 =	vld [tilespmem:s0+$0x500]  }
0xf4: {  	s29 =	sor.u32 $0x200, s25;
	s31 =	sor.u32 $0x210, s25;
	v55 =	vmul.f32 v12, v29;
	v50 =	vmul.f32 v31, v20;
	v3 =	vadd.f32 v61, v3;
	v38 =	vld [tilespmem:s0+$0x510]  }
0xf5: {  	s30 =	sshll.u32 s29, $0x6;
	v1 =	vadd.f32 v21, v1;
	v39 =	vmul.f32 v53, v23;
	v53 =	vmov s31;
	v21 =	vld [tilespmem:s0+$0x520]  }
0xf6: {  	v40 =	vmov s29;
	v56 =	vmul.f32 v27, v29;
	v62 =	vmul.f32 v47, v23;
	v15 =	vld [tilespmem:s0+$0x530];
	s0 =	sand.u32 $0x3FFFFFC0, s30  }
0xf7: {  	v63 =	vmul.f32 v52, v23;
	v0 =	vadd.f32 v0, v3;
	v17 =	vadd.f32 v17, v57;
	v16 =	vld [tilespmem:s0+$0x500]  }
0xf8: {  	v47 =	vmul.f32 v24, v19;
	v59 =	vmul.f32 v32, v34;
	v19 =	vld [tilespmem:s0+$0x510]  }
0xf9: {  	v52 =	vmul.f32 v26, v20;
	v0 =	vadd.f32 v13, v0;
	v13 =	vld [tilespmem:s0+$0x530];
	v17 =	vadd.f32 v63, v17  }
0xfa: {  	v61 =	vmul.f32 v30, v34;
	v57 =	vmul.f32 v11, v29;
	v11 =	vld.idx.msk [tilespmem:v53+s11+$0x0], $0xffff  }
0xfb: {  	s2 =	sshll.u32 s31, $0x6;
	v30 =	vmul.f32 v37, v46;
	v31 =	vmul.f32 v8, v46;
	v48 =	vadd.f32 v14, v17;
	v14 =	vld [tilespmem:s0+$0x520]  }
0xfc: {  	v32 =	vmul.f32 v42, v46;
	v4 =	vadd.f32 v4, v5;
	v36 =	vmul.f32 v54, v41;
	v17 =	vld.idx.msk [tilespmem:v40+s11+$0x0], $0xffff;
	s0 =	sand.u32 $0x3FFFFFC0, s2  }
0xfd: {  	v37 =	vmul.f32 v49, v41;
	v7 =	vmul.f32 v7, v41;
	v23 =	vld [tilespmem:s0+$0x500]  }
0xfe: {  	s9 =	sor.u32 $0x220, s25;
	v1 =	vadd.f32 v58, v1;
	v4 =	vadd.f32 v60, v4;
	v58 =	vmul.f32 v28, v29;
	v24 =	vld [tilespmem:s0+$0x510]  }
0xff: {  	s13 =	sshll.u32 s9, $0x6;
	v60 =	vmul.f32 v10, v34;
	v0 =	vadd.f32 v55, v0;
	v42 =	vmul.f32 v33, v35;
	v12 =	vld [tilespmem:s0+$0x520]  }
0x100: {  	s14 =	sor.u32 $0x230, s25;
	v1 =	vadd.f32 v62, v1;
	v4 =	vadd.f32 v39, v4;
	v62 =	vmov s9;
	v10 =	vld [tilespmem:s0+$0x530];
	s0 =	sand.u32 $0x3FFFFFC0, s13  }
0x101: {  	v63 =	vmul.f32 v9, v34;
	v34 =	vmul.f32 v43, v46;
	v39 =	vmov s14;
	v26 =	vld [tilespmem:s0+$0x500]  }
0x102: {  	v43 =	vmul.f32 v44, v35;
	v0 =	vadd.f32 v59, v0;
	v1 =	vadd.f32 v45, v1;
	v27 =	vld [tilespmem:s0+$0x510]  }
0x103: {  	s16 =	sor.u32 $0x240, s25;
	v3 =	vadd.f32 v47, v4;
	v40 =	vmul.f32 v51, v41;
	v45 =	vmul.f32 v6, v35;
	v9 =	vld [tilespmem:s0+$0x520]  }
0x104: {  	s15 =	sshll.u32 s14, $0x6;
	v47 =	vmul.f32 v25, v35;
	v49 =	vmul.f32 v22, v18;
	v51 =	vmov s16;
	v8 =	vld [tilespmem:s0+$0x530]  }
0x105: {  	v21 =	vmul.f32 v21, v18;
	v0 =	vadd.f32 v30, v0;
	v1 =	vadd.f32 v2, v1;
	s0 =	sand.u32 $0x3FFFFFC0, s15;
	v20 =	vld.idx.msk [tilespmem:v62+s11+$0x0], $0xffff  }
0x106: {  	s30 =	sor.u32 $0x270, s25;
	v54 =	vmul.f32 v15, v18;
	v4 =	vadd.f32 v50, v48;
	v2 =	vadd.f32 v52, v3;
	v41 =	vld [tilespmem:s0+$0x500]  }
0x107: {  	s28 =	sor.u32 $0x260, s25;
	v52 =	vmul.f32 v38, v18;
	v38 =	vmov s30;
	v0 =	vadd.f32 v36, v0;
	v44 =	vld [tilespmem:s0+$0x510]  }
0x108: {  	v46 =	vld [tilespmem:s0+$0x520];
	v36 =	vmov s28;
	v1 =	vadd.f32 v56, v1;
	v3 =	vadd.f32 v57, v4  }
0x109: {  	s17 =	sshll.u32 s16, $0x6;
	v48 =	vld [tilespmem:s0+$0x530];
	v2 =	vadd.f32 v58, v2;
	v0 =	vadd.f32 v42, v0;
	v55 =	vmul.f32 v16, v17  }
0x10a: {  	v50 =	vld.idx.msk [tilespmem:v39+s11+$0x0], $0xffff;
	s0 =	sand.u32 $0x3FFFFFC0, s17;
	v57 =	vmul.f32 v19, v17;
	v59 =	vmul.f32 v14, v17;
	v1 =	vadd.f32 v60, v1  }
0x10b: {  	s18 =	sor.u32 $0x250, s25;
	v53 =	vld [tilespmem:s0+$0x500];
	v3 =	vadd.f32 v61, v3;
	v2 =	vadd.f32 v63, v2;
	v61 =	vmul.f32 v13, v17  }
0x10c: {  	v56 =	vld [tilespmem:s0+$0x510];
	v63 =	vmov s18;
	v25 =	vmul.f32 v12, v11;
	v0 =	vadd.f32 v49, v0  }
0x10d: {  	v58 =	vld [tilespmem:s0+$0x520];
	v10 =	vmul.f32 v10, v11;
	v1 =	vadd.f32 v31, v1;
	v3 =	vadd.f32 v32, v3  }
0x10e: {  	s23 =	sshll.u32 s18, $0x6;
	v62 =	vld.idx.msk [tilespmem:v51+s11+$0x0], $0xffff;
	v2 =	vadd.f32 v34, v2;
	v34 =	vmul.f32 v26, v20;
	v35 =	vmul.f32 v27, v20  }
0x10f: {  	v60 =	vld [tilespmem:s0+$0x530];
	s0 =	sand.u32 $0x3FFFFFC0, s23;
	v9 =	vmul.f32 v9, v20;
	v8 =	vmul.f32 v8, v20;
	v1 =	vadd.f32 v37, v1  }
0x110: {  	v30 =	vld [tilespmem:s0+$0x510];
	v39 =	vmul.f32 v41, v50;
	v41 =	vmul.f32 v44, v50;
	v3 =	vadd.f32 v40, v3  }
0x111: {  	v33 =	vld [tilespmem:s0+$0x530];
	v6 =	vmul.f32 v46, v50;
	v2 =	vadd.f32 v7, v2;
	v1 =	vadd.f32 v43, v1  }
0x112: {  	v32 =	vld [tilespmem:s0+$0x520];
	v0 =	vadd.f32 v55, v0;
	v7 =	vmul.f32 v48, v50;
	v3 =	vadd.f32 v45, v3  }
0x113: {  	v44 =	vmul.f32 v53, v62;
	v15 =	vld.idx.msk [tilespmem:v63+s11+$0x0], $0xffff;
	v2 =	vadd.f32 v47, v2;
	v1 =	vadd.f32 v52, v1  }
0x114: {  	v46 =	vld.idx.msk [tilespmem:v36+s11+$0x0], $0xffff;
	v49 =	vmul.f32 v60, v62;
	v3 =	vadd.f32 v21, v3;
	v21 =	vmul.f32 v23, v11  }
0x115: {  	s29 =	sshll.u32 s28, $0x6;
	v48 =	vld.idx.msk [tilespmem:v38+s11+$0x0], $0xffff;
	v2 =	vadd.f32 v54, v2;
	v23 =	vmul.f32 v24, v11;
	v1 =	vadd.f32 v57, v1  }
0x116: {  	v45 =	vmul.f32 v56, v62;
	v24 =	vld [tilespmem:s0+$0x500];
	s0 =	sand.u32 $0x3FFFFFC0, s29;
	v3 =	vadd.f32 v59, v3;
	v0 =	vadd.f32 v21, v0  }
0x117: {  	v47 =	vmul.f32 v58, v62;
	v37 =	vld [tilespmem:s0+$0x500];
	v2 =	vadd.f32 v61, v2;
	v1 =	vadd.f32 v23, v1  }
0x118: {  	v40 =	vld [tilespmem:s0+$0x510];
	v11 =	vmul.f32 v30, v15;
	v3 =	vadd.f32 v25, v3;
	v0 =	vadd.f32 v34, v0  }
0x119: {  	s31 =	sshll.u32 s30, $0x6;
	v42 =	vld [tilespmem:s0+$0x520];
	v5 =	vmul.f32 v32, v15;
	v2 =	vadd.f32 v10, v2;
	v1 =	vadd.f32 v35, v1  }
0x11a: {  	v43 =	vld [tilespmem:s0+$0x530];
	s0 =	sand.u32 $0x3FFFFFC0, s31;
	v4 =	vmul.f32 v33, v15;
	v3 =	vadd.f32 v9, v3;
	v0 =	vadd.f32 v39, v0  }
0x11b: {  	v50 =	vld [tilespmem:s0+$0x500];
	v51 =	vmul.f32 v24, v15;
	v2 =	vadd.f32 v8, v2;
	v1 =	vadd.f32 v41, v1  }
0x11c: {  	v52 =	vld [tilespmem:s0+$0x510];
	v54 =	vmul.f32 v37, v46;
	v3 =	vadd.f32 v6, v3;
	v0 =	vadd.f32 v44, v0  }
0x11d: {  	v53 =	vld [tilespmem:s0+$0x520];
	v56 =	vmul.f32 v40, v46;
	v2 =	vadd.f32 v7, v2;
	v1 =	vadd.f32 v45, v1  }
0x11e: {  	v55 =	vld [tilespmem:s0+$0x530];
	v57 =	vmul.f32 v42, v46;
	v3 =	vadd.f32 v47, v3;
	v0 =	vadd.f32 v51, v0  }
0x11f: {  	v59 =	vmul.f32 v43, v46;
	v2 =	vadd.f32 v49, v2;
	v1 =	vadd.f32 v11, v1  }
0x120: {  	v58 =	vmul.f32 v50, v48;
	v3 =	vadd.f32 v5, v3;
	v0 =	vadd.f32 v54, v0  }
0x121: {  	v60 =	vmul.f32 v52, v48;
	v2 =	vadd.f32 v4, v2;
	v1 =	vadd.f32 v56, v1  }
0x122: {  	p0 =	sne.s32 s25, $0xF;
	v61 =	vmul.f32 v53, v48;
	v3 =	vadd.f32 v57, v3;
	v0 =	vadd.f32 v58, v0  }
.Ltmp0:
0x123: {  	v62 =	vmul.f32 v55, v48;
	v2 =	vadd.f32 v59, v2;
	v1 =	vadd.f32 v60, v1;
	(pc) =	sbr.rel @p0 .LBB2_3-.Ltmp0, $4  }
0x124: {  	v3 =	vadd.f32 v61, v3;
	[tilespmem:s26+$0xA500] =	vst v0  }
0x125: {  	v63 =	vadd.f32 v62, v2;
	[tilespmem:s26+$0xA510] =	vst v1  }
0x126: {  	[tilespmem:s26+$0xA520] =	vst v3  }
0x127: {  	s25 =	sadd.s32 $0x1, s25;
	[tilespmem:s26+$0xA530] =	vst v63  }
0x128: {  	s0 =	sshll.u32 s24, $0xA  }
0x129: {  	s24 =	sadd.s32 $0x1, s24;
	s0 =	sadd.s32 s8, s0  }
0x12a: {  	p0 =	sne.s32 s24, $0x14;
	s0 =	sshrl.u32 s0, $0x3  }
.Ltmp1:
0x12b: {  	s1 =	simm.s32 $0x0;
	s0 =	sadd.s32 s7, s0;
	(pc) =	sbr.rel @p0 .LBB2_2-.Ltmp1, $4  }
0x12c: {  	[hbm4b:s0+s1] =	stream.linear.scatter [tilespmem:s22], [sflag:$0x2], $0x400, $0x38;
	[tilespmem:$0xA900] =	vst v63  }
0x12d: {  	_ =	swait.ge [sflag:s10], $0x400  }
0x12e: {  	[sflag:s10] =	ssyncset.done $0x0  }
0x12f: {  	[sflag:s10] =	ssyncadd.s32 $0xFFFFFC00  }
0x130: {  	s1 =	rddreg [dreg:$0x3]  }
0x131: {  	s0 =	rddreg [dreg:$0x2];
	s1 =	sadd.s32 $0x1, s1  }
0x132: {  	p0 =	sne.s32 s1, s0  }
.Ltmp2:
0x133: {  	_ = 	snop;
	(pc) =	sbr.rel @p0 .LBB2_1-.Ltmp2, $1  }
0x134: {  	_ =	sdelay $0x3  }
0x135: {  	_ =	sfence.sel $0x180000  }
0x136: {  	[bflag:$0x0] =	sbarrier.arrive $0xFFFF  }
0x137: {  	_ =	strace $0x90000050  }
0x138: {  	s0 =	stileid.u32;
	[bflag:$0x2] =	sbarrier.arrive $0xFFFF  }
0x139: {  	p0 =	sne.s32 s0, $0x0;
	s0 =	rddreg [dreg:$0x1]  }
0x13a: {  	s0 =	sadd.s32 @!p0 $0x100000, s0  }
0x13b: {  	[sflag:s0] =	ssyncadd.tile.s32 @!p0 $0x1;
	_ =	shalt  }
.Lfunc_end2:
_tile_overlayer_lowered:
.L_overlay_start_2:
0x13c: {  	(tag) =	ssettag $0x2  }
0x13d: {  	s0 =	rddreg [dreg:$0x0];
	s2 =	stileid.u32  }
0x13e: {  	s1 =	rddreg [dreg:$0x1];
	p0 =	sne.s32 s2, $0x0  }
0x13f: {  	s3 =	rddreg [dreg:$0x2];
	[bflag:$0x3] =	sbarrier.arrive $0xFFFF;
	s2 =	simm.s32 @!p0 $0x1C02  }
0x140: {  	[timem:s3], [sflag:s2] =	dma.local @!p0 [hbm:s0], s1  }
0x141: {  	s0 =	simm.s32 @!p0 $0x2  }
0x142: {  	_ =	swait.ge @!p0 [sflag:s0], s1  }
0x143: {  	s1 =	ssub.s32 @!p0 $0x0, s1;
	[sflag:s0] =	ssyncset.done @!p0 $0x0  }
0x144: {  	[sflag:s0] =	ssyncadd.s32 @!p0 s1  }
0x145: {  	[bflag:$0x3] =	sbarrier.arrive $0xFFFF  }
0x146: {  	_ =	shalt  }

// kernel: kernel.9.cloned.1.call-start
scs
__scs_entry_jumppad:
0x0: {  	(pc) =	sbr.rel $0x88, $3  }
0x1: {  	(tag) =	ssettag $0x0;
	lr =	simm.s32 $0x1  }
0x2: {  	[smem:$0x3F7D] =	sst lr;
	_ =	strace $0xD0000000  }
0x3: {  	_ = 	snop  }
0x4: {  	_ = 	snop  }
0x5: {  	_ = 	snop  }
0x6: {  	_ = 	snop  }
0x7: {  	_ = 	snop  }
__scs_overlays_trampoline_lowered:
0x8: {  	[smem:$0x3F8C] =	sst s0  }
0x9: {  	[smem:$0x3F8D] =	sst s1  }
0xa: {  	[smem:$0x3F8E] =	sst s2  }
0xb: {  	[smem:$0x3F8F] =	sst s3  }
0xc: {  	[smem:$0x3F90] =	sst s4  }
0xd: {  	[smem:$0x3F91] =	sst s5  }
0xe: {  	[smem:$0x3F92] =	sst s6  }
0xf: {  	[smem:$0x3F93] =	sst s7  }
0x10: {  	[smem:$0x3F94] =	sst s8  }
0x11: {  	[smem:$0x3F95] =	sst s9;
	s0 =	simm.s32 @!p0 $0x0  }
0x12: {  	s1 =	sld [smem:$0x3F7B];
	s0 =	simm.s32 @p0 $0x1  }
0x13: {  	[smem:$0x3F96] =	sst s0;
	s0 =	simm.s32 @!p1 $0x0  }
0x14: {  	s2 =	sld [smem:$0x3F7A];
	s0 =	simm.s32 @p1 $0x1  }
0x15: {  	[smem:$0x3F97] =	sst s0;
	s0 =	simm.s32 @!p2 $0x0  }
0x16: {  	s3 =	sld [smem:$0x3FDB];
	s0 =	simm.s32 @p2 $0x1  }
0x17: {  	s4 =	simm.s32 $0x1BF5;
	[smem:$0x3F99] =	sst s0  }
0x18: {  	s0 =	sld [smem:$0x3F7C];
	_ =	swait.ge [sflag:s4], $0x0  }
0x19: {  	s7 =	sld [smem:$0x3F7D]  }
0x1a: {  	s8 =	sadd.s32 $0xFFFFE003, lr  }
0x1b: {  	s9 =	sadd.s32 $0xFFFFFEF7, lr;
	s5 =	simm.s32 $0xFFFFFFFF;
	p2 =	slt.u32 s8, $0xFFFFF086  }
0x1c: {  	p1 =	slt.u32 s9, $0xF7A;
	s5 =	simm.s32 @!p2 $0x0  }
0x1d: {  	s5 =	simm.s32 @p1 $0x1;
	p0 =	seq.s32 s7, s2  }
0x1e: {  	s7 =	smul.u32 @!p0 $0xF7A, s2;
	p2 =	seq.s32 @!p0 s5, $0x0  }
0x1f: {  	s9 =	smul.u32 $0xF7A, s1;
	s8 =	simm.s32 @!p0 $0x1BF5;
	p2 =	por !p2, p0  }
0x20: {  	[sflag:s8] =	ssyncset.s32 @!p0 $0xFFFFF086;
	s6 =	sadd.s32 @!p0 s3, s7;
	s7 =	simm.s32 @!p0 $0x108  }
0x21: {  	s3 =	sadd.s32 s3, s9;
	s6 =	sadd.s32 @!p0 $0x88, s6;
	s7 =	simm.s32 @p2 $0x1082  }
0x22: {  	[simem:s7], [sflag:s8] =	dma.local @!p0 [hbm:s6], $0xF7A  }
0x23: {  	s9 =	sor.u32 $0xD0000000, s2;
	s6 =	simm.s32 $0x108;
	_ =	swait.ge @!p0 [sflag:s8], $0x0  }
0x24: {  	s3 =	sadd.s32 $0x88, s3;
	s6 =	simm.s32 @!p1 $0x1082;
	[sflag:s4] =	ssyncset.s32 $0xFFFFF086  }
0x25: {  	[simem:s6], [sflag:s4] =	dma.local [hbm:s3], $0xF7A  }
0x26: {  	[smem:$0x3F7D] =	sst s1;
	(tag) =	ssettag s2;
	_ =	strace s9  }
0x27: {  	s1 =	sld [smem:$0x3F8D]  }
0x28: {  	s2 =	sld [smem:$0x3F8E]  }
0x29: {  	s4 =	sld [smem:$0x3F90]  }
0x2a: {  	p0 =	seq.s32 s5, $0x0;
	s5 =	sld [smem:$0x3F91]  }
0x2b: {  	s6 =	sld [smem:$0x3F92]  }
0x2c: {  	s7 =	sld [smem:$0x3F93]  }
0x2d: {  	s3 =	simm.s32 $0x108;
	s8 =	sld [smem:$0x3F94]  }
0x2e: {  	s3 =	simm.s32 @!p0 $0x1082;
	s9 =	sld [smem:$0x3F95]  }
0x2f: {  	lr =	sadd.s32 s0, s3;
	s0 =	sld [smem:$0x3F8C]  }
0x30: {  	s3 =	sld [smem:$0x3F8F]  }
0x31: {  	[smem:$0x3F98] =	sst s10  }
0x32: {  	s10 =	sld [smem:$0x3F96];
	_ =	sdelay $0x3  }
0x33: {  	p0 =	seq.s32 s10, $0x1;
	s10 =	sld [smem:$0x3F98];
	_ =	sdelay $0x3  }
0x34: {  	[smem:$0x3F98] =	sst s10  }
0x35: {  	s10 =	sld [smem:$0x3F97];
	_ =	sdelay $0x3  }
0x36: {  	p1 =	seq.s32 s10, $0x1;
	s10 =	sld [smem:$0x3F98];
	_ =	sdelay $0x3  }
0x37: {  	[smem:$0x3F98] =	sst s10  }
0x38: {  	s10 =	sld [smem:$0x3F99]  }
0x39: {  	_ = 	snop;
	(pc) =	sbr.ind lr, $3  }
0x3a: {  	_ = 	snop  }
0x3b: {  	_ = 	snop  }
0x3c: {  	p2 =	seq.s32 s10, $0x1;
	s10 =	sld [smem:$0x3F98]  }
0x3d: {  	_ =	shalt  }
0x3e: {  	_ =	shalt  }
0x3f: {  	_ =	shalt  }
0x40: {  	_ =	shalt  }
0x41: {  	_ =	shalt  }
0x42: {  	_ =	shalt  }
0x43: {  	_ =	shalt  }
0x44: {  	_ =	shalt  }
0x45: {  	_ =	shalt  }
0x46: {  	_ =	shalt  }
0x47: {  	_ =	shalt  }
0x48: {  	_ =	shalt  }
0x49: {  	_ =	shalt  }
0x4a: {  	_ =	shalt  }
0x4b: {  	_ =	shalt  }
0x4c: {  	_ =	shalt  }
0x4d: {  	_ =	shalt  }
0x4e: {  	_ =	shalt  }
0x4f: {  	_ =	shalt  }
0x50: {  	_ =	shalt  }
0x51: {  	_ =	shalt  }
0x52: {  	_ =	shalt  }
0x53: {  	_ =	shalt  }
0x54: {  	_ =	shalt  }
0x55: {  	_ =	shalt  }
0x56: {  	_ =	shalt  }
0x57: {  	_ =	shalt  }
0x58: {  	_ =	shalt  }
0x59: {  	_ =	shalt  }
0x5a: {  	_ =	shalt  }
0x5b: {  	_ =	shalt  }
0x5c: {  	_ =	shalt  }
0x5d: {  	_ =	shalt  }
0x5e: {  	_ =	shalt  }
0x5f: {  	_ =	shalt  }
0x60: {  	_ =	shalt  }
0x61: {  	_ =	shalt  }
0x62: {  	_ =	shalt  }
0x63: {  	_ =	shalt  }
0x64: {  	_ =	shalt  }
0x65: {  	_ =	shalt  }
0x66: {  	_ =	shalt  }
0x67: {  	_ =	shalt  }
0x68: {  	_ =	shalt  }
0x69: {  	_ =	shalt  }
0x6a: {  	_ =	shalt  }
0x6b: {  	_ =	shalt  }
0x6c: {  	_ =	shalt  }
0x6d: {  	_ =	shalt  }
0x6e: {  	_ =	shalt  }
0x6f: {  	_ =	shalt  }
0x70: {  	_ =	shalt  }
0x71: {  	_ =	shalt  }
0x72: {  	_ =	shalt  }
0x73: {  	_ =	shalt  }
0x74: {  	_ =	shalt  }
0x75: {  	_ =	shalt  }
0x76: {  	_ =	shalt  }
0x77: {  	_ =	shalt  }
0x78: {  	_ =	shalt  }
0x79: {  	_ =	shalt  }
0x7a: {  	_ =	shalt  }
0x7b: {  	_ =	shalt  }
0x7c: {  	_ =	shalt  }
0x7d: {  	_ =	shalt  }
0x7e: {  	_ =	shalt  }
0x7f: {  	_ =	shalt  }
0x80: {  	_ =	shalt  }
0x81: {  	_ =	shalt  }
0x82: {  	_ =	shalt  }
0x83: {  	_ =	shalt  }
0x84: {  	_ =	shalt  }
0x85: {  	_ =	shalt  }
0x86: {  	_ =	shalt  }
0x87: {  	_ =	shalt  }
.Lfunc_end0:
.L_simem_size_0:
called_computation.1_lowered:
.L_overlay_start_0:
0x88: {  	s2 =	sld [smem:$0x3FD9]  }
0x89: {  	s3 =	sld [smem:$0x3FFE];
	_ =	sdelay $0x1  }
0x8a: {  	s1 =	srdreg.scid  }
0x8b: {  	s0 =	sand.u32 $0x1, s1  }
0x8c: {  	s14 =	sshll.u32 s0, $0xA;
	s2 =	sadd.s32 s3, s2  }
0x8d: {  	s2 =	sadd.s32 s2, s14  }
0x8e: {  	[smem:$0x3FA4] =	sst s2  }
0x8f: {  	_ = 	snop  }
0x90: {  	s2 =	sld [smem:$0x3FD0];
	_ =	sdelay $0x2  }
0x91: {  	s15 =	simm.s32 $0xA;
	s4 =	simm.s32 $0x10  }
0x92: {  	[smem:s4], [sflag:s15] =	dma.local [hbm:s2], $0x1  }
0x93: {  	_ =	swait.eq [sflag:s15], $0x1  }
0x94: {  	[sflag:s15] =	ssyncset.done $0x0  }
0x95: {  	[sflag:s15] =	ssyncadd.s32 $0xFFFFFFFF  }
0x96: {  	s16 =	sld [smem:$0x14];
	(tm) =	ssettm $0x1  }
0x97: {  	s17 =	sld [smem:$0x3FFB];
	_ =	sdelay $0x3  }
0x98: {  	_ =	strace s17  }
0x99: {  	s3 =	sld [smem:$0x3FFC];
	_ =	sdelay $0x3  }
0x9a: {  	_ =	strace s3  }
0x9b: {  	s3 =	sld [smem:$0x3FFD];
	_ =	sdelay $0x3  }
0x9c: {  	_ =	strace s3  }
0x9d: {  	_ =	strace $0x8FFFFFFF  }
0x9e: {  	s18 =	sld [smem:$0x3FDB];
	_ =	sdelay $0x1  }
0x9f: {  	s19 =	simm.s32 $_scs_section_size  }
0xa0: {  	s5 =	simm.s32 $_size__tile_overlayer_lowered;
	s6 =	simm.s32 $_tile_overlayer_lowered  }
0xa1: {  	s22 =	simm.s32 $0x1BFF;
	s21 =	sshll.u32 s6, $0x1;
	s3 =	sadd.s32 s19, s18  }
0xa2: {  	s7 =	simm.s32 $0x0;
	s20 =	sshll.u32 s5, $0x1;
	s5 =	sadd.s32 s21, s3  }
0xa3: {  	[timem:s7], [sflag:s22] =	dma.local [hbm:s5], s20  }
0xa4: {  	_ =	swait.ge [sflag:s22], s20  }
0xa5: {  	s4 =	ssub.s32 $0x0, s20;
	[sflag:s22] =	ssyncset.done $0x0  }
0xa6: {  	[sflag:s22] =	ssyncadd.s32 s4;
	_ =	sdelay $0x1  }
0xa7: {  	s23 =	simm.s32 $0x1B8B  }
0xa8: {  	_ =	swait.ge [sflag:s23], $0x1  }
0xa9: {  	[sflag:s23] =	ssyncset.done $0x0  }
0xaa: {  	s25 =	simm.s32 $0x1B8E;
	s24 =	sld [smem:$0x3FFE];
	[sflag:s23] =	ssyncadd.s32 $0xFFFFFFFF  }
0xab: {  	s26 =	simm.s32 $execute0_lowered;
	[smem:$0x3FD2] =	sst s25  }
0xac: {  	s5 =	sshll.u32 s26, $0x1;
	_ =	strace $0x80000049;
	[dreg:$0x1] =	wrdreg $0xFFFFFFFF  }
0xad: {  	s28 =	simm.s32 $_size_execute0_lowered;
	s3 =	sadd.s32 s3, s5;
	[dreg:$0x0] =	wrdreg $0x0  }
0xae: {  	s5 =	sshll.u32 s28, $0x1;
	[dreg:$0x2] =	wrdreg s3  }
0xaf: {  	[dreg:$0x3] =	wrdreg s5  }
0xb0: {  	[dreg:$0x4] =	wrdreg $0xC0  }
0xb1: {  	_ =	task [dreg:s7], $0x5FFFF  }
0xb2: {  	[dreg:$0x1] =	wrdreg $0xFFFFFFFF  }
0xb3: {  	[dreg:$0x0] =	wrdreg $0x60  }
0xb4: {  	[dreg:$0x2] =	wrdreg s24  }
0xb5: {  	[dreg:$0x3] =	wrdreg s16  }
0xb6: {  	[dreg:$0x4] =	wrdreg $0x9  }
0xb7: {  	_ =	task.clear_ibuf [dreg:s7], $0x5FFFF;
	_ =	strace $0x90000049  }
0xb8: {  	s29 =	simm.s32 $0x9;
	_ =	strace $0x8000004B  }
0xb9: {  	_ =	swait.ge [sflag:s29], $0x1  }
0xba: {  	[sflag:s29] =	ssyncadd.s32 $0xFFFFFFFF  }
0xbb: {  	_ =	strace $0x9000004B  }
0xbc: {  	_ =	sfence  }
0xbd: {  	s30 =	sld [smem:$0x0];
	_ =	sdelay $0x2  }
0xbe: {  	s31 =	sshll.u32 s1, $0xD;
	s1 =	sshrl.u32 s1, $0x2  }
0xbf: {  	s3 =	sand.u32 $0x4000, s31;
	s1 =	sadd.s32 s1, s30  }
0xc0: {  	s0 =	sor.u32 s3, s0;
	s1 =	sshll.u32 s1, $0x11  }
0xc1: {  	s0 =	sor.u32 s1, s0  }
0xc2: {  	s0 =	sadd.s32 $0x8F2B, s0  }
0xc3: {  	[sflag:s0] =	ssyncadd.remote.s32 $0x1  }
0xc4: {  	_ =	sfence.sel $0xFFFF  }
0xc5: {  	[dreg:$0x0] =	wrdreg $0xFFFFFFFF;
	(pc) =	sbr.abs _section_cstart, $3  }
0xc6: {  	[dreg:$0x1] =	wrdreg $0xFFFFFFFF  }
0xc7: {  	_ =	task.clear_ibuf [dreg:s7], $0x2FFFF;
	_ =	strace $0x9FFFFFFF  }
0xc8: {  	(tm) =	ssettm $0x7FFFFFFF  }
0xc9: {  	_ =	shalt  }
tec
execute0_lowered:
.L_overlay_start_1:
0x0: {  	(tag) =	ssettag $0x1  }
0x1: {  	s0 =	rddreg [dreg:$0x0]  }
0x2: {  	s3 =	simm.s32 $0x0;
	s1 =	srdreg.scid;
	s5 =	stileid.u32  }
0x3: {  	s8 =	simm.s32 $0x2;
	s28 =	simm.s32 $0x1;
	s29 =	simm.s32 $0x2000  }
0x4: {  	s30 =	simm.s32 $0x2C00;
	s31 =	simm.s32 $0x40000000;
	s20 =	simm.s32 $0x0  }
0x5: {  	[smem:$0x7FF] =	sst s3;
	s1 =	sand.u32 $0x1, s1;
	s5 =	sshll.u32 s5, $0x1  }
0x6: {  	s4 =	sadd.s32 $0xD24200, s0;
	s2 =	ssub.s32 $0x2, s1;
	s1 =	sor.u32 s1, s5  }
0x7: {  	s6 =	sadd.s32 $0x7C200, s0;
	s0 =	sadd.s32 $0x88A00, s0;
	s26 =	smul.u32 $0x140, s1  }
.Ltmp0:
0x8: {  	_ =	strace $0x8000004A;
	[dreg:$0x3] =	wrdreg s6;
	(pc) =	sbr.rel .LBB2_1-.Ltmp0, $4  }
0x9: {  	[dreg:$0x4] =	wrdreg s0;
	s24 =	sshrl.u32 s2, $0x1;
	s1 =	smul.u32 $0x14, s1  }
0xa: {  	v1 =	vlaneseq.u32;
	s5 =	simm.s32 $0x0;
	s25 =	ssub.s32 s2, s24;
	[dreg:$0x5] =	wrdreg s26  }
0xb: {  	v2 =	vmul.u32 $0x200, v1;
	s2 =	simm.s32 $0x3A90;
	[dreg:$0x6] =	wrdreg s1;
	s0 =	smax.u32 s25, $0x1  }
0xc: {  	v0 =	vimm.f32 $3.000000010e+38;
	v3 =	vimm.s32 $0x0;
	v4 =	vimm.f32 $0.0e+00;
	s26 =	simm.s32 $0x1E00;
	[dreg:$0x7] =	wrdreg s0;
	s0 =	simm.s32 $0x3810  }
.LBB2_25:
0xd: {  	s5 =	rddreg [dreg:$0x8]  }
0xe: {  	s1 =	rddreg [dreg:$0x7];
	s5 =	sadd.s32 $0x1, s5  }
0xf: {  	p0 =	sne.s32 s5, s1  }
.Ltmp1:
0x10: {  	_ = 	snop;
	(pc) =	sbr.rel @!p0 .LBB2_26-.Ltmp1, $1  }
0x11: {  	_ =	sdelay $0x3  }
.LBB2_1:
.Ltmp2:
0x12: {  	(pc) =	sbr.rel .LBB2_2-.Ltmp2, $2  }
0x13: {  	_ =	sdelay $0x2  }
0x14: {  	[dreg:$0x8] =	wrdreg s5;
	s9 =	simm.s32 $0x0  }
.LBB2_23:
0x15: {  	_ =	sdelay $0x4  }
0x16: {  	[tilespmem:v7+s2+$0x0] =	vst.idx.msk vm0, v8  }
.LBB2_24:
0x17: {  	v5 =	vld [tilespmem:$0x3A90]  }
0x18: {  	v6 =	vld [tilespmem:$0x3AA0]  }
0x19: {  	v7 =	vld [tilespmem:$0x3AB0]  }
0x1a: {  	v8 =	vld [tilespmem:$0x3AC0];
	_ =	sdelay $0x1  }
0x1b: {  	v5 =	vmul.f32 $-1.000000000e+01, v5  }
0x1c: {  	v9 =	vld [tilespmem:$0x3AD0];
	v6 =	vmul.f32 $-1.000000000e+01, v6  }
0x1d: {  	v10 =	vld [tilespmem:$0x3AE0];
	v7 =	vmul.f32 $-1.000000000e+01, v7;
	v5 =	vmul.f32 $1.442695020e+00, v5  }
0x1e: {  	v11 =	vld [tilespmem:$0x3AF0];
	v8 =	vmul.f32 $-1.000000000e+01, v8;
	v6 =	vmul.f32 $1.442695020e+00, v6  }
0x1f: {  	(erf) = vpow2.f32 v5;
	v5 =	vmul.f32 $1.442695020e+00, v7;
	v7 =	vld [tilespmem:$0x3B00]  }
0x20: {  	(erf) = vpow2.f32 v6;
	v6 =	vmul.f32 $1.442695020e+00, v8  }
0x21: {  	(erf) = vpow2.f32 v5;
	v5 =	vmul.f32 $-1.000000000e+01, v9  }
0x22: {  	v63 =	vld [tilespmem:$0x3B10];
	(erf) = vpow2.f32 v6;
	v6 =	vmul.f32 $-1.000000000e+01, v10  }
0x23: {  	v13 =	vld [tilespmem:$0x3B20];
	v12 =	vmul.f32 $-1.000000000e+01, v11;
	v5 =	vmul.f32 $1.442695020e+00, v5  }
0x24: {  	v14 =	vld [tilespmem:$0x3B30];
	v6 =	vmul.f32 $1.442695020e+00, v6;
	v7 =	vmul.f32 $-1.000000000e+01, v7  }
0x25: {  	v15 =	vld [tilespmem:$0x3B40];
	(erf) = vpow2.f32 v5;
	v5 =	vmul.f32 $1.442695020e+00, v12  }
0x26: {  	(erf) = vpow2.f32 v6;
	v6 =	vmul.f32 $1.442695020e+00, v7  }
0x27: {  	(erf) = vpow2.f32 v5;
	v5 =	vmul.f32 $-1.000000000e+01, v63  }
0x28: {  	v7 =	vld [tilespmem:$0x3B50];
	(erf) = vpow2.f32 v6;
	v6 =	vmul.f32 $-1.000000000e+01, v13  }
0x29: {  	v17 =	vld [tilespmem:$0x3B60];
	v16 =	vmul.f32 $-1.000000000e+01, v14;
	v5 =	vmul.f32 $1.442695020e+00, v5  }
0x2a: {  	v18 =	vld [tilespmem:$0x3B70];
	v9 =	vmul.f32 $-1.000000000e+01, v15;
	v6 =	vmul.f32 $1.442695020e+00, v6  }
0x2b: {  	v19 =	vld [tilespmem:$0x3B80];
	(erf) = vpow2.f32 v5;
	v5 =	vmul.f32 $1.442695020e+00, v16  }
0x2c: {  	(erf) = vpow2.f32 v6;
	v6 =	vmul.f32 $1.442695020e+00, v9  }
0x2d: {  	(erf) = vpow2.f32 v5;
	v5 =	vmul.f32 $-1.000000000e+01, v7  }
0x2e: {  	v7 =	vld [tilespmem:$0x3B90];
	(erf) = vpow2.f32 v6;
	v6 =	vmul.f32 $-1.000000000e+01, v17  }
0x2f: {  	v21 =	vld [tilespmem:$0x3BA0];
	v20 =	vmul.f32 $-1.000000000e+01, v18;
	v5 =	vmul.f32 $1.442695020e+00, v5  }
0x30: {  	v8 =	vmul.f32 $-1.000000000e+01, v19;
	v12 =	vld [tilespmem:$0x3BB0];
	v22 =	vpop (erf);
	v6 =	vmul.f32 $1.442695020e+00, v6  }
0x31: {  	v23 =	vld [tilespmem:$0x3BC0];
	v13 =	vpop (erf);
	(erf) = vpow2.f32 v5;
	v5 =	vmul.f32 $1.442695020e+00, v20  }
0x32: {  	v14 =	vpop (erf);
	(erf) = vpow2.f32 v6;
	v6 =	vmul.f32 $1.442695020e+00, v8  }
0x33: {  	v26 =	vld [tilespmem:$0x3BE0];
	v24 =	vpop (erf);
	(erf) = vpow2.f32 v5;
	v5 =	vmul.f32 $-1.000000000e+01, v7  }
0x34: {  	v7 =	vld [tilespmem:$0x3BD0];
	(erf) = vpow2.f32 v6;
	v6 =	vmul.f32 $-1.000000000e+01, v21  }
0x35: {  	v27 =	vld [tilespmem:$0x3C00];
	v25 =	vmul.f32 $-1.000000000e+01, v12;
	v5 =	vmul.f32 $1.442695020e+00, v5  }
0x36: {  	v16 =	vld [tilespmem:$0x3BF0];
	v9 =	vmul.f32 $-1.000000000e+01, v23;
	v6 =	vmul.f32 $1.442695020e+00, v6  }
0x37: {  	v30 =	vld [tilespmem:$0x3C20];
	v15 =	vpop (erf);
	(erf) = vpow2.f32 v5;
	v5 =	vmul.f32 $1.442695020e+00, v25  }
0x38: {  	v32 =	vld [tilespmem:$0x3C30];
	v17 =	vpop (erf);
	(erf) = vpow2.f32 v6;
	v6 =	vmul.f32 $1.442695020e+00, v9  }
0x39: {  	v34 =	vld [tilespmem:$0x3C40];
	v18 =	vpop (erf);
	(erf) = vpow2.f32 v5;
	v5 =	vmul.f32 $-1.000000000e+01, v7  }
0x3a: {  	v28 =	vpop (erf);
	v7 =	vld [tilespmem:$0x3C10];
	(erf) = vpow2.f32 v6;
	v6 =	vmul.f32 $-1.000000000e+01, v26  }
0x3b: {  	v29 =	vmul.f32 $-1.000000000e+01, v16;
	v5 =	vmul.f32 $1.442695020e+00, v5  }
0x3c: {  	v36 =	vmul.f32 $-1.000000000e+01, v30;
	v6 =	vmul.f32 $1.442695020e+00, v6  }
0x3d: {  	v31 =	vpop (erf);
	(erf) = vpow2.f32 v5;
	v5 =	vmul.f32 $1.442695020e+00, v29  }
0x3e: {  	v38 =	vmul.f32 $-1.000000000e+01, v32;
	v10 =	vmul.f32 $-1.000000000e+01, v27;
	[tilespmem:$0x3D10] =	vst v22  }
0x3f: {  	v41 =	vld [tilespmem:$0x3C70];
	v11 =	vmul.f32 $-1.000000000e+01, v34;
	[tilespmem:$0x3D20] =	vst v13;
	v33 =	vpop (erf);
	v7 =	vmul.f32 $-1.000000000e+01, v7  }
0x40: {  	v37 =	vld [tilespmem:$0x3C50];
	v35 =	vmul.f32 $1.442695020e+00, v10;
	[tilespmem:$0x3D30] =	vst v14;
	(erf) = vpow2.f32 v6;
	v6 =	vpop (erf)  }
0x41: {  	v39 =	vld [tilespmem:$0x3C60];
	[tilespmem:$0x3D40] =	vst v24;
	(erf) = vpow2.f32 v5;
	v7 =	vmul.f32 $1.442695020e+00, v7;
	v5 =	vpop (erf)  }
0x42: {  	v43 =	vld [tilespmem:$0x3C80];
	[tilespmem:$0x3D50] =	vst v15;
	v8 =	vmul.f32 $1.442695020e+00, v36;
	(erf) = vpow2.f32 v35;
	v40 =	vpop (erf)  }
0x43: {  	[tilespmem:$0x3D60] =	vst v17;
	v42 =	vpop (erf);
	(erf) = vpow2.f32 v7;
	v7 =	vmul.f32 $1.442695020e+00, v38  }
0x44: {  	v46 =	vmul.f32 $-1.000000000e+01, v41;
	[tilespmem:$0x3D70] =	vst v18;
	(erf) = vpow2.f32 v8  }
0x45: {  	v49 =	vld [tilespmem:$0x3CB0];
	[tilespmem:$0x3D80] =	vst v28;
	v44 =	vpop (erf);
	(erf) = vpow2.f32 v7;
	v7 =	vmul.f32 $-1.000000000e+01, v37  }
0x46: {  	v11 =	vmul.f32 $1.442695020e+00, v11;
	[tilespmem:$0x3DC0] =	vst v5;
	v5 =	vmul.f32 $-1.000000000e+01, v39  }
0x47: {  	v45 =	vld [tilespmem:$0x3C90];
	v12 =	vmul.f32 $-1.000000000e+01, v43;
	[tilespmem:$0x3DB0] =	vst v6;
	v6 =	vpop (erf);
	v7 =	vmul.f32 $1.442695020e+00, v7  }
0x48: {  	v47 =	vld [tilespmem:$0x3CA0];
	[tilespmem:$0x3D90] =	vst v31;
	v5 =	vmul.f32 $1.442695020e+00, v5;
	(erf) = vpow2.f32 v11;
	v48 =	vpop (erf)  }
0x49: {  	v51 =	vld [tilespmem:$0x3CC0];
	[tilespmem:$0x3DA0] =	vst v33;
	v50 =	vpop (erf);
	(erf) = vpow2.f32 v7;
	v7 =	vmul.f32 $1.442695020e+00, v46  }
0x4a: {  	v53 =	vmul.f32 $-1.000000000e+01, v49;
	[tilespmem:$0x3DD0] =	vst v40  }
0x4b: {  	[tilespmem:$0x3E00] =	vst v6;
	v6 =	vmul.f32 $1.442695020e+00, v12;
	(erf) = vpow2.f32 v5  }
0x4c: {  	v10 =	vmul.f32 $-1.000000000e+01, v45;
	[tilespmem:$0x3DE0] =	vst v42;
	v5 =	vpop (erf);
	(erf) = vpow2.f32 v7  }
0x4d: {  	v52 =	vld [tilespmem:$0x3CD0];
	[tilespmem:$0x3E30] =	vst v5;
	v7 =	vpop (erf);
	(erf) = vpow2.f32 v6;
	v6 =	vmul.f32 $-1.000000000e+01, v47  }
0x4e: {  	v54 =	vld [tilespmem:$0x3CE0];
	v5 =	vmul.f32 $1.442695020e+00, v10;
	[tilespmem:$0x3E40] =	vst v7;
	v7 =	vmul.f32 $-1.000000000e+01, v51  }
0x4f: {  	v56 =	vld [tilespmem:$0x3CF0];
	[tilespmem:$0x3DF0] =	vst v44;
	v55 =	vpop (erf);
	v6 =	vmul.f32 $1.442695020e+00, v6  }
0x50: {  	[tilespmem:$0x3E10] =	vst v48;
	v57 =	vpop (erf);
	(erf) = vpow2.f32 v5;
	v5 =	vmul.f32 $1.442695020e+00, v53  }
0x51: {  	v58 =	vld [tilespmem:$0x3D00];
	[tilespmem:$0x3E20] =	vst v50;
	v59 =	vpop (erf);
	(erf) = vpow2.f32 v6;
	v6 =	vmul.f32 $1.442695020e+00, v7  }
0x52: {  	[tilespmem:$0x3E50] =	vst v55;
	v7 =	vpop (erf);
	(erf) = vpow2.f32 v5  }
0x53: {  	v5 =	vmul.f32 $-1.000000000e+01, v52;
	[tilespmem:$0x3E80] =	vst v7;
	v7 =	vpop (erf);
	(erf) = vpow2.f32 v6  }
0x54: {  	v6 =	vmul.f32 $-1.000000000e+01, v54;
	[tilespmem:$0x3E90] =	vst v7;
	v7 =	vmul.f32 $-1.000000000e+01, v56  }
0x55: {  	[tilespmem:$0x3E60] =	vst v57;
	v60 =	vpop (erf);
	v5 =	vmul.f32 $1.442695020e+00, v5  }
0x56: {  	v62 =	vmul.f32 $-1.000000000e+01, v58;
	[tilespmem:$0x3E70] =	vst v59;
	v61 =	vpop (erf);
	v6 =	vmul.f32 $1.442695020e+00, v6  }
0x57: {  	[tilespmem:$0x3EA0] =	vst v60;
	v63 =	vpop (erf);
	(erf) = vpow2.f32 v5;
	v5 =	vmul.f32 $1.442695020e+00, v7  }
0x58: {  	[tilespmem:$0x3EB0] =	vst v61;
	v7 =	vpop (erf);
	(erf) = vpow2.f32 v6;
	v6 =	vmul.f32 $1.442695020e+00, v62  }
0x59: {  	[tilespmem:$0x3EC0] =	vst v63  }
0x5a: {  	[tilespmem:$0x3ED0] =	vst v7;
	v7 =	vpop (erf);
	(erf) = vpow2.f32 v5  }
0x5b: {  	[tilespmem:$0x3EE0] =	vst v7;
	v5 =	vpop (erf);
	(erf) = vpow2.f32 v6  }
0x5c: {  	[tilespmem:$0x3EF0] =	vst v5;
	v6 =	vpop (erf)  }
0x5d: {  	v5 =	vpop (erf);
	[tilespmem:$0x3F00] =	vst v6  }
0x5e: {  	v6 =	vpop (erf);
	[tilespmem:$0x3F10] =	vst v5  }
0x5f: {  	v5 =	vpop (erf);
	[tilespmem:$0x3F20] =	vst v6  }
0x60: {  	v6 =	vpop (erf);
	[tilespmem:$0x3F30] =	vst v5  }
0x61: {  	s1 =	rddreg [dreg:$0x6];
	v5 =	vpop (erf);
	[tilespmem:$0x3F40] =	vst v6  }
0x62: {  	s1 =	sadd.s32 s1, s9;
	v6 =	vpop (erf);
	[tilespmem:$0x3F50] =	vst v5  }
0x63: {  	s1 =	smul.u32 $0x50, s1;
	v5 =	vpop (erf);
	[tilespmem:$0x3F60] =	vst v6  }
0x64: {  	s5 =	rddreg [dreg:$0x3];
	[tilespmem:$0x3F70] =	vst v5;
	v5 =	vpop (erf)  }
0x65: {  	s5 =	sadd.s32 s5, s1;
	[tilespmem:$0x3F80] =	vst v5  }
0x66: {  	[hbm4b:s5+s3] =	stream.linear.scatter [tilespmem:s0], [sflag:$0x2], $0x280, $0x38;
	[tilespmem:$0x3F90] =	vst v63  }
0x67: {  	s25 =	simm.s32 $0x3D10;
	s9 =	sadd.s32 $0x1, s9;
	_ =	swait.ge [sflag:s8], $0x280  }
0x68: {  	p0 =	sne.s32 s9, $0x14;
	[sflag:s8] =	ssyncset.done $0x0;
	s24 =	rddreg [dreg:$0x4]  }
.Ltmp3:
0x69: {  	[sflag:s8] =	ssyncadd.s32 $0xFFFFFD80;
	s1 =	sadd.s32 s24, s1;
	(pc) =	sbr.rel @!p0 .LBB2_25-.Ltmp3, $4  }
0x6a: {  	[hbm4b:s1+s3] =	stream.linear.scatter [tilespmem:s25], [sflag:$0x2], $0x280, $0x38;
	[tilespmem:$0x3F90] =	vst v63  }
0x6b: {  	_ =	swait.ge [sflag:s8], $0x280  }
0x6c: {  	[sflag:s8] =	ssyncset.done $0x0  }
0x6d: {  	[sflag:s8] =	ssyncadd.s32 $0xFFFFFD80  }
.LBB2_2:
0x6e: {  	s1 =	sshll.u32 s9, $0x4;
	s5 =	rddreg [dreg:$0x5]  }
0x6f: {  	s1 =	sadd.s32 s5, s1  }
0x70: {  	s6 =	rddreg [dreg:$0x1];
	s5 =	sshrl.u32 s1, $0x3  }
0x71: {  	s25 =	simm.s32 $0x0;
	s7 =	simm.s32 $0x3800;
	s5 =	sadd.s32 s6, s5  }
0x72: {  	[tilespmem:s7], [sflag:$0x2] =	stream.linear.gather [hbm4b:s5+s25], $0x10, $0x38;
	[tilespmem:$0x3F90] =	vst v63  }
0x73: {  	_ =	swait.ge [sflag:s8], $0x10  }
0x74: {  	[sflag:s8] =	ssyncset.done $0x0  }
0x75: {  	[sflag:s8] =	ssyncadd.s32 $0xFFFFFFF0  }
0x76: {  	s6 =	simm.s32 $0x0;
	s5 =	simm.s32 $0x40;
	v5 =	vld [tilespmem:$0x3800]  }
.LBB2_3:
0x77: {  	p0 =	seq.s32 s5, $0x2FC0;
	[tilespmem:s6+$0x2000] =	vst v0;
	s6 =	smov.u32 s5;
	s5 =	sadd.s32 $0x40, s5  }
.Ltmp4:
0x78: {  	(pc) =	sbr.rel @!p0 .LBB2_3-.Ltmp4, $2  }
0x79: {  	_ =	sdelay $0x2  }
0x7a: {  	s6 =	sshra.s32 s6, $0x2  }
0x7b: {  	s10 =	smul.u32 $0x2800, s1  }
0x7c: {  	[dreg:$0x9] =	wrdreg s9;
	s21 =	simm.s32 $0x0;
	s22 =	simm.s32 $0x0  }
0x7d: {  	[tilespmem:s6+$0x2000] =	vst v0;
	s9 =	sor.u32 $0x2800, s10;
	s5 =	sor.u32 $0x5000, s10;
	s6 =	sor.u32 $0x7800, s10  }
0x7e: {  	s7 =	sadd.s32 $0xA000, s10;
	s8 =	sadd.s32 $0xC800, s10;
	s11 =	sadd.s32 $0xF000, s10  }
0x7f: {  	s1 =	sadd.s32 $0x11800, s10;
	s12 =	sadd.s32 $0x16800, s10;
	s13 =	sadd.s32 $0x19000, s10  }
0x80: {  	s14 =	sadd.s32 $0x1B800, s10;
	s15 =	sadd.s32 $0x1E000, s10;
	s16 =	sadd.s32 $0x20800, s10  }
0x81: {  	v6 =	vimm.s32 $0x0;
	s17 =	sadd.s32 $0x23000, s10;
	s18 =	sadd.s32 $0x25800, s10;
	s19 =	sadd.s32 $0x14000, s10  }
.LBB2_5:
0x82: {  	s23 =	sshll.u32 s22, $0x9  }
0x83: {  	s24 =	sor.u32 s10, s23  }
0x84: {  	s24 =	sshrl.u32 s24, $0x3  }
0x85: {  	s25 =	sadd.s32 s9, s23;
	s24 =	sadd.s32 s4, s24  }
0x86: {  	[tilespmem:s20], [sflag:$0x1] =	stream.linear.gather [hbm4b:s24+s20], $0x200, $0x38;
	[tilespmem:$0x3F90] =	vst v63  }
0x87: {  	s24 =	sshrl.u32 s25, $0x3  }
0x88: {  	s25 =	simm.s32 $0x200;
	s24 =	sadd.s32 s4, s24  }
0x89: {  	[tilespmem:s25], [sflag:$0x1] =	stream.linear.gather [hbm4b:s24+s20], $0x200, $0x38;
	[tilespmem:$0x3F90] =	vst v63  }
0x8a: {  	s25 =	sadd.s32 s5, s23  }
0x8b: {  	s24 =	sshrl.u32 s25, $0x3  }
0x8c: {  	s25 =	simm.s32 $0x400;
	s24 =	sadd.s32 s4, s24  }
0x8d: {  	[tilespmem:s25], [sflag:$0x1] =	stream.linear.gather [hbm4b:s24+s20], $0x200, $0x38;
	[tilespmem:$0x3F90] =	vst v63  }
0x8e: {  	s25 =	sadd.s32 s6, s23  }
0x8f: {  	s24 =	sshrl.u32 s25, $0x3  }
0x90: {  	s25 =	simm.s32 $0x600;
	s24 =	sadd.s32 s4, s24  }
0x91: {  	[tilespmem:s25], [sflag:$0x1] =	stream.linear.gather [hbm4b:s24+s20], $0x200, $0x38;
	[tilespmem:$0x3F90] =	vst v63  }
0x92: {  	s25 =	sadd.s32 s7, s23  }
0x93: {  	s24 =	sshrl.u32 s25, $0x3  }
0x94: {  	s25 =	simm.s32 $0x800;
	s24 =	sadd.s32 s4, s24  }
0x95: {  	[tilespmem:s25], [sflag:$0x1] =	stream.linear.gather [hbm4b:s24+s20], $0x200, $0x38;
	[tilespmem:$0x3F90] =	vst v63  }
0x96: {  	s25 =	sadd.s32 s8, s23  }
0x97: {  	s24 =	sshrl.u32 s25, $0x3  }
0x98: {  	s25 =	simm.s32 $0xA00;
	s24 =	sadd.s32 s4, s24  }
0x99: {  	[tilespmem:s25], [sflag:$0x1] =	stream.linear.gather [hbm4b:s24+s20], $0x200, $0x38;
	[tilespmem:$0x3F90] =	vst v63  }
0x9a: {  	s25 =	sadd.s32 s11, s23  }
0x9b: {  	s24 =	sshrl.u32 s25, $0x3  }
0x9c: {  	s25 =	simm.s32 $0xC00;
	s24 =	sadd.s32 s4, s24  }
0x9d: {  	[tilespmem:s25], [sflag:$0x1] =	stream.linear.gather [hbm4b:s24+s20], $0x200, $0x38;
	[tilespmem:$0x3F90] =	vst v63  }
0x9e: {  	s25 =	sadd.s32 s1, s23  }
0x9f: {  	s24 =	sshrl.u32 s25, $0x3  }
0xa0: {  	s25 =	simm.s32 $0xE00;
	s24 =	sadd.s32 s4, s24  }
0xa1: {  	[tilespmem:s25], [sflag:$0x1] =	stream.linear.gather [hbm4b:s24+s20], $0x200, $0x38;
	[tilespmem:$0x3F90] =	vst v63  }
0xa2: {  	s25 =	sadd.s32 s19, s23  }
0xa3: {  	s24 =	sshrl.u32 s25, $0x3  }
0xa4: {  	s25 =	simm.s32 $0x1000;
	s24 =	sadd.s32 s4, s24  }
0xa5: {  	[tilespmem:s25], [sflag:$0x1] =	stream.linear.gather [hbm4b:s24+s20], $0x200, $0x38;
	[tilespmem:$0x3F90] =	vst v63  }
0xa6: {  	s25 =	sadd.s32 s12, s23  }
0xa7: {  	s24 =	sshrl.u32 s25, $0x3  }
0xa8: {  	s25 =	simm.s32 $0x1200;
	s24 =	sadd.s32 s4, s24  }
0xa9: {  	[tilespmem:s25], [sflag:$0x1] =	stream.linear.gather [hbm4b:s24+s20], $0x200, $0x38;
	[tilespmem:$0x3F90] =	vst v63  }
0xaa: {  	s25 =	sadd.s32 s13, s23  }
0xab: {  	s24 =	sshrl.u32 s25, $0x3  }
0xac: {  	s25 =	simm.s32 $0x1400;
	s24 =	sadd.s32 s4, s24  }
0xad: {  	[tilespmem:s25], [sflag:$0x1] =	stream.linear.gather [hbm4b:s24+s20], $0x200, $0x38;
	[tilespmem:$0x3F90] =	vst v63  }
0xae: {  	s25 =	sadd.s32 s14, s23  }
0xaf: {  	s24 =	sshrl.u32 s25, $0x3  }
0xb0: {  	s25 =	simm.s32 $0x1600;
	s24 =	sadd.s32 s4, s24  }
0xb1: {  	[tilespmem:s25], [sflag:$0x1] =	stream.linear.gather [hbm4b:s24+s20], $0x200, $0x38;
	[tilespmem:$0x3F90] =	vst v63  }
0xb2: {  	s25 =	sadd.s32 s15, s23  }
0xb3: {  	s24 =	sshrl.u32 s25, $0x3  }
0xb4: {  	s25 =	simm.s32 $0x1800;
	s24 =	sadd.s32 s4, s24  }
0xb5: {  	[tilespmem:s25], [sflag:$0x1] =	stream.linear.gather [hbm4b:s24+s20], $0x200, $0x38;
	[tilespmem:$0x3F90] =	vst v63  }
0xb6: {  	s25 =	sadd.s32 s16, s23  }
0xb7: {  	s24 =	sshrl.u32 s25, $0x3  }
0xb8: {  	s25 =	simm.s32 $0x1A00;
	s24 =	sadd.s32 s4, s24  }
0xb9: {  	[tilespmem:s25], [sflag:$0x1] =	stream.linear.gather [hbm4b:s24+s20], $0x200, $0x38;
	[tilespmem:$0x3F90] =	vst v63  }
0xba: {  	s25 =	sadd.s32 s17, s23  }
0xbb: {  	s23 =	sadd.s32 s18, s23;
	s24 =	sshrl.u32 s25, $0x3  }
0xbc: {  	s25 =	simm.s32 $0x1C00;
	s23 =	sshrl.u32 s23, $0x3;
	s24 =	sadd.s32 s4, s24  }
0xbd: {  	[tilespmem:s25], [sflag:$0x1] =	stream.linear.gather [hbm4b:s24+s20], $0x200, $0x38;
	[tilespmem:$0x3F90] =	vst v63  }
0xbe: {  	s23 =	sadd.s32 s4, s23  }
0xbf: {  	[tilespmem:s26], [sflag:$0x1] =	stream.linear.gather [hbm4b:s23+s20], $0x200, $0x38;
	[tilespmem:$0x3F90] =	vst v63  }
0xc0: {  	_ =	swait.ge [sflag:s28], $0x200  }
0xc1: {  	[sflag:s28] =	ssyncset.done $0x0  }
0xc2: {  	[sflag:s28] =	ssyncadd.s32 $0xFFFFFE00  }
0xc3: {  	_ =	swait.ge [sflag:s28], $0x200  }
0xc4: {  	[sflag:s28] =	ssyncset.done $0x0  }
0xc5: {  	[sflag:s28] =	ssyncadd.s32 $0xFFFFFE00  }
0xc6: {  	_ =	swait.ge [sflag:s28], $0x200  }
0xc7: {  	[sflag:s28] =	ssyncset.done $0x0  }
0xc8: {  	[sflag:s28] =	ssyncadd.s32 $0xFFFFFE00  }
0xc9: {  	_ =	swait.ge [sflag:s28], $0x200  }
0xca: {  	[sflag:s28] =	ssyncset.done $0x0  }
0xcb: {  	[sflag:s28] =	ssyncadd.s32 $0xFFFFFE00  }
0xcc: {  	_ =	swait.ge [sflag:s28], $0x200  }
0xcd: {  	[sflag:s28] =	ssyncset.done $0x0  }
0xce: {  	[sflag:s28] =	ssyncadd.s32 $0xFFFFFE00  }
0xcf: {  	_ =	swait.ge [sflag:s28], $0x200  }
0xd0: {  	[sflag:s28] =	ssyncset.done $0x0  }
0xd1: {  	[sflag:s28] =	ssyncadd.s32 $0xFFFFFE00  }
0xd2: {  	_ =	swait.ge [sflag:s28], $0x200  }
0xd3: {  	[sflag:s28] =	ssyncset.done $0x0  }
0xd4: {  	[sflag:s28] =	ssyncadd.s32 $0xFFFFFE00  }
0xd5: {  	_ =	swait.ge [sflag:s28], $0x200  }
0xd6: {  	[sflag:s28] =	ssyncset.done $0x0  }
0xd7: {  	[sflag:s28] =	ssyncadd.s32 $0xFFFFFE00  }
0xd8: {  	_ =	swait.ge [sflag:s28], $0x200  }
0xd9: {  	[sflag:s28] =	ssyncset.done $0x0  }
0xda: {  	[sflag:s28] =	ssyncadd.s32 $0xFFFFFE00  }
0xdb: {  	_ =	swait.ge [sflag:s28], $0x200  }
0xdc: {  	[sflag:s28] =	ssyncset.done $0x0  }
0xdd: {  	[sflag:s28] =	ssyncadd.s32 $0xFFFFFE00  }
0xde: {  	_ =	swait.ge [sflag:s28], $0x200  }
0xdf: {  	[sflag:s28] =	ssyncset.done $0x0  }
0xe0: {  	[sflag:s28] =	ssyncadd.s32 $0xFFFFFE00  }
0xe1: {  	_ =	swait.ge [sflag:s28], $0x200  }
0xe2: {  	[sflag:s28] =	ssyncset.done $0x0  }
0xe3: {  	[sflag:s28] =	ssyncadd.s32 $0xFFFFFE00  }
0xe4: {  	_ =	swait.ge [sflag:s28], $0x200  }
0xe5: {  	[sflag:s28] =	ssyncset.done $0x0  }
0xe6: {  	[sflag:s28] =	ssyncadd.s32 $0xFFFFFE00  }
0xe7: {  	_ =	swait.ge [sflag:s28], $0x200  }
0xe8: {  	[sflag:s28] =	ssyncset.done $0x0  }
0xe9: {  	[sflag:s28] =	ssyncadd.s32 $0xFFFFFE00  }
0xea: {  	_ =	swait.ge [sflag:s28], $0x200  }
0xeb: {  	[sflag:s28] =	ssyncset.done $0x0  }
0xec: {  	[sflag:s28] =	ssyncadd.s32 $0xFFFFFE00  }
0xed: {  	_ =	swait.ge [sflag:s28], $0x200  }
0xee: {  	[sflag:s28] =	ssyncset.done $0x0  }
0xef: {  	s23 =	simm.s32 $0x0;
	[sflag:s28] =	ssyncadd.s32 $0xFFFFFE00  }
.LBB2_6:
0xf0: {  	v7 =	vor.u32 s23, v2;
	_ =	sdelay $0x4  }
0xf1: {  	v7 =	vld.idx.msk [tilespmem:v7+s3+$0x0], $0xffff;
	_ =	sdelay $0x4  }
0xf2: {  	vm1 =	vlt.s32 v6, $0xC00;
	vm0 =	vlt.f32 v7, v5  }
0xf3: {  	vm0 =	vmand vm1, vm0  }
0xf4: {  	v8 =	vadd.s32 v1, v6  }
0xf5: {  	s24 =	sadd.s32 $0x1, s23  }
0xf6: {  	v9 =	vor.u32 s24, v2;
	_ =	sdelay $0x1  }
0xf7: {  	s24 =	sadd.s32 s23, s21  }
0xf8: {  	[tilespmem:v8+s29+$0x0] =	vst.idx.msk vm0, v7;
	v7 =	vmov s24  }
0xf9: {  	[tilespmem:v8+s30+$0x0] =	vst.idx.msk vm0, v7  }
0xfa: {  	v7 =	vld.idx.msk [tilespmem:v9+s3+$0x0], $0xffff;
	_ =	sdelay $0x2  }
0xfb: {  	v8 =	vsel vm0, $0x10, v3  }
0xfc: {  	v6 =	vadd.s32 v6, v8  }
0xfd: {  	vm15 =	vlt.s32 v6, $0xC00;
	vm14 =	vlt.f32 v7, v5  }
0xfe: {  	vm0 =	vmand vm14, vm15  }
0xff: {  	v8 =	vadd.s32 v1, v6  }
0x100: {  	s25 =	sadd.s32 $0x2, s23  }
0x101: {  	v57 =	vor.u32 s25, v2;
	_ =	sdelay $0x1  }
0x102: {  	s25 =	sadd.s32 $0x1, s24  }
0x103: {  	[tilespmem:v8+s29+$0x0] =	vst.idx.msk vm0, v7;
	v7 =	vmov s25  }
0x104: {  	[tilespmem:v8+s30+$0x0] =	vst.idx.msk vm0, v7  }
0x105: {  	v7 =	vld.idx.msk [tilespmem:v57+s3+$0x0], $0xffff;
	_ =	sdelay $0x2  }
0x106: {  	v8 =	vsel vm0, $0x10, v3  }
0x107: {  	v6 =	vadd.s32 v6, v8  }
0x108: {  	vm5 =	vlt.s32 v6, $0xC00;
	vm4 =	vlt.f32 v7, v5  }
0x109: {  	vm0 =	vmand vm4, vm5  }
0x10a: {  	v8 =	vadd.s32 v1, v6  }
0x10b: {  	s25 =	sadd.s32 $0x3, s23  }
0x10c: {  	v58 =	vor.u32 s25, v2;
	_ =	sdelay $0x1  }
0x10d: {  	s25 =	sadd.s32 $0x2, s24  }
0x10e: {  	[tilespmem:v8+s29+$0x0] =	vst.idx.msk vm0, v7;
	v7 =	vmov s25  }
0x10f: {  	[tilespmem:v8+s30+$0x0] =	vst.idx.msk vm0, v7  }
0x110: {  	v7 =	vld.idx.msk [tilespmem:v58+s3+$0x0], $0xffff;
	_ =	sdelay $0x2  }
0x111: {  	v8 =	vsel vm0, $0x10, v3  }
0x112: {  	v6 =	vadd.s32 v6, v8  }
0x113: {  	vm7 =	vlt.s32 v6, $0xC00;
	vm6 =	vlt.f32 v7, v5  }
0x114: {  	vm0 =	vmand vm6, vm7  }
0x115: {  	v8 =	vadd.s32 v1, v6  }
0x116: {  	s25 =	sadd.s32 $0x4, s23  }
0x117: {  	v59 =	vor.u32 s25, v2;
	_ =	sdelay $0x1  }
0x118: {  	s25 =	sadd.s32 $0x3, s24  }
0x119: {  	[tilespmem:v8+s29+$0x0] =	vst.idx.msk vm0, v7;
	v7 =	vmov s25  }
0x11a: {  	[tilespmem:v8+s30+$0x0] =	vst.idx.msk vm0, v7  }
0x11b: {  	v7 =	vld.idx.msk [tilespmem:v59+s3+$0x0], $0xffff;
	_ =	sdelay $0x2  }
0x11c: {  	v8 =	vsel vm0, $0x10, v3  }
0x11d: {  	v6 =	vadd.s32 v6, v8  }
0x11e: {  	vm9 =	vlt.s32 v6, $0xC00;
	vm8 =	vlt.f32 v7, v5  }
0x11f: {  	vm0 =	vmand vm8, vm9  }
0x120: {  	v8 =	vadd.s32 v1, v6  }
0x121: {  	s25 =	sadd.s32 $0x5, s23  }
0x122: {  	v60 =	vor.u32 s25, v2;
	_ =	sdelay $0x1  }
0x123: {  	s25 =	sadd.s32 $0x4, s24  }
0x124: {  	[tilespmem:v8+s29+$0x0] =	vst.idx.msk vm0, v7;
	v7 =	vmov s25  }
0x125: {  	[tilespmem:v8+s30+$0x0] =	vst.idx.msk vm0, v7  }
0x126: {  	v7 =	vld.idx.msk [tilespmem:v60+s3+$0x0], $0xffff;
	_ =	sdelay $0x2  }
0x127: {  	v8 =	vsel vm0, $0x10, v3  }
0x128: {  	v6 =	vadd.s32 v6, v8  }
0x129: {  	vm11 =	vlt.s32 v6, $0xC00;
	vm10 =	vlt.f32 v7, v5  }
0x12a: {  	vm0 =	vmand vm10, vm11  }
0x12b: {  	v8 =	vadd.s32 v1, v6  }
0x12c: {  	s25 =	sadd.s32 $0x6, s23  }
0x12d: {  	v61 =	vor.u32 s25, v2;
	_ =	sdelay $0x1  }
0x12e: {  	s25 =	sadd.s32 $0x5, s24  }
0x12f: {  	[tilespmem:v8+s29+$0x0] =	vst.idx.msk vm0, v7;
	v7 =	vmov s25  }
0x130: {  	[tilespmem:v8+s30+$0x0] =	vst.idx.msk vm0, v7  }
0x131: {  	v7 =	vld.idx.msk [tilespmem:v61+s3+$0x0], $0xffff;
	_ =	sdelay $0x2  }
0x132: {  	v8 =	vsel vm0, $0x10, v3  }
0x133: {  	v6 =	vadd.s32 v6, v8  }
0x134: {  	vm13 =	vlt.s32 v6, $0xC00;
	vm12 =	vlt.f32 v7, v5  }
0x135: {  	vm0 =	vmand vm12, vm13  }
0x136: {  	v8 =	vadd.s32 v1, v6  }
0x137: {  	s25 =	sadd.s32 $0x7, s23  }
0x138: {  	v62 =	vor.u32 s25, v2;
	_ =	sdelay $0x1  }
0x139: {  	s25 =	sadd.s32 $0x6, s24  }
0x13a: {  	[tilespmem:v8+s29+$0x0] =	vst.idx.msk vm0, v7;
	v7 =	vmov s25  }
0x13b: {  	[tilespmem:v8+s30+$0x0] =	vst.idx.msk vm0, v7  }
0x13c: {  	v7 =	vld.idx.msk [tilespmem:v62+s3+$0x0], $0xffff;
	_ =	sdelay $0x2  }
0x13d: {  	v8 =	vsel vm0, $0x10, v3  }
0x13e: {  	v6 =	vadd.s32 v6, v8  }
0x13f: {  	vm15 =	vlt.s32 v6, $0xC00;
	vm14 =	vlt.f32 v7, v5  }
0x140: {  	vm0 =	vmand vm14, vm15  }
0x141: {  	v8 =	vadd.s32 v1, v6  }
0x142: {  	p0 =	sne.s32 s23, $0x1F8  }
.Ltmp5:
0x143: {  	_ = 	snop;
	(pc) =	sbr.rel @p0 .LBB2_6-.Ltmp5, $4  }
0x144: {  	_ = 	snop  }
0x145: {  	s24 =	sadd.s32 $0x7, s24  }
0x146: {  	v63 =	vsel vm0, $0x10, v3;
	[tilespmem:v8+s29+$0x0] =	vst.idx.msk vm0, v7;
	v7 =	vmov s24  }
0x147: {  	s23 =	sadd.s32 $0x8, s23;
	v6 =	vadd.s32 v6, v63;
	[tilespmem:v8+s30+$0x0] =	vst.idx.msk vm0, v7  }
0x148: {  	s22 =	sadd.s32 $0x1, s22  }
0x149: {  	p0 =	sne.s32 s22, $0x14  }
.Ltmp6:
0x14a: {  	_ = 	snop;
	(pc) =	sbr.rel @p0 .LBB2_5-.Ltmp6, $2  }
0x14b: {  	_ =	sdelay $0x2  }
0x14c: {  	s21 =	sadd.s32 $0x200, s21  }
0x14d: {  	v5 =	vxor.u32 $0x80000000, v6  }
0x14e: {  	(xrf0) =	vmax.scan.msk.u32 $0xffff, v5;
	_ =	sdelay $0x5  }
0x14f: {  	v5, _, _ =	vpop (xrf0)  }
0x150: {  	(v2sf) =	vpush v5, $0xF;
	_ =	sdelay $0xe  }
0x151: {  	s1 =	spop (v2sf)  }
0x152: {  	s5 =	sxor.u32 $0x80000000, s1  }
0x153: {  	p1 =	sgt.s32 s1, $0xFFFFFFFF;
	s1 =	sand.u32 $0xF, s1;
	p0 =	slt.s32 s5, $0x1  }
0x154: {  	s6 =	sshra.s32 s5, $0x1F;
	p6 =	sne.s32 s1, $0x0;
	p0 =	por p1, p0  }
.Ltmp7:
0x155: {  	s25 =	sshrl.u32 s6, $0x1C;
	p0 =	por !p6, !p0;
	(pc) =	sbr.rel .LBB2_9-.Ltmp7, $4  }
0x156: {  	s1 =	sadd.s32 s25, s5;
	s5 =	simm.s32 $0x1;
	p0 =	por !p0, !p0  }
0x157: {  	s1 =	sshra.s32 s1, $0x4;
	s5 =	simm.s32 @!p0 $0x0  }
0x158: {  	s1 =	ssub.s32 s1, s5  }
0x159: {  	v5 =	vimm.s32 $0x0;
	s5 =	simm.s32 $0x0;
	p0 =	slt.s32 s1, $0x1  }
.LBB2_16:
0x15a: {  	s5 =	sadd.s32 $0x1, s5  }
0x15b: {  	p1 =	seq.s32 s5, $0x1F  }
.Ltmp8:
0x15c: {  	_ = 	snop;
	(pc) =	sbr.rel @p1 .LBB2_17-.Ltmp8, $2  }
0x15d: {  	_ =	sdelay $0x2  }
0x15e: {  	v5 =	vmov v7  }
.LBB2_9:
.Ltmp9:
0x15f: {  	(pc) =	sbr.rel @p0 .LBB2_16-.Ltmp9, $3  }
0x160: {  	_ =	sdelay $0x1  }
0x161: {  	s6 =	sshrl.u32 s31, s5  }
0x162: {  	s7 =	simm.s32 $0x2000;
	v7 =	vadd.s32 s6, v5  }
0x163: {  	v6 =	vld [tilespmem:s7+$0x0];
	p1 =	sne.s32 s1, $0x1  }
.Ltmp10:
0x164: {  	_ = 	snop;
	(pc) =	sbr.rel @!p1 .LBB2_12-.Ltmp10, $2  }
0x165: {  	_ =	sdelay $0x2  }
0x166: {  	s6 =	sadd.s32 $0xFFFFFFFF, s1;
	s7 =	sadd.s32 $0x10, s7;
	vm0 =	vlt.s32 v6, v7;
	v6 =	vimm.s32 $0x0  }
.LBB2_11:
0x167: {  	v8 =	vld [tilespmem:s7+$0x0];
	p1 =	sne.s32 s6, $0x1;
	s6 =	sadd.s32 $0xFFFFFFFF, s6;
	v9 =	vsel vm0, $0x1, v3  }
.Ltmp11:
0x168: {  	v6 =	vadd.s32 v9, v6;
	(pc) =	sbr.rel @p1 .LBB2_11-.Ltmp11, $2  }
0x169: {  	_ =	sdelay $0x2  }
0x16a: {  	s7 =	sadd.s32 $0x10, s7;
	vm0 =	vlt.s32 v8, v7  }
.LBB2_12:
0x16b: {  	s5 =	sadd.s32 $0x1, s5  }
0x16c: {  	p1 =	seq.s32 s5, $0x1F  }
.Ltmp12:
0x16d: {  	_ = 	snop;
	(pc) =	sbr.rel @!p1 .LBB2_9-.Ltmp12, $4  }
0x16e: {  	v8 =	vsel vm0, $0x1, v3  }
0x16f: {  	v6 =	vadd.s32 v8, v6  }
0x170: {  	vm15 =	vlt.s32 v6, $0x28  }
0x171: {  	v5 =	vsel vm15, v7, v5  }
0x172: {  	s5 =	simm.s32 $0x2000  }
0x173: {  	p0 =	sne.s32 s1, $0x1;
	v7 =	vld [tilespmem:s5+$0x0]  }
.Ltmp13:
0x174: {  	_ = 	snop;
	(pc) =	sbr.rel @!p0 .LBB2_15-.Ltmp13, $2  }
0x175: {  	_ =	sdelay $0x2  }
0x176: {  	v6 =	vimm.s32 $0x0;
	s6 =	simm.s32 $0x2010;
	s5 =	sadd.s32 $0xFFFFFFFF, s1;
	vm0 =	vlt.s32 v7, v5  }
.LBB2_14:
0x177: {  	v7 =	vld [tilespmem:s6+$0x0];
	p0 =	sne.s32 s5, $0x1;
	s5 =	sadd.s32 $0xFFFFFFFF, s5;
	v8 =	vsel vm0, $0x1, v3  }
.Ltmp14:
0x178: {  	v6 =	vadd.s32 v8, v6;
	(pc) =	sbr.rel @p0 .LBB2_14-.Ltmp14, $2  }
0x179: {  	_ =	sdelay $0x2  }
0x17a: {  	s6 =	sadd.s32 $0x10, s6;
	vm0 =	vlt.s32 v7, v5  }
.LBB2_15:
.Ltmp15:
0x17b: {  	(pc) =	sbr.rel .LBB2_18-.Ltmp15, $4  }
0x17c: {  	_ = 	snop  }
0x17d: {  	v7 =	vsel vm0, $0x1, v3  }
0x17e: {  	v6 =	vadd.s32 v7, v6  }
0x17f: {  	s8 =	simm.s32 $0x2;
	s9 =	rddreg [dreg:$0x9];
	v6 =	vsub.s32 $0x28, v6  }
.LBB2_17:
0x180: {  	v6 =	vimm.s32 $0x28;
	v5 =	vmov v7;
	s8 =	simm.s32 $0x2;
	s9 =	rddreg [dreg:$0x9]  }
.LBB2_18:
0x181: {  	s5 =	simm.s32 $0x40;
	s6 =	simm.s32 $0x0  }
.LBB2_19:
0x182: {  	p0 =	seq.s32 s5, $0x9C0;
	[tilespmem:s6+$0x3810] =	vst v3;
	s7 =	smov.u32 s5;
	s5 =	sadd.s32 $0x40, s5  }
.Ltmp16:
0x183: {  	[tilespmem:s6+$0x3A90] =	vst v4;
	(pc) =	sbr.rel @!p0 .LBB2_19-.Ltmp16, $2  }
0x184: {  	_ =	sdelay $0x2  }
0x185: {  	s6 =	sshra.s32 s7, $0x2  }
0x186: {  	p0 =	sgt.s32 s1, $0x0  }
.Ltmp17:
0x187: {  	_ = 	snop;
	(pc) =	sbr.rel @!p0 .LBB2_24-.Ltmp17, $3  }
0x188: {  	_ =	sdelay $0x1  }
0x189: {  	[tilespmem:s6+$0x3810] =	vst v3  }
0x18a: {  	[tilespmem:s6+$0x3A90] =	vst v4  }
0x18b: {  	s5 =	simm.s32 $0x2000  }
0x18c: {  	v8 =	vld [tilespmem:s5+$0x0];
	_ =	sdelay $0x3  }
0x18d: {  	v9 =	vimm.s32 $0x0  }
0x18e: {  	vm0 =	vlt.s32 v9, v6;
	vm1 =	veq.s32 v5, v8  }
0x18f: {  	v7 =	vlaneseq.u32;
	vm2 =	vgt.s32 v5, v8;
	vm0 =	vmand vm0, vm1  }
0x190: {  	vm0 =	vmor vm2, vm0;
	vm2 =	vlt.s32 v7, $0x280  }
0x191: {  	s6 =	simm.s32 $0x2C00;
	vm0 =	vmand vm2, vm0  }
0x192: {  	p0 =	sne.s32 s1, $0x1;
	v11 =	vld [tilespmem:s6+$0x0]  }
.Ltmp18:
0x193: {  	_ = 	snop;
	(pc) =	sbr.rel @!p0 .LBB2_23-.Ltmp18, $3  }
0x194: {  	_ =	sdelay $0x1  }
0x195: {  	v10 =	vsel vm1, $0x1, v3;
	v12 =	vsel vm0, $0x10, v3  }
0x196: {  	s1 =	sadd.s32 $0xFFFFFFFF, s1;
	v9 =	vadd.s32 v10, v9;
	v10 =	vadd.s32 v7, v12;
	[tilespmem:v7+s0+$0x0] =	vst.idx.msk vm0, v11  }
.LBB2_22:
0x197: {  	p0 =	sne.s32 s1, $0x1;
	[tilespmem:v7+s2+$0x0] =	vst.idx.msk vm0, v8;
	s5 =	sadd.s32 $0x10, s5;
	s6 =	sadd.s32 $0x10, s6;
	v7 =	vmov v10  }
0x198: {  	s1 =	sadd.s32 $0xFFFFFFFF, s1;
	v8 =	vld [tilespmem:s5+$0x0];
	_ =	sdelay $0x4  }
0x199: {  	vm1 =	vlt.s32 v9, v6;
	vm0 =	veq.s32 v5, v8  }
0x19a: {  	vm2 =	vgt.s32 v5, v8;
	vm1 =	vmand vm1, vm0;
	v11 =	vsel vm0, $0x1, v3  }
0x19b: {  	vm0 =	vmor vm2, vm1;
	vm1 =	vlt.s32 v10, $0x280;
	v9 =	vadd.s32 v11, v9  }
0x19c: {  	vm0 =	vmand vm1, vm0  }
0x19d: {  	v11 =	vld [tilespmem:s6+$0x0];
	v12 =	vsel vm0, $0x10, v3  }
.Ltmp19:
0x19e: {  	v10 =	vadd.s32 v10, v12;
	(pc) =	sbr.rel @p0 .LBB2_22-.Ltmp19, $2  }
0x19f: {  	_ =	sdelay $0x2  }
0x1a0: {  	[tilespmem:v7+s0+$0x0] =	vst.idx.msk vm0, v11  }
.Ltmp20:
0x1a1: {  	_ = 	snop;
	(pc) =	sbr.rel .LBB2_23-.Ltmp20, $1  }
0x1a2: {  	_ =	sdelay $0x3  }
.LBB2_26:
0x1a3: {  	_ =	sfence.sel $0x180000  }
0x1a4: {  	[bflag:$0x0] =	sbarrier.arrive $0xFFFF  }
0x1a5: {  	_ =	strace $0x9000004A  }
0x1a6: {  	s0 =	stileid.u32;
	[bflag:$0x2] =	sbarrier.arrive $0xFFFF  }
0x1a7: {  	p0 =	sne.s32 s0, $0x0;
	s0 =	rddreg [dreg:$0x2]  }
0x1a8: {  	s0 =	sadd.s32 @!p0 $0x100000, s0  }
0x1a9: {  	[sflag:s0] =	ssyncadd.tile.s32 @!p0 $0x1;
	_ =	shalt  }
.Lfunc_end2:
_tile_overlayer_lowered:
.L_overlay_start_2:
0x1aa: {  	(tag) =	ssettag $0x2  }
0x1ab: {  	s0 =	rddreg [dreg:$0x0];
	s2 =	stileid.u32  }
0x1ac: {  	s1 =	rddreg [dreg:$0x1];
	p0 =	sne.s32 s2, $0x0  }
0x1ad: {  	s3 =	rddreg [dreg:$0x2];
	[bflag:$0x3] =	sbarrier.arrive $0xFFFF;
	s2 =	simm.s32 @!p0 $0x1C02  }
0x1ae: {  	[timem:s3], [sflag:s2] =	dma.local @!p0 [hbm:s0], s1  }
0x1af: {  	s0 =	simm.s32 @!p0 $0x2  }
0x1b0: {  	_ =	swait.ge @!p0 [sflag:s0], s1  }
0x1b1: {  	s1 =	ssub.s32 @!p0 $0x0, s1;
	[sflag:s0] =	ssyncset.done @!p0 $0x0  }
0x1b2: {  	[sflag:s0] =	ssyncadd.s32 @!p0 s1  }
0x1b3: {  	[bflag:$0x3] =	sbarrier.arrive $0xFFFF  }
0x1b4: {  	_ =	shalt  }

// kernel: sparse-core-data-format-call.cloned.1.call-start
scs
called_computation_lowered:
.L_overlay_start_0:
0x0: {  	s1 =	sld [smem:$0x3FD9]  }
0x1: {  	s2 =	sld [smem:$0x3FFE];
	_ =	sdelay $0x1  }
0x2: {  	s3 =	srdreg.scid  }
0x3: {  	s0 =	sand.u32 $0x1, s3  }
0x4: {  	s17 =	sshll.u32 s0, $0xA;
	s1 =	sadd.s32 s2, s1  }
0x5: {  	s1 =	sadd.s32 s1, s17  }
0x6: {  	[smem:$0x3FA4] =	sst s1  }
0x7: {  	_ = 	snop  }
0x8: {  	(tm) =	ssettm $0x1  }
0x9: {  	s18 =	sld [smem:$0x3FFB];
	_ =	sdelay $0x3  }
0xa: {  	_ =	strace s18  }
0xb: {  	s1 =	sld [smem:$0x3FFC];
	_ =	sdelay $0x3  }
0xc: {  	_ =	strace s1  }
0xd: {  	s1 =	sld [smem:$0x3FFD];
	_ =	sdelay $0x3  }
0xe: {  	_ =	strace s1  }
0xf: {  	_ =	strace $0x8FFFFFFF  }
0x10: {  	s19 =	sld [smem:$0x3FDB];
	_ =	sdelay $0x1  }
0x11: {  	s20 =	simm.s32 $_scs_section_size  }
0x12: {  	s4 =	simm.s32 $_size__tile_overlayer_lowered;
	s5 =	simm.s32 $_tile_overlayer_lowered  }
0x13: {  	s23 =	simm.s32 $0x1BFF;
	s22 =	sshll.u32 s5, $0x1;
	s1 =	sadd.s32 s20, s19  }
0x14: {  	s6 =	simm.s32 $0x0;
	s21 =	sshll.u32 s4, $0x1;
	s4 =	sadd.s32 s22, s1  }
0x15: {  	[timem:s6], [sflag:s23] =	dma.local [hbm:s4], s21  }
0x16: {  	_ =	swait.ge [sflag:s23], s21  }
0x17: {  	s2 =	ssub.s32 $0x0, s21;
	[sflag:s23] =	ssyncset.done $0x0  }
0x18: {  	[sflag:s23] =	ssyncadd.s32 s2;
	_ =	sdelay $0x1  }
0x19: {  	s24 =	simm.s32 $0x1B8B  }
0x1a: {  	_ =	swait.ge [sflag:s24], $0x1  }
0x1b: {  	[sflag:s24] =	ssyncset.done $0x0  }
0x1c: {  	s26 =	simm.s32 $0x1B8E;
	s25 =	sld [smem:$0x3FFE];
	[sflag:s24] =	ssyncadd.s32 $0xFFFFFFFF  }
0x1d: {  	s27 =	simm.s32 $execute0_lowered;
	[smem:$0x3FD2] =	sst s26  }
0x1e: {  	s4 =	sshll.u32 s27, $0x1;
	_ =	strace $0x80000046;
	[dreg:$0x1] =	wrdreg $0xFFFFFFFF  }
0x1f: {  	s28 =	simm.s32 $_size_execute0_lowered;
	s1 =	sadd.s32 s1, s4;
	[dreg:$0x0] =	wrdreg $0x0  }
0x20: {  	s4 =	sshll.u32 s28, $0x1;
	[dreg:$0x2] =	wrdreg s1  }
0x21: {  	[dreg:$0x3] =	wrdreg s4  }
0x22: {  	[dreg:$0x4] =	wrdreg $0xC0  }
0x23: {  	_ =	task [dreg:s6], $0x5FFFF  }
0x24: {  	[dreg:$0x1] =	wrdreg $0xFFFFFFFF  }
0x25: {  	[dreg:$0x0] =	wrdreg $0x60  }
0x26: {  	[dreg:$0x2] =	wrdreg s25  }
0x27: {  	[dreg:$0x3] =	wrdreg $0x9  }
0x28: {  	_ =	task.clear_ibuf [dreg:s6], $0x4FFFF;
	_ =	strace $0x90000046  }
0x29: {  	s29 =	simm.s32 $0x9;
	_ =	strace $0x80000048  }
0x2a: {  	_ =	swait.ge [sflag:s29], $0x1  }
0x2b: {  	[sflag:s29] =	ssyncadd.s32 $0xFFFFFFFF  }
0x2c: {  	_ =	strace $0x90000048  }
0x2d: {  	_ =	sfence  }
0x2e: {  	s30 =	sld [smem:$0x0];
	_ =	sdelay $0x2  }
0x2f: {  	s31 =	sshll.u32 s3, $0xD;
	s3 =	sshrl.u32 s3, $0x2  }
0x30: {  	s2 =	sand.u32 $0x4000, s31;
	s1 =	sadd.s32 s3, s30  }
0x31: {  	s0 =	sor.u32 s2, s0;
	s1 =	sshll.u32 s1, $0x11  }
0x32: {  	s0 =	sor.u32 s1, s0  }
0x33: {  	s0 =	sadd.s32 $0x8F2B, s0  }
0x34: {  	[sflag:s0] =	ssyncadd.remote.s32 $0x1  }
0x35: {  	_ =	sfence.sel $0xFFFF  }
0x36: {  	[dreg:$0x0] =	wrdreg $0xFFFFFFFF;
	(pc) =	sbr.abs _section_cstart, $3  }
0x37: {  	[dreg:$0x1] =	wrdreg $0xFFFFFFFF  }
0x38: {  	_ =	task.clear_ibuf [dreg:s6], $0x2FFFF;
	_ =	strace $0x9FFFFFFF  }
0x39: {  	(tm) =	ssettm $0x7FFFFFFF  }
tec
execute0_lowered:
.L_overlay_start_1:
0x0: {  	(tag) =	ssettag $0x1  }
0x1: {  	s1 =	rddreg [dreg:$0x0]  }
0x2: {  	s0 =	rddreg [dreg:$0x1]  }
0x3: {  	_ =	strace $0x80000047;
	s4 =	srdreg.scid;
	s6 =	simm.s32 $0x2  }
0x4: {  	s11 =	simm.s32 $0x0;
	p0 =	por $0x0, $0x0;
	s7 =	simm.s32 $0x2800  }
.Ltmp0:
0x5: {  	s12 =	simm.s32 $0x0;
	s9 =	simm.s32 $0x0;
	(pc) =	sbr.rel .LBB1_1-.Ltmp0, $4  }
0x6: {  	s2 =	sadd.s32 $0x7C200, s1;
	s3 =	sadd.s32 $0xD24200, s1;
	s5 =	sshll.u32 s4, $0x4  }
0x7: {  	s1 =	stileid.u32;
	s4 =	simm.s32 $0x1;
	s5 =	sand.u32 $0x10, s5  }
0x8: {  	s8 =	simm.s32 $0x0;
	[sflag:s4] =	ssyncpa.u1 $0x0;
	s5 =	sor.u32 s1, s5  }
0x9: {  	[sflag:s6] =	ssyncpa.u1 $0x0;
	s6 =	simm.s32 $0x800;
	s10 =	smov.u32 s5  }
.LBB1_7:
0xa: {  	s13 =	sadd.s32 $0x10, s9  }
0xb: {  	s11 =	sadd.s32 $0x20, s10;
	s15 =	smov.u32 s10;
	p2 =	sgt.s32 s13, $0x4F  }
0xc: {  	p1 =	slt.u32 s8, $0x2;
	s15 =	smov.u32 @p2 s11  }
0xd: {  	s8 =	sadd.s32 $0x1, s8;
	s13 =	simm.s32 @p2 $0x0;
	p2 =	sgt.s32 s15, $0x4FF  }
0xe: {  	s15 =	smov.u32 @p2 s5;
	p2 =	sne.s32 s8, $0xCA  }
.Ltmp1:
0xf: {  	_ = 	snop;
	(pc) =	sbr.rel @!p2 .LBB1_8-.Ltmp1, $4  }
0x10: {  	s14 =	simm.s32 @!p1 $0x2  }
0x11: {  	s12 =	smov.u32 s10;
	_ =	swait.ge @!p1 [sflag:s14], $0x4000  }
0x12: {  	p0 =	por !p0, !p0;
	s11 =	smov.u32 s9;
	[sflag:s14] =	ssyncset.done @!p1 $0x0  }
0x13: {  	s9 =	smov.u32 s13;
	[sflag:s14] =	ssyncadd.s32 @!p1 $0xFFFFC000;
	s10 =	smov.u32 s15  }
.LBB1_1:
0x14: {  	p1 =	sgt.u32 s8, $0xC7  }
0x15: {  	s13 =	smul.u32 @!p1 $0x2800, s10  }
0x16: {  	s14 =	sxor.u32 @!p1 $0xFFFFFFFF, s8  }
0x17: {  	s15 =	sshll.u32 @!p1 s9, $0x7;
	s14 =	sshll.u32 @!p1 s14, $0xE;
	s13 =	sadd.s32 @!p1 s2, s13  }
0x18: {  	s14 =	sand.u32 @!p1 $0x4000, s14;
	s13 =	sadd.s32 @!p1 s15, s13;
	s15 =	simm.s32 @!p1 $0x0  }
0x19: {  	[tilespmem:s14], [sflag:$0x1] =	stream.linear.gather @!p1 [hbm4b:s13+s15], $0x4000, $0x38;
	[tilespmem:$0x10000] =	vst v63  }
0x1a: {  	p1 =	seq.s32 s8, $0x0  }
0x1b: {  	p2 =	seq.s32 @!p1 s8, $0xC9  }
0x1c: {  	p1 =	por p1, p2  }
.Ltmp2:
0x1d: {  	_ = 	snop;
	(pc) =	sbr.rel @p1 .LBB1_7-.Ltmp2, $1  }
0x1e: {  	_ =	sdelay $0x3  }
0x1f: {  	s13 =	simm.s32 $0x1;
	_ =	swait.ge [sflag:s4], $0x4000;
	s16 =	sshll.u32 s8, $0xE  }
0x20: {  	s13 =	simm.s32 @!p0 $0x0;
	[sflag:s4] =	ssyncset.done $0x0;
	s31 =	sand.u32 $0x4000, s16  }
0x21: {  	s16 =	simm.s32 $0x0;
	s13 =	sshll.u32 s13, $0xE;
	[sflag:s4] =	ssyncadd.s32 $0xFFFFC000  }
0x22: {  	s14 =	sor.u32 $0x8040, s13;
	s15 =	sor.u32 $0x40, s13;
	s13 =	sor.u32 $0x8000, s31  }
.LBB1_3:
0x23: {  	v0 =	vmov s15;
	_ =	sdelay $0x3  }
0x24: {  	s18 =	simm.s32 $0x0  }
0x25: {  	v6 =	vld.idx.msk [tilespmem:v0+s18+$0x30 ss:$0x1], $0xffff  }
0x26: {  	v7 =	vld.idx.msk [tilespmem:v0+s18+$0xFFFFFFC0 ss:$0x1], $0xffff  }
0x27: {  	v5 =	vld.idx.msk [tilespmem:v0+s18+$0xFFFFFFD0 ss:$0x1], $0xffff  }
0x28: {  	v4 =	vld.idx.msk [tilespmem:v0+s18+$0xFFFFFFE0 ss:$0x1], $0xffff  }
0x29: {  	v3 =	vld.idx.msk [tilespmem:v0+s18+$0xFFFFFFF0 ss:$0x1], $0xffff  }
0x2a: {  	v1 =	vld.idx.msk [tilespmem:v0+s18+$0x0 ss:$0x1], $0xffff  }
0x2b: {  	v2 =	vld.idx.msk [tilespmem:v0+s18+$0x10 ss:$0x1], $0xffff;
	[tilespmem:s14+$0x30] =	vst v6  }
0x2c: {  	s17 =	simm.s32 $0x80;
	s19 =	simm.s32 $0x400;
	[tilespmem:s14+$0xFFFFFFC0] =	vst v7;
	v6 =	vld.idx.msk [tilespmem:v0+s18+$0x20 ss:$0x1], $0xffff;
	s18 =	smov.u32 s14  }
.LBB1_4:
0x2d: {  	p1 =	sne.s32 s19, $0xE00;
	v7 =	vld.idx.msk [tilespmem:v0+s17+$0x30 ss:$0x1], $0xffff;
	[tilespmem:s18+$0xFFFFFFD0] =	vst v5  }
0x2e: {  	v8 =	vld.idx.msk [tilespmem:v0+s17+$0xFFFFFFC0 ss:$0x1], $0xffff;
	[tilespmem:s18+$0xFFFFFFE0] =	vst v4  }
0x2f: {  	v5 =	vld.idx.msk [tilespmem:v0+s17+$0xFFFFFFD0 ss:$0x1], $0xffff;
	[tilespmem:s18+$0xFFFFFFF0] =	vst v3  }
.Ltmp3:
0x30: {  	v4 =	vld.idx.msk [tilespmem:v0+s17+$0xFFFFFFE0 ss:$0x1], $0xffff;
	[tilespmem:s18+$0x0] =	vst v1;
	(pc) =	sbr.rel @p1 .LBB1_4-.Ltmp3, $4  }
0x31: {  	v3 =	vld.idx.msk [tilespmem:v0+s17+$0xFFFFFFF0 ss:$0x1], $0xffff;
	[tilespmem:s18+$0x10] =	vst v2  }
0x32: {  	v1 =	vld.idx.msk [tilespmem:v0+s17+$0x0 ss:$0x1], $0xffff;
	[tilespmem:s18+$0x20] =	vst v6;
	s18 =	sadd.s32 $0x800, s18  }
0x33: {  	v2 =	vld.idx.msk [tilespmem:v0+s17+$0x10 ss:$0x1], $0xffff;
	[tilespmem:s18+$0x30] =	vst v7  }
0x34: {  	[tilespmem:s18+$0xFFFFFFC0] =	vst v8;
	v6 =	vld.idx.msk [tilespmem:v0+s17+$0x20 ss:$0x1], $0xffff;
	s17 =	sshra.s32 s19, $0x2;
	s19 =	sadd.s32 $0x200, s19  }
0x35: {  	_ =	sdelay $0x2  }
0x36: {  	[tilespmem:s18+$0xFFFFFFD0] =	vst v5  }
0x37: {  	v56 =	vld.idx.msk [tilespmem:v0+s17+$0x30 ss:$0x1], $0xffff;
	[tilespmem:s18+$0xFFFFFFE0] =	vst v4  }
0x38: {  	v57 =	vld.idx.msk [tilespmem:v0+s17+$0xFFFFFFC0 ss:$0x1], $0xffff;
	[tilespmem:s18+$0xFFFFFFF0] =	vst v3  }
0x39: {  	v58 =	vld.idx.msk [tilespmem:v0+s17+$0xFFFFFFD0 ss:$0x1], $0xffff;
	[tilespmem:s18+$0x0] =	vst v1  }
0x3a: {  	v59 =	vld.idx.msk [tilespmem:v0+s17+$0xFFFFFFE0 ss:$0x1], $0xffff;
	[tilespmem:s18+$0x10] =	vst v2  }
0x3b: {  	v60 =	vld.idx.msk [tilespmem:v0+s17+$0xFFFFFFF0 ss:$0x1], $0xffff;
	s31 =	sadd.s32 $0x800, s18;
	[tilespmem:s18+$0x20] =	vst v6  }
0x3c: {  	v61 =	vld.idx.msk [tilespmem:v0+s17+$0x0 ss:$0x1], $0xffff;
	[tilespmem:s31+$0x30] =	vst v56  }
0x3d: {  	v62 =	vld.idx.msk [tilespmem:v0+s17+$0x10 ss:$0x1], $0xffff;
	s16 =	sadd.s32 $0x1, s16;
	[tilespmem:s31+$0xFFFFFFC0] =	vst v57  }
0x3e: {  	v63 =	vld.idx.msk [tilespmem:v0+s17+$0x20 ss:$0x1], $0xffff;
	p1 =	sne.s32 s16, $0x10;
	[tilespmem:s31+$0xFFFFFFD0] =	vst v58  }
.Ltmp4:
0x3f: {  	[tilespmem:s31+$0xFFFFFFE0] =	vst v59;
	(pc) =	sbr.rel @p1 .LBB1_3-.Ltmp4, $4  }
0x40: {  	[tilespmem:s31+$0xFFFFFFF0] =	vst v60  }
0x41: {  	[tilespmem:s31+$0x0] =	vst v61  }
0x42: {  	[tilespmem:s31+$0x10] =	vst v62  }
0x43: {  	s14 =	sadd.s32 $0x80, s14;
	s15 =	sadd.s32 $0x400, s15;
	[tilespmem:s31+$0x20] =	vst v63  }
0x44: {  	s11 =	sand.u32 $0x1FFFFFF, s11  }
0x45: {  	s14 =	smulhi.u32 $0x3333334, s11  }
0x46: {  	s12 =	smul.u32 $0x2800, s12  }
0x47: {  	s14 =	smul.u32 $0x50, s14  }
.Ltmp5:
0x48: {  	_ = 	snop;
	(pc) =	sbr.rel .LBB1_7-.Ltmp5, $4  }
0x49: {  	s11 =	ssub.s32 s11, s14  }
0x4a: {  	s12 =	sadd.s32 s3, s12;
	s11 =	sshll.u32 s11, $0x4  }
0x4b: {  	s11 =	sadd.s32 s11, s12  }
0x4c: {  	[hbm4b:s11+s6] =	stream.strided.scatter [tilespmem:s13], [sflag:$0x2], $0x4000, s7, s6, $0x38;
	[tilespmem:$0x10000] =	vst v63  }
.LBB1_8:
0x4d: {  	_ =	sfence.sel $0x180000  }
0x4e: {  	s2 =	simm.s32 $0x1;
	[bflag:$0x0] =	sbarrier.arrive $0xFFFF  }
0x4f: {  	s31 =	simm.s32 $0x2;
	[sflag:s2] =	ssyncpa.u1 $0x1  }
0x50: {  	[sflag:s31] =	ssyncpa.u1 $0x1  }
0x51: {  	p0 =	sne.s32 s1, $0x0;
	_ =	strace $0x90000047  }
0x52: {  	s0 =	sadd.s32 @!p0 $0x100000, s0;
	[bflag:$0x2] =	sbarrier.arrive $0xFFFF  }
0x53: {  	[sflag:s0] =	ssyncadd.tile.s32 @!p0 $0x1;
	_ =	shalt  }
.Lfunc_end1:
_tile_overlayer_lowered:
.L_overlay_start_2:
0x54: {  	(tag) =	ssettag $0x2  }
0x55: {  	s0 =	rddreg [dreg:$0x0];
	s2 =	stileid.u32  }
0x56: {  	s1 =	rddreg [dreg:$0x1];
	p0 =	sne.s32 s2, $0x0  }
0x57: {  	s3 =	rddreg [dreg:$0x2];
	[bflag:$0x3] =	sbarrier.arrive $0xFFFF;
	s2 =	simm.s32 @!p0 $0x1C01  }
0x58: {  	[timem:s3], [sflag:s2] =	dma.local @!p0 [hbm:s0], s1  }
0x59: {  	s0 =	simm.s32 @!p0 $0x1  }
0x5a: {  	_ =	swait.ge @!p0 [sflag:s0], s1  }
0x5b: {  	s1 =	ssub.s32 @!p0 $0x0, s1;
	[sflag:s0] =	ssyncset.done @!p0 $0x0  }
0x5c: {  	[sflag:s0] =	ssyncadd.s32 @!p0 s1  }
0x5d: {  	[bflag:$0x3] =	sbarrier.arrive $0xFFFF  }
0x5e: {  	_ =	shalt  }

</sc_bundles>
